<compile_context>
chip_gen: v7x
topology: tpu7x:2x2x1
jax: 0.10.2.dev20260603
libtpu: 0.0.44.dev20260713+nightly
codegen_flags: <defaults>
</compile_context>

<pallas_src>
import functools

import jax
import jax.numpy as jnp
from jax import lax
from jax.experimental import pallas as pl
from jax.experimental.pallas import tpu as pltpu
from jax.experimental.pallas import tpu_sc as plsc

VOCAB = 1000000
EMBED_DIM = 32
SEQ_LEN = 200
BATCH = 4096

_INFO = plsc.get_sparse_core_info()
_NC = _INFO.num_cores
_NS = _INFO.num_subcores
_NW = _NC * _NS
_BPW = BATCH // _NW
_L = 16
_NBUF = 8
_NGRP = SEQ_LEN // _NBUF


def _embed_bag_body(tok_hbm, table_hbm, out_hbm, idx_all, rows_v, acc_v,
                    *sems):
    wid = lax.axis_index("s") * _NC + lax.axis_index("c")

    pltpu.sync_copy(tok_hbm.at[wid], idx_all)

    zeros = jnp.zeros((_L,), jnp.float32)

    def zbody(b, _):
        acc_v[b, pl.ds(0, _L)] = zeros
        acc_v[b, pl.ds(_L, _L)] = zeros
        return 0
    lax.fori_loop(0, _BPW, zbody, 0, unroll=8)

    def fire(s, b):
        pltpu.async_copy(table_hbm.at[idx_all.at[s]], rows_v.at[b], sems[b])

    for b in range(_NBUF):
        fire(b, b)

    def grp(g, _):
        for b in range(_NBUF):
            s = g * _NBUF + b
            pltpu.make_async_copy(
                table_hbm.at[idx_all.at[s]], rows_v.at[b], sems[b]).wait()

            def abody(r, _, b=b):
                r0 = rows_v[b, r, pl.ds(0, _L)]
                r1 = rows_v[b, r, pl.ds(_L, _L)]
                plsc.addupdate(acc_v.at[r, pl.ds(0, _L)], r0)
                plsc.addupdate(acc_v.at[r, pl.ds(_L, _L)], r1)
                return 0
            lax.fori_loop(0, _BPW, abody, 0, unroll=8)

            nxt = s + _NBUF

            @pl.when(nxt < SEQ_LEN)
            def _(nxt=nxt, b=b):
                fire(nxt, b)
        return 0
    lax.fori_loop(0, _NGRP, grp, 0)

    pltpu.sync_copy(acc_v, out_hbm.at[pl.ds(wid * _BPW, _BPW)])


def _detile_body(tok_ref, out_ref):
    t = tok_ref[...]
    q = _TBLK // 4
    out_ref[0] = (t // _TBLK) * _TBLK + (t % q) * 4 + (t % _TBLK) // q


_TBLK = 32768
_TCH = 128


_TGRID = pl.cdiv(VOCAB, _TBLK)
_VPAD = _TGRID * _TBLK


def _transpose_body(tab_ref, out_ref):
    q = _TBLK // 4
    x = tab_ref[...]
    eye = jnp.eye(_TCH, dtype=jnp.float32)
    parts = []
    for c in range(4):
        chunks = []
        for k in range(q // _TCH):
            xc = x[:, c * q + k * _TCH:c * q + (k + 1) * _TCH]
            yc = lax.dot_general(eye, xc, (((1,), (1,)), ((), ())))
            chunks.append(yc)
        parts.append(jnp.concatenate(chunks, axis=0))
    out_ref[...] = jnp.concatenate(parts, axis=1)


@jax.jit
def kernel(sentence_tokens, embedding_table):
    tok = sentence_tokens.astype(jnp.int32)
    tok = pl.pallas_call(
        _detile_body,
        grid=(_NW,),
        in_specs=[pl.BlockSpec((SEQ_LEN, _BPW), lambda j: (0, j))],
        out_specs=pl.BlockSpec((1, SEQ_LEN, _BPW), lambda j: (j, 0, 0)),
        out_shape=jax.ShapeDtypeStruct((_NW, SEQ_LEN, _BPW), jnp.int32),
    )(tok)
    tab_flat = pl.pallas_call(
        _transpose_body,
        grid=(_TGRID,),
        in_specs=[pl.BlockSpec((EMBED_DIM, _TBLK), lambda j: (0, j))],
        out_specs=pl.BlockSpec((_TBLK // 4, 128), lambda j: (j, 0)),
        out_shape=jax.ShapeDtypeStruct((_VPAD * EMBED_DIM // 128, 128),
                                       jnp.float32),
    )(embedding_table.T)
    table_lin = tab_flat.reshape(_VPAD, EMBED_DIM)
    mesh = plsc.VectorSubcoreMesh(core_axis_name="c", subcore_axis_name="s")
    run = functools.partial(
        pl.kernel,
        out_type=jax.ShapeDtypeStruct((BATCH, EMBED_DIM), jnp.float32),
        mesh=mesh,
        scratch_types=[
            pltpu.VMEM((SEQ_LEN, _BPW), jnp.int32),
            pltpu.VMEM((_NBUF, _BPW, EMBED_DIM), jnp.float32),
            pltpu.VMEM((_BPW, EMBED_DIM), jnp.float32),
        ] + [pltpu.SemaphoreType.DMA] * _NBUF,
        compiler_params=pltpu.CompilerParams(use_tc_tiling_on_sc=False),
    )(_embed_bag_body)
    return run(tok, table_lin)

# --- scband reference (transcript-rebuilt; emitter-appended) ---
"""Pipeline reference for scband-feature-extractor-34660386078895 (READ-ONLY COPY).

The authoritative reference and input builder live on the scoring server;
editing this copy changes nothing except your own understanding.
"""

import jax, jax.numpy as jnp
import numpy as np

VOCAB = 1000000
EMBED_DIM = 32
SEQ_LEN = 200
BATCH = 4096


def setup_inputs(seed: int = 0) -> dict:
    key = jax.random.key(seed)
    k1, k2 = jax.random.split(key)
    sentence_tokens = jax.random.randint(k1, (SEQ_LEN, BATCH), 0, VOCAB, dtype=jnp.int64 if jax.config.jax_enable_x64 else jnp.int32)
    embedding_table = jax.random.normal(k2, (VOCAB, EMBED_DIM), dtype=jnp.float32) * 0.02
    return {"sentence_tokens": sentence_tokens, "embedding_table": embedding_table}


def reference(sentence_tokens, embedding_table):
    # nn.Embedding lookup: gather rows of the table
    embedded = jnp.take(embedding_table, sentence_tokens, axis=0)  # [SEQ_LEN, BATCH, EMBED_DIM]
    # sum over dim=0 (sequence dimension)
    feature_extractor_output = embedded.sum(axis=0)  # [BATCH, EMBED_DIM]
    return feature_extractor_output

if __name__ == "__main__":
    import jax
    _d = setup_inputs()
    print(jax.jit(kernel)(*tuple(_d.values())))

</pallas_src>

<mosaic_0001>
#map = affine_map<(d0, d1) -> (0, 0, 0)>
#map1 = affine_map<(d0, d1) -> (0, 0)>
module attributes {stable_mosaic.version = 14 : i64} {
  func.func @_embed_bag_body(%arg0: i32, %arg1: i32, %arg2: memref<32x200x128xi32, #tpu.memory_space<hbm>>, %arg3: memref<1015808x32xf32, #tpu.memory_space<hbm>>, %arg4: memref<4096x32xf32, #tpu.memory_space<hbm>>, %arg5: memref<200x128xi32, #tpu.memory_space<vmem>>, %arg6: memref<8x128x32xf32, #tpu.memory_space<vmem>>, %arg7: memref<128x32xf32, #tpu.memory_space<vmem>>, %arg8: memref<!tpu.dma_semaphore, #tpu.memory_space<semaphore_mem>>, %arg9: memref<!tpu.dma_semaphore, #tpu.memory_space<semaphore_mem>>, %arg10: memref<!tpu.dma_semaphore, #tpu.memory_space<semaphore_mem>>, %arg11: memref<!tpu.dma_semaphore, #tpu.memory_space<semaphore_mem>>, %arg12: memref<!tpu.dma_semaphore, #tpu.memory_space<semaphore_mem>>, %arg13: memref<!tpu.dma_semaphore, #tpu.memory_space<semaphore_mem>>, %arg14: memref<!tpu.dma_semaphore, #tpu.memory_space<semaphore_mem>>, %arg15: memref<!tpu.dma_semaphore, #tpu.memory_space<semaphore_mem>>) attributes {dimension_semantics = [#tpu.dimension_semantics<core_parallel>, #tpu.dimension_semantics<subcore_parallel>], iteration_bounds = array<i64: 2, 16>, scalar_prefetch = 0 : i64, scratch_operands = 11 : i64, tpu.core_type = #tpu.core_type<sc_vector_subcore>, window_params = [{transform_indices = #map}, {transform_indices = #map1}, {transform_indices = #map1}]} {
    %mul3A = arith.constant 2 : i32
    %mul3A_0 = arith.muli %arg1, %mul3A : i32
    %add3A = arith.addi %mul3A_0, %arg0 : i32
    "tpu.region"() ({
      %run_scoped3A = tpu.sem_alloc : memref<!tpu.dma_semaphore, #tpu.memory_space<semaphore_mem>>
      %dma_start3A_112 = arith.constant 0 : i32
      %dma_start3A_113 = arith.constant 0 : i32
      %dma_start3A_114 = tpu.memref_slice %arg2[%add3A, %dma_start3A_112, %dma_start3A_113] : memref<32x200x128xi32, #tpu.memory_space<hbm>> -> memref<1x200x128xi32, #tpu.memory_space<hbm>>
      %dma_start3A_115 = tpu.memref_squeeze %dma_start3A_114 : memref<1x200x128xi32, #tpu.memory_space<hbm>> -> memref<200x128xi32, #tpu.memory_space<hbm>>
      %dma_start3A_116 = arith.constant 0 : i32
      %dma_start3A_117 = arith.constant 0 : i32
      %dma_start3A_118 = tpu.memref_slice %arg2[%add3A, %dma_start3A_116, %dma_start3A_117] : memref<32x200x128xi32, #tpu.memory_space<hbm>> -> memref<1x200x128xi32, #tpu.memory_space<hbm>>
      %dma_start3A_119 = tpu.memref_squeeze %dma_start3A_118 : memref<1x200x128xi32, #tpu.memory_space<hbm>> -> memref<200x128xi32, #tpu.memory_space<hbm>>
      tpu.enqueue_dma source(%dma_start3A_119 : memref<200x128xi32, #tpu.memory_space<hbm>>) target(%arg5 : memref<200x128xi32, #tpu.memory_space<vmem>>) target_semaphore(%run_scoped3A : memref<!tpu.dma_semaphore, #tpu.memory_space<semaphore_mem>>)
      %dma_wait3A = arith.constant 0 : i32
      %dma_wait3A_120 = arith.constant 0 : i32
      %dma_wait3A_121 = tpu.memref_slice %arg2[%add3A, %dma_wait3A, %dma_wait3A_120] : memref<32x200x128xi32, #tpu.memory_space<hbm>> -> memref<1x200x128xi32, #tpu.memory_space<hbm>>
      %dma_wait3A_122 = tpu.memref_squeeze %dma_wait3A_121 : memref<1x200x128xi32, #tpu.memory_space<hbm>> -> memref<200x128xi32, #tpu.memory_space<hbm>>
      %dma_wait3A_123 = arith.constant 0 : i32
      %dma_wait3A_124 = arith.constant 0 : i32
      %dma_wait3A_125 = tpu.memref_slice %arg2[%add3A, %dma_wait3A_123, %dma_wait3A_124] : memref<32x200x128xi32, #tpu.memory_space<hbm>> -> memref<1x200x128xi32, #tpu.memory_space<hbm>>
      %dma_wait3A_126 = tpu.memref_squeeze %dma_wait3A_125 : memref<1x200x128xi32, #tpu.memory_space<hbm>> -> memref<200x128xi32, #tpu.memory_space<hbm>>
      tpu.wait_dma2 semaphore(%run_scoped3A : memref<!tpu.dma_semaphore, #tpu.memory_space<semaphore_mem>>) src(%dma_wait3A_126 : memref<200x128xi32, #tpu.memory_space<hbm>>) dst(%arg5 : memref<200x128xi32, #tpu.memory_space<vmem>>)
      tpu.yield
    }) : () -> ()
    %broadcast_in_dim3A = arith.constant 0.000000e+00 : f32
    %broadcast_in_dim3A_1 = vector.broadcast %broadcast_in_dim3A : f32 to vector<16xf32>
    %scan3A = arith.constant 0 : i32
    %scan3A_2 = arith.constant 0 : i32
    %scan3A_3 = arith.constant 128 : i32
    %scan3A_4 = arith.addi %scan3A_2, %scan3A_3 : i32
    %scan3A_5 = arith.constant 8 : i32
    %scan3A_6 = scf.for %scan3A_112 = %scan3A_2 to %scan3A_4 step %scan3A_5 iter_args(%scan3A_113 = %scan3A) -> (i32)  : i32 {
      %swap3A = arith.index_cast %scan3A_112 : i32 to index
      %swap3A_114 = arith.constant 0 : index
      %swap3A_115 = tpu.vector_load %arg7[%swap3A, %swap3A_114] {strides = array<i32>} : memref<128x32xf32, #tpu.memory_space<vmem>>, vector<1x16xf32>,
      %swap3A_116 = vector.shape_cast %swap3A_115 : vector<1x16xf32> to vector<16xf32>
      %swap3A_117 = vector.shape_cast %broadcast_in_dim3A_1 : vector<16xf32> to vector<1x16xf32>
      tpu.vector_store %arg7[%swap3A, %swap3A_114], %swap3A_117 {strides = array<i32>} : memref<128x32xf32, #tpu.memory_space<vmem>>, vector<1x16xf32>,
      %swap3A_118 = arith.index_cast %scan3A_112 : i32 to index
      %swap3A_119 = arith.constant 16 : index
      %swap3A_120 = tpu.vector_load %arg7[%swap3A_118, %swap3A_119] {strides = array<i32>} : memref<128x32xf32, #tpu.memory_space<vmem>>, vector<1x16xf32>,
      %swap3A_121 = vector.shape_cast %swap3A_120 : vector<1x16xf32> to vector<16xf32>
      %swap3A_122 = vector.shape_cast %broadcast_in_dim3A_1 : vector<16xf32> to vector<1x16xf32>
      tpu.vector_store %arg7[%swap3A_118, %swap3A_119], %swap3A_122 {strides = array<i32>} : memref<128x32xf32, #tpu.memory_space<vmem>>, vector<1x16xf32>,
      %scan3A_123 = arith.constant 0 : i32
      %scan3A_124 = arith.constant 1 : i32
      %scan3A_125 = arith.addi %scan3A_112, %scan3A_124 : i32
      %swap3A_126 = arith.index_cast %scan3A_125 : i32 to index
      %swap3A_127 = arith.constant 0 : index
      %swap3A_128 = tpu.vector_load %arg7[%swap3A_126, %swap3A_127] {strides = array<i32>} : memref<128x32xf32, #tpu.memory_space<vmem>>, vector<1x16xf32>,
      %swap3A_129 = vector.shape_cast %swap3A_128 : vector<1x16xf32> to vector<16xf32>
      %swap3A_130 = vector.shape_cast %broadcast_in_dim3A_1 : vector<16xf32> to vector<1x16xf32>
      tpu.vector_store %arg7[%swap3A_126, %swap3A_127], %swap3A_130 {strides = array<i32>} : memref<128x32xf32, #tpu.memory_space<vmem>>, vector<1x16xf32>,
      %swap3A_131 = arith.index_cast %scan3A_125 : i32 to index
      %swap3A_132 = arith.constant 16 : index
      %swap3A_133 = tpu.vector_load %arg7[%swap3A_131, %swap3A_132] {strides = array<i32>} : memref<128x32xf32, #tpu.memory_space<vmem>>, vector<1x16xf32>,
      %swap3A_134 = vector.shape_cast %swap3A_133 : vector<1x16xf32> to vector<16xf32>
      %swap3A_135 = vector.shape_cast %broadcast_in_dim3A_1 : vector<16xf32> to vector<1x16xf32>
      tpu.vector_store %arg7[%swap3A_131, %swap3A_132], %swap3A_135 {strides = array<i32>} : memref<128x32xf32, #tpu.memory_space<vmem>>, vector<1x16xf32>,
      %scan3A_136 = arith.constant 0 : i32
      %scan3A_137 = arith.constant 2 : i32
      %scan3A_138 = arith.addi %scan3A_112, %scan3A_137 : i32
      %swap3A_139 = arith.index_cast %scan3A_138 : i32 to index
      %swap3A_140 = arith.constant 0 : index
      %swap3A_141 = tpu.vector_load %arg7[%swap3A_139, %swap3A_140] {strides = array<i32>} : memref<128x32xf32, #tpu.memory_space<vmem>>, vector<1x16xf32>,
      %swap3A_142 = vector.shape_cast %swap3A_141 : vector<1x16xf32> to vector<16xf32>
      %swap3A_143 = vector.shape_cast %broadcast_in_dim3A_1 : vector<16xf32> to vector<1x16xf32>
      tpu.vector_store %arg7[%swap3A_139, %swap3A_140], %swap3A_143 {strides = array<i32>} : memref<128x32xf32, #tpu.memory_space<vmem>>, vector<1x16xf32>,
      %swap3A_144 = arith.index_cast %scan3A_138 : i32 to index
      %swap3A_145 = arith.constant 16 : index
      %swap3A_146 = tpu.vector_load %arg7[%swap3A_144, %swap3A_145] {strides = array<i32>} : memref<128x32xf32, #tpu.memory_space<vmem>>, vector<1x16xf32>,
      %swap3A_147 = vector.shape_cast %swap3A_146 : vector<1x16xf32> to vector<16xf32>
      %swap3A_148 = vector.shape_cast %broadcast_in_dim3A_1 : vector<16xf32> to vector<1x16xf32>
      tpu.vector_store %arg7[%swap3A_144, %swap3A_145], %swap3A_148 {strides = array<i32>} : memref<128x32xf32, #tpu.memory_space<vmem>>, vector<1x16xf32>,
      %scan3A_149 = arith.constant 0 : i32
      %scan3A_150 = arith.constant 3 : i32
      %scan3A_151 = arith.addi %scan3A_112, %scan3A_150 : i32
      %swap3A_152 = arith.index_cast %scan3A_151 : i32 to index
      %swap3A_153 = arith.constant 0 : index
      %swap3A_154 = tpu.vector_load %arg7[%swap3A_152, %swap3A_153] {strides = array<i32>} : memref<128x32xf32, #tpu.memory_space<vmem>>, vector<1x16xf32>,
      %swap3A_155 = vector.shape_cast %swap3A_154 : vector<1x16xf32> to vector<16xf32>
      %swap3A_156 = vector.shape_cast %broadcast_in_dim3A_1 : vector<16xf32> to vector<1x16xf32>
      tpu.vector_store %arg7[%swap3A_152, %swap3A_153], %swap3A_156 {strides = array<i32>} : memref<128x32xf32, #tpu.memory_space<vmem>>, vector<1x16xf32>,
      %swap3A_157 = arith.index_cast %scan3A_151 : i32 to index
      %swap3A_158 = arith.constant 16 : index
      %swap3A_159 = tpu.vector_load %arg7[%swap3A_157, %swap3A_158] {strides = array<i32>} : memref<128x32xf32, #tpu.memory_space<vmem>>, vector<1x16xf32>,
      %swap3A_160 = vector.shape_cast %swap3A_159 : vector<1x16xf32> to vector<16xf32>
      %swap3A_161 = vector.shape_cast %broadcast_in_dim3A_1 : vector<16xf32> to vector<1x16xf32>
      tpu.vector_store %arg7[%swap3A_157, %swap3A_158], %swap3A_161 {strides = array<i32>} : memref<128x32xf32, #tpu.memory_space<vmem>>, vector<1x16xf32>,
      %scan3A_162 = arith.constant 0 : i32
      %scan3A_163 = arith.constant 4 : i32
      %scan3A_164 = arith.addi %scan3A_112, %scan3A_163 : i32
      %swap3A_165 = arith.index_cast %scan3A_164 : i32 to index
      %swap3A_166 = arith.constant 0 : index
      %swap3A_167 = tpu.vector_load %arg7[%swap3A_165, %swap3A_166] {strides = array<i32>} : memref<128x32xf32, #tpu.memory_space<vmem>>, vector<1x16xf32>,
      %swap3A_168 = vector.shape_cast %swap3A_167 : vector<1x16xf32> to vector<16xf32>
      %swap3A_169 = vector.shape_cast %broadcast_in_dim3A_1 : vector<16xf32> to vector<1x16xf32>
      tpu.vector_store %arg7[%swap3A_165, %swap3A_166], %swap3A_169 {strides = array<i32>} : memref<128x32xf32, #tpu.memory_space<vmem>>, vector<1x16xf32>,
      %swap3A_170 = arith.index_cast %scan3A_164 : i32 to index
      %swap3A_171 = arith.constant 16 : index
      %swap3A_172 = tpu.vector_load %arg7[%swap3A_170, %swap3A_171] {strides = array<i32>} : memref<128x32xf32, #tpu.memory_space<vmem>>, vector<1x16xf32>,
      %swap3A_173 = vector.shape_cast %swap3A_172 : vector<1x16xf32> to vector<16xf32>
      %swap3A_174 = vector.shape_cast %broadcast_in_dim3A_1 : vector<16xf32> to vector<1x16xf32>
      tpu.vector_store %arg7[%swap3A_170, %swap3A_171], %swap3A_174 {strides = array<i32>} : memref<128x32xf32, #tpu.memory_space<vmem>>, vector<1x16xf32>,
      %scan3A_175 = arith.constant 0 : i32
      %scan3A_176 = arith.constant 5 : i32
      %scan3A_177 = arith.addi %scan3A_112, %scan3A_176 : i32
      %swap3A_178 = arith.index_cast %scan3A_177 : i32 to index
      %swap3A_179 = arith.constant 0 : index
      %swap3A_180 = tpu.vector_load %arg7[%swap3A_178, %swap3A_179] {strides = array<i32>} : memref<128x32xf32, #tpu.memory_space<vmem>>, vector<1x16xf32>,
      %swap3A_181 = vector.shape_cast %swap3A_180 : vector<1x16xf32> to vector<16xf32>
      %swap3A_182 = vector.shape_cast %broadcast_in_dim3A_1 : vector<16xf32> to vector<1x16xf32>
      tpu.vector_store %arg7[%swap3A_178, %swap3A_179], %swap3A_182 {strides = array<i32>} : memref<128x32xf32, #tpu.memory_space<vmem>>, vector<1x16xf32>,
      %swap3A_183 = arith.index_cast %scan3A_177 : i32 to index
      %swap3A_184 = arith.constant 16 : index
      %swap3A_185 = tpu.vector_load %arg7[%swap3A_183, %swap3A_184] {strides = array<i32>} : memref<128x32xf32, #tpu.memory_space<vmem>>, vector<1x16xf32>,
      %swap3A_186 = vector.shape_cast %swap3A_185 : vector<1x16xf32> to vector<16xf32>
      %swap3A_187 = vector.shape_cast %broadcast_in_dim3A_1 : vector<16xf32> to vector<1x16xf32>
      tpu.vector_store %arg7[%swap3A_183, %swap3A_184], %swap3A_187 {strides = array<i32>} : memref<128x32xf32, #tpu.memory_space<vmem>>, vector<1x16xf32>,
      %scan3A_188 = arith.constant 0 : i32
      %scan3A_189 = arith.constant 6 : i32
      %scan3A_190 = arith.addi %scan3A_112, %scan3A_189 : i32
      %swap3A_191 = arith.index_cast %scan3A_190 : i32 to index
      %swap3A_192 = arith.constant 0 : index
      %swap3A_193 = tpu.vector_load %arg7[%swap3A_191, %swap3A_192] {strides = array<i32>} : memref<128x32xf32, #tpu.memory_space<vmem>>, vector<1x16xf32>,
      %swap3A_194 = vector.shape_cast %swap3A_193 : vector<1x16xf32> to vector<16xf32>
      %swap3A_195 = vector.shape_cast %broadcast_in_dim3A_1 : vector<16xf32> to vector<1x16xf32>
      tpu.vector_store %arg7[%swap3A_191, %swap3A_192], %swap3A_195 {strides = array<i32>} : memref<128x32xf32, #tpu.memory_space<vmem>>, vector<1x16xf32>,
      %swap3A_196 = arith.index_cast %scan3A_190 : i32 to index
      %swap3A_197 = arith.constant 16 : index
      %swap3A_198 = tpu.vector_load %arg7[%swap3A_196, %swap3A_197] {strides = array<i32>} : memref<128x32xf32, #tpu.memory_space<vmem>>, vector<1x16xf32>,
      %swap3A_199 = vector.shape_cast %swap3A_198 : vector<1x16xf32> to vector<16xf32>
      %swap3A_200 = vector.shape_cast %broadcast_in_dim3A_1 : vector<16xf32> to vector<1x16xf32>
      tpu.vector_store %arg7[%swap3A_196, %swap3A_197], %swap3A_200 {strides = array<i32>} : memref<128x32xf32, #tpu.memory_space<vmem>>, vector<1x16xf32>,
      %scan3A_201 = arith.constant 0 : i32
      %scan3A_202 = arith.constant 7 : i32
      %scan3A_203 = arith.addi %scan3A_112, %scan3A_202 : i32
      %swap3A_204 = arith.index_cast %scan3A_203 : i32 to index
      %swap3A_205 = arith.constant 0 : index
      %swap3A_206 = tpu.vector_load %arg7[%swap3A_204, %swap3A_205] {strides = array<i32>} : memref<128x32xf32, #tpu.memory_space<vmem>>, vector<1x16xf32>,
      %swap3A_207 = vector.shape_cast %swap3A_206 : vector<1x16xf32> to vector<16xf32>
      %swap3A_208 = vector.shape_cast %broadcast_in_dim3A_1 : vector<16xf32> to vector<1x16xf32>
      tpu.vector_store %arg7[%swap3A_204, %swap3A_205], %swap3A_208 {strides = array<i32>} : memref<128x32xf32, #tpu.memory_space<vmem>>, vector<1x16xf32>,
      %swap3A_209 = arith.index_cast %scan3A_203 : i32 to index
      %swap3A_210 = arith.constant 16 : index
      %swap3A_211 = tpu.vector_load %arg7[%swap3A_209, %swap3A_210] {strides = array<i32>} : memref<128x32xf32, #tpu.memory_space<vmem>>, vector<1x16xf32>,
      %swap3A_212 = vector.shape_cast %swap3A_211 : vector<1x16xf32> to vector<16xf32>
      %swap3A_213 = vector.shape_cast %broadcast_in_dim3A_1 : vector<16xf32> to vector<1x16xf32>
      tpu.vector_store %arg7[%swap3A_209, %swap3A_210], %swap3A_213 {strides = array<i32>} : memref<128x32xf32, #tpu.memory_space<vmem>>, vector<1x16xf32>,
      %scan3A_214 = arith.constant 0 : i32
      scf.yield %scan3A_214 : i32
    }
    %scan3A_7 = arith.constant 128 : i32
    %dma_start3A = arith.constant 0 : i32
    %dma_start3A_8 = arith.constant 0 : i32
    %dma_start3A_9 = arith.constant 0 : i32
    %dma_start3A_10 = arith.constant 0 : i32
    %dma_start3A_11 = tpu.memref_slice %arg6[%dma_start3A_8, %dma_start3A_9, %dma_start3A_10] : memref<8x128x32xf32, #tpu.memory_space<vmem>> -> memref<1x128x32xf32, #tpu.memory_space<vmem>>
    %dma_start3A_12 = tpu.memref_squeeze %dma_start3A_11 : memref<1x128x32xf32, #tpu.memory_space<vmem>> -> memref<128x32xf32, #tpu.memory_space<vmem>>
    %dma_start3A_13 = arith.constant 0 : i32
    %dma_start3A_14 = tpu.memref_slice %arg5[%dma_start3A, %dma_start3A_13] : memref<200x128xi32, #tpu.memory_space<vmem>> -> memref<1x128xi32, #tpu.memory_space<vmem>>
    %dma_start3A_15 = tpu.memref_squeeze %dma_start3A_14 : memref<1x128xi32, #tpu.memory_space<vmem>> -> memref<128xi32, #tpu.memory_space<vmem>>
    %dma_start3A_16 = arith.constant 0 : i32
    %dma_start3A_17 = arith.constant 0 : i32
    %dma_start3A_18 = tpu.memref_slice %arg3[%dma_start3A_16, %dma_start3A_17] : memref<1015808x32xf32, #tpu.memory_space<hbm>> -> memref<1015808x32xf32, #tpu.memory_space<hbm>>
    tpu.enqueue_indirect_dma source(%dma_start3A_18 : memref<1015808x32xf32, #tpu.memory_space<hbm>>) target(%dma_start3A_12 : memref<128x32xf32, #tpu.memory_space<vmem>>) offsets(%dma_start3A_15 : memref<128xi32, #tpu.memory_space<vmem>>) semaphore(%arg8 : memref<!tpu.dma_semaphore, #tpu.memory_space<semaphore_mem>>)
    %dma_start3A_19 = arith.constant 1 : i32
    %dma_start3A_20 = arith.constant 1 : i32
    %dma_start3A_21 = arith.constant 0 : i32
    %dma_start3A_22 = arith.constant 0 : i32
    %dma_start3A_23 = tpu.memref_slice %arg6[%dma_start3A_20, %dma_start3A_21, %dma_start3A_22] : memref<8x128x32xf32, #tpu.memory_space<vmem>> -> memref<1x128x32xf32, #tpu.memory_space<vmem>>
    %dma_start3A_24 = tpu.memref_squeeze %dma_start3A_23 : memref<1x128x32xf32, #tpu.memory_space<vmem>> -> memref<128x32xf32, #tpu.memory_space<vmem>>
    %dma_start3A_25 = arith.constant 0 : i32
    %dma_start3A_26 = tpu.memref_slice %arg5[%dma_start3A_19, %dma_start3A_25] : memref<200x128xi32, #tpu.memory_space<vmem>> -> memref<1x128xi32, #tpu.memory_space<vmem>>
    %dma_start3A_27 = tpu.memref_squeeze %dma_start3A_26 : memref<1x128xi32, #tpu.memory_space<vmem>> -> memref<128xi32, #tpu.memory_space<vmem>>
    %dma_start3A_28 = arith.constant 0 : i32
    %dma_start3A_29 = arith.constant 0 : i32
    %dma_start3A_30 = tpu.memref_slice %arg3[%dma_start3A_28, %dma_start3A_29] : memref<1015808x32xf32, #tpu.memory_space<hbm>> -> memref<1015808x32xf32, #tpu.memory_space<hbm>>
    tpu.enqueue_indirect_dma source(%dma_start3A_30 : memref<1015808x32xf32, #tpu.memory_space<hbm>>) target(%dma_start3A_24 : memref<128x32xf32, #tpu.memory_space<vmem>>) offsets(%dma_start3A_27 : memref<128xi32, #tpu.memory_space<vmem>>) semaphore(%arg9 : memref<!tpu.dma_semaphore, #tpu.memory_space<semaphore_mem>>)
    %dma_start3A_31 = arith.constant 2 : i32
    %dma_start3A_32 = arith.constant 2 : i32
    %dma_start3A_33 = arith.constant 0 : i32
    %dma_start3A_34 = arith.constant 0 : i32
    %dma_start3A_35 = tpu.memref_slice %arg6[%dma_start3A_32, %dma_start3A_33, %dma_start3A_34] : memref<8x128x32xf32, #tpu.memory_space<vmem>> -> memref<1x128x32xf32, #tpu.memory_space<vmem>>
    %dma_start3A_36 = tpu.memref_squeeze %dma_start3A_35 : memref<1x128x32xf32, #tpu.memory_space<vmem>> -> memref<128x32xf32, #tpu.memory_space<vmem>>
    %dma_start3A_37 = arith.constant 0 : i32
    %dma_start3A_38 = tpu.memref_slice %arg5[%dma_start3A_31, %dma_start3A_37] : memref<200x128xi32, #tpu.memory_space<vmem>> -> memref<1x128xi32, #tpu.memory_space<vmem>>
    %dma_start3A_39 = tpu.memref_squeeze %dma_start3A_38 : memref<1x128xi32, #tpu.memory_space<vmem>> -> memref<128xi32, #tpu.memory_space<vmem>>
    %dma_start3A_40 = arith.constant 0 : i32
    %dma_start3A_41 = arith.constant 0 : i32
    %dma_start3A_42 = tpu.memref_slice %arg3[%dma_start3A_40, %dma_start3A_41] : memref<1015808x32xf32, #tpu.memory_space<hbm>> -> memref<1015808x32xf32, #tpu.memory_space<hbm>>
    tpu.enqueue_indirect_dma source(%dma_start3A_42 : memref<1015808x32xf32, #tpu.memory_space<hbm>>) target(%dma_start3A_36 : memref<128x32xf32, #tpu.memory_space<vmem>>) offsets(%dma_start3A_39 : memref<128xi32, #tpu.memory_space<vmem>>) semaphore(%arg10 : memref<!tpu.dma_semaphore, #tpu.memory_space<semaphore_mem>>)
    %dma_start3A_43 = arith.constant 3 : i32
    %dma_start3A_44 = arith.constant 3 : i32
    %dma_start3A_45 = arith.constant 0 : i32
    %dma_start3A_46 = arith.constant 0 : i32
    %dma_start3A_47 = tpu.memref_slice %arg6[%dma_start3A_44, %dma_start3A_45, %dma_start3A_46] : memref<8x128x32xf32, #tpu.memory_space<vmem>> -> memref<1x128x32xf32, #tpu.memory_space<vmem>>
    %dma_start3A_48 = tpu.memref_squeeze %dma_start3A_47 : memref<1x128x32xf32, #tpu.memory_space<vmem>> -> memref<128x32xf32, #tpu.memory_space<vmem>>
    %dma_start3A_49 = arith.constant 0 : i32
    %dma_start3A_50 = tpu.memref_slice %arg5[%dma_start3A_43, %dma_start3A_49] : memref<200x128xi32, #tpu.memory_space<vmem>> -> memref<1x128xi32, #tpu.memory_space<vmem>>
    %dma_start3A_51 = tpu.memref_squeeze %dma_start3A_50 : memref<1x128xi32, #tpu.memory_space<vmem>> -> memref<128xi32, #tpu.memory_space<vmem>>
    %dma_start3A_52 = arith.constant 0 : i32
    %dma_start3A_53 = arith.constant 0 : i32
    %dma_start3A_54 = tpu.memref_slice %arg3[%dma_start3A_52, %dma_start3A_53] : memref<1015808x32xf32, #tpu.memory_space<hbm>> -> memref<1015808x32xf32, #tpu.memory_space<hbm>>
    tpu.enqueue_indirect_dma source(%dma_start3A_54 : memref<1015808x32xf32, #tpu.memory_space<hbm>>) target(%dma_start3A_48 : memref<128x32xf32, #tpu.memory_space<vmem>>) offsets(%dma_start3A_51 : memref<128xi32, #tpu.memory_space<vmem>>) semaphore(%arg11 : memref<!tpu.dma_semaphore, #tpu.memory_space<semaphore_mem>>)
    %dma_start3A_55 = arith.constant 4 : i32
    %dma_start3A_56 = arith.constant 4 : i32
    %dma_start3A_57 = arith.constant 0 : i32
    %dma_start3A_58 = arith.constant 0 : i32
    %dma_start3A_59 = tpu.memref_slice %arg6[%dma_start3A_56, %dma_start3A_57, %dma_start3A_58] : memref<8x128x32xf32, #tpu.memory_space<vmem>> -> memref<1x128x32xf32, #tpu.memory_space<vmem>>
    %dma_start3A_60 = tpu.memref_squeeze %dma_start3A_59 : memref<1x128x32xf32, #tpu.memory_space<vmem>> -> memref<128x32xf32, #tpu.memory_space<vmem>>
    %dma_start3A_61 = arith.constant 0 : i32
    %dma_start3A_62 = tpu.memref_slice %arg5[%dma_start3A_55, %dma_start3A_61] : memref<200x128xi32, #tpu.memory_space<vmem>> -> memref<1x128xi32, #tpu.memory_space<vmem>>
    %dma_start3A_63 = tpu.memref_squeeze %dma_start3A_62 : memref<1x128xi32, #tpu.memory_space<vmem>> -> memref<128xi32, #tpu.memory_space<vmem>>
    %dma_start3A_64 = arith.constant 0 : i32
    %dma_start3A_65 = arith.constant 0 : i32
    %dma_start3A_66 = tpu.memref_slice %arg3[%dma_start3A_64, %dma_start3A_65] : memref<1015808x32xf32, #tpu.memory_space<hbm>> -> memref<1015808x32xf32, #tpu.memory_space<hbm>>
    tpu.enqueue_indirect_dma source(%dma_start3A_66 : memref<1015808x32xf32, #tpu.memory_space<hbm>>) target(%dma_start3A_60 : memref<128x32xf32, #tpu.memory_space<vmem>>) offsets(%dma_start3A_63 : memref<128xi32, #tpu.memory_space<vmem>>) semaphore(%arg12 : memref<!tpu.dma_semaphore, #tpu.memory_space<semaphore_mem>>)
    %dma_start3A_67 = arith.constant 5 : i32
    %dma_start3A_68 = arith.constant 5 : i32
    %dma_start3A_69 = arith.constant 0 : i32
    %dma_start3A_70 = arith.constant 0 : i32
    %dma_start3A_71 = tpu.memref_slice %arg6[%dma_start3A_68, %dma_start3A_69, %dma_start3A_70] : memref<8x128x32xf32, #tpu.memory_space<vmem>> -> memref<1x128x32xf32, #tpu.memory_space<vmem>>
    %dma_start3A_72 = tpu.memref_squeeze %dma_start3A_71 : memref<1x128x32xf32, #tpu.memory_space<vmem>> -> memref<128x32xf32, #tpu.memory_space<vmem>>
    %dma_start3A_73 = arith.constant 0 : i32
    %dma_start3A_74 = tpu.memref_slice %arg5[%dma_start3A_67, %dma_start3A_73] : memref<200x128xi32, #tpu.memory_space<vmem>> -> memref<1x128xi32, #tpu.memory_space<vmem>>
    %dma_start3A_75 = tpu.memref_squeeze %dma_start3A_74 : memref<1x128xi32, #tpu.memory_space<vmem>> -> memref<128xi32, #tpu.memory_space<vmem>>
    %dma_start3A_76 = arith.constant 0 : i32
    %dma_start3A_77 = arith.constant 0 : i32
    %dma_start3A_78 = tpu.memref_slice %arg3[%dma_start3A_76, %dma_start3A_77] : memref<1015808x32xf32, #tpu.memory_space<hbm>> -> memref<1015808x32xf32, #tpu.memory_space<hbm>>
    tpu.enqueue_indirect_dma source(%dma_start3A_78 : memref<1015808x32xf32, #tpu.memory_space<hbm>>) target(%dma_start3A_72 : memref<128x32xf32, #tpu.memory_space<vmem>>) offsets(%dma_start3A_75 : memref<128xi32, #tpu.memory_space<vmem>>) semaphore(%arg13 : memref<!tpu.dma_semaphore, #tpu.memory_space<semaphore_mem>>)
    %dma_start3A_79 = arith.constant 6 : i32
    %dma_start3A_80 = arith.constant 6 : i32
    %dma_start3A_81 = arith.constant 0 : i32
    %dma_start3A_82 = arith.constant 0 : i32
    %dma_start3A_83 = tpu.memref_slice %arg6[%dma_start3A_80, %dma_start3A_81, %dma_start3A_82] : memref<8x128x32xf32, #tpu.memory_space<vmem>> -> memref<1x128x32xf32, #tpu.memory_space<vmem>>
    %dma_start3A_84 = tpu.memref_squeeze %dma_start3A_83 : memref<1x128x32xf32, #tpu.memory_space<vmem>> -> memref<128x32xf32, #tpu.memory_space<vmem>>
    %dma_start3A_85 = arith.constant 0 : i32
    %dma_start3A_86 = tpu.memref_slice %arg5[%dma_start3A_79, %dma_start3A_85] : memref<200x128xi32, #tpu.memory_space<vmem>> -> memref<1x128xi32, #tpu.memory_space<vmem>>
    %dma_start3A_87 = tpu.memref_squeeze %dma_start3A_86 : memref<1x128xi32, #tpu.memory_space<vmem>> -> memref<128xi32, #tpu.memory_space<vmem>>
    %dma_start3A_88 = arith.constant 0 : i32
    %dma_start3A_89 = arith.constant 0 : i32
    %dma_start3A_90 = tpu.memref_slice %arg3[%dma_start3A_88, %dma_start3A_89] : memref<1015808x32xf32, #tpu.memory_space<hbm>> -> memref<1015808x32xf32, #tpu.memory_space<hbm>>
    tpu.enqueue_indirect_dma source(%dma_start3A_90 : memref<1015808x32xf32, #tpu.memory_space<hbm>>) target(%dma_start3A_84 : memref<128x32xf32, #tpu.memory_space<vmem>>) offsets(%dma_start3A_87 : memref<128xi32, #tpu.memory_space<vmem>>) semaphore(%arg14 : memref<!tpu.dma_semaphore, #tpu.memory_space<semaphore_mem>>)
    %dma_start3A_91 = arith.constant 7 : i32
    %dma_start3A_92 = arith.constant 7 : i32
    %dma_start3A_93 = arith.constant 0 : i32
    %dma_start3A_94 = arith.constant 0 : i32
    %dma_start3A_95 = tpu.memref_slice %arg6[%dma_start3A_92, %dma_start3A_93, %dma_start3A_94] : memref<8x128x32xf32, #tpu.memory_space<vmem>> -> memref<1x128x32xf32, #tpu.memory_space<vmem>>
    %dma_start3A_96 = tpu.memref_squeeze %dma_start3A_95 : memref<1x128x32xf32, #tpu.memory_space<vmem>> -> memref<128x32xf32, #tpu.memory_space<vmem>>
    %dma_start3A_97 = arith.constant 0 : i32
    %dma_start3A_98 = tpu.memref_slice %arg5[%dma_start3A_91, %dma_start3A_97] : memref<200x128xi32, #tpu.memory_space<vmem>> -> memref<1x128xi32, #tpu.memory_space<vmem>>
    %dma_start3A_99 = tpu.memref_squeeze %dma_start3A_98 : memref<1x128xi32, #tpu.memory_space<vmem>> -> memref<128xi32, #tpu.memory_space<vmem>>
    %dma_start3A_100 = arith.constant 0 : i32
    %dma_start3A_101 = arith.constant 0 : i32
    %dma_start3A_102 = tpu.memref_slice %arg3[%dma_start3A_100, %dma_start3A_101] : memref<1015808x32xf32, #tpu.memory_space<hbm>> -> memref<1015808x32xf32, #tpu.memory_space<hbm>>
    tpu.enqueue_indirect_dma source(%dma_start3A_102 : memref<1015808x32xf32, #tpu.memory_space<hbm>>) target(%dma_start3A_96 : memref<128x32xf32, #tpu.memory_space<vmem>>) offsets(%dma_start3A_99 : memref<128xi32, #tpu.memory_space<vmem>>) semaphore(%arg15 : memref<!tpu.dma_semaphore, #tpu.memory_space<semaphore_mem>>)
    %scan3A_103 = arith.constant 0 : i32
    %scan3A_104 = arith.constant 0 : i32
    %scan3A_105 = arith.constant 25 : i32
    %scan3A_106 = arith.addi %scan3A_104, %scan3A_105 : i32
    %scan3A_107 = arith.constant 1 : i32
    %scan3A_108 = scf.for %scan3A_112 = %scan3A_104 to %scan3A_106 step %scan3A_107 iter_args(%scan3A_113 = %scan3A_103) -> (i32)  : i32 {
      %mul3A_114 = arith.constant 8 : i32
      %mul3A_115 = arith.muli %scan3A_112, %mul3A_114 : i32
      %add3A_116 = arith.constant 0 : i32
      %add3A_117 = arith.addi %mul3A_115, %add3A_116 : i32
      %dma_wait3A = arith.constant 0 : i32
      %dma_wait3A_118 = arith.constant 0 : i32
      %dma_wait3A_119 = arith.constant 0 : i32
      %dma_wait3A_120 = tpu.memref_slice %arg6[%dma_wait3A, %dma_wait3A_118, %dma_wait3A_119] : memref<8x128x32xf32, #tpu.memory_space<vmem>> -> memref<1x128x32xf32, #tpu.memory_space<vmem>>
      %dma_wait3A_121 = tpu.memref_squeeze %dma_wait3A_120 : memref<1x128x32xf32, #tpu.memory_space<vmem>> -> memref<128x32xf32, #tpu.memory_space<vmem>>
      %dma_wait3A_122 = arith.constant 0 : i32
      %dma_wait3A_123 = tpu.memref_slice %arg5[%add3A_117, %dma_wait3A_122] : memref<200x128xi32, #tpu.memory_space<vmem>> -> memref<1x128xi32, #tpu.memory_space<vmem>>
      %dma_wait3A_124 = tpu.memref_squeeze %dma_wait3A_123 : memref<1x128xi32, #tpu.memory_space<vmem>> -> memref<128xi32, #tpu.memory_space<vmem>>
      %dma_wait3A_125 = arith.constant 0 : i32
      %dma_wait3A_126 = arith.constant 0 : i32
      %dma_wait3A_127 = tpu.memref_slice %arg3[%dma_wait3A_125, %dma_wait3A_126] : memref<1015808x32xf32, #tpu.memory_space<hbm>> -> memref<1015808x32xf32, #tpu.memory_space<hbm>>
      tpu.wait_indirect_dma semaphore(%arg8 : memref<!tpu.dma_semaphore, #tpu.memory_space<semaphore_mem>>) src(%dma_wait3A_127 : memref<1015808x32xf32, #tpu.memory_space<hbm>>) dst(%dma_wait3A_121 : memref<128x32xf32, #tpu.memory_space<vmem>>)
      %scan3A_128 = arith.constant 0 : i32
      %scan3A_129 = arith.constant 0 : i32
      %scan3A_130 = arith.constant 128 : i32
      %scan3A_131 = arith.addi %scan3A_129, %scan3A_130 : i32
      %scan3A_132 = arith.constant 8 : i32
      %scan3A_133 = scf.for %scan3A_343 = %scan3A_129 to %scan3A_131 step %scan3A_132 iter_args(%scan3A_344 = %scan3A_128) -> (i32)  : i32 {
        %get3A = arith.constant 0 : i32
        %get3A_345 = arith.index_cast %get3A : i32 to index
        %get3A_346 = arith.index_cast %scan3A_343 : i32 to index
        %get3A_347 = arith.constant 0 : index
        %get3A_348 = tpu.vector_load %arg6[%get3A_345, %get3A_346, %get3A_347] {strides = array<i32>} : memref<8x128x32xf32, #tpu.memory_space<vmem>>, vector<1x1x16xf32>,
        %get3A_349 = vector.shape_cast %get3A_348 : vector<1x1x16xf32> to vector<16xf32>
        %get3A_350 = arith.constant 0 : i32
        %get3A_351 = arith.index_cast %get3A_350 : i32 to index
        %get3A_352 = arith.index_cast %scan3A_343 : i32 to index
        %get3A_353 = arith.constant 16 : index
        %get3A_354 = tpu.vector_load %arg6[%get3A_351, %get3A_352, %get3A_353] {strides = array<i32>} : memref<8x128x32xf32, #tpu.memory_space<vmem>>, vector<1x1x16xf32>,
        %get3A_355 = vector.shape_cast %get3A_354 : vector<1x1x16xf32> to vector<16xf32>
        %swap3A = arith.index_cast %scan3A_343 : i32 to index
        %swap3A_356 = arith.constant 0 : index
        %swap3A_357 = tpu.vector_load %arg7[%swap3A, %swap3A_356] {strides = array<i32>} : memref<128x32xf32, #tpu.memory_space<vmem>>, vector<1x16xf32>,
        %swap3A_358 = vector.shape_cast %swap3A_357 : vector<1x16xf32> to vector<16xf32>
        %swap3A_359 = vector.shape_cast %get3A_349 : vector<16xf32> to vector<1x16xf32>
        tpu.vector_store %arg7[%swap3A, %swap3A_356], %swap3A_359 {add = true, strides = array<i32>} : memref<128x32xf32, #tpu.memory_space<vmem>>, vector<1x16xf32>,
        %swap3A_360 = arith.index_cast %scan3A_343 : i32 to index
        %swap3A_361 = arith.constant 16 : index
        %swap3A_362 = tpu.vector_load %arg7[%swap3A_360, %swap3A_361] {strides = array<i32>} : memref<128x32xf32, #tpu.memory_space<vmem>>, vector<1x16xf32>,
        %swap3A_363 = vector.shape_cast %swap3A_362 : vector<1x16xf32> to vector<16xf32>
        %swap3A_364 = vector.shape_cast %get3A_355 : vector<16xf32> to vector<1x16xf32>
        tpu.vector_store %arg7[%swap3A_360, %swap3A_361], %swap3A_364 {add = true, strides = array<i32>} : memref<128x32xf32, #tpu.memory_space<vmem>>, vector<1x16xf32>,
        %scan3A_365 = arith.constant 0 : i32
        %scan3A_366 = arith.constant 1 : i32
        %scan3A_367 = arith.addi %scan3A_343, %scan3A_366 : i32
        %get3A_368 = arith.constant 0 : i32
        %get3A_369 = arith.index_cast %get3A_368 : i32 to index
        %get3A_370 = arith.index_cast %scan3A_367 : i32 to index
        %get3A_371 = arith.constant 0 : index
        %get3A_372 = tpu.vector_load %arg6[%get3A_369, %get3A_370, %get3A_371] {strides = array<i32>} : memref<8x128x32xf32, #tpu.memory_space<vmem>>, vector<1x1x16xf32>,
        %get3A_373 = vector.shape_cast %get3A_372 : vector<1x1x16xf32> to vector<16xf32>
        %get3A_374 = arith.constant 0 : i32
        %get3A_375 = arith.index_cast %get3A_374 : i32 to index
        %get3A_376 = arith.index_cast %scan3A_367 : i32 to index
        %get3A_377 = arith.constant 16 : index
        %get3A_378 = tpu.vector_load %arg6[%get3A_375, %get3A_376, %get3A_377] {strides = array<i32>} : memref<8x128x32xf32, #tpu.memory_space<vmem>>, vector<1x1x16xf32>,
        %get3A_379 = vector.shape_cast %get3A_378 : vector<1x1x16xf32> to vector<16xf32>
        %swap3A_380 = arith.index_cast %scan3A_367 : i32 to index
        %swap3A_381 = arith.constant 0 : index
        %swap3A_382 = tpu.vector_load %arg7[%swap3A_380, %swap3A_381] {strides = array<i32>} : memref<128x32xf32, #tpu.memory_space<vmem>>, vector<1x16xf32>,
        %swap3A_383 = vector.shape_cast %swap3A_382 : vector<1x16xf32> to vector<16xf32>
        %swap3A_384 = vector.shape_cast %get3A_373 : vector<16xf32> to vector<1x16xf32>
        tpu.vector_store %arg7[%swap3A_380, %swap3A_381], %swap3A_384 {add = true, strides = array<i32>} : memref<128x32xf32, #tpu.memory_space<vmem>>, vector<1x16xf32>,
        %swap3A_385 = arith.index_cast %scan3A_367 : i32 to index
        %swap3A_386 = arith.constant 16 : index
        %swap3A_387 = tpu.vector_load %arg7[%swap3A_385, %swap3A_386] {strides = array<i32>} : memref<128x32xf32, #tpu.memory_space<vmem>>, vector<1x16xf32>,
        %swap3A_388 = vector.shape_cast %swap3A_387 : vector<1x16xf32> to vector<16xf32>
        %swap3A_389 = vector.shape_cast %get3A_379 : vector<16xf32> to vector<1x16xf32>
        tpu.vector_store %arg7[%swap3A_385, %swap3A_386], %swap3A_389 {add = true, strides = array<i32>} : memref<128x32xf32, #tpu.memory_space<vmem>>, vector<1x16xf32>,
        %scan3A_390 = arith.constant 0 : i32
        %scan3A_391 = arith.constant 2 : i32
        %scan3A_392 = arith.addi %scan3A_343, %scan3A_391 : i32
        %get3A_393 = arith.constant 0 : i32
        %get3A_394 = arith.index_cast %get3A_393 : i32 to index
        %get3A_395 = arith.index_cast %scan3A_392 : i32 to index
        %get3A_396 = arith.constant 0 : index
        %get3A_397 = tpu.vector_load %arg6[%get3A_394, %get3A_395, %get3A_396] {strides = array<i32>} : memref<8x128x32xf32, #tpu.memory_space<vmem>>, vector<1x1x16xf32>,
        %get3A_398 = vector.shape_cast %get3A_397 : vector<1x1x16xf32> to vector<16xf32>
        %get3A_399 = arith.constant 0 : i32
        %get3A_400 = arith.index_cast %get3A_399 : i32 to index
        %get3A_401 = arith.index_cast %scan3A_392 : i32 to index
        %get3A_402 = arith.constant 16 : index
        %get3A_403 = tpu.vector_load %arg6[%get3A_400, %get3A_401, %get3A_402] {strides = array<i32>} : memref<8x128x32xf32, #tpu.memory_space<vmem>>, vector<1x1x16xf32>,
        %get3A_404 = vector.shape_cast %get3A_403 : vector<1x1x16xf32> to vector<16xf32>
        %swap3A_405 = arith.index_cast %scan3A_392 : i32 to index
        %swap3A_406 = arith.constant 0 : index
        %swap3A_407 = tpu.vector_load %arg7[%swap3A_405, %swap3A_406] {strides = array<i32>} : memref<128x32xf32, #tpu.memory_space<vmem>>, vector<1x16xf32>,
        %swap3A_408 = vector.shape_cast %swap3A_407 : vector<1x16xf32> to vector<16xf32>
        %swap3A_409 = vector.shape_cast %get3A_398 : vector<16xf32> to vector<1x16xf32>
        tpu.vector_store %arg7[%swap3A_405, %swap3A_406], %swap3A_409 {add = true, strides = array<i32>} : memref<128x32xf32, #tpu.memory_space<vmem>>, vector<1x16xf32>,
        %swap3A_410 = arith.index_cast %scan3A_392 : i32 to index
        %swap3A_411 = arith.constant 16 : index
        %swap3A_412 = tpu.vector_load %arg7[%swap3A_410, %swap3A_411] {strides = array<i32>} : memref<128x32xf32, #tpu.memory_space<vmem>>, vector<1x16xf32>,
        %swap3A_413 = vector.shape_cast %swap3A_412 : vector<1x16xf32> to vector<16xf32>
        %swap3A_414 = vector.shape_cast %get3A_404 : vector<16xf32> to vector<1x16xf32>
        tpu.vector_store %arg7[%swap3A_410, %swap3A_411], %swap3A_414 {add = true, strides = array<i32>} : memref<128x32xf32, #tpu.memory_space<vmem>>, vector<1x16xf32>,
        %scan3A_415 = arith.constant 0 : i32
        %scan3A_416 = arith.constant 3 : i32
        %scan3A_417 = arith.addi %scan3A_343, %scan3A_416 : i32
        %get3A_418 = arith.constant 0 : i32
        %get3A_419 = arith.index_cast %get3A_418 : i32 to index
        %get3A_420 = arith.index_cast %scan3A_417 : i32 to index
        %get3A_421 = arith.constant 0 : index
        %get3A_422 = tpu.vector_load %arg6[%get3A_419, %get3A_420, %get3A_421] {strides = array<i32>} : memref<8x128x32xf32, #tpu.memory_space<vmem>>, vector<1x1x16xf32>,
        %get3A_423 = vector.shape_cast %get3A_422 : vector<1x1x16xf32> to vector<16xf32>
        %get3A_424 = arith.constant 0 : i32
        %get3A_425 = arith.index_cast %get3A_424 : i32 to index
        %get3A_426 = arith.index_cast %scan3A_417 : i32 to index
        %get3A_427 = arith.constant 16 : index
        %get3A_428 = tpu.vector_load %arg6[%get3A_425, %get3A_426, %get3A_427] {strides = array<i32>} : memref<8x128x32xf32, #tpu.memory_space<vmem>>, vector<1x1x16xf32>,
        %get3A_429 = vector.shape_cast %get3A_428 : vector<1x1x16xf32> to vector<16xf32>
        %swap3A_430 = arith.index_cast %scan3A_417 : i32 to index
        %swap3A_431 = arith.constant 0 : index
        %swap3A_432 = tpu.vector_load %arg7[%swap3A_430, %swap3A_431] {strides = array<i32>} : memref<128x32xf32, #tpu.memory_space<vmem>>, vector<1x16xf32>,
        %swap3A_433 = vector.shape_cast %swap3A_432 : vector<1x16xf32> to vector<16xf32>
        %swap3A_434 = vector.shape_cast %get3A_423 : vector<16xf32> to vector<1x16xf32>
        tpu.vector_store %arg7[%swap3A_430, %swap3A_431], %swap3A_434 {add = true, strides = array<i32>} : memref<128x32xf32, #tpu.memory_space<vmem>>, vector<1x16xf32>,
        %swap3A_435 = arith.index_cast %scan3A_417 : i32 to index
        %swap3A_436 = arith.constant 16 : index
        %swap3A_437 = tpu.vector_load %arg7[%swap3A_435, %swap3A_436] {strides = array<i32>} : memref<128x32xf32, #tpu.memory_space<vmem>>, vector<1x16xf32>,
        %swap3A_438 = vector.shape_cast %swap3A_437 : vector<1x16xf32> to vector<16xf32>
        %swap3A_439 = vector.shape_cast %get3A_429 : vector<16xf32> to vector<1x16xf32>
        tpu.vector_store %arg7[%swap3A_435, %swap3A_436], %swap3A_439 {add = true, strides = array<i32>} : memref<128x32xf32, #tpu.memory_space<vmem>>, vector<1x16xf32>,
        %scan3A_440 = arith.constant 0 : i32
        %scan3A_441 = arith.constant 4 : i32
        %scan3A_442 = arith.addi %scan3A_343, %scan3A_441 : i32
        %get3A_443 = arith.constant 0 : i32
        %get3A_444 = arith.index_cast %get3A_443 : i32 to index
        %get3A_445 = arith.index_cast %scan3A_442 : i32 to index
        %get3A_446 = arith.constant 0 : index
        %get3A_447 = tpu.vector_load %arg6[%get3A_444, %get3A_445, %get3A_446] {strides = array<i32>} : memref<8x128x32xf32, #tpu.memory_space<vmem>>, vector<1x1x16xf32>,
        %get3A_448 = vector.shape_cast %get3A_447 : vector<1x1x16xf32> to vector<16xf32>
        %get3A_449 = arith.constant 0 : i32
        %get3A_450 = arith.index_cast %get3A_449 : i32 to index
        %get3A_451 = arith.index_cast %scan3A_442 : i32 to index
        %get3A_452 = arith.constant 16 : index
        %get3A_453 = tpu.vector_load %arg6[%get3A_450, %get3A_451, %get3A_452] {strides = array<i32>} : memref<8x128x32xf32, #tpu.memory_space<vmem>>, vector<1x1x16xf32>,
        %get3A_454 = vector.shape_cast %get3A_453 : vector<1x1x16xf32> to vector<16xf32>
        %swap3A_455 = arith.index_cast %scan3A_442 : i32 to index
        %swap3A_456 = arith.constant 0 : index
        %swap3A_457 = tpu.vector_load %arg7[%swap3A_455, %swap3A_456] {strides = array<i32>} : memref<128x32xf32, #tpu.memory_space<vmem>>, vector<1x16xf32>,
        %swap3A_458 = vector.shape_cast %swap3A_457 : vector<1x16xf32> to vector<16xf32>
        %swap3A_459 = vector.shape_cast %get3A_448 : vector<16xf32> to vector<1x16xf32>
        tpu.vector_store %arg7[%swap3A_455, %swap3A_456], %swap3A_459 {add = true, strides = array<i32>} : memref<128x32xf32, #tpu.memory_space<vmem>>, vector<1x16xf32>,
        %swap3A_460 = arith.index_cast %scan3A_442 : i32 to index
        %swap3A_461 = arith.constant 16 : index
        %swap3A_462 = tpu.vector_load %arg7[%swap3A_460, %swap3A_461] {strides = array<i32>} : memref<128x32xf32, #tpu.memory_space<vmem>>, vector<1x16xf32>,
        %swap3A_463 = vector.shape_cast %swap3A_462 : vector<1x16xf32> to vector<16xf32>
        %swap3A_464 = vector.shape_cast %get3A_454 : vector<16xf32> to vector<1x16xf32>
        tpu.vector_store %arg7[%swap3A_460, %swap3A_461], %swap3A_464 {add = true, strides = array<i32>} : memref<128x32xf32, #tpu.memory_space<vmem>>, vector<1x16xf32>,
        %scan3A_465 = arith.constant 0 : i32
        %scan3A_466 = arith.constant 5 : i32
        %scan3A_467 = arith.addi %scan3A_343, %scan3A_466 : i32
        %get3A_468 = arith.constant 0 : i32
        %get3A_469 = arith.index_cast %get3A_468 : i32 to index
        %get3A_470 = arith.index_cast %scan3A_467 : i32 to index
        %get3A_471 = arith.constant 0 : index
        %get3A_472 = tpu.vector_load %arg6[%get3A_469, %get3A_470, %get3A_471] {strides = array<i32>} : memref<8x128x32xf32, #tpu.memory_space<vmem>>, vector<1x1x16xf32>,
        %get3A_473 = vector.shape_cast %get3A_472 : vector<1x1x16xf32> to vector<16xf32>
        %get3A_474 = arith.constant 0 : i32
        %get3A_475 = arith.index_cast %get3A_474 : i32 to index
        %get3A_476 = arith.index_cast %scan3A_467 : i32 to index
        %get3A_477 = arith.constant 16 : index
        %get3A_478 = tpu.vector_load %arg6[%get3A_475, %get3A_476, %get3A_477] {strides = array<i32>} : memref<8x128x32xf32, #tpu.memory_space<vmem>>, vector<1x1x16xf32>,
        %get3A_479 = vector.shape_cast %get3A_478 : vector<1x1x16xf32> to vector<16xf32>
        %swap3A_480 = arith.index_cast %scan3A_467 : i32 to index
        %swap3A_481 = arith.constant 0 : index
        %swap3A_482 = tpu.vector_load %arg7[%swap3A_480, %swap3A_481] {strides = array<i32>} : memref<128x32xf32, #tpu.memory_space<vmem>>, vector<1x16xf32>,
        %swap3A_483 = vector.shape_cast %swap3A_482 : vector<1x16xf32> to vector<16xf32>
        %swap3A_484 = vector.shape_cast %get3A_473 : vector<16xf32> to vector<1x16xf32>
        tpu.vector_store %arg7[%swap3A_480, %swap3A_481], %swap3A_484 {add = true, strides = array<i32>} : memref<128x32xf32, #tpu.memory_space<vmem>>, vector<1x16xf32>,
        %swap3A_485 = arith.index_cast %scan3A_467 : i32 to index
        %swap3A_486 = arith.constant 16 : index
        %swap3A_487 = tpu.vector_load %arg7[%swap3A_485, %swap3A_486] {strides = array<i32>} : memref<128x32xf32, #tpu.memory_space<vmem>>, vector<1x16xf32>,
        %swap3A_488 = vector.shape_cast %swap3A_487 : vector<1x16xf32> to vector<16xf32>
        %swap3A_489 = vector.shape_cast %get3A_479 : vector<16xf32> to vector<1x16xf32>
        tpu.vector_store %arg7[%swap3A_485, %swap3A_486], %swap3A_489 {add = true, strides = array<i32>} : memref<128x32xf32, #tpu.memory_space<vmem>>, vector<1x16xf32>,
        %scan3A_490 = arith.constant 0 : i32
        %scan3A_491 = arith.constant 6 : i32
        %scan3A_492 = arith.addi %scan3A_343, %scan3A_491 : i32
        %get3A_493 = arith.constant 0 : i32
        %get3A_494 = arith.index_cast %get3A_493 : i32 to index
        %get3A_495 = arith.index_cast %scan3A_492 : i32 to index
        %get3A_496 = arith.constant 0 : index
        %get3A_497 = tpu.vector_load %arg6[%get3A_494, %get3A_495, %get3A_496] {strides = array<i32>} : memref<8x128x32xf32, #tpu.memory_space<vmem>>, vector<1x1x16xf32>,
        %get3A_498 = vector.shape_cast %get3A_497 : vector<1x1x16xf32> to vector<16xf32>
        %get3A_499 = arith.constant 0 : i32
        %get3A_500 = arith.index_cast %get3A_499 : i32 to index
        %get3A_501 = arith.index_cast %scan3A_492 : i32 to index
        %get3A_502 = arith.constant 16 : index
        %get3A_503 = tpu.vector_load %arg6[%get3A_500, %get3A_501, %get3A_502] {strides = array<i32>} : memref<8x128x32xf32, #tpu.memory_space<vmem>>, vector<1x1x16xf32>,
        %get3A_504 = vector.shape_cast %get3A_503 : vector<1x1x16xf32> to vector<16xf32>
        %swap3A_505 = arith.index_cast %scan3A_492 : i32 to index
        %swap3A_506 = arith.constant 0 : index
        %swap3A_507 = tpu.vector_load %arg7[%swap3A_505, %swap3A_506] {strides = array<i32>} : memref<128x32xf32, #tpu.memory_space<vmem>>, vector<1x16xf32>,
        %swap3A_508 = vector.shape_cast %swap3A_507 : vector<1x16xf32> to vector<16xf32>
        %swap3A_509 = vector.shape_cast %get3A_498 : vector<16xf32> to vector<1x16xf32>
        tpu.vector_store %arg7[%swap3A_505, %swap3A_506], %swap3A_509 {add = true, strides = array<i32>} : memref<128x32xf32, #tpu.memory_space<vmem>>, vector<1x16xf32>,
        %swap3A_510 = arith.index_cast %scan3A_492 : i32 to index
        %swap3A_511 = arith.constant 16 : index
        %swap3A_512 = tpu.vector_load %arg7[%swap3A_510, %swap3A_511] {strides = array<i32>} : memref<128x32xf32, #tpu.memory_space<vmem>>, vector<1x16xf32>,
        %swap3A_513 = vector.shape_cast %swap3A_512 : vector<1x16xf32> to vector<16xf32>
        %swap3A_514 = vector.shape_cast %get3A_504 : vector<16xf32> to vector<1x16xf32>
        tpu.vector_store %arg7[%swap3A_510, %swap3A_511], %swap3A_514 {add = true, strides = array<i32>} : memref<128x32xf32, #tpu.memory_space<vmem>>, vector<1x16xf32>,
        %scan3A_515 = arith.constant 0 : i32
        %scan3A_516 = arith.constant 7 : i32
        %scan3A_517 = arith.addi %scan3A_343, %scan3A_516 : i32
        %get3A_518 = arith.constant 0 : i32
        %get3A_519 = arith.index_cast %get3A_518 : i32 to index
        %get3A_520 = arith.index_cast %scan3A_517 : i32 to index
        %get3A_521 = arith.constant 0 : index
        %get3A_522 = tpu.vector_load %arg6[%get3A_519, %get3A_520, %get3A_521] {strides = array<i32>} : memref<8x128x32xf32, #tpu.memory_space<vmem>>, vector<1x1x16xf32>,
        %get3A_523 = vector.shape_cast %get3A_522 : vector<1x1x16xf32> to vector<16xf32>
        %get3A_524 = arith.constant 0 : i32
        %get3A_525 = arith.index_cast %get3A_524 : i32 to index
        %get3A_526 = arith.index_cast %scan3A_517 : i32 to index
        %get3A_527 = arith.constant 16 : index
        %get3A_528 = tpu.vector_load %arg6[%get3A_525, %get3A_526, %get3A_527] {strides = array<i32>} : memref<8x128x32xf32, #tpu.memory_space<vmem>>, vector<1x1x16xf32>,
        %get3A_529 = vector.shape_cast %get3A_528 : vector<1x1x16xf32> to vector<16xf32>
        %swap3A_530 = arith.index_cast %scan3A_517 : i32 to index
        %swap3A_531 = arith.constant 0 : index
        %swap3A_532 = tpu.vector_load %arg7[%swap3A_530, %swap3A_531] {strides = array<i32>} : memref<128x32xf32, #tpu.memory_space<vmem>>, vector<1x16xf32>,
        %swap3A_533 = vector.shape_cast %swap3A_532 : vector<1x16xf32> to vector<16xf32>
        %swap3A_534 = vector.shape_cast %get3A_523 : vector<16xf32> to vector<1x16xf32>
        tpu.vector_store %arg7[%swap3A_530, %swap3A_531], %swap3A_534 {add = true, strides = array<i32>} : memref<128x32xf32, #tpu.memory_space<vmem>>, vector<1x16xf32>,
        %swap3A_535 = arith.index_cast %scan3A_517 : i32 to index
        %swap3A_536 = arith.constant 16 : index
        %swap3A_537 = tpu.vector_load %arg7[%swap3A_535, %swap3A_536] {strides = array<i32>} : memref<128x32xf32, #tpu.memory_space<vmem>>, vector<1x16xf32>,
        %swap3A_538 = vector.shape_cast %swap3A_537 : vector<1x16xf32> to vector<16xf32>
        %swap3A_539 = vector.shape_cast %get3A_529 : vector<16xf32> to vector<1x16xf32>
        tpu.vector_store %arg7[%swap3A_535, %swap3A_536], %swap3A_539 {add = true, strides = array<i32>} : memref<128x32xf32, #tpu.memory_space<vmem>>, vector<1x16xf32>,
        %scan3A_540 = arith.constant 0 : i32
        scf.yield %scan3A_540 : i32
      }
      %scan3A_134 = arith.constant 128 : i32
      %add3A_135 = arith.constant 8 : i32
      %add3A_136 = arith.addi %add3A_117, %add3A_135 : i32
      %lt3A = arith.constant 200 : i32
      %lt3A_137 = arith.cmpi slt, %add3A_136, %lt3A : i32
      %convert_element_type3A = arith.extui %lt3A_137 : i1 to i32
      %cond3A = arith.constant 0 : i32
      %cond3A_138 = arith.cmpi ne, %convert_element_type3A, %cond3A : i32
      scf.if %cond3A_138 {
        %dma_start3A_343 = arith.constant 0 : i32
        %dma_start3A_344 = arith.constant 0 : i32
        %dma_start3A_345 = arith.constant 0 : i32
        %dma_start3A_346 = tpu.memref_slice %arg6[%dma_start3A_343, %dma_start3A_344, %dma_start3A_345] : memref<8x128x32xf32, #tpu.memory_space<vmem>> -> memref<1x128x32xf32, #tpu.memory_space<vmem>>
        %dma_start3A_347 = tpu.memref_squeeze %dma_start3A_346 : memref<1x128x32xf32, #tpu.memory_space<vmem>> -> memref<128x32xf32, #tpu.memory_space<vmem>>
        %dma_start3A_348 = arith.constant 0 : i32
        %dma_start3A_349 = tpu.memref_slice %arg5[%add3A_136, %dma_start3A_348] : memref<200x128xi32, #tpu.memory_space<vmem>> -> memref<1x128xi32, #tpu.memory_space<vmem>>
        %dma_start3A_350 = tpu.memref_squeeze %dma_start3A_349 : memref<1x128xi32, #tpu.memory_space<vmem>> -> memref<128xi32, #tpu.memory_space<vmem>>
        %dma_start3A_351 = arith.constant 0 : i32
        %dma_start3A_352 = arith.constant 0 : i32
        %dma_start3A_353 = tpu.memref_slice %arg3[%dma_start3A_351, %dma_start3A_352] : memref<1015808x32xf32, #tpu.memory_space<hbm>> -> memref<1015808x32xf32, #tpu.memory_space<hbm>>
        tpu.enqueue_indirect_dma source(%dma_start3A_353 : memref<1015808x32xf32, #tpu.memory_space<hbm>>) target(%dma_start3A_347 : memref<128x32xf32, #tpu.memory_space<vmem>>) offsets(%dma_start3A_350 : memref<128xi32, #tpu.memory_space<vmem>>) semaphore(%arg8 : memref<!tpu.dma_semaphore, #tpu.memory_space<semaphore_mem>>)
      } else {
      }
      %mul3A_139 = arith.constant 8 : i32
      %mul3A_140 = arith.muli %scan3A_112, %mul3A_139 : i32
      %add3A_141 = arith.constant 1 : i32
      %add3A_142 = arith.addi %mul3A_140, %add3A_141 : i32
      %dma_wait3A_143 = arith.constant 1 : i32
      %dma_wait3A_144 = arith.constant 0 : i32
      %dma_wait3A_145 = arith.constant 0 : i32
      %dma_wait3A_146 = tpu.memref_slice %arg6[%dma_wait3A_143, %dma_wait3A_144, %dma_wait3A_145] : memref<8x128x32xf32, #tpu.memory_space<vmem>> -> memref<1x128x32xf32, #tpu.memory_space<vmem>>
      %dma_wait3A_147 = tpu.memref_squeeze %dma_wait3A_146 : memref<1x128x32xf32, #tpu.memory_space<vmem>> -> memref<128x32xf32, #tpu.memory_space<vmem>>
      %dma_wait3A_148 = arith.constant 0 : i32
      %dma_wait3A_149 = tpu.memref_slice %arg5[%add3A_142, %dma_wait3A_148] : memref<200x128xi32, #tpu.memory_space<vmem>> -> memref<1x128xi32, #tpu.memory_space<vmem>>
      %dma_wait3A_150 = tpu.memref_squeeze %dma_wait3A_149 : memref<1x128xi32, #tpu.memory_space<vmem>> -> memref<128xi32, #tpu.memory_space<vmem>>
      %dma_wait3A_151 = arith.constant 0 : i32
      %dma_wait3A_152 = arith.constant 0 : i32
      %dma_wait3A_153 = tpu.memref_slice %arg3[%dma_wait3A_151, %dma_wait3A_152] : memref<1015808x32xf32, #tpu.memory_space<hbm>> -> memref<1015808x32xf32, #tpu.memory_space<hbm>>
      tpu.wait_indirect_dma semaphore(%arg9 : memref<!tpu.dma_semaphore, #tpu.memory_space<semaphore_mem>>) src(%dma_wait3A_153 : memref<1015808x32xf32, #tpu.memory_space<hbm>>) dst(%dma_wait3A_147 : memref<128x32xf32, #tpu.memory_space<vmem>>)
      %scan3A_154 = arith.constant 0 : i32
      %scan3A_155 = arith.constant 0 : i32
      %scan3A_156 = arith.constant 128 : i32
      %scan3A_157 = arith.addi %scan3A_155, %scan3A_156 : i32
      %scan3A_158 = arith.constant 8 : i32
      %scan3A_159 = scf.for %scan3A_343 = %scan3A_155 to %scan3A_157 step %scan3A_158 iter_args(%scan3A_344 = %scan3A_154) -> (i32)  : i32 {
        %get3A = arith.constant 1 : i32
        %get3A_345 = arith.index_cast %get3A : i32 to index
        %get3A_346 = arith.index_cast %scan3A_343 : i32 to index
        %get3A_347 = arith.constant 0 : index
        %get3A_348 = tpu.vector_load %arg6[%get3A_345, %get3A_346, %get3A_347] {strides = array<i32>} : memref<8x128x32xf32, #tpu.memory_space<vmem>>, vector<1x1x16xf32>,
        %get3A_349 = vector.shape_cast %get3A_348 : vector<1x1x16xf32> to vector<16xf32>
        %get3A_350 = arith.constant 1 : i32
        %get3A_351 = arith.index_cast %get3A_350 : i32 to index
        %get3A_352 = arith.index_cast %scan3A_343 : i32 to index
        %get3A_353 = arith.constant 16 : index
        %get3A_354 = tpu.vector_load %arg6[%get3A_351, %get3A_352, %get3A_353] {strides = array<i32>} : memref<8x128x32xf32, #tpu.memory_space<vmem>>, vector<1x1x16xf32>,
        %get3A_355 = vector.shape_cast %get3A_354 : vector<1x1x16xf32> to vector<16xf32>
        %swap3A = arith.index_cast %scan3A_343 : i32 to index
        %swap3A_356 = arith.constant 0 : index
        %swap3A_357 = tpu.vector_load %arg7[%swap3A, %swap3A_356] {strides = array<i32>} : memref<128x32xf32, #tpu.memory_space<vmem>>, vector<1x16xf32>,
        %swap3A_358 = vector.shape_cast %swap3A_357 : vector<1x16xf32> to vector<16xf32>
        %swap3A_359 = vector.shape_cast %get3A_349 : vector<16xf32> to vector<1x16xf32>
        tpu.vector_store %arg7[%swap3A, %swap3A_356], %swap3A_359 {add = true, strides = array<i32>} : memref<128x32xf32, #tpu.memory_space<vmem>>, vector<1x16xf32>,
        %swap3A_360 = arith.index_cast %scan3A_343 : i32 to index
        %swap3A_361 = arith.constant 16 : index
        %swap3A_362 = tpu.vector_load %arg7[%swap3A_360, %swap3A_361] {strides = array<i32>} : memref<128x32xf32, #tpu.memory_space<vmem>>, vector<1x16xf32>,
        %swap3A_363 = vector.shape_cast %swap3A_362 : vector<1x16xf32> to vector<16xf32>
        %swap3A_364 = vector.shape_cast %get3A_355 : vector<16xf32> to vector<1x16xf32>
        tpu.vector_store %arg7[%swap3A_360, %swap3A_361], %swap3A_364 {add = true, strides = array<i32>} : memref<128x32xf32, #tpu.memory_space<vmem>>, vector<1x16xf32>,
        %scan3A_365 = arith.constant 0 : i32
        %scan3A_366 = arith.constant 1 : i32
        %scan3A_367 = arith.addi %scan3A_343, %scan3A_366 : i32
        %get3A_368 = arith.constant 1 : i32
        %get3A_369 = arith.index_cast %get3A_368 : i32 to index
        %get3A_370 = arith.index_cast %scan3A_367 : i32 to index
        %get3A_371 = arith.constant 0 : index
        %get3A_372 = tpu.vector_load %arg6[%get3A_369, %get3A_370, %get3A_371] {strides = array<i32>} : memref<8x128x32xf32, #tpu.memory_space<vmem>>, vector<1x1x16xf32>,
        %get3A_373 = vector.shape_cast %get3A_372 : vector<1x1x16xf32> to vector<16xf32>
        %get3A_374 = arith.constant 1 : i32
        %get3A_375 = arith.index_cast %get3A_374 : i32 to index
        %get3A_376 = arith.index_cast %scan3A_367 : i32 to index
        %get3A_377 = arith.constant 16 : index
        %get3A_378 = tpu.vector_load %arg6[%get3A_375, %get3A_376, %get3A_377] {strides = array<i32>} : memref<8x128x32xf32, #tpu.memory_space<vmem>>, vector<1x1x16xf32>,
        %get3A_379 = vector.shape_cast %get3A_378 : vector<1x1x16xf32> to vector<16xf32>
        %swap3A_380 = arith.index_cast %scan3A_367 : i32 to index
        %swap3A_381 = arith.constant 0 : index
        %swap3A_382 = tpu.vector_load %arg7[%swap3A_380, %swap3A_381] {strides = array<i32>} : memref<128x32xf32, #tpu.memory_space<vmem>>, vector<1x16xf32>,
        %swap3A_383 = vector.shape_cast %swap3A_382 : vector<1x16xf32> to vector<16xf32>
        %swap3A_384 = vector.shape_cast %get3A_373 : vector<16xf32> to vector<1x16xf32>
        tpu.vector_store %arg7[%swap3A_380, %swap3A_381], %swap3A_384 {add = true, strides = array<i32>} : memref<128x32xf32, #tpu.memory_space<vmem>>, vector<1x16xf32>,
        %swap3A_385 = arith.index_cast %scan3A_367 : i32 to index
        %swap3A_386 = arith.constant 16 : index
        %swap3A_387 = tpu.vector_load %arg7[%swap3A_385, %swap3A_386] {strides = array<i32>} : memref<128x32xf32, #tpu.memory_space<vmem>>, vector<1x16xf32>,
        %swap3A_388 = vector.shape_cast %swap3A_387 : vector<1x16xf32> to vector<16xf32>
        %swap3A_389 = vector.shape_cast %get3A_379 : vector<16xf32> to vector<1x16xf32>
        tpu.vector_store %arg7[%swap3A_385, %swap3A_386], %swap3A_389 {add = true, strides = array<i32>} : memref<128x32xf32, #tpu.memory_space<vmem>>, vector<1x16xf32>,
        %scan3A_390 = arith.constant 0 : i32
        %scan3A_391 = arith.constant 2 : i32
        %scan3A_392 = arith.addi %scan3A_343, %scan3A_391 : i32
        %get3A_393 = arith.constant 1 : i32
        %get3A_394 = arith.index_cast %get3A_393 : i32 to index
        %get3A_395 = arith.index_cast %scan3A_392 : i32 to index
        %get3A_396 = arith.constant 0 : index
        %get3A_397 = tpu.vector_load %arg6[%get3A_394, %get3A_395, %get3A_396] {strides = array<i32>} : memref<8x128x32xf32, #tpu.memory_space<vmem>>, vector<1x1x16xf32>,
        %get3A_398 = vector.shape_cast %get3A_397 : vector<1x1x16xf32> to vector<16xf32>
        %get3A_399 = arith.constant 1 : i32
        %get3A_400 = arith.index_cast %get3A_399 : i32 to index
        %get3A_401 = arith.index_cast %scan3A_392 : i32 to index
        %get3A_402 = arith.constant 16 : index
        %get3A_403 = tpu.vector_load %arg6[%get3A_400, %get3A_401, %get3A_402] {strides = array<i32>} : memref<8x128x32xf32, #tpu.memory_space<vmem>>, vector<1x1x16xf32>,
        %get3A_404 = vector.shape_cast %get3A_403 : vector<1x1x16xf32> to vector<16xf32>
        %swap3A_405 = arith.index_cast %scan3A_392 : i32 to index
        %swap3A_406 = arith.constant 0 : index
        %swap3A_407 = tpu.vector_load %arg7[%swap3A_405, %swap3A_406] {strides = array<i32>} : memref<128x32xf32, #tpu.memory_space<vmem>>, vector<1x16xf32>,
        %swap3A_408 = vector.shape_cast %swap3A_407 : vector<1x16xf32> to vector<16xf32>
        %swap3A_409 = vector.shape_cast %get3A_398 : vector<16xf32> to vector<1x16xf32>
        tpu.vector_store %arg7[%swap3A_405, %swap3A_406], %swap3A_409 {add = true, strides = array<i32>} : memref<128x32xf32, #tpu.memory_space<vmem>>, vector<1x16xf32>,
        %swap3A_410 = arith.index_cast %scan3A_392 : i32 to index
        %swap3A_411 = arith.constant 16 : index
        %swap3A_412 = tpu.vector_load %arg7[%swap3A_410, %swap3A_411] {strides = array<i32>} : memref<128x32xf32, #tpu.memory_space<vmem>>, vector<1x16xf32>,
        %swap3A_413 = vector.shape_cast %swap3A_412 : vector<1x16xf32> to vector<16xf32>
        %swap3A_414 = vector.shape_cast %get3A_404 : vector<16xf32> to vector<1x16xf32>
        tpu.vector_store %arg7[%swap3A_410, %swap3A_411], %swap3A_414 {add = true, strides = array<i32>} : memref<128x32xf32, #tpu.memory_space<vmem>>, vector<1x16xf32>,
        %scan3A_415 = arith.constant 0 : i32
        %scan3A_416 = arith.constant 3 : i32
        %scan3A_417 = arith.addi %scan3A_343, %scan3A_416 : i32
        %get3A_418 = arith.constant 1 : i32
        %get3A_419 = arith.index_cast %get3A_418 : i32 to index
        %get3A_420 = arith.index_cast %scan3A_417 : i32 to index
        %get3A_421 = arith.constant 0 : index
        %get3A_422 = tpu.vector_load %arg6[%get3A_419, %get3A_420, %get3A_421] {strides = array<i32>} : memref<8x128x32xf32, #tpu.memory_space<vmem>>, vector<1x1x16xf32>,
        %get3A_423 = vector.shape_cast %get3A_422 : vector<1x1x16xf32> to vector<16xf32>
        %get3A_424 = arith.constant 1 : i32
        %get3A_425 = arith.index_cast %get3A_424 : i32 to index
        %get3A_426 = arith.index_cast %scan3A_417 : i32 to index
        %get3A_427 = arith.constant 16 : index
        %get3A_428 = tpu.vector_load %arg6[%get3A_425, %get3A_426, %get3A_427] {strides = array<i32>} : memref<8x128x32xf32, #tpu.memory_space<vmem>>, vector<1x1x16xf32>,
        %get3A_429 = vector.shape_cast %get3A_428 : vector<1x1x16xf32> to vector<16xf32>
        %swap3A_430 = arith.index_cast %scan3A_417 : i32 to index
        %swap3A_431 = arith.constant 0 : index
        %swap3A_432 = tpu.vector_load %arg7[%swap3A_430, %swap3A_431] {strides = array<i32>} : memref<128x32xf32, #tpu.memory_space<vmem>>, vector<1x16xf32>,
        %swap3A_433 = vector.shape_cast %swap3A_432 : vector<1x16xf32> to vector<16xf32>
        %swap3A_434 = vector.shape_cast %get3A_423 : vector<16xf32> to vector<1x16xf32>
        tpu.vector_store %arg7[%swap3A_430, %swap3A_431], %swap3A_434 {add = true, strides = array<i32>} : memref<128x32xf32, #tpu.memory_space<vmem>>, vector<1x16xf32>,
        %swap3A_435 = arith.index_cast %scan3A_417 : i32 to index
        %swap3A_436 = arith.constant 16 : index
        %swap3A_437 = tpu.vector_load %arg7[%swap3A_435, %swap3A_436] {strides = array<i32>} : memref<128x32xf32, #tpu.memory_space<vmem>>, vector<1x16xf32>,
        %swap3A_438 = vector.shape_cast %swap3A_437 : vector<1x16xf32> to vector<16xf32>
        %swap3A_439 = vector.shape_cast %get3A_429 : vector<16xf32> to vector<1x16xf32>
        tpu.vector_store %arg7[%swap3A_435, %swap3A_436], %swap3A_439 {add = true, strides = array<i32>} : memref<128x32xf32, #tpu.memory_space<vmem>>, vector<1x16xf32>,
        %scan3A_440 = arith.constant 0 : i32
        %scan3A_441 = arith.constant 4 : i32
        %scan3A_442 = arith.addi %scan3A_343, %scan3A_441 : i32
        %get3A_443 = arith.constant 1 : i32
        %get3A_444 = arith.index_cast %get3A_443 : i32 to index
        %get3A_445 = arith.index_cast %scan3A_442 : i32 to index
        %get3A_446 = arith.constant 0 : index
        %get3A_447 = tpu.vector_load %arg6[%get3A_444, %get3A_445, %get3A_446] {strides = array<i32>} : memref<8x128x32xf32, #tpu.memory_space<vmem>>, vector<1x1x16xf32>,
        %get3A_448 = vector.shape_cast %get3A_447 : vector<1x1x16xf32> to vector<16xf32>
        %get3A_449 = arith.constant 1 : i32
        %get3A_450 = arith.index_cast %get3A_449 : i32 to index
        %get3A_451 = arith.index_cast %scan3A_442 : i32 to index
        %get3A_452 = arith.constant 16 : index
        %get3A_453 = tpu.vector_load %arg6[%get3A_450, %get3A_451, %get3A_452] {strides = array<i32>} : memref<8x128x32xf32, #tpu.memory_space<vmem>>, vector<1x1x16xf32>,
        %get3A_454 = vector.shape_cast %get3A_453 : vector<1x1x16xf32> to vector<16xf32>
        %swap3A_455 = arith.index_cast %scan3A_442 : i32 to index
        %swap3A_456 = arith.constant 0 : index
        %swap3A_457 = tpu.vector_load %arg7[%swap3A_455, %swap3A_456] {strides = array<i32>} : memref<128x32xf32, #tpu.memory_space<vmem>>, vector<1x16xf32>,
        %swap3A_458 = vector.shape_cast %swap3A_457 : vector<1x16xf32> to vector<16xf32>
        %swap3A_459 = vector.shape_cast %get3A_448 : vector<16xf32> to vector<1x16xf32>
        tpu.vector_store %arg7[%swap3A_455, %swap3A_456], %swap3A_459 {add = true, strides = array<i32>} : memref<128x32xf32, #tpu.memory_space<vmem>>, vector<1x16xf32>,
        %swap3A_460 = arith.index_cast %scan3A_442 : i32 to index
        %swap3A_461 = arith.constant 16 : index
        %swap3A_462 = tpu.vector_load %arg7[%swap3A_460, %swap3A_461] {strides = array<i32>} : memref<128x32xf32, #tpu.memory_space<vmem>>, vector<1x16xf32>,
        %swap3A_463 = vector.shape_cast %swap3A_462 : vector<1x16xf32> to vector<16xf32>
        %swap3A_464 = vector.shape_cast %get3A_454 : vector<16xf32> to vector<1x16xf32>
        tpu.vector_store %arg7[%swap3A_460, %swap3A_461], %swap3A_464 {add = true, strides = array<i32>} : memref<128x32xf32, #tpu.memory_space<vmem>>, vector<1x16xf32>,
        %scan3A_465 = arith.constant 0 : i32
        %scan3A_466 = arith.constant 5 : i32
        %scan3A_467 = arith.addi %scan3A_343, %scan3A_466 : i32
        %get3A_468 = arith.constant 1 : i32
        %get3A_469 = arith.index_cast %get3A_468 : i32 to index
        %get3A_470 = arith.index_cast %scan3A_467 : i32 to index
        %get3A_471 = arith.constant 0 : index
        %get3A_472 = tpu.vector_load %arg6[%get3A_469, %get3A_470, %get3A_471] {strides = array<i32>} : memref<8x128x32xf32, #tpu.memory_space<vmem>>, vector<1x1x16xf32>,
        %get3A_473 = vector.shape_cast %get3A_472 : vector<1x1x16xf32> to vector<16xf32>
        %get3A_474 = arith.constant 1 : i32
        %get3A_475 = arith.index_cast %get3A_474 : i32 to index
        %get3A_476 = arith.index_cast %scan3A_467 : i32 to index
        %get3A_477 = arith.constant 16 : index
        %get3A_478 = tpu.vector_load %arg6[%get3A_475, %get3A_476, %get3A_477] {strides = array<i32>} : memref<8x128x32xf32, #tpu.memory_space<vmem>>, vector<1x1x16xf32>,
        %get3A_479 = vector.shape_cast %get3A_478 : vector<1x1x16xf32> to vector<16xf32>
        %swap3A_480 = arith.index_cast %scan3A_467 : i32 to index
        %swap3A_481 = arith.constant 0 : index
        %swap3A_482 = tpu.vector_load %arg7[%swap3A_480, %swap3A_481] {strides = array<i32>} : memref<128x32xf32, #tpu.memory_space<vmem>>, vector<1x16xf32>,
        %swap3A_483 = vector.shape_cast %swap3A_482 : vector<1x16xf32> to vector<16xf32>
        %swap3A_484 = vector.shape_cast %get3A_473 : vector<16xf32> to vector<1x16xf32>
        tpu.vector_store %arg7[%swap3A_480, %swap3A_481], %swap3A_484 {add = true, strides = array<i32>} : memref<128x32xf32, #tpu.memory_space<vmem>>, vector<1x16xf32>,
        %swap3A_485 = arith.index_cast %scan3A_467 : i32 to index
        %swap3A_486 = arith.constant 16 : index
        %swap3A_487 = tpu.vector_load %arg7[%swap3A_485, %swap3A_486] {strides = array<i32>} : memref<128x32xf32, #tpu.memory_space<vmem>>, vector<1x16xf32>,
        %swap3A_488 = vector.shape_cast %swap3A_487 : vector<1x16xf32> to vector<16xf32>
        %swap3A_489 = vector.shape_cast %get3A_479 : vector<16xf32> to vector<1x16xf32>
        tpu.vector_store %arg7[%swap3A_485, %swap3A_486], %swap3A_489 {add = true, strides = array<i32>} : memref<128x32xf32, #tpu.memory_space<vmem>>, vector<1x16xf32>,
        %scan3A_490 = arith.constant 0 : i32
        %scan3A_491 = arith.constant 6 : i32
        %scan3A_492 = arith.addi %scan3A_343, %scan3A_491 : i32
        %get3A_493 = arith.constant 1 : i32
        %get3A_494 = arith.index_cast %get3A_493 : i32 to index
        %get3A_495 = arith.index_cast %scan3A_492 : i32 to index
        %get3A_496 = arith.constant 0 : index
        %get3A_497 = tpu.vector_load %arg6[%get3A_494, %get3A_495, %get3A_496] {strides = array<i32>} : memref<8x128x32xf32, #tpu.memory_space<vmem>>, vector<1x1x16xf32>,
        %get3A_498 = vector.shape_cast %get3A_497 : vector<1x1x16xf32> to vector<16xf32>
        %get3A_499 = arith.constant 1 : i32
        %get3A_500 = arith.index_cast %get3A_499 : i32 to index
        %get3A_501 = arith.index_cast %scan3A_492 : i32 to index
        %get3A_502 = arith.constant 16 : index
        %get3A_503 = tpu.vector_load %arg6[%get3A_500, %get3A_501, %get3A_502] {strides = array<i32>} : memref<8x128x32xf32, #tpu.memory_space<vmem>>, vector<1x1x16xf32>,
        %get3A_504 = vector.shape_cast %get3A_503 : vector<1x1x16xf32> to vector<16xf32>
        %swap3A_505 = arith.index_cast %scan3A_492 : i32 to index
        %swap3A_506 = arith.constant 0 : index
        %swap3A_507 = tpu.vector_load %arg7[%swap3A_505, %swap3A_506] {strides = array<i32>} : memref<128x32xf32, #tpu.memory_space<vmem>>, vector<1x16xf32>,
        %swap3A_508 = vector.shape_cast %swap3A_507 : vector<1x16xf32> to vector<16xf32>
        %swap3A_509 = vector.shape_cast %get3A_498 : vector<16xf32> to vector<1x16xf32>
        tpu.vector_store %arg7[%swap3A_505, %swap3A_506], %swap3A_509 {add = true, strides = array<i32>} : memref<128x32xf32, #tpu.memory_space<vmem>>, vector<1x16xf32>,
        %swap3A_510 = arith.index_cast %scan3A_492 : i32 to index
        %swap3A_511 = arith.constant 16 : index
        %swap3A_512 = tpu.vector_load %arg7[%swap3A_510, %swap3A_511] {strides = array<i32>} : memref<128x32xf32, #tpu.memory_space<vmem>>, vector<1x16xf32>,
        %swap3A_513 = vector.shape_cast %swap3A_512 : vector<1x16xf32> to vector<16xf32>
        %swap3A_514 = vector.shape_cast %get3A_504 : vector<16xf32> to vector<1x16xf32>
        tpu.vector_store %arg7[%swap3A_510, %swap3A_511], %swap3A_514 {add = true, strides = array<i32>} : memref<128x32xf32, #tpu.memory_space<vmem>>, vector<1x16xf32>,
        %scan3A_515 = arith.constant 0 : i32
        %scan3A_516 = arith.constant 7 : i32
        %scan3A_517 = arith.addi %scan3A_343, %scan3A_516 : i32
        %get3A_518 = arith.constant 1 : i32
        %get3A_519 = arith.index_cast %get3A_518 : i32 to index
        %get3A_520 = arith.index_cast %scan3A_517 : i32 to index
        %get3A_521 = arith.constant 0 : index
        %get3A_522 = tpu.vector_load %arg6[%get3A_519, %get3A_520, %get3A_521] {strides = array<i32>} : memref<8x128x32xf32, #tpu.memory_space<vmem>>, vector<1x1x16xf32>,
        %get3A_523 = vector.shape_cast %get3A_522 : vector<1x1x16xf32> to vector<16xf32>
        %get3A_524 = arith.constant 1 : i32
        %get3A_525 = arith.index_cast %get3A_524 : i32 to index
        %get3A_526 = arith.index_cast %scan3A_517 : i32 to index
        %get3A_527 = arith.constant 16 : index
        %get3A_528 = tpu.vector_load %arg6[%get3A_525, %get3A_526, %get3A_527] {strides = array<i32>} : memref<8x128x32xf32, #tpu.memory_space<vmem>>, vector<1x1x16xf32>,
        %get3A_529 = vector.shape_cast %get3A_528 : vector<1x1x16xf32> to vector<16xf32>
        %swap3A_530 = arith.index_cast %scan3A_517 : i32 to index
        %swap3A_531 = arith.constant 0 : index
        %swap3A_532 = tpu.vector_load %arg7[%swap3A_530, %swap3A_531] {strides = array<i32>} : memref<128x32xf32, #tpu.memory_space<vmem>>, vector<1x16xf32>,
        %swap3A_533 = vector.shape_cast %swap3A_532 : vector<1x16xf32> to vector<16xf32>
        %swap3A_534 = vector.shape_cast %get3A_523 : vector<16xf32> to vector<1x16xf32>
        tpu.vector_store %arg7[%swap3A_530, %swap3A_531], %swap3A_534 {add = true, strides = array<i32>} : memref<128x32xf32, #tpu.memory_space<vmem>>, vector<1x16xf32>,
        %swap3A_535 = arith.index_cast %scan3A_517 : i32 to index
        %swap3A_536 = arith.constant 16 : index
        %swap3A_537 = tpu.vector_load %arg7[%swap3A_535, %swap3A_536] {strides = array<i32>} : memref<128x32xf32, #tpu.memory_space<vmem>>, vector<1x16xf32>,
        %swap3A_538 = vector.shape_cast %swap3A_537 : vector<1x16xf32> to vector<16xf32>
        %swap3A_539 = vector.shape_cast %get3A_529 : vector<16xf32> to vector<1x16xf32>
        tpu.vector_store %arg7[%swap3A_535, %swap3A_536], %swap3A_539 {add = true, strides = array<i32>} : memref<128x32xf32, #tpu.memory_space<vmem>>, vector<1x16xf32>,
        %scan3A_540 = arith.constant 0 : i32
        scf.yield %scan3A_540 : i32
      }
      %scan3A_160 = arith.constant 128 : i32
      %add3A_161 = arith.constant 8 : i32
      %add3A_162 = arith.addi %add3A_142, %add3A_161 : i32
      %lt3A_163 = arith.constant 200 : i32
      %lt3A_164 = arith.cmpi slt, %add3A_162, %lt3A_163 : i32
      %convert_element_type3A_165 = arith.extui %lt3A_164 : i1 to i32
      %cond3A_166 = arith.constant 0 : i32
      %cond3A_167 = arith.cmpi ne, %convert_element_type3A_165, %cond3A_166 : i32
      scf.if %cond3A_167 {
        %dma_start3A_343 = arith.constant 1 : i32
        %dma_start3A_344 = arith.constant 0 : i32
        %dma_start3A_345 = arith.constant 0 : i32
        %dma_start3A_346 = tpu.memref_slice %arg6[%dma_start3A_343, %dma_start3A_344, %dma_start3A_345] : memref<8x128x32xf32, #tpu.memory_space<vmem>> -> memref<1x128x32xf32, #tpu.memory_space<vmem>>
        %dma_start3A_347 = tpu.memref_squeeze %dma_start3A_346 : memref<1x128x32xf32, #tpu.memory_space<vmem>> -> memref<128x32xf32, #tpu.memory_space<vmem>>
        %dma_start3A_348 = arith.constant 0 : i32
        %dma_start3A_349 = tpu.memref_slice %arg5[%add3A_162, %dma_start3A_348] : memref<200x128xi32, #tpu.memory_space<vmem>> -> memref<1x128xi32, #tpu.memory_space<vmem>>
        %dma_start3A_350 = tpu.memref_squeeze %dma_start3A_349 : memref<1x128xi32, #tpu.memory_space<vmem>> -> memref<128xi32, #tpu.memory_space<vmem>>
        %dma_start3A_351 = arith.constant 0 : i32
        %dma_start3A_352 = arith.constant 0 : i32
        %dma_start3A_353 = tpu.memref_slice %arg3[%dma_start3A_351, %dma_start3A_352] : memref<1015808x32xf32, #tpu.memory_space<hbm>> -> memref<1015808x32xf32, #tpu.memory_space<hbm>>
        tpu.enqueue_indirect_dma source(%dma_start3A_353 : memref<1015808x32xf32, #tpu.memory_space<hbm>>) target(%dma_start3A_347 : memref<128x32xf32, #tpu.memory_space<vmem>>) offsets(%dma_start3A_350 : memref<128xi32, #tpu.memory_space<vmem>>) semaphore(%arg9 : memref<!tpu.dma_semaphore, #tpu.memory_space<semaphore_mem>>)
      } else {
      }
      %mul3A_168 = arith.constant 8 : i32
      %mul3A_169 = arith.muli %scan3A_112, %mul3A_168 : i32
      %add3A_170 = arith.constant 2 : i32
      %add3A_171 = arith.addi %mul3A_169, %add3A_170 : i32
      %dma_wait3A_172 = arith.constant 2 : i32
      %dma_wait3A_173 = arith.constant 0 : i32
      %dma_wait3A_174 = arith.constant 0 : i32
      %dma_wait3A_175 = tpu.memref_slice %arg6[%dma_wait3A_172, %dma_wait3A_173, %dma_wait3A_174] : memref<8x128x32xf32, #tpu.memory_space<vmem>> -> memref<1x128x32xf32, #tpu.memory_space<vmem>>
      %dma_wait3A_176 = tpu.memref_squeeze %dma_wait3A_175 : memref<1x128x32xf32, #tpu.memory_space<vmem>> -> memref<128x32xf32, #tpu.memory_space<vmem>>
      %dma_wait3A_177 = arith.constant 0 : i32
      %dma_wait3A_178 = tpu.memref_slice %arg5[%add3A_171, %dma_wait3A_177] : memref<200x128xi32, #tpu.memory_space<vmem>> -> memref<1x128xi32, #tpu.memory_space<vmem>>
      %dma_wait3A_179 = tpu.memref_squeeze %dma_wait3A_178 : memref<1x128xi32, #tpu.memory_space<vmem>> -> memref<128xi32, #tpu.memory_space<vmem>>
      %dma_wait3A_180 = arith.constant 0 : i32
      %dma_wait3A_181 = arith.constant 0 : i32
      %dma_wait3A_182 = tpu.memref_slice %arg3[%dma_wait3A_180, %dma_wait3A_181] : memref<1015808x32xf32, #tpu.memory_space<hbm>> -> memref<1015808x32xf32, #tpu.memory_space<hbm>>
      tpu.wait_indirect_dma semaphore(%arg10 : memref<!tpu.dma_semaphore, #tpu.memory_space<semaphore_mem>>) src(%dma_wait3A_182 : memref<1015808x32xf32, #tpu.memory_space<hbm>>) dst(%dma_wait3A_176 : memref<128x32xf32, #tpu.memory_space<vmem>>)
      %scan3A_183 = arith.constant 0 : i32
      %scan3A_184 = arith.constant 0 : i32
      %scan3A_185 = arith.constant 128 : i32
      %scan3A_186 = arith.addi %scan3A_184, %scan3A_185 : i32
      %scan3A_187 = arith.constant 8 : i32
      %scan3A_188 = scf.for %scan3A_343 = %scan3A_184 to %scan3A_186 step %scan3A_187 iter_args(%scan3A_344 = %scan3A_183) -> (i32)  : i32 {
        %get3A = arith.constant 2 : i32
        %get3A_345 = arith.index_cast %get3A : i32 to index
        %get3A_346 = arith.index_cast %scan3A_343 : i32 to index
        %get3A_347 = arith.constant 0 : index
        %get3A_348 = tpu.vector_load %arg6[%get3A_345, %get3A_346, %get3A_347] {strides = array<i32>} : memref<8x128x32xf32, #tpu.memory_space<vmem>>, vector<1x1x16xf32>,
        %get3A_349 = vector.shape_cast %get3A_348 : vector<1x1x16xf32> to vector<16xf32>
        %get3A_350 = arith.constant 2 : i32
        %get3A_351 = arith.index_cast %get3A_350 : i32 to index
        %get3A_352 = arith.index_cast %scan3A_343 : i32 to index
        %get3A_353 = arith.constant 16 : index
        %get3A_354 = tpu.vector_load %arg6[%get3A_351, %get3A_352, %get3A_353] {strides = array<i32>} : memref<8x128x32xf32, #tpu.memory_space<vmem>>, vector<1x1x16xf32>,
        %get3A_355 = vector.shape_cast %get3A_354 : vector<1x1x16xf32> to vector<16xf32>
        %swap3A = arith.index_cast %scan3A_343 : i32 to index
        %swap3A_356 = arith.constant 0 : index
        %swap3A_357 = tpu.vector_load %arg7[%swap3A, %swap3A_356] {strides = array<i32>} : memref<128x32xf32, #tpu.memory_space<vmem>>, vector<1x16xf32>,
        %swap3A_358 = vector.shape_cast %swap3A_357 : vector<1x16xf32> to vector<16xf32>
        %swap3A_359 = vector.shape_cast %get3A_349 : vector<16xf32> to vector<1x16xf32>
        tpu.vector_store %arg7[%swap3A, %swap3A_356], %swap3A_359 {add = true, strides = array<i32>} : memref<128x32xf32, #tpu.memory_space<vmem>>, vector<1x16xf32>,
        %swap3A_360 = arith.index_cast %scan3A_343 : i32 to index
        %swap3A_361 = arith.constant 16 : index
        %swap3A_362 = tpu.vector_load %arg7[%swap3A_360, %swap3A_361] {strides = array<i32>} : memref<128x32xf32, #tpu.memory_space<vmem>>, vector<1x16xf32>,
        %swap3A_363 = vector.shape_cast %swap3A_362 : vector<1x16xf32> to vector<16xf32>
        %swap3A_364 = vector.shape_cast %get3A_355 : vector<16xf32> to vector<1x16xf32>
        tpu.vector_store %arg7[%swap3A_360, %swap3A_361], %swap3A_364 {add = true, strides = array<i32>} : memref<128x32xf32, #tpu.memory_space<vmem>>, vector<1x16xf32>,
        %scan3A_365 = arith.constant 0 : i32
        %scan3A_366 = arith.constant 1 : i32
        %scan3A_367 = arith.addi %scan3A_343, %scan3A_366 : i32
        %get3A_368 = arith.constant 2 : i32
        %get3A_369 = arith.index_cast %get3A_368 : i32 to index
        %get3A_370 = arith.index_cast %scan3A_367 : i32 to index
        %get3A_371 = arith.constant 0 : index
        %get3A_372 = tpu.vector_load %arg6[%get3A_369, %get3A_370, %get3A_371] {strides = array<i32>} : memref<8x128x32xf32, #tpu.memory_space<vmem>>, vector<1x1x16xf32>,
        %get3A_373 = vector.shape_cast %get3A_372 : vector<1x1x16xf32> to vector<16xf32>
        %get3A_374 = arith.constant 2 : i32
        %get3A_375 = arith.index_cast %get3A_374 : i32 to index
        %get3A_376 = arith.index_cast %scan3A_367 : i32 to index
        %get3A_377 = arith.constant 16 : index
        %get3A_378 = tpu.vector_load %arg6[%get3A_375, %get3A_376, %get3A_377] {strides = array<i32>} : memref<8x128x32xf32, #tpu.memory_space<vmem>>, vector<1x1x16xf32>,
        %get3A_379 = vector.shape_cast %get3A_378 : vector<1x1x16xf32> to vector<16xf32>
        %swap3A_380 = arith.index_cast %scan3A_367 : i32 to index
        %swap3A_381 = arith.constant 0 : index
        %swap3A_382 = tpu.vector_load %arg7[%swap3A_380, %swap3A_381] {strides = array<i32>} : memref<128x32xf32, #tpu.memory_space<vmem>>, vector<1x16xf32>,
        %swap3A_383 = vector.shape_cast %swap3A_382 : vector<1x16xf32> to vector<16xf32>
        %swap3A_384 = vector.shape_cast %get3A_373 : vector<16xf32> to vector<1x16xf32>
        tpu.vector_store %arg7[%swap3A_380, %swap3A_381], %swap3A_384 {add = true, strides = array<i32>} : memref<128x32xf32, #tpu.memory_space<vmem>>, vector<1x16xf32>,
        %swap3A_385 = arith.index_cast %scan3A_367 : i32 to index
        %swap3A_386 = arith.constant 16 : index
        %swap3A_387 = tpu.vector_load %arg7[%swap3A_385, %swap3A_386] {strides = array<i32>} : memref<128x32xf32, #tpu.memory_space<vmem>>, vector<1x16xf32>,
        %swap3A_388 = vector.shape_cast %swap3A_387 : vector<1x16xf32> to vector<16xf32>
        %swap3A_389 = vector.shape_cast %get3A_379 : vector<16xf32> to vector<1x16xf32>
        tpu.vector_store %arg7[%swap3A_385, %swap3A_386], %swap3A_389 {add = true, strides = array<i32>} : memref<128x32xf32, #tpu.memory_space<vmem>>, vector<1x16xf32>,
        %scan3A_390 = arith.constant 0 : i32
        %scan3A_391 = arith.constant 2 : i32
        %scan3A_392 = arith.addi %scan3A_343, %scan3A_391 : i32
        %get3A_393 = arith.constant 2 : i32
        %get3A_394 = arith.index_cast %get3A_393 : i32 to index
        %get3A_395 = arith.index_cast %scan3A_392 : i32 to index
        %get3A_396 = arith.constant 0 : index
        %get3A_397 = tpu.vector_load %arg6[%get3A_394, %get3A_395, %get3A_396] {strides = array<i32>} : memref<8x128x32xf32, #tpu.memory_space<vmem>>, vector<1x1x16xf32>,
        %get3A_398 = vector.shape_cast %get3A_397 : vector<1x1x16xf32> to vector<16xf32>
        %get3A_399 = arith.constant 2 : i32
        %get3A_400 = arith.index_cast %get3A_399 : i32 to index
        %get3A_401 = arith.index_cast %scan3A_392 : i32 to index
        %get3A_402 = arith.constant 16 : index
        %get3A_403 = tpu.vector_load %arg6[%get3A_400, %get3A_401, %get3A_402] {strides = array<i32>} : memref<8x128x32xf32, #tpu.memory_space<vmem>>, vector<1x1x16xf32>,
        %get3A_404 = vector.shape_cast %get3A_403 : vector<1x1x16xf32> to vector<16xf32>
        %swap3A_405 = arith.index_cast %scan3A_392 : i32 to index
        %swap3A_406 = arith.constant 0 : index
        %swap3A_407 = tpu.vector_load %arg7[%swap3A_405, %swap3A_406] {strides = array<i32>} : memref<128x32xf32, #tpu.memory_space<vmem>>, vector<1x16xf32>,
        %swap3A_408 = vector.shape_cast %swap3A_407 : vector<1x16xf32> to vector<16xf32>
        %swap3A_409 = vector.shape_cast %get3A_398 : vector<16xf32> to vector<1x16xf32>
        tpu.vector_store %arg7[%swap3A_405, %swap3A_406], %swap3A_409 {add = true, strides = array<i32>} : memref<128x32xf32, #tpu.memory_space<vmem>>, vector<1x16xf32>,
        %swap3A_410 = arith.index_cast %scan3A_392 : i32 to index
        %swap3A_411 = arith.constant 16 : index
        %swap3A_412 = tpu.vector_load %arg7[%swap3A_410, %swap3A_411] {strides = array<i32>} : memref<128x32xf32, #tpu.memory_space<vmem>>, vector<1x16xf32>,
        %swap3A_413 = vector.shape_cast %swap3A_412 : vector<1x16xf32> to vector<16xf32>
        %swap3A_414 = vector.shape_cast %get3A_404 : vector<16xf32> to vector<1x16xf32>
        tpu.vector_store %arg7[%swap3A_410, %swap3A_411], %swap3A_414 {add = true, strides = array<i32>} : memref<128x32xf32, #tpu.memory_space<vmem>>, vector<1x16xf32>,
        %scan3A_415 = arith.constant 0 : i32
        %scan3A_416 = arith.constant 3 : i32
        %scan3A_417 = arith.addi %scan3A_343, %scan3A_416 : i32
        %get3A_418 = arith.constant 2 : i32
        %get3A_419 = arith.index_cast %get3A_418 : i32 to index
        %get3A_420 = arith.index_cast %scan3A_417 : i32 to index
        %get3A_421 = arith.constant 0 : index
        %get3A_422 = tpu.vector_load %arg6[%get3A_419, %get3A_420, %get3A_421] {strides = array<i32>} : memref<8x128x32xf32, #tpu.memory_space<vmem>>, vector<1x1x16xf32>,
        %get3A_423 = vector.shape_cast %get3A_422 : vector<1x1x16xf32> to vector<16xf32>
        %get3A_424 = arith.constant 2 : i32
        %get3A_425 = arith.index_cast %get3A_424 : i32 to index
        %get3A_426 = arith.index_cast %scan3A_417 : i32 to index
        %get3A_427 = arith.constant 16 : index
        %get3A_428 = tpu.vector_load %arg6[%get3A_425, %get3A_426, %get3A_427] {strides = array<i32>} : memref<8x128x32xf32, #tpu.memory_space<vmem>>, vector<1x1x16xf32>,
        %get3A_429 = vector.shape_cast %get3A_428 : vector<1x1x16xf32> to vector<16xf32>
        %swap3A_430 = arith.index_cast %scan3A_417 : i32 to index
        %swap3A_431 = arith.constant 0 : index
        %swap3A_432 = tpu.vector_load %arg7[%swap3A_430, %swap3A_431] {strides = array<i32>} : memref<128x32xf32, #tpu.memory_space<vmem>>, vector<1x16xf32>,
        %swap3A_433 = vector.shape_cast %swap3A_432 : vector<1x16xf32> to vector<16xf32>
        %swap3A_434 = vector.shape_cast %get3A_423 : vector<16xf32> to vector<1x16xf32>
        tpu.vector_store %arg7[%swap3A_430, %swap3A_431], %swap3A_434 {add = true, strides = array<i32>} : memref<128x32xf32, #tpu.memory_space<vmem>>, vector<1x16xf32>,
        %swap3A_435 = arith.index_cast %scan3A_417 : i32 to index
        %swap3A_436 = arith.constant 16 : index
        %swap3A_437 = tpu.vector_load %arg7[%swap3A_435, %swap3A_436] {strides = array<i32>} : memref<128x32xf32, #tpu.memory_space<vmem>>, vector<1x16xf32>,
        %swap3A_438 = vector.shape_cast %swap3A_437 : vector<1x16xf32> to vector<16xf32>
        %swap3A_439 = vector.shape_cast %get3A_429 : vector<16xf32> to vector<1x16xf32>
        tpu.vector_store %arg7[%swap3A_435, %swap3A_436], %swap3A_439 {add = true, strides = array<i32>} : memref<128x32xf32, #tpu.memory_space<vmem>>, vector<1x16xf32>,
        %scan3A_440 = arith.constant 0 : i32
        %scan3A_441 = arith.constant 4 : i32
        %scan3A_442 = arith.addi %scan3A_343, %scan3A_441 : i32
        %get3A_443 = arith.constant 2 : i32
        %get3A_444 = arith.index_cast %get3A_443 : i32 to index
        %get3A_445 = arith.index_cast %scan3A_442 : i32 to index
        %get3A_446 = arith.constant 0 : index
        %get3A_447 = tpu.vector_load %arg6[%get3A_444, %get3A_445, %get3A_446] {strides = array<i32>} : memref<8x128x32xf32, #tpu.memory_space<vmem>>, vector<1x1x16xf32>,
        %get3A_448 = vector.shape_cast %get3A_447 : vector<1x1x16xf32> to vector<16xf32>
        %get3A_449 = arith.constant 2 : i32
        %get3A_450 = arith.index_cast %get3A_449 : i32 to index
        %get3A_451 = arith.index_cast %scan3A_442 : i32 to index
        %get3A_452 = arith.constant 16 : index
        %get3A_453 = tpu.vector_load %arg6[%get3A_450, %get3A_451, %get3A_452] {strides = array<i32>} : memref<8x128x32xf32, #tpu.memory_space<vmem>>, vector<1x1x16xf32>,
        %get3A_454 = vector.shape_cast %get3A_453 : vector<1x1x16xf32> to vector<16xf32>
        %swap3A_455 = arith.index_cast %scan3A_442 : i32 to index
        %swap3A_456 = arith.constant 0 : index
        %swap3A_457 = tpu.vector_load %arg7[%swap3A_455, %swap3A_456] {strides = array<i32>} : memref<128x32xf32, #tpu.memory_space<vmem>>, vector<1x16xf32>,
        %swap3A_458 = vector.shape_cast %swap3A_457 : vector<1x16xf32> to vector<16xf32>
        %swap3A_459 = vector.shape_cast %get3A_448 : vector<16xf32> to vector<1x16xf32>
        tpu.vector_store %arg7[%swap3A_455, %swap3A_456], %swap3A_459 {add = true, strides = array<i32>} : memref<128x32xf32, #tpu.memory_space<vmem>>, vector<1x16xf32>,
        %swap3A_460 = arith.index_cast %scan3A_442 : i32 to index
        %swap3A_461 = arith.constant 16 : index
        %swap3A_462 = tpu.vector_load %arg7[%swap3A_460, %swap3A_461] {strides = array<i32>} : memref<128x32xf32, #tpu.memory_space<vmem>>, vector<1x16xf32>,
        %swap3A_463 = vector.shape_cast %swap3A_462 : vector<1x16xf32> to vector<16xf32>
        %swap3A_464 = vector.shape_cast %get3A_454 : vector<16xf32> to vector<1x16xf32>
        tpu.vector_store %arg7[%swap3A_460, %swap3A_461], %swap3A_464 {add = true, strides = array<i32>} : memref<128x32xf32, #tpu.memory_space<vmem>>, vector<1x16xf32>,
        %scan3A_465 = arith.constant 0 : i32
        %scan3A_466 = arith.constant 5 : i32
        %scan3A_467 = arith.addi %scan3A_343, %scan3A_466 : i32
        %get3A_468 = arith.constant 2 : i32
        %get3A_469 = arith.index_cast %get3A_468 : i32 to index
        %get3A_470 = arith.index_cast %scan3A_467 : i32 to index
        %get3A_471 = arith.constant 0 : index
        %get3A_472 = tpu.vector_load %arg6[%get3A_469, %get3A_470, %get3A_471] {strides = array<i32>} : memref<8x128x32xf32, #tpu.memory_space<vmem>>, vector<1x1x16xf32>,
        %get3A_473 = vector.shape_cast %get3A_472 : vector<1x1x16xf32> to vector<16xf32>
        %get3A_474 = arith.constant 2 : i32
        %get3A_475 = arith.index_cast %get3A_474 : i32 to index
        %get3A_476 = arith.index_cast %scan3A_467 : i32 to index
        %get3A_477 = arith.constant 16 : index
        %get3A_478 = tpu.vector_load %arg6[%get3A_475, %get3A_476, %get3A_477] {strides = array<i32>} : memref<8x128x32xf32, #tpu.memory_space<vmem>>, vector<1x1x16xf32>,
        %get3A_479 = vector.shape_cast %get3A_478 : vector<1x1x16xf32> to vector<16xf32>
        %swap3A_480 = arith.index_cast %scan3A_467 : i32 to index
        %swap3A_481 = arith.constant 0 : index
        %swap3A_482 = tpu.vector_load %arg7[%swap3A_480, %swap3A_481] {strides = array<i32>} : memref<128x32xf32, #tpu.memory_space<vmem>>, vector<1x16xf32>,
        %swap3A_483 = vector.shape_cast %swap3A_482 : vector<1x16xf32> to vector<16xf32>
        %swap3A_484 = vector.shape_cast %get3A_473 : vector<16xf32> to vector<1x16xf32>
        tpu.vector_store %arg7[%swap3A_480, %swap3A_481], %swap3A_484 {add = true, strides = array<i32>} : memref<128x32xf32, #tpu.memory_space<vmem>>, vector<1x16xf32>,
        %swap3A_485 = arith.index_cast %scan3A_467 : i32 to index
        %swap3A_486 = arith.constant 16 : index
        %swap3A_487 = tpu.vector_load %arg7[%swap3A_485, %swap3A_486] {strides = array<i32>} : memref<128x32xf32, #tpu.memory_space<vmem>>, vector<1x16xf32>,
        %swap3A_488 = vector.shape_cast %swap3A_487 : vector<1x16xf32> to vector<16xf32>
        %swap3A_489 = vector.shape_cast %get3A_479 : vector<16xf32> to vector<1x16xf32>
        tpu.vector_store %arg7[%swap3A_485, %swap3A_486], %swap3A_489 {add = true, strides = array<i32>} : memref<128x32xf32, #tpu.memory_space<vmem>>, vector<1x16xf32>,
        %scan3A_490 = arith.constant 0 : i32
        %scan3A_491 = arith.constant 6 : i32
        %scan3A_492 = arith.addi %scan3A_343, %scan3A_491 : i32
        %get3A_493 = arith.constant 2 : i32
        %get3A_494 = arith.index_cast %get3A_493 : i32 to index
        %get3A_495 = arith.index_cast %scan3A_492 : i32 to index
        %get3A_496 = arith.constant 0 : index
        %get3A_497 = tpu.vector_load %arg6[%get3A_494, %get3A_495, %get3A_496] {strides = array<i32>} : memref<8x128x32xf32, #tpu.memory_space<vmem>>, vector<1x1x16xf32>,
        %get3A_498 = vector.shape_cast %get3A_497 : vector<1x1x16xf32> to vector<16xf32>
        %get3A_499 = arith.constant 2 : i32
        %get3A_500 = arith.index_cast %get3A_499 : i32 to index
        %get3A_501 = arith.index_cast %scan3A_492 : i32 to index
        %get3A_502 = arith.constant 16 : index
        %get3A_503 = tpu.vector_load %arg6[%get3A_500, %get3A_501, %get3A_502] {strides = array<i32>} : memref<8x128x32xf32, #tpu.memory_space<vmem>>, vector<1x1x16xf32>,
        %get3A_504 = vector.shape_cast %get3A_503 : vector<1x1x16xf32> to vector<16xf32>
        %swap3A_505 = arith.index_cast %scan3A_492 : i32 to index
        %swap3A_506 = arith.constant 0 : index
        %swap3A_507 = tpu.vector_load %arg7[%swap3A_505, %swap3A_506] {strides = array<i32>} : memref<128x32xf32, #tpu.memory_space<vmem>>, vector<1x16xf32>,
        %swap3A_508 = vector.shape_cast %swap3A_507 : vector<1x16xf32> to vector<16xf32>
        %swap3A_509 = vector.shape_cast %get3A_498 : vector<16xf32> to vector<1x16xf32>
        tpu.vector_store %arg7[%swap3A_505, %swap3A_506], %swap3A_509 {add = true, strides = array<i32>} : memref<128x32xf32, #tpu.memory_space<vmem>>, vector<1x16xf32>,
        %swap3A_510 = arith.index_cast %scan3A_492 : i32 to index
        %swap3A_511 = arith.constant 16 : index
        %swap3A_512 = tpu.vector_load %arg7[%swap3A_510, %swap3A_511] {strides = array<i32>} : memref<128x32xf32, #tpu.memory_space<vmem>>, vector<1x16xf32>,
        %swap3A_513 = vector.shape_cast %swap3A_512 : vector<1x16xf32> to vector<16xf32>
        %swap3A_514 = vector.shape_cast %get3A_504 : vector<16xf32> to vector<1x16xf32>
        tpu.vector_store %arg7[%swap3A_510, %swap3A_511], %swap3A_514 {add = true, strides = array<i32>} : memref<128x32xf32, #tpu.memory_space<vmem>>, vector<1x16xf32>,
        %scan3A_515 = arith.constant 0 : i32
        %scan3A_516 = arith.constant 7 : i32
        %scan3A_517 = arith.addi %scan3A_343, %scan3A_516 : i32
        %get3A_518 = arith.constant 2 : i32
        %get3A_519 = arith.index_cast %get3A_518 : i32 to index
        %get3A_520 = arith.index_cast %scan3A_517 : i32 to index
        %get3A_521 = arith.constant 0 : index
        %get3A_522 = tpu.vector_load %arg6[%get3A_519, %get3A_520, %get3A_521] {strides = array<i32>} : memref<8x128x32xf32, #tpu.memory_space<vmem>>, vector<1x1x16xf32>,
        %get3A_523 = vector.shape_cast %get3A_522 : vector<1x1x16xf32> to vector<16xf32>
        %get3A_524 = arith.constant 2 : i32
        %get3A_525 = arith.index_cast %get3A_524 : i32 to index
        %get3A_526 = arith.index_cast %scan3A_517 : i32 to index
        %get3A_527 = arith.constant 16 : index
        %get3A_528 = tpu.vector_load %arg6[%get3A_525, %get3A_526, %get3A_527] {strides = array<i32>} : memref<8x128x32xf32, #tpu.memory_space<vmem>>, vector<1x1x16xf32>,
        %get3A_529 = vector.shape_cast %get3A_528 : vector<1x1x16xf32> to vector<16xf32>
        %swap3A_530 = arith.index_cast %scan3A_517 : i32 to index
        %swap3A_531 = arith.constant 0 : index
        %swap3A_532 = tpu.vector_load %arg7[%swap3A_530, %swap3A_531] {strides = array<i32>} : memref<128x32xf32, #tpu.memory_space<vmem>>, vector<1x16xf32>,
        %swap3A_533 = vector.shape_cast %swap3A_532 : vector<1x16xf32> to vector<16xf32>
        %swap3A_534 = vector.shape_cast %get3A_523 : vector<16xf32> to vector<1x16xf32>
        tpu.vector_store %arg7[%swap3A_530, %swap3A_531], %swap3A_534 {add = true, strides = array<i32>} : memref<128x32xf32, #tpu.memory_space<vmem>>, vector<1x16xf32>,
        %swap3A_535 = arith.index_cast %scan3A_517 : i32 to index
        %swap3A_536 = arith.constant 16 : index
        %swap3A_537 = tpu.vector_load %arg7[%swap3A_535, %swap3A_536] {strides = array<i32>} : memref<128x32xf32, #tpu.memory_space<vmem>>, vector<1x16xf32>,
        %swap3A_538 = vector.shape_cast %swap3A_537 : vector<1x16xf32> to vector<16xf32>
        %swap3A_539 = vector.shape_cast %get3A_529 : vector<16xf32> to vector<1x16xf32>
        tpu.vector_store %arg7[%swap3A_535, %swap3A_536], %swap3A_539 {add = true, strides = array<i32>} : memref<128x32xf32, #tpu.memory_space<vmem>>, vector<1x16xf32>,
        %scan3A_540 = arith.constant 0 : i32
        scf.yield %scan3A_540 : i32
      }
      %scan3A_189 = arith.constant 128 : i32
      %add3A_190 = arith.constant 8 : i32
      %add3A_191 = arith.addi %add3A_171, %add3A_190 : i32
      %lt3A_192 = arith.constant 200 : i32
      %lt3A_193 = arith.cmpi slt, %add3A_191, %lt3A_192 : i32
      %convert_element_type3A_194 = arith.extui %lt3A_193 : i1 to i32
      %cond3A_195 = arith.constant 0 : i32
      %cond3A_196 = arith.cmpi ne, %convert_element_type3A_194, %cond3A_195 : i32
      scf.if %cond3A_196 {
        %dma_start3A_343 = arith.constant 2 : i32
        %dma_start3A_344 = arith.constant 0 : i32
        %dma_start3A_345 = arith.constant 0 : i32
        %dma_start3A_346 = tpu.memref_slice %arg6[%dma_start3A_343, %dma_start3A_344, %dma_start3A_345] : memref<8x128x32xf32, #tpu.memory_space<vmem>> -> memref<1x128x32xf32, #tpu.memory_space<vmem>>
        %dma_start3A_347 = tpu.memref_squeeze %dma_start3A_346 : memref<1x128x32xf32, #tpu.memory_space<vmem>> -> memref<128x32xf32, #tpu.memory_space<vmem>>
        %dma_start3A_348 = arith.constant 0 : i32
        %dma_start3A_349 = tpu.memref_slice %arg5[%add3A_191, %dma_start3A_348] : memref<200x128xi32, #tpu.memory_space<vmem>> -> memref<1x128xi32, #tpu.memory_space<vmem>>
        %dma_start3A_350 = tpu.memref_squeeze %dma_start3A_349 : memref<1x128xi32, #tpu.memory_space<vmem>> -> memref<128xi32, #tpu.memory_space<vmem>>
        %dma_start3A_351 = arith.constant 0 : i32
        %dma_start3A_352 = arith.constant 0 : i32
        %dma_start3A_353 = tpu.memref_slice %arg3[%dma_start3A_351, %dma_start3A_352] : memref<1015808x32xf32, #tpu.memory_space<hbm>> -> memref<1015808x32xf32, #tpu.memory_space<hbm>>
        tpu.enqueue_indirect_dma source(%dma_start3A_353 : memref<1015808x32xf32, #tpu.memory_space<hbm>>) target(%dma_start3A_347 : memref<128x32xf32, #tpu.memory_space<vmem>>) offsets(%dma_start3A_350 : memref<128xi32, #tpu.memory_space<vmem>>) semaphore(%arg10 : memref<!tpu.dma_semaphore, #tpu.memory_space<semaphore_mem>>)
      } else {
      }
      %mul3A_197 = arith.constant 8 : i32
      %mul3A_198 = arith.muli %scan3A_112, %mul3A_197 : i32
      %add3A_199 = arith.constant 3 : i32
      %add3A_200 = arith.addi %mul3A_198, %add3A_199 : i32
      %dma_wait3A_201 = arith.constant 3 : i32
      %dma_wait3A_202 = arith.constant 0 : i32
      %dma_wait3A_203 = arith.constant 0 : i32
      %dma_wait3A_204 = tpu.memref_slice %arg6[%dma_wait3A_201, %dma_wait3A_202, %dma_wait3A_203] : memref<8x128x32xf32, #tpu.memory_space<vmem>> -> memref<1x128x32xf32, #tpu.memory_space<vmem>>
      %dma_wait3A_205 = tpu.memref_squeeze %dma_wait3A_204 : memref<1x128x32xf32, #tpu.memory_space<vmem>> -> memref<128x32xf32, #tpu.memory_space<vmem>>
      %dma_wait3A_206 = arith.constant 0 : i32
      %dma_wait3A_207 = tpu.memref_slice %arg5[%add3A_200, %dma_wait3A_206] : memref<200x128xi32, #tpu.memory_space<vmem>> -> memref<1x128xi32, #tpu.memory_space<vmem>>
      %dma_wait3A_208 = tpu.memref_squeeze %dma_wait3A_207 : memref<1x128xi32, #tpu.memory_space<vmem>> -> memref<128xi32, #tpu.memory_space<vmem>>
      %dma_wait3A_209 = arith.constant 0 : i32
      %dma_wait3A_210 = arith.constant 0 : i32
      %dma_wait3A_211 = tpu.memref_slice %arg3[%dma_wait3A_209, %dma_wait3A_210] : memref<1015808x32xf32, #tpu.memory_space<hbm>> -> memref<1015808x32xf32, #tpu.memory_space<hbm>>
      tpu.wait_indirect_dma semaphore(%arg11 : memref<!tpu.dma_semaphore, #tpu.memory_space<semaphore_mem>>) src(%dma_wait3A_211 : memref<1015808x32xf32, #tpu.memory_space<hbm>>) dst(%dma_wait3A_205 : memref<128x32xf32, #tpu.memory_space<vmem>>)
      %scan3A_212 = arith.constant 0 : i32
      %scan3A_213 = arith.constant 0 : i32
      %scan3A_214 = arith.constant 128 : i32
      %scan3A_215 = arith.addi %scan3A_213, %scan3A_214 : i32
      %scan3A_216 = arith.constant 8 : i32
      %scan3A_217 = scf.for %scan3A_343 = %scan3A_213 to %scan3A_215 step %scan3A_216 iter_args(%scan3A_344 = %scan3A_212) -> (i32)  : i32 {
        %get3A = arith.constant 3 : i32
        %get3A_345 = arith.index_cast %get3A : i32 to index
        %get3A_346 = arith.index_cast %scan3A_343 : i32 to index
        %get3A_347 = arith.constant 0 : index
        %get3A_348 = tpu.vector_load %arg6[%get3A_345, %get3A_346, %get3A_347] {strides = array<i32>} : memref<8x128x32xf32, #tpu.memory_space<vmem>>, vector<1x1x16xf32>,
        %get3A_349 = vector.shape_cast %get3A_348 : vector<1x1x16xf32> to vector<16xf32>
        %get3A_350 = arith.constant 3 : i32
        %get3A_351 = arith.index_cast %get3A_350 : i32 to index
        %get3A_352 = arith.index_cast %scan3A_343 : i32 to index
        %get3A_353 = arith.constant 16 : index
        %get3A_354 = tpu.vector_load %arg6[%get3A_351, %get3A_352, %get3A_353] {strides = array<i32>} : memref<8x128x32xf32, #tpu.memory_space<vmem>>, vector<1x1x16xf32>,
        %get3A_355 = vector.shape_cast %get3A_354 : vector<1x1x16xf32> to vector<16xf32>
        %swap3A = arith.index_cast %scan3A_343 : i32 to index
        %swap3A_356 = arith.constant 0 : index
        %swap3A_357 = tpu.vector_load %arg7[%swap3A, %swap3A_356] {strides = array<i32>} : memref<128x32xf32, #tpu.memory_space<vmem>>, vector<1x16xf32>,
        %swap3A_358 = vector.shape_cast %swap3A_357 : vector<1x16xf32> to vector<16xf32>
        %swap3A_359 = vector.shape_cast %get3A_349 : vector<16xf32> to vector<1x16xf32>
        tpu.vector_store %arg7[%swap3A, %swap3A_356], %swap3A_359 {add = true, strides = array<i32>} : memref<128x32xf32, #tpu.memory_space<vmem>>, vector<1x16xf32>,
        %swap3A_360 = arith.index_cast %scan3A_343 : i32 to index
        %swap3A_361 = arith.constant 16 : index
        %swap3A_362 = tpu.vector_load %arg7[%swap3A_360, %swap3A_361] {strides = array<i32>} : memref<128x32xf32, #tpu.memory_space<vmem>>, vector<1x16xf32>,
        %swap3A_363 = vector.shape_cast %swap3A_362 : vector<1x16xf32> to vector<16xf32>
        %swap3A_364 = vector.shape_cast %get3A_355 : vector<16xf32> to vector<1x16xf32>
        tpu.vector_store %arg7[%swap3A_360, %swap3A_361], %swap3A_364 {add = true, strides = array<i32>} : memref<128x32xf32, #tpu.memory_space<vmem>>, vector<1x16xf32>,
        %scan3A_365 = arith.constant 0 : i32
        %scan3A_366 = arith.constant 1 : i32
        %scan3A_367 = arith.addi %scan3A_343, %scan3A_366 : i32
        %get3A_368 = arith.constant 3 : i32
        %get3A_369 = arith.index_cast %get3A_368 : i32 to index
        %get3A_370 = arith.index_cast %scan3A_367 : i32 to index
        %get3A_371 = arith.constant 0 : index
        %get3A_372 = tpu.vector_load %arg6[%get3A_369, %get3A_370, %get3A_371] {strides = array<i32>} : memref<8x128x32xf32, #tpu.memory_space<vmem>>, vector<1x1x16xf32>,
        %get3A_373 = vector.shape_cast %get3A_372 : vector<1x1x16xf32> to vector<16xf32>
        %get3A_374 = arith.constant 3 : i32
        %get3A_375 = arith.index_cast %get3A_374 : i32 to index
        %get3A_376 = arith.index_cast %scan3A_367 : i32 to index
        %get3A_377 = arith.constant 16 : index
        %get3A_378 = tpu.vector_load %arg6[%get3A_375, %get3A_376, %get3A_377] {strides = array<i32>} : memref<8x128x32xf32, #tpu.memory_space<vmem>>, vector<1x1x16xf32>,
        %get3A_379 = vector.shape_cast %get3A_378 : vector<1x1x16xf32> to vector<16xf32>
        %swap3A_380 = arith.index_cast %scan3A_367 : i32 to index
        %swap3A_381 = arith.constant 0 : index
        %swap3A_382 = tpu.vector_load %arg7[%swap3A_380, %swap3A_381] {strides = array<i32>} : memref<128x32xf32, #tpu.memory_space<vmem>>, vector<1x16xf32>,
        %swap3A_383 = vector.shape_cast %swap3A_382 : vector<1x16xf32> to vector<16xf32>
        %swap3A_384 = vector.shape_cast %get3A_373 : vector<16xf32> to vector<1x16xf32>
        tpu.vector_store %arg7[%swap3A_380, %swap3A_381], %swap3A_384 {add = true, strides = array<i32>} : memref<128x32xf32, #tpu.memory_space<vmem>>, vector<1x16xf32>,
        %swap3A_385 = arith.index_cast %scan3A_367 : i32 to index
        %swap3A_386 = arith.constant 16 : index
        %swap3A_387 = tpu.vector_load %arg7[%swap3A_385, %swap3A_386] {strides = array<i32>} : memref<128x32xf32, #tpu.memory_space<vmem>>, vector<1x16xf32>,
        %swap3A_388 = vector.shape_cast %swap3A_387 : vector<1x16xf32> to vector<16xf32>
        %swap3A_389 = vector.shape_cast %get3A_379 : vector<16xf32> to vector<1x16xf32>
        tpu.vector_store %arg7[%swap3A_385, %swap3A_386], %swap3A_389 {add = true, strides = array<i32>} : memref<128x32xf32, #tpu.memory_space<vmem>>, vector<1x16xf32>,
        %scan3A_390 = arith.constant 0 : i32
        %scan3A_391 = arith.constant 2 : i32
        %scan3A_392 = arith.addi %scan3A_343, %scan3A_391 : i32
        %get3A_393 = arith.constant 3 : i32
        %get3A_394 = arith.index_cast %get3A_393 : i32 to index
        %get3A_395 = arith.index_cast %scan3A_392 : i32 to index
        %get3A_396 = arith.constant 0 : index
        %get3A_397 = tpu.vector_load %arg6[%get3A_394, %get3A_395, %get3A_396] {strides = array<i32>} : memref<8x128x32xf32, #tpu.memory_space<vmem>>, vector<1x1x16xf32>,
        %get3A_398 = vector.shape_cast %get3A_397 : vector<1x1x16xf32> to vector<16xf32>
        %get3A_399 = arith.constant 3 : i32
        %get3A_400 = arith.index_cast %get3A_399 : i32 to index
        %get3A_401 = arith.index_cast %scan3A_392 : i32 to index
        %get3A_402 = arith.constant 16 : index
        %get3A_403 = tpu.vector_load %arg6[%get3A_400, %get3A_401, %get3A_402] {strides = array<i32>} : memref<8x128x32xf32, #tpu.memory_space<vmem>>, vector<1x1x16xf32>,
        %get3A_404 = vector.shape_cast %get3A_403 : vector<1x1x16xf32> to vector<16xf32>
        %swap3A_405 = arith.index_cast %scan3A_392 : i32 to index
        %swap3A_406 = arith.constant 0 : index
        %swap3A_407 = tpu.vector_load %arg7[%swap3A_405, %swap3A_406] {strides = array<i32>} : memref<128x32xf32, #tpu.memory_space<vmem>>, vector<1x16xf32>,
        %swap3A_408 = vector.shape_cast %swap3A_407 : vector<1x16xf32> to vector<16xf32>
        %swap3A_409 = vector.shape_cast %get3A_398 : vector<16xf32> to vector<1x16xf32>
        tpu.vector_store %arg7[%swap3A_405, %swap3A_406], %swap3A_409 {add = true, strides = array<i32>} : memref<128x32xf32, #tpu.memory_space<vmem>>, vector<1x16xf32>,
        %swap3A_410 = arith.index_cast %scan3A_392 : i32 to index
        %swap3A_411 = arith.constant 16 : index
        %swap3A_412 = tpu.vector_load %arg7[%swap3A_410, %swap3A_411] {strides = array<i32>} : memref<128x32xf32, #tpu.memory_space<vmem>>, vector<1x16xf32>,
        %swap3A_413 = vector.shape_cast %swap3A_412 : vector<1x16xf32> to vector<16xf32>
        %swap3A_414 = vector.shape_cast %get3A_404 : vector<16xf32> to vector<1x16xf32>
        tpu.vector_store %arg7[%swap3A_410, %swap3A_411], %swap3A_414 {add = true, strides = array<i32>} : memref<128x32xf32, #tpu.memory_space<vmem>>, vector<1x16xf32>,
        %scan3A_415 = arith.constant 0 : i32
        %scan3A_416 = arith.constant 3 : i32
        %scan3A_417 = arith.addi %scan3A_343, %scan3A_416 : i32
        %get3A_418 = arith.constant 3 : i32
        %get3A_419 = arith.index_cast %get3A_418 : i32 to index
        %get3A_420 = arith.index_cast %scan3A_417 : i32 to index
        %get3A_421 = arith.constant 0 : index
        %get3A_422 = tpu.vector_load %arg6[%get3A_419, %get3A_420, %get3A_421] {strides = array<i32>} : memref<8x128x32xf32, #tpu.memory_space<vmem>>, vector<1x1x16xf32>,
        %get3A_423 = vector.shape_cast %get3A_422 : vector<1x1x16xf32> to vector<16xf32>
        %get3A_424 = arith.constant 3 : i32
        %get3A_425 = arith.index_cast %get3A_424 : i32 to index
        %get3A_426 = arith.index_cast %scan3A_417 : i32 to index
        %get3A_427 = arith.constant 16 : index
        %get3A_428 = tpu.vector_load %arg6[%get3A_425, %get3A_426, %get3A_427] {strides = array<i32>} : memref<8x128x32xf32, #tpu.memory_space<vmem>>, vector<1x1x16xf32>,
        %get3A_429 = vector.shape_cast %get3A_428 : vector<1x1x16xf32> to vector<16xf32>
        %swap3A_430 = arith.index_cast %scan3A_417 : i32 to index
        %swap3A_431 = arith.constant 0 : index
        %swap3A_432 = tpu.vector_load %arg7[%swap3A_430, %swap3A_431] {strides = array<i32>} : memref<128x32xf32, #tpu.memory_space<vmem>>, vector<1x16xf32>,
        %swap3A_433 = vector.shape_cast %swap3A_432 : vector<1x16xf32> to vector<16xf32>
        %swap3A_434 = vector.shape_cast %get3A_423 : vector<16xf32> to vector<1x16xf32>
        tpu.vector_store %arg7[%swap3A_430, %swap3A_431], %swap3A_434 {add = true, strides = array<i32>} : memref<128x32xf32, #tpu.memory_space<vmem>>, vector<1x16xf32>,
        %swap3A_435 = arith.index_cast %scan3A_417 : i32 to index
        %swap3A_436 = arith.constant 16 : index
        %swap3A_437 = tpu.vector_load %arg7[%swap3A_435, %swap3A_436] {strides = array<i32>} : memref<128x32xf32, #tpu.memory_space<vmem>>, vector<1x16xf32>,
        %swap3A_438 = vector.shape_cast %swap3A_437 : vector<1x16xf32> to vector<16xf32>
        %swap3A_439 = vector.shape_cast %get3A_429 : vector<16xf32> to vector<1x16xf32>
        tpu.vector_store %arg7[%swap3A_435, %swap3A_436], %swap3A_439 {add = true, strides = array<i32>} : memref<128x32xf32, #tpu.memory_space<vmem>>, vector<1x16xf32>,
        %scan3A_440 = arith.constant 0 : i32
        %scan3A_441 = arith.constant 4 : i32
        %scan3A_442 = arith.addi %scan3A_343, %scan3A_441 : i32
        %get3A_443 = arith.constant 3 : i32
        %get3A_444 = arith.index_cast %get3A_443 : i32 to index
        %get3A_445 = arith.index_cast %scan3A_442 : i32 to index
        %get3A_446 = arith.constant 0 : index
        %get3A_447 = tpu.vector_load %arg6[%get3A_444, %get3A_445, %get3A_446] {strides = array<i32>} : memref<8x128x32xf32, #tpu.memory_space<vmem>>, vector<1x1x16xf32>,
        %get3A_448 = vector.shape_cast %get3A_447 : vector<1x1x16xf32> to vector<16xf32>
        %get3A_449 = arith.constant 3 : i32
        %get3A_450 = arith.index_cast %get3A_449 : i32 to index
        %get3A_451 = arith.index_cast %scan3A_442 : i32 to index
        %get3A_452 = arith.constant 16 : index
        %get3A_453 = tpu.vector_load %arg6[%get3A_450, %get3A_451, %get3A_452] {strides = array<i32>} : memref<8x128x32xf32, #tpu.memory_space<vmem>>, vector<1x1x16xf32>,
        %get3A_454 = vector.shape_cast %get3A_453 : vector<1x1x16xf32> to vector<16xf32>
        %swap3A_455 = arith.index_cast %scan3A_442 : i32 to index
        %swap3A_456 = arith.constant 0 : index
        %swap3A_457 = tpu.vector_load %arg7[%swap3A_455, %swap3A_456] {strides = array<i32>} : memref<128x32xf32, #tpu.memory_space<vmem>>, vector<1x16xf32>,
        %swap3A_458 = vector.shape_cast %swap3A_457 : vector<1x16xf32> to vector<16xf32>
        %swap3A_459 = vector.shape_cast %get3A_448 : vector<16xf32> to vector<1x16xf32>
        tpu.vector_store %arg7[%swap3A_455, %swap3A_456], %swap3A_459 {add = true, strides = array<i32>} : memref<128x32xf32, #tpu.memory_space<vmem>>, vector<1x16xf32>,
        %swap3A_460 = arith.index_cast %scan3A_442 : i32 to index
        %swap3A_461 = arith.constant 16 : index
        %swap3A_462 = tpu.vector_load %arg7[%swap3A_460, %swap3A_461] {strides = array<i32>} : memref<128x32xf32, #tpu.memory_space<vmem>>, vector<1x16xf32>,
        %swap3A_463 = vector.shape_cast %swap3A_462 : vector<1x16xf32> to vector<16xf32>
        %swap3A_464 = vector.shape_cast %get3A_454 : vector<16xf32> to vector<1x16xf32>
        tpu.vector_store %arg7[%swap3A_460, %swap3A_461], %swap3A_464 {add = true, strides = array<i32>} : memref<128x32xf32, #tpu.memory_space<vmem>>, vector<1x16xf32>,
        %scan3A_465 = arith.constant 0 : i32
        %scan3A_466 = arith.constant 5 : i32
        %scan3A_467 = arith.addi %scan3A_343, %scan3A_466 : i32
        %get3A_468 = arith.constant 3 : i32
        %get3A_469 = arith.index_cast %get3A_468 : i32 to index
        %get3A_470 = arith.index_cast %scan3A_467 : i32 to index
        %get3A_471 = arith.constant 0 : index
        %get3A_472 = tpu.vector_load %arg6[%get3A_469, %get3A_470, %get3A_471] {strides = array<i32>} : memref<8x128x32xf32, #tpu.memory_space<vmem>>, vector<1x1x16xf32>,
        %get3A_473 = vector.shape_cast %get3A_472 : vector<1x1x16xf32> to vector<16xf32>
        %get3A_474 = arith.constant 3 : i32
        %get3A_475 = arith.index_cast %get3A_474 : i32 to index
        %get3A_476 = arith.index_cast %scan3A_467 : i32 to index
        %get3A_477 = arith.constant 16 : index
        %get3A_478 = tpu.vector_load %arg6[%get3A_475, %get3A_476, %get3A_477] {strides = array<i32>} : memref<8x128x32xf32, #tpu.memory_space<vmem>>, vector<1x1x16xf32>,
        %get3A_479 = vector.shape_cast %get3A_478 : vector<1x1x16xf32> to vector<16xf32>
        %swap3A_480 = arith.index_cast %scan3A_467 : i32 to index
        %swap3A_481 = arith.constant 0 : index
        %swap3A_482 = tpu.vector_load %arg7[%swap3A_480, %swap3A_481] {strides = array<i32>} : memref<128x32xf32, #tpu.memory_space<vmem>>, vector<1x16xf32>,
        %swap3A_483 = vector.shape_cast %swap3A_482 : vector<1x16xf32> to vector<16xf32>
        %swap3A_484 = vector.shape_cast %get3A_473 : vector<16xf32> to vector<1x16xf32>
        tpu.vector_store %arg7[%swap3A_480, %swap3A_481], %swap3A_484 {add = true, strides = array<i32>} : memref<128x32xf32, #tpu.memory_space<vmem>>, vector<1x16xf32>,
        %swap3A_485 = arith.index_cast %scan3A_467 : i32 to index
        %swap3A_486 = arith.constant 16 : index
        %swap3A_487 = tpu.vector_load %arg7[%swap3A_485, %swap3A_486] {strides = array<i32>} : memref<128x32xf32, #tpu.memory_space<vmem>>, vector<1x16xf32>,
        %swap3A_488 = vector.shape_cast %swap3A_487 : vector<1x16xf32> to vector<16xf32>
        %swap3A_489 = vector.shape_cast %get3A_479 : vector<16xf32> to vector<1x16xf32>
        tpu.vector_store %arg7[%swap3A_485, %swap3A_486], %swap3A_489 {add = true, strides = array<i32>} : memref<128x32xf32, #tpu.memory_space<vmem>>, vector<1x16xf32>,
        %scan3A_490 = arith.constant 0 : i32
        %scan3A_491 = arith.constant 6 : i32
        %scan3A_492 = arith.addi %scan3A_343, %scan3A_491 : i32
        %get3A_493 = arith.constant 3 : i32
        %get3A_494 = arith.index_cast %get3A_493 : i32 to index
        %get3A_495 = arith.index_cast %scan3A_492 : i32 to index
        %get3A_496 = arith.constant 0 : index
        %get3A_497 = tpu.vector_load %arg6[%get3A_494, %get3A_495, %get3A_496] {strides = array<i32>} : memref<8x128x32xf32, #tpu.memory_space<vmem>>, vector<1x1x16xf32>,
        %get3A_498 = vector.shape_cast %get3A_497 : vector<1x1x16xf32> to vector<16xf32>
        %get3A_499 = arith.constant 3 : i32
        %get3A_500 = arith.index_cast %get3A_499 : i32 to index
        %get3A_501 = arith.index_cast %scan3A_492 : i32 to index
        %get3A_502 = arith.constant 16 : index
        %get3A_503 = tpu.vector_load %arg6[%get3A_500, %get3A_501, %get3A_502] {strides = array<i32>} : memref<8x128x32xf32, #tpu.memory_space<vmem>>, vector<1x1x16xf32>,
        %get3A_504 = vector.shape_cast %get3A_503 : vector<1x1x16xf32> to vector<16xf32>
        %swap3A_505 = arith.index_cast %scan3A_492 : i32 to index
        %swap3A_506 = arith.constant 0 : index
        %swap3A_507 = tpu.vector_load %arg7[%swap3A_505, %swap3A_506] {strides = array<i32>} : memref<128x32xf32, #tpu.memory_space<vmem>>, vector<1x16xf32>,
        %swap3A_508 = vector.shape_cast %swap3A_507 : vector<1x16xf32> to vector<16xf32>
        %swap3A_509 = vector.shape_cast %get3A_498 : vector<16xf32> to vector<1x16xf32>
        tpu.vector_store %arg7[%swap3A_505, %swap3A_506], %swap3A_509 {add = true, strides = array<i32>} : memref<128x32xf32, #tpu.memory_space<vmem>>, vector<1x16xf32>,
        %swap3A_510 = arith.index_cast %scan3A_492 : i32 to index
        %swap3A_511 = arith.constant 16 : index
        %swap3A_512 = tpu.vector_load %arg7[%swap3A_510, %swap3A_511] {strides = array<i32>} : memref<128x32xf32, #tpu.memory_space<vmem>>, vector<1x16xf32>,
        %swap3A_513 = vector.shape_cast %swap3A_512 : vector<1x16xf32> to vector<16xf32>
        %swap3A_514 = vector.shape_cast %get3A_504 : vector<16xf32> to vector<1x16xf32>
        tpu.vector_store %arg7[%swap3A_510, %swap3A_511], %swap3A_514 {add = true, strides = array<i32>} : memref<128x32xf32, #tpu.memory_space<vmem>>, vector<1x16xf32>,
        %scan3A_515 = arith.constant 0 : i32
        %scan3A_516 = arith.constant 7 : i32
        %scan3A_517 = arith.addi %scan3A_343, %scan3A_516 : i32
        %get3A_518 = arith.constant 3 : i32
        %get3A_519 = arith.index_cast %get3A_518 : i32 to index
        %get3A_520 = arith.index_cast %scan3A_517 : i32 to index
        %get3A_521 = arith.constant 0 : index
        %get3A_522 = tpu.vector_load %arg6[%get3A_519, %get3A_520, %get3A_521] {strides = array<i32>} : memref<8x128x32xf32, #tpu.memory_space<vmem>>, vector<1x1x16xf32>,
        %get3A_523 = vector.shape_cast %get3A_522 : vector<1x1x16xf32> to vector<16xf32>
        %get3A_524 = arith.constant 3 : i32
        %get3A_525 = arith.index_cast %get3A_524 : i32 to index
        %get3A_526 = arith.index_cast %scan3A_517 : i32 to index
        %get3A_527 = arith.constant 16 : index
        %get3A_528 = tpu.vector_load %arg6[%get3A_525, %get3A_526, %get3A_527] {strides = array<i32>} : memref<8x128x32xf32, #tpu.memory_space<vmem>>, vector<1x1x16xf32>,
        %get3A_529 = vector.shape_cast %get3A_528 : vector<1x1x16xf32> to vector<16xf32>
        %swap3A_530 = arith.index_cast %scan3A_517 : i32 to index
        %swap3A_531 = arith.constant 0 : index
        %swap3A_532 = tpu.vector_load %arg7[%swap3A_530, %swap3A_531] {strides = array<i32>} : memref<128x32xf32, #tpu.memory_space<vmem>>, vector<1x16xf32>,
        %swap3A_533 = vector.shape_cast %swap3A_532 : vector<1x16xf32> to vector<16xf32>
        %swap3A_534 = vector.shape_cast %get3A_523 : vector<16xf32> to vector<1x16xf32>
        tpu.vector_store %arg7[%swap3A_530, %swap3A_531], %swap3A_534 {add = true, strides = array<i32>} : memref<128x32xf32, #tpu.memory_space<vmem>>, vector<1x16xf32>,
        %swap3A_535 = arith.index_cast %scan3A_517 : i32 to index
        %swap3A_536 = arith.constant 16 : index
        %swap3A_537 = tpu.vector_load %arg7[%swap3A_535, %swap3A_536] {strides = array<i32>} : memref<128x32xf32, #tpu.memory_space<vmem>>, vector<1x16xf32>,
        %swap3A_538 = vector.shape_cast %swap3A_537 : vector<1x16xf32> to vector<16xf32>
        %swap3A_539 = vector.shape_cast %get3A_529 : vector<16xf32> to vector<1x16xf32>
        tpu.vector_store %arg7[%swap3A_535, %swap3A_536], %swap3A_539 {add = true, strides = array<i32>} : memref<128x32xf32, #tpu.memory_space<vmem>>, vector<1x16xf32>,
        %scan3A_540 = arith.constant 0 : i32
        scf.yield %scan3A_540 : i32
      }
      %scan3A_218 = arith.constant 128 : i32
      %add3A_219 = arith.constant 8 : i32
      %add3A_220 = arith.addi %add3A_200, %add3A_219 : i32
      %lt3A_221 = arith.constant 200 : i32
      %lt3A_222 = arith.cmpi slt, %add3A_220, %lt3A_221 : i32
      %convert_element_type3A_223 = arith.extui %lt3A_222 : i1 to i32
      %cond3A_224 = arith.constant 0 : i32
      %cond3A_225 = arith.cmpi ne, %convert_element_type3A_223, %cond3A_224 : i32
      scf.if %cond3A_225 {
        %dma_start3A_343 = arith.constant 3 : i32
        %dma_start3A_344 = arith.constant 0 : i32
        %dma_start3A_345 = arith.constant 0 : i32
        %dma_start3A_346 = tpu.memref_slice %arg6[%dma_start3A_343, %dma_start3A_344, %dma_start3A_345] : memref<8x128x32xf32, #tpu.memory_space<vmem>> -> memref<1x128x32xf32, #tpu.memory_space<vmem>>
        %dma_start3A_347 = tpu.memref_squeeze %dma_start3A_346 : memref<1x128x32xf32, #tpu.memory_space<vmem>> -> memref<128x32xf32, #tpu.memory_space<vmem>>
        %dma_start3A_348 = arith.constant 0 : i32
        %dma_start3A_349 = tpu.memref_slice %arg5[%add3A_220, %dma_start3A_348] : memref<200x128xi32, #tpu.memory_space<vmem>> -> memref<1x128xi32, #tpu.memory_space<vmem>>
        %dma_start3A_350 = tpu.memref_squeeze %dma_start3A_349 : memref<1x128xi32, #tpu.memory_space<vmem>> -> memref<128xi32, #tpu.memory_space<vmem>>
        %dma_start3A_351 = arith.constant 0 : i32
        %dma_start3A_352 = arith.constant 0 : i32
        %dma_start3A_353 = tpu.memref_slice %arg3[%dma_start3A_351, %dma_start3A_352] : memref<1015808x32xf32, #tpu.memory_space<hbm>> -> memref<1015808x32xf32, #tpu.memory_space<hbm>>
        tpu.enqueue_indirect_dma source(%dma_start3A_353 : memref<1015808x32xf32, #tpu.memory_space<hbm>>) target(%dma_start3A_347 : memref<128x32xf32, #tpu.memory_space<vmem>>) offsets(%dma_start3A_350 : memref<128xi32, #tpu.memory_space<vmem>>) semaphore(%arg11 : memref<!tpu.dma_semaphore, #tpu.memory_space<semaphore_mem>>)
      } else {
      }
      %mul3A_226 = arith.constant 8 : i32
      %mul3A_227 = arith.muli %scan3A_112, %mul3A_226 : i32
      %add3A_228 = arith.constant 4 : i32
      %add3A_229 = arith.addi %mul3A_227, %add3A_228 : i32
      %dma_wait3A_230 = arith.constant 4 : i32
      %dma_wait3A_231 = arith.constant 0 : i32
      %dma_wait3A_232 = arith.constant 0 : i32
      %dma_wait3A_233 = tpu.memref_slice %arg6[%dma_wait3A_230, %dma_wait3A_231, %dma_wait3A_232] : memref<8x128x32xf32, #tpu.memory_space<vmem>> -> memref<1x128x32xf32, #tpu.memory_space<vmem>>
      %dma_wait3A_234 = tpu.memref_squeeze %dma_wait3A_233 : memref<1x128x32xf32, #tpu.memory_space<vmem>> -> memref<128x32xf32, #tpu.memory_space<vmem>>
      %dma_wait3A_235 = arith.constant 0 : i32
      %dma_wait3A_236 = tpu.memref_slice %arg5[%add3A_229, %dma_wait3A_235] : memref<200x128xi32, #tpu.memory_space<vmem>> -> memref<1x128xi32, #tpu.memory_space<vmem>>
      %dma_wait3A_237 = tpu.memref_squeeze %dma_wait3A_236 : memref<1x128xi32, #tpu.memory_space<vmem>> -> memref<128xi32, #tpu.memory_space<vmem>>
      %dma_wait3A_238 = arith.constant 0 : i32
      %dma_wait3A_239 = arith.constant 0 : i32
      %dma_wait3A_240 = tpu.memref_slice %arg3[%dma_wait3A_238, %dma_wait3A_239] : memref<1015808x32xf32, #tpu.memory_space<hbm>> -> memref<1015808x32xf32, #tpu.memory_space<hbm>>
      tpu.wait_indirect_dma semaphore(%arg12 : memref<!tpu.dma_semaphore, #tpu.memory_space<semaphore_mem>>) src(%dma_wait3A_240 : memref<1015808x32xf32, #tpu.memory_space<hbm>>) dst(%dma_wait3A_234 : memref<128x32xf32, #tpu.memory_space<vmem>>)
      %scan3A_241 = arith.constant 0 : i32
      %scan3A_242 = arith.constant 0 : i32
      %scan3A_243 = arith.constant 128 : i32
      %scan3A_244 = arith.addi %scan3A_242, %scan3A_243 : i32
      %scan3A_245 = arith.constant 8 : i32
      %scan3A_246 = scf.for %scan3A_343 = %scan3A_242 to %scan3A_244 step %scan3A_245 iter_args(%scan3A_344 = %scan3A_241) -> (i32)  : i32 {
        %get3A = arith.constant 4 : i32
        %get3A_345 = arith.index_cast %get3A : i32 to index
        %get3A_346 = arith.index_cast %scan3A_343 : i32 to index
        %get3A_347 = arith.constant 0 : index
        %get3A_348 = tpu.vector_load %arg6[%get3A_345, %get3A_346, %get3A_347] {strides = array<i32>} : memref<8x128x32xf32, #tpu.memory_space<vmem>>, vector<1x1x16xf32>,
        %get3A_349 = vector.shape_cast %get3A_348 : vector<1x1x16xf32> to vector<16xf32>
        %get3A_350 = arith.constant 4 : i32
        %get3A_351 = arith.index_cast %get3A_350 : i32 to index
        %get3A_352 = arith.index_cast %scan3A_343 : i32 to index
        %get3A_353 = arith.constant 16 : index
        %get3A_354 = tpu.vector_load %arg6[%get3A_351, %get3A_352, %get3A_353] {strides = array<i32>} : memref<8x128x32xf32, #tpu.memory_space<vmem>>, vector<1x1x16xf32>,
        %get3A_355 = vector.shape_cast %get3A_354 : vector<1x1x16xf32> to vector<16xf32>
        %swap3A = arith.index_cast %scan3A_343 : i32 to index
        %swap3A_356 = arith.constant 0 : index
        %swap3A_357 = tpu.vector_load %arg7[%swap3A, %swap3A_356] {strides = array<i32>} : memref<128x32xf32, #tpu.memory_space<vmem>>, vector<1x16xf32>,
        %swap3A_358 = vector.shape_cast %swap3A_357 : vector<1x16xf32> to vector<16xf32>
        %swap3A_359 = vector.shape_cast %get3A_349 : vector<16xf32> to vector<1x16xf32>
        tpu.vector_store %arg7[%swap3A, %swap3A_356], %swap3A_359 {add = true, strides = array<i32>} : memref<128x32xf32, #tpu.memory_space<vmem>>, vector<1x16xf32>,
        %swap3A_360 = arith.index_cast %scan3A_343 : i32 to index
        %swap3A_361 = arith.constant 16 : index
        %swap3A_362 = tpu.vector_load %arg7[%swap3A_360, %swap3A_361] {strides = array<i32>} : memref<128x32xf32, #tpu.memory_space<vmem>>, vector<1x16xf32>,
        %swap3A_363 = vector.shape_cast %swap3A_362 : vector<1x16xf32> to vector<16xf32>
        %swap3A_364 = vector.shape_cast %get3A_355 : vector<16xf32> to vector<1x16xf32>
        tpu.vector_store %arg7[%swap3A_360, %swap3A_361], %swap3A_364 {add = true, strides = array<i32>} : memref<128x32xf32, #tpu.memory_space<vmem>>, vector<1x16xf32>,
        %scan3A_365 = arith.constant 0 : i32
        %scan3A_366 = arith.constant 1 : i32
        %scan3A_367 = arith.addi %scan3A_343, %scan3A_366 : i32
        %get3A_368 = arith.constant 4 : i32
        %get3A_369 = arith.index_cast %get3A_368 : i32 to index
        %get3A_370 = arith.index_cast %scan3A_367 : i32 to index
        %get3A_371 = arith.constant 0 : index
        %get3A_372 = tpu.vector_load %arg6[%get3A_369, %get3A_370, %get3A_371] {strides = array<i32>} : memref<8x128x32xf32, #tpu.memory_space<vmem>>, vector<1x1x16xf32>,
        %get3A_373 = vector.shape_cast %get3A_372 : vector<1x1x16xf32> to vector<16xf32>
        %get3A_374 = arith.constant 4 : i32
        %get3A_375 = arith.index_cast %get3A_374 : i32 to index
        %get3A_376 = arith.index_cast %scan3A_367 : i32 to index
        %get3A_377 = arith.constant 16 : index
        %get3A_378 = tpu.vector_load %arg6[%get3A_375, %get3A_376, %get3A_377] {strides = array<i32>} : memref<8x128x32xf32, #tpu.memory_space<vmem>>, vector<1x1x16xf32>,
        %get3A_379 = vector.shape_cast %get3A_378 : vector<1x1x16xf32> to vector<16xf32>
        %swap3A_380 = arith.index_cast %scan3A_367 : i32 to index
        %swap3A_381 = arith.constant 0 : index
        %swap3A_382 = tpu.vector_load %arg7[%swap3A_380, %swap3A_381] {strides = array<i32>} : memref<128x32xf32, #tpu.memory_space<vmem>>, vector<1x16xf32>,
        %swap3A_383 = vector.shape_cast %swap3A_382 : vector<1x16xf32> to vector<16xf32>
        %swap3A_384 = vector.shape_cast %get3A_373 : vector<16xf32> to vector<1x16xf32>
        tpu.vector_store %arg7[%swap3A_380, %swap3A_381], %swap3A_384 {add = true, strides = array<i32>} : memref<128x32xf32, #tpu.memory_space<vmem>>, vector<1x16xf32>,
        %swap3A_385 = arith.index_cast %scan3A_367 : i32 to index
        %swap3A_386 = arith.constant 16 : index
        %swap3A_387 = tpu.vector_load %arg7[%swap3A_385, %swap3A_386] {strides = array<i32>} : memref<128x32xf32, #tpu.memory_space<vmem>>, vector<1x16xf32>,
        %swap3A_388 = vector.shape_cast %swap3A_387 : vector<1x16xf32> to vector<16xf32>
        %swap3A_389 = vector.shape_cast %get3A_379 : vector<16xf32> to vector<1x16xf32>
        tpu.vector_store %arg7[%swap3A_385, %swap3A_386], %swap3A_389 {add = true, strides = array<i32>} : memref<128x32xf32, #tpu.memory_space<vmem>>, vector<1x16xf32>,
        %scan3A_390 = arith.constant 0 : i32
        %scan3A_391 = arith.constant 2 : i32
        %scan3A_392 = arith.addi %scan3A_343, %scan3A_391 : i32
        %get3A_393 = arith.constant 4 : i32
        %get3A_394 = arith.index_cast %get3A_393 : i32 to index
        %get3A_395 = arith.index_cast %scan3A_392 : i32 to index
        %get3A_396 = arith.constant 0 : index
        %get3A_397 = tpu.vector_load %arg6[%get3A_394, %get3A_395, %get3A_396] {strides = array<i32>} : memref<8x128x32xf32, #tpu.memory_space<vmem>>, vector<1x1x16xf32>,
        %get3A_398 = vector.shape_cast %get3A_397 : vector<1x1x16xf32> to vector<16xf32>
        %get3A_399 = arith.constant 4 : i32
        %get3A_400 = arith.index_cast %get3A_399 : i32 to index
        %get3A_401 = arith.index_cast %scan3A_392 : i32 to index
        %get3A_402 = arith.constant 16 : index
        %get3A_403 = tpu.vector_load %arg6[%get3A_400, %get3A_401, %get3A_402] {strides = array<i32>} : memref<8x128x32xf32, #tpu.memory_space<vmem>>, vector<1x1x16xf32>,
        %get3A_404 = vector.shape_cast %get3A_403 : vector<1x1x16xf32> to vector<16xf32>
        %swap3A_405 = arith.index_cast %scan3A_392 : i32 to index
        %swap3A_406 = arith.constant 0 : index
        %swap3A_407 = tpu.vector_load %arg7[%swap3A_405, %swap3A_406] {strides = array<i32>} : memref<128x32xf32, #tpu.memory_space<vmem>>, vector<1x16xf32>,
        %swap3A_408 = vector.shape_cast %swap3A_407 : vector<1x16xf32> to vector<16xf32>
        %swap3A_409 = vector.shape_cast %get3A_398 : vector<16xf32> to vector<1x16xf32>
        tpu.vector_store %arg7[%swap3A_405, %swap3A_406], %swap3A_409 {add = true, strides = array<i32>} : memref<128x32xf32, #tpu.memory_space<vmem>>, vector<1x16xf32>,
        %swap3A_410 = arith.index_cast %scan3A_392 : i32 to index
        %swap3A_411 = arith.constant 16 : index
        %swap3A_412 = tpu.vector_load %arg7[%swap3A_410, %swap3A_411] {strides = array<i32>} : memref<128x32xf32, #tpu.memory_space<vmem>>, vector<1x16xf32>,
        %swap3A_413 = vector.shape_cast %swap3A_412 : vector<1x16xf32> to vector<16xf32>
        %swap3A_414 = vector.shape_cast %get3A_404 : vector<16xf32> to vector<1x16xf32>
        tpu.vector_store %arg7[%swap3A_410, %swap3A_411], %swap3A_414 {add = true, strides = array<i32>} : memref<128x32xf32, #tpu.memory_space<vmem>>, vector<1x16xf32>,
        %scan3A_415 = arith.constant 0 : i32
        %scan3A_416 = arith.constant 3 : i32
        %scan3A_417 = arith.addi %scan3A_343, %scan3A_416 : i32
        %get3A_418 = arith.constant 4 : i32
        %get3A_419 = arith.index_cast %get3A_418 : i32 to index
        %get3A_420 = arith.index_cast %scan3A_417 : i32 to index
        %get3A_421 = arith.constant 0 : index
        %get3A_422 = tpu.vector_load %arg6[%get3A_419, %get3A_420, %get3A_421] {strides = array<i32>} : memref<8x128x32xf32, #tpu.memory_space<vmem>>, vector<1x1x16xf32>,
        %get3A_423 = vector.shape_cast %get3A_422 : vector<1x1x16xf32> to vector<16xf32>
        %get3A_424 = arith.constant 4 : i32
        %get3A_425 = arith.index_cast %get3A_424 : i32 to index
        %get3A_426 = arith.index_cast %scan3A_417 : i32 to index
        %get3A_427 = arith.constant 16 : index
        %get3A_428 = tpu.vector_load %arg6[%get3A_425, %get3A_426, %get3A_427] {strides = array<i32>} : memref<8x128x32xf32, #tpu.memory_space<vmem>>, vector<1x1x16xf32>,
        %get3A_429 = vector.shape_cast %get3A_428 : vector<1x1x16xf32> to vector<16xf32>
        %swap3A_430 = arith.index_cast %scan3A_417 : i32 to index
        %swap3A_431 = arith.constant 0 : index
        %swap3A_432 = tpu.vector_load %arg7[%swap3A_430, %swap3A_431] {strides = array<i32>} : memref<128x32xf32, #tpu.memory_space<vmem>>, vector<1x16xf32>,
        %swap3A_433 = vector.shape_cast %swap3A_432 : vector<1x16xf32> to vector<16xf32>
        %swap3A_434 = vector.shape_cast %get3A_423 : vector<16xf32> to vector<1x16xf32>
        tpu.vector_store %arg7[%swap3A_430, %swap3A_431], %swap3A_434 {add = true, strides = array<i32>} : memref<128x32xf32, #tpu.memory_space<vmem>>, vector<1x16xf32>,
        %swap3A_435 = arith.index_cast %scan3A_417 : i32 to index
        %swap3A_436 = arith.constant 16 : index
        %swap3A_437 = tpu.vector_load %arg7[%swap3A_435, %swap3A_436] {strides = array<i32>} : memref<128x32xf32, #tpu.memory_space<vmem>>, vector<1x16xf32>,
        %swap3A_438 = vector.shape_cast %swap3A_437 : vector<1x16xf32> to vector<16xf32>
        %swap3A_439 = vector.shape_cast %get3A_429 : vector<16xf32> to vector<1x16xf32>
        tpu.vector_store %arg7[%swap3A_435, %swap3A_436], %swap3A_439 {add = true, strides = array<i32>} : memref<128x32xf32, #tpu.memory_space<vmem>>, vector<1x16xf32>,
        %scan3A_440 = arith.constant 0 : i32
        %scan3A_441 = arith.constant 4 : i32
        %scan3A_442 = arith.addi %scan3A_343, %scan3A_441 : i32
        %get3A_443 = arith.constant 4 : i32
        %get3A_444 = arith.index_cast %get3A_443 : i32 to index
        %get3A_445 = arith.index_cast %scan3A_442 : i32 to index
        %get3A_446 = arith.constant 0 : index
        %get3A_447 = tpu.vector_load %arg6[%get3A_444, %get3A_445, %get3A_446] {strides = array<i32>} : memref<8x128x32xf32, #tpu.memory_space<vmem>>, vector<1x1x16xf32>,
        %get3A_448 = vector.shape_cast %get3A_447 : vector<1x1x16xf32> to vector<16xf32>
        %get3A_449 = arith.constant 4 : i32
        %get3A_450 = arith.index_cast %get3A_449 : i32 to index
        %get3A_451 = arith.index_cast %scan3A_442 : i32 to index
        %get3A_452 = arith.constant 16 : index
        %get3A_453 = tpu.vector_load %arg6[%get3A_450, %get3A_451, %get3A_452] {strides = array<i32>} : memref<8x128x32xf32, #tpu.memory_space<vmem>>, vector<1x1x16xf32>,
        %get3A_454 = vector.shape_cast %get3A_453 : vector<1x1x16xf32> to vector<16xf32>
        %swap3A_455 = arith.index_cast %scan3A_442 : i32 to index
        %swap3A_456 = arith.constant 0 : index
        %swap3A_457 = tpu.vector_load %arg7[%swap3A_455, %swap3A_456] {strides = array<i32>} : memref<128x32xf32, #tpu.memory_space<vmem>>, vector<1x16xf32>,
        %swap3A_458 = vector.shape_cast %swap3A_457 : vector<1x16xf32> to vector<16xf32>
        %swap3A_459 = vector.shape_cast %get3A_448 : vector<16xf32> to vector<1x16xf32>
        tpu.vector_store %arg7[%swap3A_455, %swap3A_456], %swap3A_459 {add = true, strides = array<i32>} : memref<128x32xf32, #tpu.memory_space<vmem>>, vector<1x16xf32>,
        %swap3A_460 = arith.index_cast %scan3A_442 : i32 to index
        %swap3A_461 = arith.constant 16 : index
        %swap3A_462 = tpu.vector_load %arg7[%swap3A_460, %swap3A_461] {strides = array<i32>} : memref<128x32xf32, #tpu.memory_space<vmem>>, vector<1x16xf32>,
        %swap3A_463 = vector.shape_cast %swap3A_462 : vector<1x16xf32> to vector<16xf32>
        %swap3A_464 = vector.shape_cast %get3A_454 : vector<16xf32> to vector<1x16xf32>
        tpu.vector_store %arg7[%swap3A_460, %swap3A_461], %swap3A_464 {add = true, strides = array<i32>} : memref<128x32xf32, #tpu.memory_space<vmem>>, vector<1x16xf32>,
        %scan3A_465 = arith.constant 0 : i32
        %scan3A_466 = arith.constant 5 : i32
        %scan3A_467 = arith.addi %scan3A_343, %scan3A_466 : i32
        %get3A_468 = arith.constant 4 : i32
        %get3A_469 = arith.index_cast %get3A_468 : i32 to index
        %get3A_470 = arith.index_cast %scan3A_467 : i32 to index
        %get3A_471 = arith.constant 0 : index
        %get3A_472 = tpu.vector_load %arg6[%get3A_469, %get3A_470, %get3A_471] {strides = array<i32>} : memref<8x128x32xf32, #tpu.memory_space<vmem>>, vector<1x1x16xf32>,
        %get3A_473 = vector.shape_cast %get3A_472 : vector<1x1x16xf32> to vector<16xf32>
        %get3A_474 = arith.constant 4 : i32
        %get3A_475 = arith.index_cast %get3A_474 : i32 to index
        %get3A_476 = arith.index_cast %scan3A_467 : i32 to index
        %get3A_477 = arith.constant 16 : index
        %get3A_478 = tpu.vector_load %arg6[%get3A_475, %get3A_476, %get3A_477] {strides = array<i32>} : memref<8x128x32xf32, #tpu.memory_space<vmem>>, vector<1x1x16xf32>,
        %get3A_479 = vector.shape_cast %get3A_478 : vector<1x1x16xf32> to vector<16xf32>
        %swap3A_480 = arith.index_cast %scan3A_467 : i32 to index
        %swap3A_481 = arith.constant 0 : index
        %swap3A_482 = tpu.vector_load %arg7[%swap3A_480, %swap3A_481] {strides = array<i32>} : memref<128x32xf32, #tpu.memory_space<vmem>>, vector<1x16xf32>,
        %swap3A_483 = vector.shape_cast %swap3A_482 : vector<1x16xf32> to vector<16xf32>
        %swap3A_484 = vector.shape_cast %get3A_473 : vector<16xf32> to vector<1x16xf32>
        tpu.vector_store %arg7[%swap3A_480, %swap3A_481], %swap3A_484 {add = true, strides = array<i32>} : memref<128x32xf32, #tpu.memory_space<vmem>>, vector<1x16xf32>,
        %swap3A_485 = arith.index_cast %scan3A_467 : i32 to index
        %swap3A_486 = arith.constant 16 : index
        %swap3A_487 = tpu.vector_load %arg7[%swap3A_485, %swap3A_486] {strides = array<i32>} : memref<128x32xf32, #tpu.memory_space<vmem>>, vector<1x16xf32>,
        %swap3A_488 = vector.shape_cast %swap3A_487 : vector<1x16xf32> to vector<16xf32>
        %swap3A_489 = vector.shape_cast %get3A_479 : vector<16xf32> to vector<1x16xf32>
        tpu.vector_store %arg7[%swap3A_485, %swap3A_486], %swap3A_489 {add = true, strides = array<i32>} : memref<128x32xf32, #tpu.memory_space<vmem>>, vector<1x16xf32>,
        %scan3A_490 = arith.constant 0 : i32
        %scan3A_491 = arith.constant 6 : i32
        %scan3A_492 = arith.addi %scan3A_343, %scan3A_491 : i32
        %get3A_493 = arith.constant 4 : i32
        %get3A_494 = arith.index_cast %get3A_493 : i32 to index
        %get3A_495 = arith.index_cast %scan3A_492 : i32 to index
        %get3A_496 = arith.constant 0 : index
        %get3A_497 = tpu.vector_load %arg6[%get3A_494, %get3A_495, %get3A_496] {strides = array<i32>} : memref<8x128x32xf32, #tpu.memory_space<vmem>>, vector<1x1x16xf32>,
        %get3A_498 = vector.shape_cast %get3A_497 : vector<1x1x16xf32> to vector<16xf32>
        %get3A_499 = arith.constant 4 : i32
        %get3A_500 = arith.index_cast %get3A_499 : i32 to index
        %get3A_501 = arith.index_cast %scan3A_492 : i32 to index
        %get3A_502 = arith.constant 16 : index
        %get3A_503 = tpu.vector_load %arg6[%get3A_500, %get3A_501, %get3A_502] {strides = array<i32>} : memref<8x128x32xf32, #tpu.memory_space<vmem>>, vector<1x1x16xf32>,
        %get3A_504 = vector.shape_cast %get3A_503 : vector<1x1x16xf32> to vector<16xf32>
        %swap3A_505 = arith.index_cast %scan3A_492 : i32 to index
        %swap3A_506 = arith.constant 0 : index
        %swap3A_507 = tpu.vector_load %arg7[%swap3A_505, %swap3A_506] {strides = array<i32>} : memref<128x32xf32, #tpu.memory_space<vmem>>, vector<1x16xf32>,
        %swap3A_508 = vector.shape_cast %swap3A_507 : vector<1x16xf32> to vector<16xf32>
        %swap3A_509 = vector.shape_cast %get3A_498 : vector<16xf32> to vector<1x16xf32>
        tpu.vector_store %arg7[%swap3A_505, %swap3A_506], %swap3A_509 {add = true, strides = array<i32>} : memref<128x32xf32, #tpu.memory_space<vmem>>, vector<1x16xf32>,
        %swap3A_510 = arith.index_cast %scan3A_492 : i32 to index
        %swap3A_511 = arith.constant 16 : index
        %swap3A_512 = tpu.vector_load %arg7[%swap3A_510, %swap3A_511] {strides = array<i32>} : memref<128x32xf32, #tpu.memory_space<vmem>>, vector<1x16xf32>,
        %swap3A_513 = vector.shape_cast %swap3A_512 : vector<1x16xf32> to vector<16xf32>
        %swap3A_514 = vector.shape_cast %get3A_504 : vector<16xf32> to vector<1x16xf32>
        tpu.vector_store %arg7[%swap3A_510, %swap3A_511], %swap3A_514 {add = true, strides = array<i32>} : memref<128x32xf32, #tpu.memory_space<vmem>>, vector<1x16xf32>,
        %scan3A_515 = arith.constant 0 : i32
        %scan3A_516 = arith.constant 7 : i32
        %scan3A_517 = arith.addi %scan3A_343, %scan3A_516 : i32
        %get3A_518 = arith.constant 4 : i32
        %get3A_519 = arith.index_cast %get3A_518 : i32 to index
        %get3A_520 = arith.index_cast %scan3A_517 : i32 to index
        %get3A_521 = arith.constant 0 : index
        %get3A_522 = tpu.vector_load %arg6[%get3A_519, %get3A_520, %get3A_521] {strides = array<i32>} : memref<8x128x32xf32, #tpu.memory_space<vmem>>, vector<1x1x16xf32>,
        %get3A_523 = vector.shape_cast %get3A_522 : vector<1x1x16xf32> to vector<16xf32>
        %get3A_524 = arith.constant 4 : i32
        %get3A_525 = arith.index_cast %get3A_524 : i32 to index
        %get3A_526 = arith.index_cast %scan3A_517 : i32 to index
        %get3A_527 = arith.constant 16 : index
        %get3A_528 = tpu.vector_load %arg6[%get3A_525, %get3A_526, %get3A_527] {strides = array<i32>} : memref<8x128x32xf32, #tpu.memory_space<vmem>>, vector<1x1x16xf32>,
        %get3A_529 = vector.shape_cast %get3A_528 : vector<1x1x16xf32> to vector<16xf32>
        %swap3A_530 = arith.index_cast %scan3A_517 : i32 to index
        %swap3A_531 = arith.constant 0 : index
        %swap3A_532 = tpu.vector_load %arg7[%swap3A_530, %swap3A_531] {strides = array<i32>} : memref<128x32xf32, #tpu.memory_space<vmem>>, vector<1x16xf32>,
        %swap3A_533 = vector.shape_cast %swap3A_532 : vector<1x16xf32> to vector<16xf32>
        %swap3A_534 = vector.shape_cast %get3A_523 : vector<16xf32> to vector<1x16xf32>
        tpu.vector_store %arg7[%swap3A_530, %swap3A_531], %swap3A_534 {add = true, strides = array<i32>} : memref<128x32xf32, #tpu.memory_space<vmem>>, vector<1x16xf32>,
        %swap3A_535 = arith.index_cast %scan3A_517 : i32 to index
        %swap3A_536 = arith.constant 16 : index
        %swap3A_537 = tpu.vector_load %arg7[%swap3A_535, %swap3A_536] {strides = array<i32>} : memref<128x32xf32, #tpu.memory_space<vmem>>, vector<1x16xf32>,
        %swap3A_538 = vector.shape_cast %swap3A_537 : vector<1x16xf32> to vector<16xf32>
        %swap3A_539 = vector.shape_cast %get3A_529 : vector<16xf32> to vector<1x16xf32>
        tpu.vector_store %arg7[%swap3A_535, %swap3A_536], %swap3A_539 {add = true, strides = array<i32>} : memref<128x32xf32, #tpu.memory_space<vmem>>, vector<1x16xf32>,
        %scan3A_540 = arith.constant 0 : i32
        scf.yield %scan3A_540 : i32
      }
      %scan3A_247 = arith.constant 128 : i32
      %add3A_248 = arith.constant 8 : i32
      %add3A_249 = arith.addi %add3A_229, %add3A_248 : i32
      %lt3A_250 = arith.constant 200 : i32
      %lt3A_251 = arith.cmpi slt, %add3A_249, %lt3A_250 : i32
      %convert_element_type3A_252 = arith.extui %lt3A_251 : i1 to i32
      %cond3A_253 = arith.constant 0 : i32
      %cond3A_254 = arith.cmpi ne, %convert_element_type3A_252, %cond3A_253 : i32
      scf.if %cond3A_254 {
        %dma_start3A_343 = arith.constant 4 : i32
        %dma_start3A_344 = arith.constant 0 : i32
        %dma_start3A_345 = arith.constant 0 : i32
        %dma_start3A_346 = tpu.memref_slice %arg6[%dma_start3A_343, %dma_start3A_344, %dma_start3A_345] : memref<8x128x32xf32, #tpu.memory_space<vmem>> -> memref<1x128x32xf32, #tpu.memory_space<vmem>>
        %dma_start3A_347 = tpu.memref_squeeze %dma_start3A_346 : memref<1x128x32xf32, #tpu.memory_space<vmem>> -> memref<128x32xf32, #tpu.memory_space<vmem>>
        %dma_start3A_348 = arith.constant 0 : i32
        %dma_start3A_349 = tpu.memref_slice %arg5[%add3A_249, %dma_start3A_348] : memref<200x128xi32, #tpu.memory_space<vmem>> -> memref<1x128xi32, #tpu.memory_space<vmem>>
        %dma_start3A_350 = tpu.memref_squeeze %dma_start3A_349 : memref<1x128xi32, #tpu.memory_space<vmem>> -> memref<128xi32, #tpu.memory_space<vmem>>
        %dma_start3A_351 = arith.constant 0 : i32
        %dma_start3A_352 = arith.constant 0 : i32
        %dma_start3A_353 = tpu.memref_slice %arg3[%dma_start3A_351, %dma_start3A_352] : memref<1015808x32xf32, #tpu.memory_space<hbm>> -> memref<1015808x32xf32, #tpu.memory_space<hbm>>
        tpu.enqueue_indirect_dma source(%dma_start3A_353 : memref<1015808x32xf32, #tpu.memory_space<hbm>>) target(%dma_start3A_347 : memref<128x32xf32, #tpu.memory_space<vmem>>) offsets(%dma_start3A_350 : memref<128xi32, #tpu.memory_space<vmem>>) semaphore(%arg12 : memref<!tpu.dma_semaphore, #tpu.memory_space<semaphore_mem>>)
      } else {
      }
      %mul3A_255 = arith.constant 8 : i32
      %mul3A_256 = arith.muli %scan3A_112, %mul3A_255 : i32
      %add3A_257 = arith.constant 5 : i32
      %add3A_258 = arith.addi %mul3A_256, %add3A_257 : i32
      %dma_wait3A_259 = arith.constant 5 : i32
      %dma_wait3A_260 = arith.constant 0 : i32
      %dma_wait3A_261 = arith.constant 0 : i32
      %dma_wait3A_262 = tpu.memref_slice %arg6[%dma_wait3A_259, %dma_wait3A_260, %dma_wait3A_261] : memref<8x128x32xf32, #tpu.memory_space<vmem>> -> memref<1x128x32xf32, #tpu.memory_space<vmem>>
      %dma_wait3A_263 = tpu.memref_squeeze %dma_wait3A_262 : memref<1x128x32xf32, #tpu.memory_space<vmem>> -> memref<128x32xf32, #tpu.memory_space<vmem>>
      %dma_wait3A_264 = arith.constant 0 : i32
      %dma_wait3A_265 = tpu.memref_slice %arg5[%add3A_258, %dma_wait3A_264] : memref<200x128xi32, #tpu.memory_space<vmem>> -> memref<1x128xi32, #tpu.memory_space<vmem>>
      %dma_wait3A_266 = tpu.memref_squeeze %dma_wait3A_265 : memref<1x128xi32, #tpu.memory_space<vmem>> -> memref<128xi32, #tpu.memory_space<vmem>>
      %dma_wait3A_267 = arith.constant 0 : i32
      %dma_wait3A_268 = arith.constant 0 : i32
      %dma_wait3A_269 = tpu.memref_slice %arg3[%dma_wait3A_267, %dma_wait3A_268] : memref<1015808x32xf32, #tpu.memory_space<hbm>> -> memref<1015808x32xf32, #tpu.memory_space<hbm>>
      tpu.wait_indirect_dma semaphore(%arg13 : memref<!tpu.dma_semaphore, #tpu.memory_space<semaphore_mem>>) src(%dma_wait3A_269 : memref<1015808x32xf32, #tpu.memory_space<hbm>>) dst(%dma_wait3A_263 : memref<128x32xf32, #tpu.memory_space<vmem>>)
      %scan3A_270 = arith.constant 0 : i32
      %scan3A_271 = arith.constant 0 : i32
      %scan3A_272 = arith.constant 128 : i32
      %scan3A_273 = arith.addi %scan3A_271, %scan3A_272 : i32
      %scan3A_274 = arith.constant 8 : i32
      %scan3A_275 = scf.for %scan3A_343 = %scan3A_271 to %scan3A_273 step %scan3A_274 iter_args(%scan3A_344 = %scan3A_270) -> (i32)  : i32 {
        %get3A = arith.constant 5 : i32
        %get3A_345 = arith.index_cast %get3A : i32 to index
        %get3A_346 = arith.index_cast %scan3A_343 : i32 to index
        %get3A_347 = arith.constant 0 : index
        %get3A_348 = tpu.vector_load %arg6[%get3A_345, %get3A_346, %get3A_347] {strides = array<i32>} : memref<8x128x32xf32, #tpu.memory_space<vmem>>, vector<1x1x16xf32>,
        %get3A_349 = vector.shape_cast %get3A_348 : vector<1x1x16xf32> to vector<16xf32>
        %get3A_350 = arith.constant 5 : i32
        %get3A_351 = arith.index_cast %get3A_350 : i32 to index
        %get3A_352 = arith.index_cast %scan3A_343 : i32 to index
        %get3A_353 = arith.constant 16 : index
        %get3A_354 = tpu.vector_load %arg6[%get3A_351, %get3A_352, %get3A_353] {strides = array<i32>} : memref<8x128x32xf32, #tpu.memory_space<vmem>>, vector<1x1x16xf32>,
        %get3A_355 = vector.shape_cast %get3A_354 : vector<1x1x16xf32> to vector<16xf32>
        %swap3A = arith.index_cast %scan3A_343 : i32 to index
        %swap3A_356 = arith.constant 0 : index
        %swap3A_357 = tpu.vector_load %arg7[%swap3A, %swap3A_356] {strides = array<i32>} : memref<128x32xf32, #tpu.memory_space<vmem>>, vector<1x16xf32>,
        %swap3A_358 = vector.shape_cast %swap3A_357 : vector<1x16xf32> to vector<16xf32>
        %swap3A_359 = vector.shape_cast %get3A_349 : vector<16xf32> to vector<1x16xf32>
        tpu.vector_store %arg7[%swap3A, %swap3A_356], %swap3A_359 {add = true, strides = array<i32>} : memref<128x32xf32, #tpu.memory_space<vmem>>, vector<1x16xf32>,
        %swap3A_360 = arith.index_cast %scan3A_343 : i32 to index
        %swap3A_361 = arith.constant 16 : index
        %swap3A_362 = tpu.vector_load %arg7[%swap3A_360, %swap3A_361] {strides = array<i32>} : memref<128x32xf32, #tpu.memory_space<vmem>>, vector<1x16xf32>,
        %swap3A_363 = vector.shape_cast %swap3A_362 : vector<1x16xf32> to vector<16xf32>
        %swap3A_364 = vector.shape_cast %get3A_355 : vector<16xf32> to vector<1x16xf32>
        tpu.vector_store %arg7[%swap3A_360, %swap3A_361], %swap3A_364 {add = true, strides = array<i32>} : memref<128x32xf32, #tpu.memory_space<vmem>>, vector<1x16xf32>,
        %scan3A_365 = arith.constant 0 : i32
        %scan3A_366 = arith.constant 1 : i32
        %scan3A_367 = arith.addi %scan3A_343, %scan3A_366 : i32
        %get3A_368 = arith.constant 5 : i32
        %get3A_369 = arith.index_cast %get3A_368 : i32 to index
        %get3A_370 = arith.index_cast %scan3A_367 : i32 to index
        %get3A_371 = arith.constant 0 : index
        %get3A_372 = tpu.vector_load %arg6[%get3A_369, %get3A_370, %get3A_371] {strides = array<i32>} : memref<8x128x32xf32, #tpu.memory_space<vmem>>, vector<1x1x16xf32>,
        %get3A_373 = vector.shape_cast %get3A_372 : vector<1x1x16xf32> to vector<16xf32>
        %get3A_374 = arith.constant 5 : i32
        %get3A_375 = arith.index_cast %get3A_374 : i32 to index
        %get3A_376 = arith.index_cast %scan3A_367 : i32 to index
        %get3A_377 = arith.constant 16 : index
        %get3A_378 = tpu.vector_load %arg6[%get3A_375, %get3A_376, %get3A_377] {strides = array<i32>} : memref<8x128x32xf32, #tpu.memory_space<vmem>>, vector<1x1x16xf32>,
        %get3A_379 = vector.shape_cast %get3A_378 : vector<1x1x16xf32> to vector<16xf32>
        %swap3A_380 = arith.index_cast %scan3A_367 : i32 to index
        %swap3A_381 = arith.constant 0 : index
        %swap3A_382 = tpu.vector_load %arg7[%swap3A_380, %swap3A_381] {strides = array<i32>} : memref<128x32xf32, #tpu.memory_space<vmem>>, vector<1x16xf32>,
        %swap3A_383 = vector.shape_cast %swap3A_382 : vector<1x16xf32> to vector<16xf32>
        %swap3A_384 = vector.shape_cast %get3A_373 : vector<16xf32> to vector<1x16xf32>
        tpu.vector_store %arg7[%swap3A_380, %swap3A_381], %swap3A_384 {add = true, strides = array<i32>} : memref<128x32xf32, #tpu.memory_space<vmem>>, vector<1x16xf32>,
        %swap3A_385 = arith.index_cast %scan3A_367 : i32 to index
        %swap3A_386 = arith.constant 16 : index
        %swap3A_387 = tpu.vector_load %arg7[%swap3A_385, %swap3A_386] {strides = array<i32>} : memref<128x32xf32, #tpu.memory_space<vmem>>, vector<1x16xf32>,
        %swap3A_388 = vector.shape_cast %swap3A_387 : vector<1x16xf32> to vector<16xf32>
        %swap3A_389 = vector.shape_cast %get3A_379 : vector<16xf32> to vector<1x16xf32>
        tpu.vector_store %arg7[%swap3A_385, %swap3A_386], %swap3A_389 {add = true, strides = array<i32>} : memref<128x32xf32, #tpu.memory_space<vmem>>, vector<1x16xf32>,
        %scan3A_390 = arith.constant 0 : i32
        %scan3A_391 = arith.constant 2 : i32
        %scan3A_392 = arith.addi %scan3A_343, %scan3A_391 : i32
        %get3A_393 = arith.constant 5 : i32
        %get3A_394 = arith.index_cast %get3A_393 : i32 to index
        %get3A_395 = arith.index_cast %scan3A_392 : i32 to index
        %get3A_396 = arith.constant 0 : index
        %get3A_397 = tpu.vector_load %arg6[%get3A_394, %get3A_395, %get3A_396] {strides = array<i32>} : memref<8x128x32xf32, #tpu.memory_space<vmem>>, vector<1x1x16xf32>,
        %get3A_398 = vector.shape_cast %get3A_397 : vector<1x1x16xf32> to vector<16xf32>
        %get3A_399 = arith.constant 5 : i32
        %get3A_400 = arith.index_cast %get3A_399 : i32 to index
        %get3A_401 = arith.index_cast %scan3A_392 : i32 to index
        %get3A_402 = arith.constant 16 : index
        %get3A_403 = tpu.vector_load %arg6[%get3A_400, %get3A_401, %get3A_402] {strides = array<i32>} : memref<8x128x32xf32, #tpu.memory_space<vmem>>, vector<1x1x16xf32>,
        %get3A_404 = vector.shape_cast %get3A_403 : vector<1x1x16xf32> to vector<16xf32>
        %swap3A_405 = arith.index_cast %scan3A_392 : i32 to index
        %swap3A_406 = arith.constant 0 : index
        %swap3A_407 = tpu.vector_load %arg7[%swap3A_405, %swap3A_406] {strides = array<i32>} : memref<128x32xf32, #tpu.memory_space<vmem>>, vector<1x16xf32>,
        %swap3A_408 = vector.shape_cast %swap3A_407 : vector<1x16xf32> to vector<16xf32>
        %swap3A_409 = vector.shape_cast %get3A_398 : vector<16xf32> to vector<1x16xf32>
        tpu.vector_store %arg7[%swap3A_405, %swap3A_406], %swap3A_409 {add = true, strides = array<i32>} : memref<128x32xf32, #tpu.memory_space<vmem>>, vector<1x16xf32>,
        %swap3A_410 = arith.index_cast %scan3A_392 : i32 to index
        %swap3A_411 = arith.constant 16 : index
        %swap3A_412 = tpu.vector_load %arg7[%swap3A_410, %swap3A_411] {strides = array<i32>} : memref<128x32xf32, #tpu.memory_space<vmem>>, vector<1x16xf32>,
        %swap3A_413 = vector.shape_cast %swap3A_412 : vector<1x16xf32> to vector<16xf32>
        %swap3A_414 = vector.shape_cast %get3A_404 : vector<16xf32> to vector<1x16xf32>
        tpu.vector_store %arg7[%swap3A_410, %swap3A_411], %swap3A_414 {add = true, strides = array<i32>} : memref<128x32xf32, #tpu.memory_space<vmem>>, vector<1x16xf32>,
        %scan3A_415 = arith.constant 0 : i32
        %scan3A_416 = arith.constant 3 : i32
        %scan3A_417 = arith.addi %scan3A_343, %scan3A_416 : i32
        %get3A_418 = arith.constant 5 : i32
        %get3A_419 = arith.index_cast %get3A_418 : i32 to index
        %get3A_420 = arith.index_cast %scan3A_417 : i32 to index
        %get3A_421 = arith.constant 0 : index
        %get3A_422 = tpu.vector_load %arg6[%get3A_419, %get3A_420, %get3A_421] {strides = array<i32>} : memref<8x128x32xf32, #tpu.memory_space<vmem>>, vector<1x1x16xf32>,
        %get3A_423 = vector.shape_cast %get3A_422 : vector<1x1x16xf32> to vector<16xf32>
        %get3A_424 = arith.constant 5 : i32
        %get3A_425 = arith.index_cast %get3A_424 : i32 to index
        %get3A_426 = arith.index_cast %scan3A_417 : i32 to index
        %get3A_427 = arith.constant 16 : index
        %get3A_428 = tpu.vector_load %arg6[%get3A_425, %get3A_426, %get3A_427] {strides = array<i32>} : memref<8x128x32xf32, #tpu.memory_space<vmem>>, vector<1x1x16xf32>,
        %get3A_429 = vector.shape_cast %get3A_428 : vector<1x1x16xf32> to vector<16xf32>
        %swap3A_430 = arith.index_cast %scan3A_417 : i32 to index
        %swap3A_431 = arith.constant 0 : index
        %swap3A_432 = tpu.vector_load %arg7[%swap3A_430, %swap3A_431] {strides = array<i32>} : memref<128x32xf32, #tpu.memory_space<vmem>>, vector<1x16xf32>,
        %swap3A_433 = vector.shape_cast %swap3A_432 : vector<1x16xf32> to vector<16xf32>
        %swap3A_434 = vector.shape_cast %get3A_423 : vector<16xf32> to vector<1x16xf32>
        tpu.vector_store %arg7[%swap3A_430, %swap3A_431], %swap3A_434 {add = true, strides = array<i32>} : memref<128x32xf32, #tpu.memory_space<vmem>>, vector<1x16xf32>,
        %swap3A_435 = arith.index_cast %scan3A_417 : i32 to index
        %swap3A_436 = arith.constant 16 : index
        %swap3A_437 = tpu.vector_load %arg7[%swap3A_435, %swap3A_436] {strides = array<i32>} : memref<128x32xf32, #tpu.memory_space<vmem>>, vector<1x16xf32>,
        %swap3A_438 = vector.shape_cast %swap3A_437 : vector<1x16xf32> to vector<16xf32>
        %swap3A_439 = vector.shape_cast %get3A_429 : vector<16xf32> to vector<1x16xf32>
        tpu.vector_store %arg7[%swap3A_435, %swap3A_436], %swap3A_439 {add = true, strides = array<i32>} : memref<128x32xf32, #tpu.memory_space<vmem>>, vector<1x16xf32>,
        %scan3A_440 = arith.constant 0 : i32
        %scan3A_441 = arith.constant 4 : i32
        %scan3A_442 = arith.addi %scan3A_343, %scan3A_441 : i32
        %get3A_443 = arith.constant 5 : i32
        %get3A_444 = arith.index_cast %get3A_443 : i32 to index
        %get3A_445 = arith.index_cast %scan3A_442 : i32 to index
        %get3A_446 = arith.constant 0 : index
        %get3A_447 = tpu.vector_load %arg6[%get3A_444, %get3A_445, %get3A_446] {strides = array<i32>} : memref<8x128x32xf32, #tpu.memory_space<vmem>>, vector<1x1x16xf32>,
        %get3A_448 = vector.shape_cast %get3A_447 : vector<1x1x16xf32> to vector<16xf32>
        %get3A_449 = arith.constant 5 : i32
        %get3A_450 = arith.index_cast %get3A_449 : i32 to index
        %get3A_451 = arith.index_cast %scan3A_442 : i32 to index
        %get3A_452 = arith.constant 16 : index
        %get3A_453 = tpu.vector_load %arg6[%get3A_450, %get3A_451, %get3A_452] {strides = array<i32>} : memref<8x128x32xf32, #tpu.memory_space<vmem>>, vector<1x1x16xf32>,
        %get3A_454 = vector.shape_cast %get3A_453 : vector<1x1x16xf32> to vector<16xf32>
        %swap3A_455 = arith.index_cast %scan3A_442 : i32 to index
        %swap3A_456 = arith.constant 0 : index
        %swap3A_457 = tpu.vector_load %arg7[%swap3A_455, %swap3A_456] {strides = array<i32>} : memref<128x32xf32, #tpu.memory_space<vmem>>, vector<1x16xf32>,
        %swap3A_458 = vector.shape_cast %swap3A_457 : vector<1x16xf32> to vector<16xf32>
        %swap3A_459 = vector.shape_cast %get3A_448 : vector<16xf32> to vector<1x16xf32>
        tpu.vector_store %arg7[%swap3A_455, %swap3A_456], %swap3A_459 {add = true, strides = array<i32>} : memref<128x32xf32, #tpu.memory_space<vmem>>, vector<1x16xf32>,
        %swap3A_460 = arith.index_cast %scan3A_442 : i32 to index
        %swap3A_461 = arith.constant 16 : index
        %swap3A_462 = tpu.vector_load %arg7[%swap3A_460, %swap3A_461] {strides = array<i32>} : memref<128x32xf32, #tpu.memory_space<vmem>>, vector<1x16xf32>,
        %swap3A_463 = vector.shape_cast %swap3A_462 : vector<1x16xf32> to vector<16xf32>
        %swap3A_464 = vector.shape_cast %get3A_454 : vector<16xf32> to vector<1x16xf32>
        tpu.vector_store %arg7[%swap3A_460, %swap3A_461], %swap3A_464 {add = true, strides = array<i32>} : memref<128x32xf32, #tpu.memory_space<vmem>>, vector<1x16xf32>,
        %scan3A_465 = arith.constant 0 : i32
        %scan3A_466 = arith.constant 5 : i32
        %scan3A_467 = arith.addi %scan3A_343, %scan3A_466 : i32
        %get3A_468 = arith.constant 5 : i32
        %get3A_469 = arith.index_cast %get3A_468 : i32 to index
        %get3A_470 = arith.index_cast %scan3A_467 : i32 to index
        %get3A_471 = arith.constant 0 : index
        %get3A_472 = tpu.vector_load %arg6[%get3A_469, %get3A_470, %get3A_471] {strides = array<i32>} : memref<8x128x32xf32, #tpu.memory_space<vmem>>, vector<1x1x16xf32>,
        %get3A_473 = vector.shape_cast %get3A_472 : vector<1x1x16xf32> to vector<16xf32>
        %get3A_474 = arith.constant 5 : i32
        %get3A_475 = arith.index_cast %get3A_474 : i32 to index
        %get3A_476 = arith.index_cast %scan3A_467 : i32 to index
        %get3A_477 = arith.constant 16 : index
        %get3A_478 = tpu.vector_load %arg6[%get3A_475, %get3A_476, %get3A_477] {strides = array<i32>} : memref<8x128x32xf32, #tpu.memory_space<vmem>>, vector<1x1x16xf32>,
        %get3A_479 = vector.shape_cast %get3A_478 : vector<1x1x16xf32> to vector<16xf32>
        %swap3A_480 = arith.index_cast %scan3A_467 : i32 to index
        %swap3A_481 = arith.constant 0 : index
        %swap3A_482 = tpu.vector_load %arg7[%swap3A_480, %swap3A_481] {strides = array<i32>} : memref<128x32xf32, #tpu.memory_space<vmem>>, vector<1x16xf32>,
        %swap3A_483 = vector.shape_cast %swap3A_482 : vector<1x16xf32> to vector<16xf32>
        %swap3A_484 = vector.shape_cast %get3A_473 : vector<16xf32> to vector<1x16xf32>
        tpu.vector_store %arg7[%swap3A_480, %swap3A_481], %swap3A_484 {add = true, strides = array<i32>} : memref<128x32xf32, #tpu.memory_space<vmem>>, vector<1x16xf32>,
        %swap3A_485 = arith.index_cast %scan3A_467 : i32 to index
        %swap3A_486 = arith.constant 16 : index
        %swap3A_487 = tpu.vector_load %arg7[%swap3A_485, %swap3A_486] {strides = array<i32>} : memref<128x32xf32, #tpu.memory_space<vmem>>, vector<1x16xf32>,
        %swap3A_488 = vector.shape_cast %swap3A_487 : vector<1x16xf32> to vector<16xf32>
        %swap3A_489 = vector.shape_cast %get3A_479 : vector<16xf32> to vector<1x16xf32>
        tpu.vector_store %arg7[%swap3A_485, %swap3A_486], %swap3A_489 {add = true, strides = array<i32>} : memref<128x32xf32, #tpu.memory_space<vmem>>, vector<1x16xf32>,
        %scan3A_490 = arith.constant 0 : i32
        %scan3A_491 = arith.constant 6 : i32
        %scan3A_492 = arith.addi %scan3A_343, %scan3A_491 : i32
        %get3A_493 = arith.constant 5 : i32
        %get3A_494 = arith.index_cast %get3A_493 : i32 to index
        %get3A_495 = arith.index_cast %scan3A_492 : i32 to index
        %get3A_496 = arith.constant 0 : index
        %get3A_497 = tpu.vector_load %arg6[%get3A_494, %get3A_495, %get3A_496] {strides = array<i32>} : memref<8x128x32xf32, #tpu.memory_space<vmem>>, vector<1x1x16xf32>,
        %get3A_498 = vector.shape_cast %get3A_497 : vector<1x1x16xf32> to vector<16xf32>
        %get3A_499 = arith.constant 5 : i32
        %get3A_500 = arith.index_cast %get3A_499 : i32 to index
        %get3A_501 = arith.index_cast %scan3A_492 : i32 to index
        %get3A_502 = arith.constant 16 : index
        %get3A_503 = tpu.vector_load %arg6[%get3A_500, %get3A_501, %get3A_502] {strides = array<i32>} : memref<8x128x32xf32, #tpu.memory_space<vmem>>, vector<1x1x16xf32>,
        %get3A_504 = vector.shape_cast %get3A_503 : vector<1x1x16xf32> to vector<16xf32>
        %swap3A_505 = arith.index_cast %scan3A_492 : i32 to index
        %swap3A_506 = arith.constant 0 : index
        %swap3A_507 = tpu.vector_load %arg7[%swap3A_505, %swap3A_506] {strides = array<i32>} : memref<128x32xf32, #tpu.memory_space<vmem>>, vector<1x16xf32>,
        %swap3A_508 = vector.shape_cast %swap3A_507 : vector<1x16xf32> to vector<16xf32>
        %swap3A_509 = vector.shape_cast %get3A_498 : vector<16xf32> to vector<1x16xf32>
        tpu.vector_store %arg7[%swap3A_505, %swap3A_506], %swap3A_509 {add = true, strides = array<i32>} : memref<128x32xf32, #tpu.memory_space<vmem>>, vector<1x16xf32>,
        %swap3A_510 = arith.index_cast %scan3A_492 : i32 to index
        %swap3A_511 = arith.constant 16 : index
        %swap3A_512 = tpu.vector_load %arg7[%swap3A_510, %swap3A_511] {strides = array<i32>} : memref<128x32xf32, #tpu.memory_space<vmem>>, vector<1x16xf32>,
        %swap3A_513 = vector.shape_cast %swap3A_512 : vector<1x16xf32> to vector<16xf32>
        %swap3A_514 = vector.shape_cast %get3A_504 : vector<16xf32> to vector<1x16xf32>
        tpu.vector_store %arg7[%swap3A_510, %swap3A_511], %swap3A_514 {add = true, strides = array<i32>} : memref<128x32xf32, #tpu.memory_space<vmem>>, vector<1x16xf32>,
        %scan3A_515 = arith.constant 0 : i32
        %scan3A_516 = arith.constant 7 : i32
        %scan3A_517 = arith.addi %scan3A_343, %scan3A_516 : i32
        %get3A_518 = arith.constant 5 : i32
        %get3A_519 = arith.index_cast %get3A_518 : i32 to index
        %get3A_520 = arith.index_cast %scan3A_517 : i32 to index
        %get3A_521 = arith.constant 0 : index
        %get3A_522 = tpu.vector_load %arg6[%get3A_519, %get3A_520, %get3A_521] {strides = array<i32>} : memref<8x128x32xf32, #tpu.memory_space<vmem>>, vector<1x1x16xf32>,
        %get3A_523 = vector.shape_cast %get3A_522 : vector<1x1x16xf32> to vector<16xf32>
        %get3A_524 = arith.constant 5 : i32
        %get3A_525 = arith.index_cast %get3A_524 : i32 to index
        %get3A_526 = arith.index_cast %scan3A_517 : i32 to index
        %get3A_527 = arith.constant 16 : index
        %get3A_528 = tpu.vector_load %arg6[%get3A_525, %get3A_526, %get3A_527] {strides = array<i32>} : memref<8x128x32xf32, #tpu.memory_space<vmem>>, vector<1x1x16xf32>,
        %get3A_529 = vector.shape_cast %get3A_528 : vector<1x1x16xf32> to vector<16xf32>
        %swap3A_530 = arith.index_cast %scan3A_517 : i32 to index
        %swap3A_531 = arith.constant 0 : index
        %swap3A_532 = tpu.vector_load %arg7[%swap3A_530, %swap3A_531] {strides = array<i32>} : memref<128x32xf32, #tpu.memory_space<vmem>>, vector<1x16xf32>,
        %swap3A_533 = vector.shape_cast %swap3A_532 : vector<1x16xf32> to vector<16xf32>
        %swap3A_534 = vector.shape_cast %get3A_523 : vector<16xf32> to vector<1x16xf32>
        tpu.vector_store %arg7[%swap3A_530, %swap3A_531], %swap3A_534 {add = true, strides = array<i32>} : memref<128x32xf32, #tpu.memory_space<vmem>>, vector<1x16xf32>,
        %swap3A_535 = arith.index_cast %scan3A_517 : i32 to index
        %swap3A_536 = arith.constant 16 : index
        %swap3A_537 = tpu.vector_load %arg7[%swap3A_535, %swap3A_536] {strides = array<i32>} : memref<128x32xf32, #tpu.memory_space<vmem>>, vector<1x16xf32>,
        %swap3A_538 = vector.shape_cast %swap3A_537 : vector<1x16xf32> to vector<16xf32>
        %swap3A_539 = vector.shape_cast %get3A_529 : vector<16xf32> to vector<1x16xf32>
        tpu.vector_store %arg7[%swap3A_535, %swap3A_536], %swap3A_539 {add = true, strides = array<i32>} : memref<128x32xf32, #tpu.memory_space<vmem>>, vector<1x16xf32>,
        %scan3A_540 = arith.constant 0 : i32
        scf.yield %scan3A_540 : i32
      }
      %scan3A_276 = arith.constant 128 : i32
      %add3A_277 = arith.constant 8 : i32
      %add3A_278 = arith.addi %add3A_258, %add3A_277 : i32
      %lt3A_279 = arith.constant 200 : i32
      %lt3A_280 = arith.cmpi slt, %add3A_278, %lt3A_279 : i32
      %convert_element_type3A_281 = arith.extui %lt3A_280 : i1 to i32
      %cond3A_282 = arith.constant 0 : i32
      %cond3A_283 = arith.cmpi ne, %convert_element_type3A_281, %cond3A_282 : i32
      scf.if %cond3A_283 {
        %dma_start3A_343 = arith.constant 5 : i32
        %dma_start3A_344 = arith.constant 0 : i32
        %dma_start3A_345 = arith.constant 0 : i32
        %dma_start3A_346 = tpu.memref_slice %arg6[%dma_start3A_343, %dma_start3A_344, %dma_start3A_345] : memref<8x128x32xf32, #tpu.memory_space<vmem>> -> memref<1x128x32xf32, #tpu.memory_space<vmem>>
        %dma_start3A_347 = tpu.memref_squeeze %dma_start3A_346 : memref<1x128x32xf32, #tpu.memory_space<vmem>> -> memref<128x32xf32, #tpu.memory_space<vmem>>
        %dma_start3A_348 = arith.constant 0 : i32
        %dma_start3A_349 = tpu.memref_slice %arg5[%add3A_278, %dma_start3A_348] : memref<200x128xi32, #tpu.memory_space<vmem>> -> memref<1x128xi32, #tpu.memory_space<vmem>>
        %dma_start3A_350 = tpu.memref_squeeze %dma_start3A_349 : memref<1x128xi32, #tpu.memory_space<vmem>> -> memref<128xi32, #tpu.memory_space<vmem>>
        %dma_start3A_351 = arith.constant 0 : i32
        %dma_start3A_352 = arith.constant 0 : i32
        %dma_start3A_353 = tpu.memref_slice %arg3[%dma_start3A_351, %dma_start3A_352] : memref<1015808x32xf32, #tpu.memory_space<hbm>> -> memref<1015808x32xf32, #tpu.memory_space<hbm>>
        tpu.enqueue_indirect_dma source(%dma_start3A_353 : memref<1015808x32xf32, #tpu.memory_space<hbm>>) target(%dma_start3A_347 : memref<128x32xf32, #tpu.memory_space<vmem>>) offsets(%dma_start3A_350 : memref<128xi32, #tpu.memory_space<vmem>>) semaphore(%arg13 : memref<!tpu.dma_semaphore, #tpu.memory_space<semaphore_mem>>)
      } else {
      }
      %mul3A_284 = arith.constant 8 : i32
      %mul3A_285 = arith.muli %scan3A_112, %mul3A_284 : i32
      %add3A_286 = arith.constant 6 : i32
      %add3A_287 = arith.addi %mul3A_285, %add3A_286 : i32
      %dma_wait3A_288 = arith.constant 6 : i32
      %dma_wait3A_289 = arith.constant 0 : i32
      %dma_wait3A_290 = arith.constant 0 : i32
      %dma_wait3A_291 = tpu.memref_slice %arg6[%dma_wait3A_288, %dma_wait3A_289, %dma_wait3A_290] : memref<8x128x32xf32, #tpu.memory_space<vmem>> -> memref<1x128x32xf32, #tpu.memory_space<vmem>>
      %dma_wait3A_292 = tpu.memref_squeeze %dma_wait3A_291 : memref<1x128x32xf32, #tpu.memory_space<vmem>> -> memref<128x32xf32, #tpu.memory_space<vmem>>
      %dma_wait3A_293 = arith.constant 0 : i32
      %dma_wait3A_294 = tpu.memref_slice %arg5[%add3A_287, %dma_wait3A_293] : memref<200x128xi32, #tpu.memory_space<vmem>> -> memref<1x128xi32, #tpu.memory_space<vmem>>
      %dma_wait3A_295 = tpu.memref_squeeze %dma_wait3A_294 : memref<1x128xi32, #tpu.memory_space<vmem>> -> memref<128xi32, #tpu.memory_space<vmem>>
      %dma_wait3A_296 = arith.constant 0 : i32
      %dma_wait3A_297 = arith.constant 0 : i32
      %dma_wait3A_298 = tpu.memref_slice %arg3[%dma_wait3A_296, %dma_wait3A_297] : memref<1015808x32xf32, #tpu.memory_space<hbm>> -> memref<1015808x32xf32, #tpu.memory_space<hbm>>
      tpu.wait_indirect_dma semaphore(%arg14 : memref<!tpu.dma_semaphore, #tpu.memory_space<semaphore_mem>>) src(%dma_wait3A_298 : memref<1015808x32xf32, #tpu.memory_space<hbm>>) dst(%dma_wait3A_292 : memref<128x32xf32, #tpu.memory_space<vmem>>)
      %scan3A_299 = arith.constant 0 : i32
      %scan3A_300 = arith.constant 0 : i32
      %scan3A_301 = arith.constant 128 : i32
      %scan3A_302 = arith.addi %scan3A_300, %scan3A_301 : i32
      %scan3A_303 = arith.constant 8 : i32
      %scan3A_304 = scf.for %scan3A_343 = %scan3A_300 to %scan3A_302 step %scan3A_303 iter_args(%scan3A_344 = %scan3A_299) -> (i32)  : i32 {
        %get3A = arith.constant 6 : i32
        %get3A_345 = arith.index_cast %get3A : i32 to index
        %get3A_346 = arith.index_cast %scan3A_343 : i32 to index
        %get3A_347 = arith.constant 0 : index
        %get3A_348 = tpu.vector_load %arg6[%get3A_345, %get3A_346, %get3A_347] {strides = array<i32>} : memref<8x128x32xf32, #tpu.memory_space<vmem>>, vector<1x1x16xf32>,
        %get3A_349 = vector.shape_cast %get3A_348 : vector<1x1x16xf32> to vector<16xf32>
        %get3A_350 = arith.constant 6 : i32
        %get3A_351 = arith.index_cast %get3A_350 : i32 to index
        %get3A_352 = arith.index_cast %scan3A_343 : i32 to index
        %get3A_353 = arith.constant 16 : index
        %get3A_354 = tpu.vector_load %arg6[%get3A_351, %get3A_352, %get3A_353] {strides = array<i32>} : memref<8x128x32xf32, #tpu.memory_space<vmem>>, vector<1x1x16xf32>,
        %get3A_355 = vector.shape_cast %get3A_354 : vector<1x1x16xf32> to vector<16xf32>
        %swap3A = arith.index_cast %scan3A_343 : i32 to index
        %swap3A_356 = arith.constant 0 : index
        %swap3A_357 = tpu.vector_load %arg7[%swap3A, %swap3A_356] {strides = array<i32>} : memref<128x32xf32, #tpu.memory_space<vmem>>, vector<1x16xf32>,
        %swap3A_358 = vector.shape_cast %swap3A_357 : vector<1x16xf32> to vector<16xf32>
        %swap3A_359 = vector.shape_cast %get3A_349 : vector<16xf32> to vector<1x16xf32>
        tpu.vector_store %arg7[%swap3A, %swap3A_356], %swap3A_359 {add = true, strides = array<i32>} : memref<128x32xf32, #tpu.memory_space<vmem>>, vector<1x16xf32>,
        %swap3A_360 = arith.index_cast %scan3A_343 : i32 to index
        %swap3A_361 = arith.constant 16 : index
        %swap3A_362 = tpu.vector_load %arg7[%swap3A_360, %swap3A_361] {strides = array<i32>} : memref<128x32xf32, #tpu.memory_space<vmem>>, vector<1x16xf32>,
        %swap3A_363 = vector.shape_cast %swap3A_362 : vector<1x16xf32> to vector<16xf32>
        %swap3A_364 = vector.shape_cast %get3A_355 : vector<16xf32> to vector<1x16xf32>
        tpu.vector_store %arg7[%swap3A_360, %swap3A_361], %swap3A_364 {add = true, strides = array<i32>} : memref<128x32xf32, #tpu.memory_space<vmem>>, vector<1x16xf32>,
        %scan3A_365 = arith.constant 0 : i32
        %scan3A_366 = arith.constant 1 : i32
        %scan3A_367 = arith.addi %scan3A_343, %scan3A_366 : i32
        %get3A_368 = arith.constant 6 : i32
        %get3A_369 = arith.index_cast %get3A_368 : i32 to index
        %get3A_370 = arith.index_cast %scan3A_367 : i32 to index
        %get3A_371 = arith.constant 0 : index
        %get3A_372 = tpu.vector_load %arg6[%get3A_369, %get3A_370, %get3A_371] {strides = array<i32>} : memref<8x128x32xf32, #tpu.memory_space<vmem>>, vector<1x1x16xf32>,
        %get3A_373 = vector.shape_cast %get3A_372 : vector<1x1x16xf32> to vector<16xf32>
        %get3A_374 = arith.constant 6 : i32
        %get3A_375 = arith.index_cast %get3A_374 : i32 to index
        %get3A_376 = arith.index_cast %scan3A_367 : i32 to index
        %get3A_377 = arith.constant 16 : index
        %get3A_378 = tpu.vector_load %arg6[%get3A_375, %get3A_376, %get3A_377] {strides = array<i32>} : memref<8x128x32xf32, #tpu.memory_space<vmem>>, vector<1x1x16xf32>,
        %get3A_379 = vector.shape_cast %get3A_378 : vector<1x1x16xf32> to vector<16xf32>
        %swap3A_380 = arith.index_cast %scan3A_367 : i32 to index
        %swap3A_381 = arith.constant 0 : index
        %swap3A_382 = tpu.vector_load %arg7[%swap3A_380, %swap3A_381] {strides = array<i32>} : memref<128x32xf32, #tpu.memory_space<vmem>>, vector<1x16xf32>,
        %swap3A_383 = vector.shape_cast %swap3A_382 : vector<1x16xf32> to vector<16xf32>
        %swap3A_384 = vector.shape_cast %get3A_373 : vector<16xf32> to vector<1x16xf32>
        tpu.vector_store %arg7[%swap3A_380, %swap3A_381], %swap3A_384 {add = true, strides = array<i32>} : memref<128x32xf32, #tpu.memory_space<vmem>>, vector<1x16xf32>,
        %swap3A_385 = arith.index_cast %scan3A_367 : i32 to index
        %swap3A_386 = arith.constant 16 : index
        %swap3A_387 = tpu.vector_load %arg7[%swap3A_385, %swap3A_386] {strides = array<i32>} : memref<128x32xf32, #tpu.memory_space<vmem>>, vector<1x16xf32>,
        %swap3A_388 = vector.shape_cast %swap3A_387 : vector<1x16xf32> to vector<16xf32>
        %swap3A_389 = vector.shape_cast %get3A_379 : vector<16xf32> to vector<1x16xf32>
        tpu.vector_store %arg7[%swap3A_385, %swap3A_386], %swap3A_389 {add = true, strides = array<i32>} : memref<128x32xf32, #tpu.memory_space<vmem>>, vector<1x16xf32>,
        %scan3A_390 = arith.constant 0 : i32
        %scan3A_391 = arith.constant 2 : i32
        %scan3A_392 = arith.addi %scan3A_343, %scan3A_391 : i32
        %get3A_393 = arith.constant 6 : i32
        %get3A_394 = arith.index_cast %get3A_393 : i32 to index
        %get3A_395 = arith.index_cast %scan3A_392 : i32 to index
        %get3A_396 = arith.constant 0 : index
        %get3A_397 = tpu.vector_load %arg6[%get3A_394, %get3A_395, %get3A_396] {strides = array<i32>} : memref<8x128x32xf32, #tpu.memory_space<vmem>>, vector<1x1x16xf32>,
        %get3A_398 = vector.shape_cast %get3A_397 : vector<1x1x16xf32> to vector<16xf32>
        %get3A_399 = arith.constant 6 : i32
        %get3A_400 = arith.index_cast %get3A_399 : i32 to index
        %get3A_401 = arith.index_cast %scan3A_392 : i32 to index
        %get3A_402 = arith.constant 16 : index
        %get3A_403 = tpu.vector_load %arg6[%get3A_400, %get3A_401, %get3A_402] {strides = array<i32>} : memref<8x128x32xf32, #tpu.memory_space<vmem>>, vector<1x1x16xf32>,
        %get3A_404 = vector.shape_cast %get3A_403 : vector<1x1x16xf32> to vector<16xf32>
        %swap3A_405 = arith.index_cast %scan3A_392 : i32 to index
        %swap3A_406 = arith.constant 0 : index
        %swap3A_407 = tpu.vector_load %arg7[%swap3A_405, %swap3A_406] {strides = array<i32>} : memref<128x32xf32, #tpu.memory_space<vmem>>, vector<1x16xf32>,
        %swap3A_408 = vector.shape_cast %swap3A_407 : vector<1x16xf32> to vector<16xf32>
        %swap3A_409 = vector.shape_cast %get3A_398 : vector<16xf32> to vector<1x16xf32>
        tpu.vector_store %arg7[%swap3A_405, %swap3A_406], %swap3A_409 {add = true, strides = array<i32>} : memref<128x32xf32, #tpu.memory_space<vmem>>, vector<1x16xf32>,
        %swap3A_410 = arith.index_cast %scan3A_392 : i32 to index
        %swap3A_411 = arith.constant 16 : index
        %swap3A_412 = tpu.vector_load %arg7[%swap3A_410, %swap3A_411] {strides = array<i32>} : memref<128x32xf32, #tpu.memory_space<vmem>>, vector<1x16xf32>,
        %swap3A_413 = vector.shape_cast %swap3A_412 : vector<1x16xf32> to vector<16xf32>
        %swap3A_414 = vector.shape_cast %get3A_404 : vector<16xf32> to vector<1x16xf32>
        tpu.vector_store %arg7[%swap3A_410, %swap3A_411], %swap3A_414 {add = true, strides = array<i32>} : memref<128x32xf32, #tpu.memory_space<vmem>>, vector<1x16xf32>,
        %scan3A_415 = arith.constant 0 : i32
        %scan3A_416 = arith.constant 3 : i32
        %scan3A_417 = arith.addi %scan3A_343, %scan3A_416 : i32
        %get3A_418 = arith.constant 6 : i32
        %get3A_419 = arith.index_cast %get3A_418 : i32 to index
        %get3A_420 = arith.index_cast %scan3A_417 : i32 to index
        %get3A_421 = arith.constant 0 : index
        %get3A_422 = tpu.vector_load %arg6[%get3A_419, %get3A_420, %get3A_421] {strides = array<i32>} : memref<8x128x32xf32, #tpu.memory_space<vmem>>, vector<1x1x16xf32>,
        %get3A_423 = vector.shape_cast %get3A_422 : vector<1x1x16xf32> to vector<16xf32>
        %get3A_424 = arith.constant 6 : i32
        %get3A_425 = arith.index_cast %get3A_424 : i32 to index
        %get3A_426 = arith.index_cast %scan3A_417 : i32 to index
        %get3A_427 = arith.constant 16 : index
        %get3A_428 = tpu.vector_load %arg6[%get3A_425, %get3A_426, %get3A_427] {strides = array<i32>} : memref<8x128x32xf32, #tpu.memory_space<vmem>>, vector<1x1x16xf32>,
        %get3A_429 = vector.shape_cast %get3A_428 : vector<1x1x16xf32> to vector<16xf32>
        %swap3A_430 = arith.index_cast %scan3A_417 : i32 to index
        %swap3A_431 = arith.constant 0 : index
        %swap3A_432 = tpu.vector_load %arg7[%swap3A_430, %swap3A_431] {strides = array<i32>} : memref<128x32xf32, #tpu.memory_space<vmem>>, vector<1x16xf32>,
        %swap3A_433 = vector.shape_cast %swap3A_432 : vector<1x16xf32> to vector<16xf32>
        %swap3A_434 = vector.shape_cast %get3A_423 : vector<16xf32> to vector<1x16xf32>
        tpu.vector_store %arg7[%swap3A_430, %swap3A_431], %swap3A_434 {add = true, strides = array<i32>} : memref<128x32xf32, #tpu.memory_space<vmem>>, vector<1x16xf32>,
        %swap3A_435 = arith.index_cast %scan3A_417 : i32 to index
        %swap3A_436 = arith.constant 16 : index
        %swap3A_437 = tpu.vector_load %arg7[%swap3A_435, %swap3A_436] {strides = array<i32>} : memref<128x32xf32, #tpu.memory_space<vmem>>, vector<1x16xf32>,
        %swap3A_438 = vector.shape_cast %swap3A_437 : vector<1x16xf32> to vector<16xf32>
        %swap3A_439 = vector.shape_cast %get3A_429 : vector<16xf32> to vector<1x16xf32>
        tpu.vector_store %arg7[%swap3A_435, %swap3A_436], %swap3A_439 {add = true, strides = array<i32>} : memref<128x32xf32, #tpu.memory_space<vmem>>, vector<1x16xf32>,
        %scan3A_440 = arith.constant 0 : i32
        %scan3A_441 = arith.constant 4 : i32
        %scan3A_442 = arith.addi %scan3A_343, %scan3A_441 : i32
        %get3A_443 = arith.constant 6 : i32
        %get3A_444 = arith.index_cast %get3A_443 : i32 to index
        %get3A_445 = arith.index_cast %scan3A_442 : i32 to index
        %get3A_446 = arith.constant 0 : index
        %get3A_447 = tpu.vector_load %arg6[%get3A_444, %get3A_445, %get3A_446] {strides = array<i32>} : memref<8x128x32xf32, #tpu.memory_space<vmem>>, vector<1x1x16xf32>,
        %get3A_448 = vector.shape_cast %get3A_447 : vector<1x1x16xf32> to vector<16xf32>
        %get3A_449 = arith.constant 6 : i32
        %get3A_450 = arith.index_cast %get3A_449 : i32 to index
        %get3A_451 = arith.index_cast %scan3A_442 : i32 to index
        %get3A_452 = arith.constant 16 : index
        %get3A_453 = tpu.vector_load %arg6[%get3A_450, %get3A_451, %get3A_452] {strides = array<i32>} : memref<8x128x32xf32, #tpu.memory_space<vmem>>, vector<1x1x16xf32>,
        %get3A_454 = vector.shape_cast %get3A_453 : vector<1x1x16xf32> to vector<16xf32>
        %swap3A_455 = arith.index_cast %scan3A_442 : i32 to index
        %swap3A_456 = arith.constant 0 : index
        %swap3A_457 = tpu.vector_load %arg7[%swap3A_455, %swap3A_456] {strides = array<i32>} : memref<128x32xf32, #tpu.memory_space<vmem>>, vector<1x16xf32>,
        %swap3A_458 = vector.shape_cast %swap3A_457 : vector<1x16xf32> to vector<16xf32>
        %swap3A_459 = vector.shape_cast %get3A_448 : vector<16xf32> to vector<1x16xf32>
        tpu.vector_store %arg7[%swap3A_455, %swap3A_456], %swap3A_459 {add = true, strides = array<i32>} : memref<128x32xf32, #tpu.memory_space<vmem>>, vector<1x16xf32>,
        %swap3A_460 = arith.index_cast %scan3A_442 : i32 to index
        %swap3A_461 = arith.constant 16 : index
        %swap3A_462 = tpu.vector_load %arg7[%swap3A_460, %swap3A_461] {strides = array<i32>} : memref<128x32xf32, #tpu.memory_space<vmem>>, vector<1x16xf32>,
        %swap3A_463 = vector.shape_cast %swap3A_462 : vector<1x16xf32> to vector<16xf32>
        %swap3A_464 = vector.shape_cast %get3A_454 : vector<16xf32> to vector<1x16xf32>
        tpu.vector_store %arg7[%swap3A_460, %swap3A_461], %swap3A_464 {add = true, strides = array<i32>} : memref<128x32xf32, #tpu.memory_space<vmem>>, vector<1x16xf32>,
        %scan3A_465 = arith.constant 0 : i32
        %scan3A_466 = arith.constant 5 : i32
        %scan3A_467 = arith.addi %scan3A_343, %scan3A_466 : i32
        %get3A_468 = arith.constant 6 : i32
        %get3A_469 = arith.index_cast %get3A_468 : i32 to index
        %get3A_470 = arith.index_cast %scan3A_467 : i32 to index
        %get3A_471 = arith.constant 0 : index
        %get3A_472 = tpu.vector_load %arg6[%get3A_469, %get3A_470, %get3A_471] {strides = array<i32>} : memref<8x128x32xf32, #tpu.memory_space<vmem>>, vector<1x1x16xf32>,
        %get3A_473 = vector.shape_cast %get3A_472 : vector<1x1x16xf32> to vector<16xf32>
        %get3A_474 = arith.constant 6 : i32
        %get3A_475 = arith.index_cast %get3A_474 : i32 to index
        %get3A_476 = arith.index_cast %scan3A_467 : i32 to index
        %get3A_477 = arith.constant 16 : index
        %get3A_478 = tpu.vector_load %arg6[%get3A_475, %get3A_476, %get3A_477] {strides = array<i32>} : memref<8x128x32xf32, #tpu.memory_space<vmem>>, vector<1x1x16xf32>,
        %get3A_479 = vector.shape_cast %get3A_478 : vector<1x1x16xf32> to vector<16xf32>
        %swap3A_480 = arith.index_cast %scan3A_467 : i32 to index
        %swap3A_481 = arith.constant 0 : index
        %swap3A_482 = tpu.vector_load %arg7[%swap3A_480, %swap3A_481] {strides = array<i32>} : memref<128x32xf32, #tpu.memory_space<vmem>>, vector<1x16xf32>,
        %swap3A_483 = vector.shape_cast %swap3A_482 : vector<1x16xf32> to vector<16xf32>
        %swap3A_484 = vector.shape_cast %get3A_473 : vector<16xf32> to vector<1x16xf32>
        tpu.vector_store %arg7[%swap3A_480, %swap3A_481], %swap3A_484 {add = true, strides = array<i32>} : memref<128x32xf32, #tpu.memory_space<vmem>>, vector<1x16xf32>,
        %swap3A_485 = arith.index_cast %scan3A_467 : i32 to index
        %swap3A_486 = arith.constant 16 : index
        %swap3A_487 = tpu.vector_load %arg7[%swap3A_485, %swap3A_486] {strides = array<i32>} : memref<128x32xf32, #tpu.memory_space<vmem>>, vector<1x16xf32>,
        %swap3A_488 = vector.shape_cast %swap3A_487 : vector<1x16xf32> to vector<16xf32>
        %swap3A_489 = vector.shape_cast %get3A_479 : vector<16xf32> to vector<1x16xf32>
        tpu.vector_store %arg7[%swap3A_485, %swap3A_486], %swap3A_489 {add = true, strides = array<i32>} : memref<128x32xf32, #tpu.memory_space<vmem>>, vector<1x16xf32>,
        %scan3A_490 = arith.constant 0 : i32
        %scan3A_491 = arith.constant 6 : i32
        %scan3A_492 = arith.addi %scan3A_343, %scan3A_491 : i32
        %get3A_493 = arith.constant 6 : i32
        %get3A_494 = arith.index_cast %get3A_493 : i32 to index
        %get3A_495 = arith.index_cast %scan3A_492 : i32 to index
        %get3A_496 = arith.constant 0 : index
        %get3A_497 = tpu.vector_load %arg6[%get3A_494, %get3A_495, %get3A_496] {strides = array<i32>} : memref<8x128x32xf32, #tpu.memory_space<vmem>>, vector<1x1x16xf32>,
        %get3A_498 = vector.shape_cast %get3A_497 : vector<1x1x16xf32> to vector<16xf32>
        %get3A_499 = arith.constant 6 : i32
        %get3A_500 = arith.index_cast %get3A_499 : i32 to index
        %get3A_501 = arith.index_cast %scan3A_492 : i32 to index
        %get3A_502 = arith.constant 16 : index
        %get3A_503 = tpu.vector_load %arg6[%get3A_500, %get3A_501, %get3A_502] {strides = array<i32>} : memref<8x128x32xf32, #tpu.memory_space<vmem>>, vector<1x1x16xf32>,
        %get3A_504 = vector.shape_cast %get3A_503 : vector<1x1x16xf32> to vector<16xf32>
        %swap3A_505 = arith.index_cast %scan3A_492 : i32 to index
        %swap3A_506 = arith.constant 0 : index
        %swap3A_507 = tpu.vector_load %arg7[%swap3A_505, %swap3A_506] {strides = array<i32>} : memref<128x32xf32, #tpu.memory_space<vmem>>, vector<1x16xf32>,
        %swap3A_508 = vector.shape_cast %swap3A_507 : vector<1x16xf32> to vector<16xf32>
        %swap3A_509 = vector.shape_cast %get3A_498 : vector<16xf32> to vector<1x16xf32>
        tpu.vector_store %arg7[%swap3A_505, %swap3A_506], %swap3A_509 {add = true, strides = array<i32>} : memref<128x32xf32, #tpu.memory_space<vmem>>, vector<1x16xf32>,
        %swap3A_510 = arith.index_cast %scan3A_492 : i32 to index
        %swap3A_511 = arith.constant 16 : index
        %swap3A_512 = tpu.vector_load %arg7[%swap3A_510, %swap3A_511] {strides = array<i32>} : memref<128x32xf32, #tpu.memory_space<vmem>>, vector<1x16xf32>,
        %swap3A_513 = vector.shape_cast %swap3A_512 : vector<1x16xf32> to vector<16xf32>
        %swap3A_514 = vector.shape_cast %get3A_504 : vector<16xf32> to vector<1x16xf32>
        tpu.vector_store %arg7[%swap3A_510, %swap3A_511], %swap3A_514 {add = true, strides = array<i32>} : memref<128x32xf32, #tpu.memory_space<vmem>>, vector<1x16xf32>,
        %scan3A_515 = arith.constant 0 : i32
        %scan3A_516 = arith.constant 7 : i32
        %scan3A_517 = arith.addi %scan3A_343, %scan3A_516 : i32
        %get3A_518 = arith.constant 6 : i32
        %get3A_519 = arith.index_cast %get3A_518 : i32 to index
        %get3A_520 = arith.index_cast %scan3A_517 : i32 to index
        %get3A_521 = arith.constant 0 : index
        %get3A_522 = tpu.vector_load %arg6[%get3A_519, %get3A_520, %get3A_521] {strides = array<i32>} : memref<8x128x32xf32, #tpu.memory_space<vmem>>, vector<1x1x16xf32>,
        %get3A_523 = vector.shape_cast %get3A_522 : vector<1x1x16xf32> to vector<16xf32>
        %get3A_524 = arith.constant 6 : i32
        %get3A_525 = arith.index_cast %get3A_524 : i32 to index
        %get3A_526 = arith.index_cast %scan3A_517 : i32 to index
        %get3A_527 = arith.constant 16 : index
        %get3A_528 = tpu.vector_load %arg6[%get3A_525, %get3A_526, %get3A_527] {strides = array<i32>} : memref<8x128x32xf32, #tpu.memory_space<vmem>>, vector<1x1x16xf32>,
        %get3A_529 = vector.shape_cast %get3A_528 : vector<1x1x16xf32> to vector<16xf32>
        %swap3A_530 = arith.index_cast %scan3A_517 : i32 to index
        %swap3A_531 = arith.constant 0 : index
        %swap3A_532 = tpu.vector_load %arg7[%swap3A_530, %swap3A_531] {strides = array<i32>} : memref<128x32xf32, #tpu.memory_space<vmem>>, vector<1x16xf32>,
        %swap3A_533 = vector.shape_cast %swap3A_532 : vector<1x16xf32> to vector<16xf32>
        %swap3A_534 = vector.shape_cast %get3A_523 : vector<16xf32> to vector<1x16xf32>
        tpu.vector_store %arg7[%swap3A_530, %swap3A_531], %swap3A_534 {add = true, strides = array<i32>} : memref<128x32xf32, #tpu.memory_space<vmem>>, vector<1x16xf32>,
        %swap3A_535 = arith.index_cast %scan3A_517 : i32 to index
        %swap3A_536 = arith.constant 16 : index
        %swap3A_537 = tpu.vector_load %arg7[%swap3A_535, %swap3A_536] {strides = array<i32>} : memref<128x32xf32, #tpu.memory_space<vmem>>, vector<1x16xf32>,
        %swap3A_538 = vector.shape_cast %swap3A_537 : vector<1x16xf32> to vector<16xf32>
        %swap3A_539 = vector.shape_cast %get3A_529 : vector<16xf32> to vector<1x16xf32>
        tpu.vector_store %arg7[%swap3A_535, %swap3A_536], %swap3A_539 {add = true, strides = array<i32>} : memref<128x32xf32, #tpu.memory_space<vmem>>, vector<1x16xf32>,
        %scan3A_540 = arith.constant 0 : i32
        scf.yield %scan3A_540 : i32
      }
      %scan3A_305 = arith.constant 128 : i32
      %add3A_306 = arith.constant 8 : i32
      %add3A_307 = arith.addi %add3A_287, %add3A_306 : i32
      %lt3A_308 = arith.constant 200 : i32
      %lt3A_309 = arith.cmpi slt, %add3A_307, %lt3A_308 : i32
      %convert_element_type3A_310 = arith.extui %lt3A_309 : i1 to i32
      %cond3A_311 = arith.constant 0 : i32
      %cond3A_312 = arith.cmpi ne, %convert_element_type3A_310, %cond3A_311 : i32
      scf.if %cond3A_312 {
        %dma_start3A_343 = arith.constant 6 : i32
        %dma_start3A_344 = arith.constant 0 : i32
        %dma_start3A_345 = arith.constant 0 : i32
        %dma_start3A_346 = tpu.memref_slice %arg6[%dma_start3A_343, %dma_start3A_344, %dma_start3A_345] : memref<8x128x32xf32, #tpu.memory_space<vmem>> -> memref<1x128x32xf32, #tpu.memory_space<vmem>>
        %dma_start3A_347 = tpu.memref_squeeze %dma_start3A_346 : memref<1x128x32xf32, #tpu.memory_space<vmem>> -> memref<128x32xf32, #tpu.memory_space<vmem>>
        %dma_start3A_348 = arith.constant 0 : i32
        %dma_start3A_349 = tpu.memref_slice %arg5[%add3A_307, %dma_start3A_348] : memref<200x128xi32, #tpu.memory_space<vmem>> -> memref<1x128xi32, #tpu.memory_space<vmem>>
        %dma_start3A_350 = tpu.memref_squeeze %dma_start3A_349 : memref<1x128xi32, #tpu.memory_space<vmem>> -> memref<128xi32, #tpu.memory_space<vmem>>
        %dma_start3A_351 = arith.constant 0 : i32
        %dma_start3A_352 = arith.constant 0 : i32
        %dma_start3A_353 = tpu.memref_slice %arg3[%dma_start3A_351, %dma_start3A_352] : memref<1015808x32xf32, #tpu.memory_space<hbm>> -> memref<1015808x32xf32, #tpu.memory_space<hbm>>
        tpu.enqueue_indirect_dma source(%dma_start3A_353 : memref<1015808x32xf32, #tpu.memory_space<hbm>>) target(%dma_start3A_347 : memref<128x32xf32, #tpu.memory_space<vmem>>) offsets(%dma_start3A_350 : memref<128xi32, #tpu.memory_space<vmem>>) semaphore(%arg14 : memref<!tpu.dma_semaphore, #tpu.memory_space<semaphore_mem>>)
      } else {
      }
      %mul3A_313 = arith.constant 8 : i32
      %mul3A_314 = arith.muli %scan3A_112, %mul3A_313 : i32
      %add3A_315 = arith.constant 7 : i32
      %add3A_316 = arith.addi %mul3A_314, %add3A_315 : i32
      %dma_wait3A_317 = arith.constant 7 : i32
      %dma_wait3A_318 = arith.constant 0 : i32
      %dma_wait3A_319 = arith.constant 0 : i32
      %dma_wait3A_320 = tpu.memref_slice %arg6[%dma_wait3A_317, %dma_wait3A_318, %dma_wait3A_319] : memref<8x128x32xf32, #tpu.memory_space<vmem>> -> memref<1x128x32xf32, #tpu.memory_space<vmem>>
      %dma_wait3A_321 = tpu.memref_squeeze %dma_wait3A_320 : memref<1x128x32xf32, #tpu.memory_space<vmem>> -> memref<128x32xf32, #tpu.memory_space<vmem>>
      %dma_wait3A_322 = arith.constant 0 : i32
      %dma_wait3A_323 = tpu.memref_slice %arg5[%add3A_316, %dma_wait3A_322] : memref<200x128xi32, #tpu.memory_space<vmem>> -> memref<1x128xi32, #tpu.memory_space<vmem>>
      %dma_wait3A_324 = tpu.memref_squeeze %dma_wait3A_323 : memref<1x128xi32, #tpu.memory_space<vmem>> -> memref<128xi32, #tpu.memory_space<vmem>>
      %dma_wait3A_325 = arith.constant 0 : i32
      %dma_wait3A_326 = arith.constant 0 : i32
      %dma_wait3A_327 = tpu.memref_slice %arg3[%dma_wait3A_325, %dma_wait3A_326] : memref<1015808x32xf32, #tpu.memory_space<hbm>> -> memref<1015808x32xf32, #tpu.memory_space<hbm>>
      tpu.wait_indirect_dma semaphore(%arg15 : memref<!tpu.dma_semaphore, #tpu.memory_space<semaphore_mem>>) src(%dma_wait3A_327 : memref<1015808x32xf32, #tpu.memory_space<hbm>>) dst(%dma_wait3A_321 : memref<128x32xf32, #tpu.memory_space<vmem>>)
      %scan3A_328 = arith.constant 0 : i32
      %scan3A_329 = arith.constant 0 : i32
      %scan3A_330 = arith.constant 128 : i32
      %scan3A_331 = arith.addi %scan3A_329, %scan3A_330 : i32
      %scan3A_332 = arith.constant 8 : i32
      %scan3A_333 = scf.for %scan3A_343 = %scan3A_329 to %scan3A_331 step %scan3A_332 iter_args(%scan3A_344 = %scan3A_328) -> (i32)  : i32 {
        %get3A = arith.constant 7 : i32
        %get3A_345 = arith.index_cast %get3A : i32 to index
        %get3A_346 = arith.index_cast %scan3A_343 : i32 to index
        %get3A_347 = arith.constant 0 : index
        %get3A_348 = tpu.vector_load %arg6[%get3A_345, %get3A_346, %get3A_347] {strides = array<i32>} : memref<8x128x32xf32, #tpu.memory_space<vmem>>, vector<1x1x16xf32>,
        %get3A_349 = vector.shape_cast %get3A_348 : vector<1x1x16xf32> to vector<16xf32>
        %get3A_350 = arith.constant 7 : i32
        %get3A_351 = arith.index_cast %get3A_350 : i32 to index
        %get3A_352 = arith.index_cast %scan3A_343 : i32 to index
        %get3A_353 = arith.constant 16 : index
        %get3A_354 = tpu.vector_load %arg6[%get3A_351, %get3A_352, %get3A_353] {strides = array<i32>} : memref<8x128x32xf32, #tpu.memory_space<vmem>>, vector<1x1x16xf32>,
        %get3A_355 = vector.shape_cast %get3A_354 : vector<1x1x16xf32> to vector<16xf32>
        %swap3A = arith.index_cast %scan3A_343 : i32 to index
        %swap3A_356 = arith.constant 0 : index
        %swap3A_357 = tpu.vector_load %arg7[%swap3A, %swap3A_356] {strides = array<i32>} : memref<128x32xf32, #tpu.memory_space<vmem>>, vector<1x16xf32>,
        %swap3A_358 = vector.shape_cast %swap3A_357 : vector<1x16xf32> to vector<16xf32>
        %swap3A_359 = vector.shape_cast %get3A_349 : vector<16xf32> to vector<1x16xf32>
        tpu.vector_store %arg7[%swap3A, %swap3A_356], %swap3A_359 {add = true, strides = array<i32>} : memref<128x32xf32, #tpu.memory_space<vmem>>, vector<1x16xf32>,
        %swap3A_360 = arith.index_cast %scan3A_343 : i32 to index
        %swap3A_361 = arith.constant 16 : index
        %swap3A_362 = tpu.vector_load %arg7[%swap3A_360, %swap3A_361] {strides = array<i32>} : memref<128x32xf32, #tpu.memory_space<vmem>>, vector<1x16xf32>,
        %swap3A_363 = vector.shape_cast %swap3A_362 : vector<1x16xf32> to vector<16xf32>
        %swap3A_364 = vector.shape_cast %get3A_355 : vector<16xf32> to vector<1x16xf32>
        tpu.vector_store %arg7[%swap3A_360, %swap3A_361], %swap3A_364 {add = true, strides = array<i32>} : memref<128x32xf32, #tpu.memory_space<vmem>>, vector<1x16xf32>,
        %scan3A_365 = arith.constant 0 : i32
        %scan3A_366 = arith.constant 1 : i32
        %scan3A_367 = arith.addi %scan3A_343, %scan3A_366 : i32
        %get3A_368 = arith.constant 7 : i32
        %get3A_369 = arith.index_cast %get3A_368 : i32 to index
        %get3A_370 = arith.index_cast %scan3A_367 : i32 to index
        %get3A_371 = arith.constant 0 : index
        %get3A_372 = tpu.vector_load %arg6[%get3A_369, %get3A_370, %get3A_371] {strides = array<i32>} : memref<8x128x32xf32, #tpu.memory_space<vmem>>, vector<1x1x16xf32>,
        %get3A_373 = vector.shape_cast %get3A_372 : vector<1x1x16xf32> to vector<16xf32>
        %get3A_374 = arith.constant 7 : i32
        %get3A_375 = arith.index_cast %get3A_374 : i32 to index
        %get3A_376 = arith.index_cast %scan3A_367 : i32 to index
        %get3A_377 = arith.constant 16 : index
        %get3A_378 = tpu.vector_load %arg6[%get3A_375, %get3A_376, %get3A_377] {strides = array<i32>} : memref<8x128x32xf32, #tpu.memory_space<vmem>>, vector<1x1x16xf32>,
        %get3A_379 = vector.shape_cast %get3A_378 : vector<1x1x16xf32> to vector<16xf32>
        %swap3A_380 = arith.index_cast %scan3A_367 : i32 to index
        %swap3A_381 = arith.constant 0 : index
        %swap3A_382 = tpu.vector_load %arg7[%swap3A_380, %swap3A_381] {strides = array<i32>} : memref<128x32xf32, #tpu.memory_space<vmem>>, vector<1x16xf32>,
        %swap3A_383 = vector.shape_cast %swap3A_382 : vector<1x16xf32> to vector<16xf32>
        %swap3A_384 = vector.shape_cast %get3A_373 : vector<16xf32> to vector<1x16xf32>
        tpu.vector_store %arg7[%swap3A_380, %swap3A_381], %swap3A_384 {add = true, strides = array<i32>} : memref<128x32xf32, #tpu.memory_space<vmem>>, vector<1x16xf32>,
        %swap3A_385 = arith.index_cast %scan3A_367 : i32 to index
        %swap3A_386 = arith.constant 16 : index
        %swap3A_387 = tpu.vector_load %arg7[%swap3A_385, %swap3A_386] {strides = array<i32>} : memref<128x32xf32, #tpu.memory_space<vmem>>, vector<1x16xf32>,
        %swap3A_388 = vector.shape_cast %swap3A_387 : vector<1x16xf32> to vector<16xf32>
        %swap3A_389 = vector.shape_cast %get3A_379 : vector<16xf32> to vector<1x16xf32>
        tpu.vector_store %arg7[%swap3A_385, %swap3A_386], %swap3A_389 {add = true, strides = array<i32>} : memref<128x32xf32, #tpu.memory_space<vmem>>, vector<1x16xf32>,
        %scan3A_390 = arith.constant 0 : i32
        %scan3A_391 = arith.constant 2 : i32
        %scan3A_392 = arith.addi %scan3A_343, %scan3A_391 : i32
        %get3A_393 = arith.constant 7 : i32
        %get3A_394 = arith.index_cast %get3A_393 : i32 to index
        %get3A_395 = arith.index_cast %scan3A_392 : i32 to index
        %get3A_396 = arith.constant 0 : index
        %get3A_397 = tpu.vector_load %arg6[%get3A_394, %get3A_395, %get3A_396] {strides = array<i32>} : memref<8x128x32xf32, #tpu.memory_space<vmem>>, vector<1x1x16xf32>,
        %get3A_398 = vector.shape_cast %get3A_397 : vector<1x1x16xf32> to vector<16xf32>
        %get3A_399 = arith.constant 7 : i32
        %get3A_400 = arith.index_cast %get3A_399 : i32 to index
        %get3A_401 = arith.index_cast %scan3A_392 : i32 to index
        %get3A_402 = arith.constant 16 : index
        %get3A_403 = tpu.vector_load %arg6[%get3A_400, %get3A_401, %get3A_402] {strides = array<i32>} : memref<8x128x32xf32, #tpu.memory_space<vmem>>, vector<1x1x16xf32>,
        %get3A_404 = vector.shape_cast %get3A_403 : vector<1x1x16xf32> to vector<16xf32>
        %swap3A_405 = arith.index_cast %scan3A_392 : i32 to index
        %swap3A_406 = arith.constant 0 : index
        %swap3A_407 = tpu.vector_load %arg7[%swap3A_405, %swap3A_406] {strides = array<i32>} : memref<128x32xf32, #tpu.memory_space<vmem>>, vector<1x16xf32>,
        %swap3A_408 = vector.shape_cast %swap3A_407 : vector<1x16xf32> to vector<16xf32>
        %swap3A_409 = vector.shape_cast %get3A_398 : vector<16xf32> to vector<1x16xf32>
        tpu.vector_store %arg7[%swap3A_405, %swap3A_406], %swap3A_409 {add = true, strides = array<i32>} : memref<128x32xf32, #tpu.memory_space<vmem>>, vector<1x16xf32>,
        %swap3A_410 = arith.index_cast %scan3A_392 : i32 to index
        %swap3A_411 = arith.constant 16 : index
        %swap3A_412 = tpu.vector_load %arg7[%swap3A_410, %swap3A_411] {strides = array<i32>} : memref<128x32xf32, #tpu.memory_space<vmem>>, vector<1x16xf32>,
        %swap3A_413 = vector.shape_cast %swap3A_412 : vector<1x16xf32> to vector<16xf32>
        %swap3A_414 = vector.shape_cast %get3A_404 : vector<16xf32> to vector<1x16xf32>
        tpu.vector_store %arg7[%swap3A_410, %swap3A_411], %swap3A_414 {add = true, strides = array<i32>} : memref<128x32xf32, #tpu.memory_space<vmem>>, vector<1x16xf32>,
        %scan3A_415 = arith.constant 0 : i32
        %scan3A_416 = arith.constant 3 : i32
        %scan3A_417 = arith.addi %scan3A_343, %scan3A_416 : i32
        %get3A_418 = arith.constant 7 : i32
        %get3A_419 = arith.index_cast %get3A_418 : i32 to index
        %get3A_420 = arith.index_cast %scan3A_417 : i32 to index
        %get3A_421 = arith.constant 0 : index
        %get3A_422 = tpu.vector_load %arg6[%get3A_419, %get3A_420, %get3A_421] {strides = array<i32>} : memref<8x128x32xf32, #tpu.memory_space<vmem>>, vector<1x1x16xf32>,
        %get3A_423 = vector.shape_cast %get3A_422 : vector<1x1x16xf32> to vector<16xf32>
        %get3A_424 = arith.constant 7 : i32
        %get3A_425 = arith.index_cast %get3A_424 : i32 to index
        %get3A_426 = arith.index_cast %scan3A_417 : i32 to index
        %get3A_427 = arith.constant 16 : index
        %get3A_428 = tpu.vector_load %arg6[%get3A_425, %get3A_426, %get3A_427] {strides = array<i32>} : memref<8x128x32xf32, #tpu.memory_space<vmem>>, vector<1x1x16xf32>,
        %get3A_429 = vector.shape_cast %get3A_428 : vector<1x1x16xf32> to vector<16xf32>
        %swap3A_430 = arith.index_cast %scan3A_417 : i32 to index
        %swap3A_431 = arith.constant 0 : index
        %swap3A_432 = tpu.vector_load %arg7[%swap3A_430, %swap3A_431] {strides = array<i32>} : memref<128x32xf32, #tpu.memory_space<vmem>>, vector<1x16xf32>,
        %swap3A_433 = vector.shape_cast %swap3A_432 : vector<1x16xf32> to vector<16xf32>
        %swap3A_434 = vector.shape_cast %get3A_423 : vector<16xf32> to vector<1x16xf32>
        tpu.vector_store %arg7[%swap3A_430, %swap3A_431], %swap3A_434 {add = true, strides = array<i32>} : memref<128x32xf32, #tpu.memory_space<vmem>>, vector<1x16xf32>,
        %swap3A_435 = arith.index_cast %scan3A_417 : i32 to index
        %swap3A_436 = arith.constant 16 : index
        %swap3A_437 = tpu.vector_load %arg7[%swap3A_435, %swap3A_436] {strides = array<i32>} : memref<128x32xf32, #tpu.memory_space<vmem>>, vector<1x16xf32>,
        %swap3A_438 = vector.shape_cast %swap3A_437 : vector<1x16xf32> to vector<16xf32>
        %swap3A_439 = vector.shape_cast %get3A_429 : vector<16xf32> to vector<1x16xf32>
        tpu.vector_store %arg7[%swap3A_435, %swap3A_436], %swap3A_439 {add = true, strides = array<i32>} : memref<128x32xf32, #tpu.memory_space<vmem>>, vector<1x16xf32>,
        %scan3A_440 = arith.constant 0 : i32
        %scan3A_441 = arith.constant 4 : i32
        %scan3A_442 = arith.addi %scan3A_343, %scan3A_441 : i32
        %get3A_443 = arith.constant 7 : i32
        %get3A_444 = arith.index_cast %get3A_443 : i32 to index
        %get3A_445 = arith.index_cast %scan3A_442 : i32 to index
        %get3A_446 = arith.constant 0 : index
        %get3A_447 = tpu.vector_load %arg6[%get3A_444, %get3A_445, %get3A_446] {strides = array<i32>} : memref<8x128x32xf32, #tpu.memory_space<vmem>>, vector<1x1x16xf32>,
        %get3A_448 = vector.shape_cast %get3A_447 : vector<1x1x16xf32> to vector<16xf32>
        %get3A_449 = arith.constant 7 : i32
        %get3A_450 = arith.index_cast %get3A_449 : i32 to index
        %get3A_451 = arith.index_cast %scan3A_442 : i32 to index
        %get3A_452 = arith.constant 16 : index
        %get3A_453 = tpu.vector_load %arg6[%get3A_450, %get3A_451, %get3A_452] {strides = array<i32>} : memref<8x128x32xf32, #tpu.memory_space<vmem>>, vector<1x1x16xf32>,
        %get3A_454 = vector.shape_cast %get3A_453 : vector<1x1x16xf32> to vector<16xf32>
        %swap3A_455 = arith.index_cast %scan3A_442 : i32 to index
        %swap3A_456 = arith.constant 0 : index
        %swap3A_457 = tpu.vector_load %arg7[%swap3A_455, %swap3A_456] {strides = array<i32>} : memref<128x32xf32, #tpu.memory_space<vmem>>, vector<1x16xf32>,
        %swap3A_458 = vector.shape_cast %swap3A_457 : vector<1x16xf32> to vector<16xf32>
        %swap3A_459 = vector.shape_cast %get3A_448 : vector<16xf32> to vector<1x16xf32>
        tpu.vector_store %arg7[%swap3A_455, %swap3A_456], %swap3A_459 {add = true, strides = array<i32>} : memref<128x32xf32, #tpu.memory_space<vmem>>, vector<1x16xf32>,
        %swap3A_460 = arith.index_cast %scan3A_442 : i32 to index
        %swap3A_461 = arith.constant 16 : index
        %swap3A_462 = tpu.vector_load %arg7[%swap3A_460, %swap3A_461] {strides = array<i32>} : memref<128x32xf32, #tpu.memory_space<vmem>>, vector<1x16xf32>,
        %swap3A_463 = vector.shape_cast %swap3A_462 : vector<1x16xf32> to vector<16xf32>
        %swap3A_464 = vector.shape_cast %get3A_454 : vector<16xf32> to vector<1x16xf32>
        tpu.vector_store %arg7[%swap3A_460, %swap3A_461], %swap3A_464 {add = true, strides = array<i32>} : memref<128x32xf32, #tpu.memory_space<vmem>>, vector<1x16xf32>,
        %scan3A_465 = arith.constant 0 : i32
        %scan3A_466 = arith.constant 5 : i32
        %scan3A_467 = arith.addi %scan3A_343, %scan3A_466 : i32
        %get3A_468 = arith.constant 7 : i32
        %get3A_469 = arith.index_cast %get3A_468 : i32 to index
        %get3A_470 = arith.index_cast %scan3A_467 : i32 to index
        %get3A_471 = arith.constant 0 : index
        %get3A_472 = tpu.vector_load %arg6[%get3A_469, %get3A_470, %get3A_471] {strides = array<i32>} : memref<8x128x32xf32, #tpu.memory_space<vmem>>, vector<1x1x16xf32>,
        %get3A_473 = vector.shape_cast %get3A_472 : vector<1x1x16xf32> to vector<16xf32>
        %get3A_474 = arith.constant 7 : i32
        %get3A_475 = arith.index_cast %get3A_474 : i32 to index
        %get3A_476 = arith.index_cast %scan3A_467 : i32 to index
        %get3A_477 = arith.constant 16 : index
        %get3A_478 = tpu.vector_load %arg6[%get3A_475, %get3A_476, %get3A_477] {strides = array<i32>} : memref<8x128x32xf32, #tpu.memory_space<vmem>>, vector<1x1x16xf32>,
        %get3A_479 = vector.shape_cast %get3A_478 : vector<1x1x16xf32> to vector<16xf32>
        %swap3A_480 = arith.index_cast %scan3A_467 : i32 to index
        %swap3A_481 = arith.constant 0 : index
        %swap3A_482 = tpu.vector_load %arg7[%swap3A_480, %swap3A_481] {strides = array<i32>} : memref<128x32xf32, #tpu.memory_space<vmem>>, vector<1x16xf32>,
        %swap3A_483 = vector.shape_cast %swap3A_482 : vector<1x16xf32> to vector<16xf32>
        %swap3A_484 = vector.shape_cast %get3A_473 : vector<16xf32> to vector<1x16xf32>
        tpu.vector_store %arg7[%swap3A_480, %swap3A_481], %swap3A_484 {add = true, strides = array<i32>} : memref<128x32xf32, #tpu.memory_space<vmem>>, vector<1x16xf32>,
        %swap3A_485 = arith.index_cast %scan3A_467 : i32 to index
        %swap3A_486 = arith.constant 16 : index
        %swap3A_487 = tpu.vector_load %arg7[%swap3A_485, %swap3A_486] {strides = array<i32>} : memref<128x32xf32, #tpu.memory_space<vmem>>, vector<1x16xf32>,
        %swap3A_488 = vector.shape_cast %swap3A_487 : vector<1x16xf32> to vector<16xf32>
        %swap3A_489 = vector.shape_cast %get3A_479 : vector<16xf32> to vector<1x16xf32>
        tpu.vector_store %arg7[%swap3A_485, %swap3A_486], %swap3A_489 {add = true, strides = array<i32>} : memref<128x32xf32, #tpu.memory_space<vmem>>, vector<1x16xf32>,
        %scan3A_490 = arith.constant 0 : i32
        %scan3A_491 = arith.constant 6 : i32
        %scan3A_492 = arith.addi %scan3A_343, %scan3A_491 : i32
        %get3A_493 = arith.constant 7 : i32
        %get3A_494 = arith.index_cast %get3A_493 : i32 to index
        %get3A_495 = arith.index_cast %scan3A_492 : i32 to index
        %get3A_496 = arith.constant 0 : index
        %get3A_497 = tpu.vector_load %arg6[%get3A_494, %get3A_495, %get3A_496] {strides = array<i32>} : memref<8x128x32xf32, #tpu.memory_space<vmem>>, vector<1x1x16xf32>,
        %get3A_498 = vector.shape_cast %get3A_497 : vector<1x1x16xf32> to vector<16xf32>
        %get3A_499 = arith.constant 7 : i32
        %get3A_500 = arith.index_cast %get3A_499 : i32 to index
        %get3A_501 = arith.index_cast %scan3A_492 : i32 to index
        %get3A_502 = arith.constant 16 : index
        %get3A_503 = tpu.vector_load %arg6[%get3A_500, %get3A_501, %get3A_502] {strides = array<i32>} : memref<8x128x32xf32, #tpu.memory_space<vmem>>, vector<1x1x16xf32>,
        %get3A_504 = vector.shape_cast %get3A_503 : vector<1x1x16xf32> to vector<16xf32>
        %swap3A_505 = arith.index_cast %scan3A_492 : i32 to index
        %swap3A_506 = arith.constant 0 : index
        %swap3A_507 = tpu.vector_load %arg7[%swap3A_505, %swap3A_506] {strides = array<i32>} : memref<128x32xf32, #tpu.memory_space<vmem>>, vector<1x16xf32>,
        %swap3A_508 = vector.shape_cast %swap3A_507 : vector<1x16xf32> to vector<16xf32>
        %swap3A_509 = vector.shape_cast %get3A_498 : vector<16xf32> to vector<1x16xf32>
        tpu.vector_store %arg7[%swap3A_505, %swap3A_506], %swap3A_509 {add = true, strides = array<i32>} : memref<128x32xf32, #tpu.memory_space<vmem>>, vector<1x16xf32>,
        %swap3A_510 = arith.index_cast %scan3A_492 : i32 to index
        %swap3A_511 = arith.constant 16 : index
        %swap3A_512 = tpu.vector_load %arg7[%swap3A_510, %swap3A_511] {strides = array<i32>} : memref<128x32xf32, #tpu.memory_space<vmem>>, vector<1x16xf32>,
        %swap3A_513 = vector.shape_cast %swap3A_512 : vector<1x16xf32> to vector<16xf32>
        %swap3A_514 = vector.shape_cast %get3A_504 : vector<16xf32> to vector<1x16xf32>
        tpu.vector_store %arg7[%swap3A_510, %swap3A_511], %swap3A_514 {add = true, strides = array<i32>} : memref<128x32xf32, #tpu.memory_space<vmem>>, vector<1x16xf32>,
        %scan3A_515 = arith.constant 0 : i32
        %scan3A_516 = arith.constant 7 : i32
        %scan3A_517 = arith.addi %scan3A_343, %scan3A_516 : i32
        %get3A_518 = arith.constant 7 : i32
        %get3A_519 = arith.index_cast %get3A_518 : i32 to index
        %get3A_520 = arith.index_cast %scan3A_517 : i32 to index
        %get3A_521 = arith.constant 0 : index
        %get3A_522 = tpu.vector_load %arg6[%get3A_519, %get3A_520, %get3A_521] {strides = array<i32>} : memref<8x128x32xf32, #tpu.memory_space<vmem>>, vector<1x1x16xf32>,
        %get3A_523 = vector.shape_cast %get3A_522 : vector<1x1x16xf32> to vector<16xf32>
        %get3A_524 = arith.constant 7 : i32
        %get3A_525 = arith.index_cast %get3A_524 : i32 to index
        %get3A_526 = arith.index_cast %scan3A_517 : i32 to index
        %get3A_527 = arith.constant 16 : index
        %get3A_528 = tpu.vector_load %arg6[%get3A_525, %get3A_526, %get3A_527] {strides = array<i32>} : memref<8x128x32xf32, #tpu.memory_space<vmem>>, vector<1x1x16xf32>,
        %get3A_529 = vector.shape_cast %get3A_528 : vector<1x1x16xf32> to vector<16xf32>
        %swap3A_530 = arith.index_cast %scan3A_517 : i32 to index
        %swap3A_531 = arith.constant 0 : index
        %swap3A_532 = tpu.vector_load %arg7[%swap3A_530, %swap3A_531] {strides = array<i32>} : memref<128x32xf32, #tpu.memory_space<vmem>>, vector<1x16xf32>,
        %swap3A_533 = vector.shape_cast %swap3A_532 : vector<1x16xf32> to vector<16xf32>
        %swap3A_534 = vector.shape_cast %get3A_523 : vector<16xf32> to vector<1x16xf32>
        tpu.vector_store %arg7[%swap3A_530, %swap3A_531], %swap3A_534 {add = true, strides = array<i32>} : memref<128x32xf32, #tpu.memory_space<vmem>>, vector<1x16xf32>,
        %swap3A_535 = arith.index_cast %scan3A_517 : i32 to index
        %swap3A_536 = arith.constant 16 : index
        %swap3A_537 = tpu.vector_load %arg7[%swap3A_535, %swap3A_536] {strides = array<i32>} : memref<128x32xf32, #tpu.memory_space<vmem>>, vector<1x16xf32>,
        %swap3A_538 = vector.shape_cast %swap3A_537 : vector<1x16xf32> to vector<16xf32>
        %swap3A_539 = vector.shape_cast %get3A_529 : vector<16xf32> to vector<1x16xf32>
        tpu.vector_store %arg7[%swap3A_535, %swap3A_536], %swap3A_539 {add = true, strides = array<i32>} : memref<128x32xf32, #tpu.memory_space<vmem>>, vector<1x16xf32>,
        %scan3A_540 = arith.constant 0 : i32
        scf.yield %scan3A_540 : i32
      }
      %scan3A_334 = arith.constant 128 : i32
      %add3A_335 = arith.constant 8 : i32
      %add3A_336 = arith.addi %add3A_316, %add3A_335 : i32
      %lt3A_337 = arith.constant 200 : i32
      %lt3A_338 = arith.cmpi slt, %add3A_336, %lt3A_337 : i32
      %convert_element_type3A_339 = arith.extui %lt3A_338 : i1 to i32
      %cond3A_340 = arith.constant 0 : i32
      %cond3A_341 = arith.cmpi ne, %convert_element_type3A_339, %cond3A_340 : i32
      scf.if %cond3A_341 {
        %dma_start3A_343 = arith.constant 7 : i32
        %dma_start3A_344 = arith.constant 0 : i32
        %dma_start3A_345 = arith.constant 0 : i32
        %dma_start3A_346 = tpu.memref_slice %arg6[%dma_start3A_343, %dma_start3A_344, %dma_start3A_345] : memref<8x128x32xf32, #tpu.memory_space<vmem>> -> memref<1x128x32xf32, #tpu.memory_space<vmem>>
        %dma_start3A_347 = tpu.memref_squeeze %dma_start3A_346 : memref<1x128x32xf32, #tpu.memory_space<vmem>> -> memref<128x32xf32, #tpu.memory_space<vmem>>
        %dma_start3A_348 = arith.constant 0 : i32
        %dma_start3A_349 = tpu.memref_slice %arg5[%add3A_336, %dma_start3A_348] : memref<200x128xi32, #tpu.memory_space<vmem>> -> memref<1x128xi32, #tpu.memory_space<vmem>>
        %dma_start3A_350 = tpu.memref_squeeze %dma_start3A_349 : memref<1x128xi32, #tpu.memory_space<vmem>> -> memref<128xi32, #tpu.memory_space<vmem>>
        %dma_start3A_351 = arith.constant 0 : i32
        %dma_start3A_352 = arith.constant 0 : i32
        %dma_start3A_353 = tpu.memref_slice %arg3[%dma_start3A_351, %dma_start3A_352] : memref<1015808x32xf32, #tpu.memory_space<hbm>> -> memref<1015808x32xf32, #tpu.memory_space<hbm>>
        tpu.enqueue_indirect_dma source(%dma_start3A_353 : memref<1015808x32xf32, #tpu.memory_space<hbm>>) target(%dma_start3A_347 : memref<128x32xf32, #tpu.memory_space<vmem>>) offsets(%dma_start3A_350 : memref<128xi32, #tpu.memory_space<vmem>>) semaphore(%arg15 : memref<!tpu.dma_semaphore, #tpu.memory_space<semaphore_mem>>)
      } else {
      }
      %scan3A_342 = arith.constant 0 : i32
      scf.yield %scan3A_342 : i32
    }
    %scan3A_109 = arith.constant 25 : i32
    %mul3A_110 = arith.constant 128 : i32
    %mul3A_111 = arith.muli %add3A, %mul3A_110 : i32
    "tpu.region"() ({
      %run_scoped3A = tpu.sem_alloc : memref<!tpu.dma_semaphore, #tpu.memory_space<semaphore_mem>>
      %dma_start3A_112 = arith.constant 0 : i32
      %dma_start3A_113 = tpu.memref_slice %arg4[%mul3A_111, %dma_start3A_112] : memref<4096x32xf32, #tpu.memory_space<hbm>> -> memref<128x32xf32, #tpu.memory_space<hbm>>
      %dma_start3A_114 = arith.constant 0 : i32
      %dma_start3A_115 = tpu.memref_slice %arg4[%mul3A_111, %dma_start3A_114] : memref<4096x32xf32, #tpu.memory_space<hbm>> -> memref<128x32xf32, #tpu.memory_space<hbm>>
      tpu.enqueue_dma source(%arg7 : memref<128x32xf32, #tpu.memory_space<vmem>>) target(%dma_start3A_115 : memref<128x32xf32, #tpu.memory_space<hbm>>) target_semaphore(%run_scoped3A : memref<!tpu.dma_semaphore, #tpu.memory_space<semaphore_mem>>)
      %dma_wait3A = arith.constant 0 : i32
      %dma_wait3A_116 = tpu.memref_slice %arg4[%mul3A_111, %dma_wait3A] : memref<4096x32xf32, #tpu.memory_space<hbm>> -> memref<128x32xf32, #tpu.memory_space<hbm>>
      %dma_wait3A_117 = arith.constant 0 : i32
      %dma_wait3A_118 = tpu.memref_slice %arg4[%mul3A_111, %dma_wait3A_117] : memref<4096x32xf32, #tpu.memory_space<hbm>> -> memref<128x32xf32, #tpu.memory_space<hbm>>
      tpu.wait_dma2 semaphore(%run_scoped3A : memref<!tpu.dma_semaphore, #tpu.memory_space<semaphore_mem>>) src(%arg7 : memref<128x32xf32, #tpu.memory_space<vmem>>) dst(%dma_wait3A_118 : memref<128x32xf32, #tpu.memory_space<hbm>>)
      tpu.yield
    }) : () -> ()
    return
  }
}

module attributes {stable_mosaic.version = 14 : i64} {
  func.func @_detile_body(%arg0: i32, %arg1: memref<200x128xi32, #tpu.memory_space<vmem>>, %arg2: memref<1x200x128xi32, #tpu.memory_space<vmem>>) attributes {dimension_semantics = [#tpu.dimension_semantics<arbitrary>], iteration_bounds = array<i64: 32>, scalar_prefetch = 0 : i64, scratch_operands = 0 : i64, tpu.core_type = #tpu.core_type<tc>, window_params = [{transform_indices = @transform_0, window_bounds = array<i64: 200, 128>}, {transform_indices = @transform_1, window_bounds = array<i64: 1, 200, 128>}]} {
    %get3A = arith.constant 0 : index
    %get3A_0 = arith.constant 0 : index
    %get3A_1 = vector.load %arg1[%get3A, %get3A_0] : memref<200x128xi32, #tpu.memory_space<vmem>>, vector<200x128xi32>
    %jit3A = arith.constant 32768 : i32
    %div3A = vector.broadcast %jit3A : i32 to vector<200x128xi32>
    %div3A_2 = arith.divsi %get3A_1, %div3A : vector<200x128xi32>
    %sign3A = arith.constant 0 : i32
    %sign3A_3 = vector.broadcast %sign3A : i32 to vector<200x128xi32>
    %sign3A_4 = arith.cmpi sgt, %get3A_1, %sign3A_3 : vector<200x128xi32>
    %sign3A_5 = arith.extui %sign3A_4 : vector<200x128xi1> to vector<200x128xi32>
    %sign3A_6 = arith.constant 0 : i32
    %sign3A_7 = vector.broadcast %sign3A_6 : i32 to vector<200x128xi32>
    %sign3A_8 = arith.cmpi slt, %get3A_1, %sign3A_7 : vector<200x128xi32>
    %sign3A_9 = arith.extui %sign3A_8 : vector<200x128xi1> to vector<200x128xi32>
    %sign3A_10 = arith.subi %sign3A_5, %sign3A_9 : vector<200x128xi32>
    %sign3A_11 = arith.constant 0 : i32
    %sign3A_12 = arith.cmpi sgt, %jit3A, %sign3A_11 : i32
    %sign3A_13 = arith.extui %sign3A_12 : i1 to i32
    %sign3A_14 = arith.constant 0 : i32
    %sign3A_15 = arith.cmpi slt, %jit3A, %sign3A_14 : i32
    %sign3A_16 = arith.extui %sign3A_15 : i1 to i32
    %sign3A_17 = arith.subi %sign3A_13, %sign3A_16 : i32
    %ne3A = vector.broadcast %sign3A_17 : i32 to vector<200x128xi32>
    %ne3A_18 = arith.cmpi ne, %sign3A_10, %ne3A : vector<200x128xi32>
    %rem3A = vector.broadcast %jit3A : i32 to vector<200x128xi32>
    %rem3A_19 = arith.remsi %get3A_1, %rem3A : vector<200x128xi32>
    %ne3A_20 = arith.constant 0 : i32
    %ne3A_21 = vector.broadcast %ne3A_20 : i32 to vector<200x128xi32>
    %ne3A_22 = arith.cmpi ne, %rem3A_19, %ne3A_21 : vector<200x128xi32>
    %and3A = arith.andi %ne3A_18, %ne3A_22 : vector<200x128xi1>
    %sub3A = arith.constant 1 : i32
    %sub3A_23 = vector.broadcast %sub3A : i32 to vector<200x128xi32>
    %sub3A_24 = arith.subi %div3A_2, %sub3A_23 : vector<200x128xi32>
    %select_n3A = arith.select %and3A, %sub3A_24, %div3A_2 : vector<200x128xi1>, vector<200x128xi32>
    %mul3A = arith.constant 32768 : i32
    %mul3A_25 = vector.broadcast %mul3A : i32 to vector<200x128xi32>
    %mul3A_26 = arith.muli %select_n3A, %mul3A_25 : vector<200x128xi32>
    %jit3A_27 = arith.constant 8192 : i32
    %eq3A = arith.constant 0 : i32
    %eq3A_28 = arith.cmpi eq, %jit3A_27, %eq3A : i32
    %jit3A_29 = arith.constant 1 : i32
    %select_n3A_30 = arith.select %eq3A_28, %jit3A_29, %jit3A_27 : i32
    %rem3A_31 = vector.broadcast %select_n3A_30 : i32 to vector<200x128xi32>
    %rem3A_32 = arith.remsi %get3A_1, %rem3A_31 : vector<200x128xi32>
    %ne3A_33 = arith.constant 0 : i32
    %ne3A_34 = vector.broadcast %ne3A_33 : i32 to vector<200x128xi32>
    %ne3A_35 = arith.cmpi ne, %rem3A_32, %ne3A_34 : vector<200x128xi32>
    %lt3A = arith.constant 0 : i32
    %lt3A_36 = vector.broadcast %lt3A : i32 to vector<200x128xi32>
    %lt3A_37 = arith.cmpi slt, %rem3A_32, %lt3A_36 : vector<200x128xi32>
    %lt3A_38 = arith.constant 0 : i32
    %lt3A_39 = arith.cmpi slt, %select_n3A_30, %lt3A_38 : i32
    %ne3A_40 = vector.broadcast %lt3A_39 : i1 to vector<200x128xi1>
    %ne3A_41 = vector.broadcast %ne3A_40 : vector<200x128xi1> to vector<200x128xi1>
    %ne3A_42 = arith.xori %lt3A_37, %ne3A_41 : vector<200x128xi1>
    %and3A_43 = arith.andi %ne3A_42, %ne3A_35 : vector<200x128xi1>
    %add3A = vector.broadcast %select_n3A_30 : i32 to vector<200x128xi32>
    %add3A_44 = arith.addi %rem3A_32, %add3A : vector<200x128xi32>
    %select_n3A_45 = arith.select %and3A_43, %add3A_44, %rem3A_32 : vector<200x128xi1>, vector<200x128xi32>
    %mul3A_46 = arith.constant 4 : i32
    %mul3A_47 = vector.broadcast %mul3A_46 : i32 to vector<200x128xi32>
    %mul3A_48 = arith.muli %select_n3A_45, %mul3A_47 : vector<200x128xi32>
    %add3A_49 = arith.addi %mul3A_26, %mul3A_48 : vector<200x128xi32>
    %jit3A_50 = arith.constant 32768 : i32
    %eq3A_51 = arith.constant 0 : i32
    %eq3A_52 = arith.cmpi eq, %jit3A_50, %eq3A_51 : i32
    %jit3A_53 = arith.constant 1 : i32
    %select_n3A_54 = arith.select %eq3A_52, %jit3A_53, %jit3A_50 : i32
    %rem3A_55 = vector.broadcast %select_n3A_54 : i32 to vector<200x128xi32>
    %rem3A_56 = arith.remsi %get3A_1, %rem3A_55 : vector<200x128xi32>
    %ne3A_57 = arith.constant 0 : i32
    %ne3A_58 = vector.broadcast %ne3A_57 : i32 to vector<200x128xi32>
    %ne3A_59 = arith.cmpi ne, %rem3A_56, %ne3A_58 : vector<200x128xi32>
    %lt3A_60 = arith.constant 0 : i32
    %lt3A_61 = vector.broadcast %lt3A_60 : i32 to vector<200x128xi32>
    %lt3A_62 = arith.cmpi slt, %rem3A_56, %lt3A_61 : vector<200x128xi32>
    %lt3A_63 = arith.constant 0 : i32
    %lt3A_64 = arith.cmpi slt, %select_n3A_54, %lt3A_63 : i32
    %ne3A_65 = vector.broadcast %lt3A_64 : i1 to vector<200x128xi1>
    %ne3A_66 = vector.broadcast %ne3A_65 : vector<200x128xi1> to vector<200x128xi1>
    %ne3A_67 = arith.xori %lt3A_62, %ne3A_66 : vector<200x128xi1>
    %and3A_68 = arith.andi %ne3A_67, %ne3A_59 : vector<200x128xi1>
    %add3A_69 = vector.broadcast %select_n3A_54 : i32 to vector<200x128xi32>
    %add3A_70 = arith.addi %rem3A_56, %add3A_69 : vector<200x128xi32>
    %select_n3A_71 = arith.select %and3A_68, %add3A_70, %rem3A_56 : vector<200x128xi1>, vector<200x128xi32>
    %jit3A_72 = arith.constant 8192 : i32
    %div3A_73 = vector.broadcast %jit3A_72 : i32 to vector<200x128xi32>
    %div3A_74 = arith.divsi %select_n3A_71, %div3A_73 : vector<200x128xi32>
    %sign3A_75 = arith.constant 0 : i32
    %sign3A_76 = vector.broadcast %sign3A_75 : i32 to vector<200x128xi32>
    %sign3A_77 = arith.cmpi sgt, %select_n3A_71, %sign3A_76 : vector<200x128xi32>
    %sign3A_78 = arith.extui %sign3A_77 : vector<200x128xi1> to vector<200x128xi32>
    %sign3A_79 = arith.constant 0 : i32
    %sign3A_80 = vector.broadcast %sign3A_79 : i32 to vector<200x128xi32>
    %sign3A_81 = arith.cmpi slt, %select_n3A_71, %sign3A_80 : vector<200x128xi32>
    %sign3A_82 = arith.extui %sign3A_81 : vector<200x128xi1> to vector<200x128xi32>
    %sign3A_83 = arith.subi %sign3A_78, %sign3A_82 : vector<200x128xi32>
    %sign3A_84 = arith.constant 0 : i32
    %sign3A_85 = arith.cmpi sgt, %jit3A_72, %sign3A_84 : i32
    %sign3A_86 = arith.extui %sign3A_85 : i1 to i32
    %sign3A_87 = arith.constant 0 : i32
    %sign3A_88 = arith.cmpi slt, %jit3A_72, %sign3A_87 : i32
    %sign3A_89 = arith.extui %sign3A_88 : i1 to i32
    %sign3A_90 = arith.subi %sign3A_86, %sign3A_89 : i32
    %ne3A_91 = vector.broadcast %sign3A_90 : i32 to vector<200x128xi32>
    %ne3A_92 = arith.cmpi ne, %sign3A_83, %ne3A_91 : vector<200x128xi32>
    %rem3A_93 = vector.broadcast %jit3A_72 : i32 to vector<200x128xi32>
    %rem3A_94 = arith.remsi %select_n3A_71, %rem3A_93 : vector<200x128xi32>
    %ne3A_95 = arith.constant 0 : i32
    %ne3A_96 = vector.broadcast %ne3A_95 : i32 to vector<200x128xi32>
    %ne3A_97 = arith.cmpi ne, %rem3A_94, %ne3A_96 : vector<200x128xi32>
    %and3A_98 = arith.andi %ne3A_92, %ne3A_97 : vector<200x128xi1>
    %sub3A_99 = arith.constant 1 : i32
    %sub3A_100 = vector.broadcast %sub3A_99 : i32 to vector<200x128xi32>
    %sub3A_101 = arith.subi %div3A_74, %sub3A_100 : vector<200x128xi32>
    %select_n3A_102 = arith.select %and3A_98, %sub3A_101, %div3A_74 : vector<200x128xi1>, vector<200x128xi32>
    %add3A_103 = arith.addi %add3A_49, %select_n3A_102 : vector<200x128xi32>
    %swap3A = arith.constant 0 : index
    %swap3A_104 = arith.constant 0 : index
    %swap3A_105 = arith.constant 0 : index
    %swap3A_106 = vector.load %arg2[%swap3A, %swap3A_104, %swap3A_105] : memref<1x200x128xi32, #tpu.memory_space<vmem>>, vector<1x200x128xi32>
    %swap3A_107 = vector.shape_cast %swap3A_106 : vector<1x200x128xi32> to vector<200x128xi32>
    %swap3A_108 = vector.shape_cast %add3A_103 : vector<200x128xi32> to vector<1x200x128xi32>
    tpu.vector_store %arg2[%swap3A, %swap3A_104, %swap3A_105], %swap3A_108 {strides = array<i32>} : memref<1x200x128xi32, #tpu.memory_space<vmem>>, vector<1x200x128xi32>,
    return
  }
  func.func @transform_0(%arg0: i32) -> (i32, i32) {
    %c0_i32 = arith.constant 0 : i32
    %c0_i32_0 = arith.constant 0 : i32
    return %c0_i32, %arg0 : i32, i32
  }
  func.func @transform_1(%arg0: i32) -> (i32, i32, i32) {
    %c0_i32 = arith.constant 0 : i32
    %c0_i32_0 = arith.constant 0 : i32
    %c0_i32_1 = arith.constant 0 : i32
    return %arg0, %c0_i32, %c0_i32_0 : i32, i32, i32
  }
}

module attributes {stable_mosaic.version = 14 : i64} {
  func.func @_transpose_body(%arg0: i32, %arg1: memref<32x32768xf32, #tpu.memory_space<vmem>>, %arg2: memref<8192x128xf32, #tpu.memory_space<vmem>>) attributes {dimension_semantics = [#tpu.dimension_semantics<arbitrary>], iteration_bounds = array<i64: 31>, scalar_prefetch = 0 : i64, scratch_operands = 0 : i64, tpu.core_type = #tpu.core_type<tc>, window_params = [{transform_indices = @transform_0, window_bounds = array<i64: 32, 32768>}, {transform_indices = @transform_1, window_bounds = array<i64: 8192, 128>}]} {
    %get3A = arith.constant 0 : index
    %get3A_0 = arith.constant 0 : index
    %get3A_1 = vector.load %arg1[%get3A, %get3A_0] : memref<32x32768xf32, #tpu.memory_space<vmem>>, vector<32x32768xf32>
    %iota3A = tpu.iota {dimensions = array<i32: 0>} : vector<128x128xi32>
    %iota3A_2 = tpu.iota {dimensions = array<i32: 1>} : vector<128x128xi32>
    %add3A = arith.constant 0 : i32
    %add3A_3 = vector.broadcast %add3A : i32 to vector<128x128xi32>
    %add3A_4 = arith.addi %iota3A, %add3A_3 : vector<128x128xi32>
    %eq3A = arith.cmpi eq, %add3A_4, %iota3A_2 : vector<128x128xi32>
    %convert_element_type3A = arith.extui %eq3A : vector<128x128xi1> to vector<128x128xi32>
    %convert_element_type3A_5 = arith.sitofp %convert_element_type3A : vector<128x128xi32> to vector<128x128xf32>
    %slice3A = vector.extract_strided_slice %get3A_1 {offsets = [0, 0], sizes = [32, 128], strides = [1, 1]} : vector<32x32768xf32> to vector<32x128xf32>
    %dot_general3A = arith.constant dense<0.000000e+00> : vector<128x32xf32>
    %dot_general3A_6 = tpu.matmul %convert_element_type3A_5, %slice3A, %dot_general3A {dimension_numbers = #tpu.dot_dimension_numbers<[1], [1], [0], [0], [0, 0, 1, 0], [], []>, transpose_lhs_hint = false} : vector<128x128xf32>, vector<32x128xf32>, vector<128x32xf32> -> vector<128x32xf32>
    %slice3A_7 = vector.extract_strided_slice %get3A_1 {offsets = [0, 128], sizes = [32, 128], strides = [1, 1]} : vector<32x32768xf32> to vector<32x128xf32>
    %dot_general3A_8 = arith.constant dense<0.000000e+00> : vector<128x32xf32>
    %dot_general3A_9 = tpu.matmul %convert_element_type3A_5, %slice3A_7, %dot_general3A_8 {dimension_numbers = #tpu.dot_dimension_numbers<[1], [1], [0], [0], [0, 0, 1, 0], [], []>, transpose_lhs_hint = false} : vector<128x128xf32>, vector<32x128xf32>, vector<128x32xf32> -> vector<128x32xf32>
    %slice3A_10 = vector.extract_strided_slice %get3A_1 {offsets = [0, 256], sizes = [32, 128], strides = [1, 1]} : vector<32x32768xf32> to vector<32x128xf32>
    %dot_general3A_11 = arith.constant dense<0.000000e+00> : vector<128x32xf32>
    %dot_general3A_12 = tpu.matmul %convert_element_type3A_5, %slice3A_10, %dot_general3A_11 {dimension_numbers = #tpu.dot_dimension_numbers<[1], [1], [0], [0], [0, 0, 1, 0], [], []>, transpose_lhs_hint = false} : vector<128x128xf32>, vector<32x128xf32>, vector<128x32xf32> -> vector<128x32xf32>
    %slice3A_13 = vector.extract_strided_slice %get3A_1 {offsets = [0, 384], sizes = [32, 128], strides = [1, 1]} : vector<32x32768xf32> to vector<32x128xf32>
    %dot_general3A_14 = arith.constant dense<0.000000e+00> : vector<128x32xf32>
    %dot_general3A_15 = tpu.matmul %convert_element_type3A_5, %slice3A_13, %dot_general3A_14 {dimension_numbers = #tpu.dot_dimension_numbers<[1], [1], [0], [0], [0, 0, 1, 0], [], []>, transpose_lhs_hint = false} : vector<128x128xf32>, vector<32x128xf32>, vector<128x32xf32> -> vector<128x32xf32>
    %slice3A_16 = vector.extract_strided_slice %get3A_1 {offsets = [0, 512], sizes = [32, 128], strides = [1, 1]} : vector<32x32768xf32> to vector<32x128xf32>
    %dot_general3A_17 = arith.constant dense<0.000000e+00> : vector<128x32xf32>
    %dot_general3A_18 = tpu.matmul %convert_element_type3A_5, %slice3A_16, %dot_general3A_17 {dimension_numbers = #tpu.dot_dimension_numbers<[1], [1], [0], [0], [0, 0, 1, 0], [], []>, transpose_lhs_hint = false} : vector<128x128xf32>, vector<32x128xf32>, vector<128x32xf32> -> vector<128x32xf32>
    %slice3A_19 = vector.extract_strided_slice %get3A_1 {offsets = [0, 640], sizes = [32, 128], strides = [1, 1]} : vector<32x32768xf32> to vector<32x128xf32>
    %dot_general3A_20 = arith.constant dense<0.000000e+00> : vector<128x32xf32>
    %dot_general3A_21 = tpu.matmul %convert_element_type3A_5, %slice3A_19, %dot_general3A_20 {dimension_numbers = #tpu.dot_dimension_numbers<[1], [1], [0], [0], [0, 0, 1, 0], [], []>, transpose_lhs_hint = false} : vector<128x128xf32>, vector<32x128xf32>, vector<128x32xf32> -> vector<128x32xf32>
    %slice3A_22 = vector.extract_strided_slice %get3A_1 {offsets = [0, 768], sizes = [32, 128], strides = [1, 1]} : vector<32x32768xf32> to vector<32x128xf32>
    %dot_general3A_23 = arith.constant dense<0.000000e+00> : vector<128x32xf32>
    %dot_general3A_24 = tpu.matmul %convert_element_type3A_5, %slice3A_22, %dot_general3A_23 {dimension_numbers = #tpu.dot_dimension_numbers<[1], [1], [0], [0], [0, 0, 1, 0], [], []>, transpose_lhs_hint = false} : vector<128x128xf32>, vector<32x128xf32>, vector<128x32xf32> -> vector<128x32xf32>
    %slice3A_25 = vector.extract_strided_slice %get3A_1 {offsets = [0, 896], sizes = [32, 128], strides = [1, 1]} : vector<32x32768xf32> to vector<32x128xf32>
    %dot_general3A_26 = arith.constant dense<0.000000e+00> : vector<128x32xf32>
    %dot_general3A_27 = tpu.matmul %convert_element_type3A_5, %slice3A_25, %dot_general3A_26 {dimension_numbers = #tpu.dot_dimension_numbers<[1], [1], [0], [0], [0, 0, 1, 0], [], []>, transpose_lhs_hint = false} : vector<128x128xf32>, vector<32x128xf32>, vector<128x32xf32> -> vector<128x32xf32>
    %slice3A_28 = vector.extract_strided_slice %get3A_1 {offsets = [0, 1024], sizes = [32, 128], strides = [1, 1]} : vector<32x32768xf32> to vector<32x128xf32>
    %dot_general3A_29 = arith.constant dense<0.000000e+00> : vector<128x32xf32>
    %dot_general3A_30 = tpu.matmul %convert_element_type3A_5, %slice3A_28, %dot_general3A_29 {dimension_numbers = #tpu.dot_dimension_numbers<[1], [1], [0], [0], [0, 0, 1, 0], [], []>, transpose_lhs_hint = false} : vector<128x128xf32>, vector<32x128xf32>, vector<128x32xf32> -> vector<128x32xf32>
    %slice3A_31 = vector.extract_strided_slice %get3A_1 {offsets = [0, 1152], sizes = [32, 128], strides = [1, 1]} : vector<32x32768xf32> to vector<32x128xf32>
    %dot_general3A_32 = arith.constant dense<0.000000e+00> : vector<128x32xf32>
    %dot_general3A_33 = tpu.matmul %convert_element_type3A_5, %slice3A_31, %dot_general3A_32 {dimension_numbers = #tpu.dot_dimension_numbers<[1], [1], [0], [0], [0, 0, 1, 0], [], []>, transpose_lhs_hint = false} : vector<128x128xf32>, vector<32x128xf32>, vector<128x32xf32> -> vector<128x32xf32>
    %slice3A_34 = vector.extract_strided_slice %get3A_1 {offsets = [0, 1280], sizes = [32, 128], strides = [1, 1]} : vector<32x32768xf32> to vector<32x128xf32>
    %dot_general3A_35 = arith.constant dense<0.000000e+00> : vector<128x32xf32>
    %dot_general3A_36 = tpu.matmul %convert_element_type3A_5, %slice3A_34, %dot_general3A_35 {dimension_numbers = #tpu.dot_dimension_numbers<[1], [1], [0], [0], [0, 0, 1, 0], [], []>, transpose_lhs_hint = false} : vector<128x128xf32>, vector<32x128xf32>, vector<128x32xf32> -> vector<128x32xf32>
    %slice3A_37 = vector.extract_strided_slice %get3A_1 {offsets = [0, 1408], sizes = [32, 128], strides = [1, 1]} : vector<32x32768xf32> to vector<32x128xf32>
    %dot_general3A_38 = arith.constant dense<0.000000e+00> : vector<128x32xf32>
    %dot_general3A_39 = tpu.matmul %convert_element_type3A_5, %slice3A_37, %dot_general3A_38 {dimension_numbers = #tpu.dot_dimension_numbers<[1], [1], [0], [0], [0, 0, 1, 0], [], []>, transpose_lhs_hint = false} : vector<128x128xf32>, vector<32x128xf32>, vector<128x32xf32> -> vector<128x32xf32>
    %slice3A_40 = vector.extract_strided_slice %get3A_1 {offsets = [0, 1536], sizes = [32, 128], strides = [1, 1]} : vector<32x32768xf32> to vector<32x128xf32>
    %dot_general3A_41 = arith.constant dense<0.000000e+00> : vector<128x32xf32>
    %dot_general3A_42 = tpu.matmul %convert_element_type3A_5, %slice3A_40, %dot_general3A_41 {dimension_numbers = #tpu.dot_dimension_numbers<[1], [1], [0], [0], [0, 0, 1, 0], [], []>, transpose_lhs_hint = false} : vector<128x128xf32>, vector<32x128xf32>, vector<128x32xf32> -> vector<128x32xf32>
    %slice3A_43 = vector.extract_strided_slice %get3A_1 {offsets = [0, 1664], sizes = [32, 128], strides = [1, 1]} : vector<32x32768xf32> to vector<32x128xf32>
    %dot_general3A_44 = arith.constant dense<0.000000e+00> : vector<128x32xf32>
    %dot_general3A_45 = tpu.matmul %convert_element_type3A_5, %slice3A_43, %dot_general3A_44 {dimension_numbers = #tpu.dot_dimension_numbers<[1], [1], [0], [0], [0, 0, 1, 0], [], []>, transpose_lhs_hint = false} : vector<128x128xf32>, vector<32x128xf32>, vector<128x32xf32> -> vector<128x32xf32>
    %slice3A_46 = vector.extract_strided_slice %get3A_1 {offsets = [0, 1792], sizes = [32, 128], strides = [1, 1]} : vector<32x32768xf32> to vector<32x128xf32>
    %dot_general3A_47 = arith.constant dense<0.000000e+00> : vector<128x32xf32>
    %dot_general3A_48 = tpu.matmul %convert_element_type3A_5, %slice3A_46, %dot_general3A_47 {dimension_numbers = #tpu.dot_dimension_numbers<[1], [1], [0], [0], [0, 0, 1, 0], [], []>, transpose_lhs_hint = false} : vector<128x128xf32>, vector<32x128xf32>, vector<128x32xf32> -> vector<128x32xf32>
    %slice3A_49 = vector.extract_strided_slice %get3A_1 {offsets = [0, 1920], sizes = [32, 128], strides = [1, 1]} : vector<32x32768xf32> to vector<32x128xf32>
    %dot_general3A_50 = arith.constant dense<0.000000e+00> : vector<128x32xf32>
    %dot_general3A_51 = tpu.matmul %convert_element_type3A_5, %slice3A_49, %dot_general3A_50 {dimension_numbers = #tpu.dot_dimension_numbers<[1], [1], [0], [0], [0, 0, 1, 0], [], []>, transpose_lhs_hint = false} : vector<128x128xf32>, vector<32x128xf32>, vector<128x32xf32> -> vector<128x32xf32>
    %slice3A_52 = vector.extract_strided_slice %get3A_1 {offsets = [0, 2048], sizes = [32, 128], strides = [1, 1]} : vector<32x32768xf32> to vector<32x128xf32>
    %dot_general3A_53 = arith.constant dense<0.000000e+00> : vector<128x32xf32>
    %dot_general3A_54 = tpu.matmul %convert_element_type3A_5, %slice3A_52, %dot_general3A_53 {dimension_numbers = #tpu.dot_dimension_numbers<[1], [1], [0], [0], [0, 0, 1, 0], [], []>, transpose_lhs_hint = false} : vector<128x128xf32>, vector<32x128xf32>, vector<128x32xf32> -> vector<128x32xf32>
    %slice3A_55 = vector.extract_strided_slice %get3A_1 {offsets = [0, 2176], sizes = [32, 128], strides = [1, 1]} : vector<32x32768xf32> to vector<32x128xf32>
    %dot_general3A_56 = arith.constant dense<0.000000e+00> : vector<128x32xf32>
    %dot_general3A_57 = tpu.matmul %convert_element_type3A_5, %slice3A_55, %dot_general3A_56 {dimension_numbers = #tpu.dot_dimension_numbers<[1], [1], [0], [0], [0, 0, 1, 0], [], []>, transpose_lhs_hint = false} : vector<128x128xf32>, vector<32x128xf32>, vector<128x32xf32> -> vector<128x32xf32>
    %slice3A_58 = vector.extract_strided_slice %get3A_1 {offsets = [0, 2304], sizes = [32, 128], strides = [1, 1]} : vector<32x32768xf32> to vector<32x128xf32>
    %dot_general3A_59 = arith.constant dense<0.000000e+00> : vector<128x32xf32>
    %dot_general3A_60 = tpu.matmul %convert_element_type3A_5, %slice3A_58, %dot_general3A_59 {dimension_numbers = #tpu.dot_dimension_numbers<[1], [1], [0], [0], [0, 0, 1, 0], [], []>, transpose_lhs_hint = false} : vector<128x128xf32>, vector<32x128xf32>, vector<128x32xf32> -> vector<128x32xf32>
    %slice3A_61 = vector.extract_strided_slice %get3A_1 {offsets = [0, 2432], sizes = [32, 128], strides = [1, 1]} : vector<32x32768xf32> to vector<32x128xf32>
    %dot_general3A_62 = arith.constant dense<0.000000e+00> : vector<128x32xf32>
    %dot_general3A_63 = tpu.matmul %convert_element_type3A_5, %slice3A_61, %dot_general3A_62 {dimension_numbers = #tpu.dot_dimension_numbers<[1], [1], [0], [0], [0, 0, 1, 0], [], []>, transpose_lhs_hint = false} : vector<128x128xf32>, vector<32x128xf32>, vector<128x32xf32> -> vector<128x32xf32>
    %slice3A_64 = vector.extract_strided_slice %get3A_1 {offsets = [0, 2560], sizes = [32, 128], strides = [1, 1]} : vector<32x32768xf32> to vector<32x128xf32>
    %dot_general3A_65 = arith.constant dense<0.000000e+00> : vector<128x32xf32>
    %dot_general3A_66 = tpu.matmul %convert_element_type3A_5, %slice3A_64, %dot_general3A_65 {dimension_numbers = #tpu.dot_dimension_numbers<[1], [1], [0], [0], [0, 0, 1, 0], [], []>, transpose_lhs_hint = false} : vector<128x128xf32>, vector<32x128xf32>, vector<128x32xf32> -> vector<128x32xf32>
    %slice3A_67 = vector.extract_strided_slice %get3A_1 {offsets = [0, 2688], sizes = [32, 128], strides = [1, 1]} : vector<32x32768xf32> to vector<32x128xf32>
    %dot_general3A_68 = arith.constant dense<0.000000e+00> : vector<128x32xf32>
    %dot_general3A_69 = tpu.matmul %convert_element_type3A_5, %slice3A_67, %dot_general3A_68 {dimension_numbers = #tpu.dot_dimension_numbers<[1], [1], [0], [0], [0, 0, 1, 0], [], []>, transpose_lhs_hint = false} : vector<128x128xf32>, vector<32x128xf32>, vector<128x32xf32> -> vector<128x32xf32>
    %slice3A_70 = vector.extract_strided_slice %get3A_1 {offsets = [0, 2816], sizes = [32, 128], strides = [1, 1]} : vector<32x32768xf32> to vector<32x128xf32>
    %dot_general3A_71 = arith.constant dense<0.000000e+00> : vector<128x32xf32>
    %dot_general3A_72 = tpu.matmul %convert_element_type3A_5, %slice3A_70, %dot_general3A_71 {dimension_numbers = #tpu.dot_dimension_numbers<[1], [1], [0], [0], [0, 0, 1, 0], [], []>, transpose_lhs_hint = false} : vector<128x128xf32>, vector<32x128xf32>, vector<128x32xf32> -> vector<128x32xf32>
    %slice3A_73 = vector.extract_strided_slice %get3A_1 {offsets = [0, 2944], sizes = [32, 128], strides = [1, 1]} : vector<32x32768xf32> to vector<32x128xf32>
    %dot_general3A_74 = arith.constant dense<0.000000e+00> : vector<128x32xf32>
    %dot_general3A_75 = tpu.matmul %convert_element_type3A_5, %slice3A_73, %dot_general3A_74 {dimension_numbers = #tpu.dot_dimension_numbers<[1], [1], [0], [0], [0, 0, 1, 0], [], []>, transpose_lhs_hint = false} : vector<128x128xf32>, vector<32x128xf32>, vector<128x32xf32> -> vector<128x32xf32>
    %slice3A_76 = vector.extract_strided_slice %get3A_1 {offsets = [0, 3072], sizes = [32, 128], strides = [1, 1]} : vector<32x32768xf32> to vector<32x128xf32>
    %dot_general3A_77 = arith.constant dense<0.000000e+00> : vector<128x32xf32>
    %dot_general3A_78 = tpu.matmul %convert_element_type3A_5, %slice3A_76, %dot_general3A_77 {dimension_numbers = #tpu.dot_dimension_numbers<[1], [1], [0], [0], [0, 0, 1, 0], [], []>, transpose_lhs_hint = false} : vector<128x128xf32>, vector<32x128xf32>, vector<128x32xf32> -> vector<128x32xf32>
    %slice3A_79 = vector.extract_strided_slice %get3A_1 {offsets = [0, 3200], sizes = [32, 128], strides = [1, 1]} : vector<32x32768xf32> to vector<32x128xf32>
    %dot_general3A_80 = arith.constant dense<0.000000e+00> : vector<128x32xf32>
    %dot_general3A_81 = tpu.matmul %convert_element_type3A_5, %slice3A_79, %dot_general3A_80 {dimension_numbers = #tpu.dot_dimension_numbers<[1], [1], [0], [0], [0, 0, 1, 0], [], []>, transpose_lhs_hint = false} : vector<128x128xf32>, vector<32x128xf32>, vector<128x32xf32> -> vector<128x32xf32>
    %slice3A_82 = vector.extract_strided_slice %get3A_1 {offsets = [0, 3328], sizes = [32, 128], strides = [1, 1]} : vector<32x32768xf32> to vector<32x128xf32>
    %dot_general3A_83 = arith.constant dense<0.000000e+00> : vector<128x32xf32>
    %dot_general3A_84 = tpu.matmul %convert_element_type3A_5, %slice3A_82, %dot_general3A_83 {dimension_numbers = #tpu.dot_dimension_numbers<[1], [1], [0], [0], [0, 0, 1, 0], [], []>, transpose_lhs_hint = false} : vector<128x128xf32>, vector<32x128xf32>, vector<128x32xf32> -> vector<128x32xf32>
    %slice3A_85 = vector.extract_strided_slice %get3A_1 {offsets = [0, 3456], sizes = [32, 128], strides = [1, 1]} : vector<32x32768xf32> to vector<32x128xf32>
    %dot_general3A_86 = arith.constant dense<0.000000e+00> : vector<128x32xf32>
    %dot_general3A_87 = tpu.matmul %convert_element_type3A_5, %slice3A_85, %dot_general3A_86 {dimension_numbers = #tpu.dot_dimension_numbers<[1], [1], [0], [0], [0, 0, 1, 0], [], []>, transpose_lhs_hint = false} : vector<128x128xf32>, vector<32x128xf32>, vector<128x32xf32> -> vector<128x32xf32>
    %slice3A_88 = vector.extract_strided_slice %get3A_1 {offsets = [0, 3584], sizes = [32, 128], strides = [1, 1]} : vector<32x32768xf32> to vector<32x128xf32>
    %dot_general3A_89 = arith.constant dense<0.000000e+00> : vector<128x32xf32>
    %dot_general3A_90 = tpu.matmul %convert_element_type3A_5, %slice3A_88, %dot_general3A_89 {dimension_numbers = #tpu.dot_dimension_numbers<[1], [1], [0], [0], [0, 0, 1, 0], [], []>, transpose_lhs_hint = false} : vector<128x128xf32>, vector<32x128xf32>, vector<128x32xf32> -> vector<128x32xf32>
    %slice3A_91 = vector.extract_strided_slice %get3A_1 {offsets = [0, 3712], sizes = [32, 128], strides = [1, 1]} : vector<32x32768xf32> to vector<32x128xf32>
    %dot_general3A_92 = arith.constant dense<0.000000e+00> : vector<128x32xf32>
    %dot_general3A_93 = tpu.matmul %convert_element_type3A_5, %slice3A_91, %dot_general3A_92 {dimension_numbers = #tpu.dot_dimension_numbers<[1], [1], [0], [0], [0, 0, 1, 0], [], []>, transpose_lhs_hint = false} : vector<128x128xf32>, vector<32x128xf32>, vector<128x32xf32> -> vector<128x32xf32>
    %slice3A_94 = vector.extract_strided_slice %get3A_1 {offsets = [0, 3840], sizes = [32, 128], strides = [1, 1]} : vector<32x32768xf32> to vector<32x128xf32>
    %dot_general3A_95 = arith.constant dense<0.000000e+00> : vector<128x32xf32>
    %dot_general3A_96 = tpu.matmul %convert_element_type3A_5, %slice3A_94, %dot_general3A_95 {dimension_numbers = #tpu.dot_dimension_numbers<[1], [1], [0], [0], [0, 0, 1, 0], [], []>, transpose_lhs_hint = false} : vector<128x128xf32>, vector<32x128xf32>, vector<128x32xf32> -> vector<128x32xf32>
    %slice3A_97 = vector.extract_strided_slice %get3A_1 {offsets = [0, 3968], sizes = [32, 128], strides = [1, 1]} : vector<32x32768xf32> to vector<32x128xf32>
    %dot_general3A_98 = arith.constant dense<0.000000e+00> : vector<128x32xf32>
    %dot_general3A_99 = tpu.matmul %convert_element_type3A_5, %slice3A_97, %dot_general3A_98 {dimension_numbers = #tpu.dot_dimension_numbers<[1], [1], [0], [0], [0, 0, 1, 0], [], []>, transpose_lhs_hint = false} : vector<128x128xf32>, vector<32x128xf32>, vector<128x32xf32> -> vector<128x32xf32>
    %slice3A_100 = vector.extract_strided_slice %get3A_1 {offsets = [0, 4096], sizes = [32, 128], strides = [1, 1]} : vector<32x32768xf32> to vector<32x128xf32>
    %dot_general3A_101 = arith.constant dense<0.000000e+00> : vector<128x32xf32>
    %dot_general3A_102 = tpu.matmul %convert_element_type3A_5, %slice3A_100, %dot_general3A_101 {dimension_numbers = #tpu.dot_dimension_numbers<[1], [1], [0], [0], [0, 0, 1, 0], [], []>, transpose_lhs_hint = false} : vector<128x128xf32>, vector<32x128xf32>, vector<128x32xf32> -> vector<128x32xf32>
    %slice3A_103 = vector.extract_strided_slice %get3A_1 {offsets = [0, 4224], sizes = [32, 128], strides = [1, 1]} : vector<32x32768xf32> to vector<32x128xf32>
    %dot_general3A_104 = arith.constant dense<0.000000e+00> : vector<128x32xf32>
    %dot_general3A_105 = tpu.matmul %convert_element_type3A_5, %slice3A_103, %dot_general3A_104 {dimension_numbers = #tpu.dot_dimension_numbers<[1], [1], [0], [0], [0, 0, 1, 0], [], []>, transpose_lhs_hint = false} : vector<128x128xf32>, vector<32x128xf32>, vector<128x32xf32> -> vector<128x32xf32>
    %slice3A_106 = vector.extract_strided_slice %get3A_1 {offsets = [0, 4352], sizes = [32, 128], strides = [1, 1]} : vector<32x32768xf32> to vector<32x128xf32>
    %dot_general3A_107 = arith.constant dense<0.000000e+00> : vector<128x32xf32>
    %dot_general3A_108 = tpu.matmul %convert_element_type3A_5, %slice3A_106, %dot_general3A_107 {dimension_numbers = #tpu.dot_dimension_numbers<[1], [1], [0], [0], [0, 0, 1, 0], [], []>, transpose_lhs_hint = false} : vector<128x128xf32>, vector<32x128xf32>, vector<128x32xf32> -> vector<128x32xf32>
    %slice3A_109 = vector.extract_strided_slice %get3A_1 {offsets = [0, 4480], sizes = [32, 128], strides = [1, 1]} : vector<32x32768xf32> to vector<32x128xf32>
    %dot_general3A_110 = arith.constant dense<0.000000e+00> : vector<128x32xf32>
    %dot_general3A_111 = tpu.matmul %convert_element_type3A_5, %slice3A_109, %dot_general3A_110 {dimension_numbers = #tpu.dot_dimension_numbers<[1], [1], [0], [0], [0, 0, 1, 0], [], []>, transpose_lhs_hint = false} : vector<128x128xf32>, vector<32x128xf32>, vector<128x32xf32> -> vector<128x32xf32>
    %slice3A_112 = vector.extract_strided_slice %get3A_1 {offsets = [0, 4608], sizes = [32, 128], strides = [1, 1]} : vector<32x32768xf32> to vector<32x128xf32>
    %dot_general3A_113 = arith.constant dense<0.000000e+00> : vector<128x32xf32>
    %dot_general3A_114 = tpu.matmul %convert_element_type3A_5, %slice3A_112, %dot_general3A_113 {dimension_numbers = #tpu.dot_dimension_numbers<[1], [1], [0], [0], [0, 0, 1, 0], [], []>, transpose_lhs_hint = false} : vector<128x128xf32>, vector<32x128xf32>, vector<128x32xf32> -> vector<128x32xf32>
    %slice3A_115 = vector.extract_strided_slice %get3A_1 {offsets = [0, 4736], sizes = [32, 128], strides = [1, 1]} : vector<32x32768xf32> to vector<32x128xf32>
    %dot_general3A_116 = arith.constant dense<0.000000e+00> : vector<128x32xf32>
    %dot_general3A_117 = tpu.matmul %convert_element_type3A_5, %slice3A_115, %dot_general3A_116 {dimension_numbers = #tpu.dot_dimension_numbers<[1], [1], [0], [0], [0, 0, 1, 0], [], []>, transpose_lhs_hint = false} : vector<128x128xf32>, vector<32x128xf32>, vector<128x32xf32> -> vector<128x32xf32>
    %slice3A_118 = vector.extract_strided_slice %get3A_1 {offsets = [0, 4864], sizes = [32, 128], strides = [1, 1]} : vector<32x32768xf32> to vector<32x128xf32>
    %dot_general3A_119 = arith.constant dense<0.000000e+00> : vector<128x32xf32>
    %dot_general3A_120 = tpu.matmul %convert_element_type3A_5, %slice3A_118, %dot_general3A_119 {dimension_numbers = #tpu.dot_dimension_numbers<[1], [1], [0], [0], [0, 0, 1, 0], [], []>, transpose_lhs_hint = false} : vector<128x128xf32>, vector<32x128xf32>, vector<128x32xf32> -> vector<128x32xf32>
    %slice3A_121 = vector.extract_strided_slice %get3A_1 {offsets = [0, 4992], sizes = [32, 128], strides = [1, 1]} : vector<32x32768xf32> to vector<32x128xf32>
    %dot_general3A_122 = arith.constant dense<0.000000e+00> : vector<128x32xf32>
    %dot_general3A_123 = tpu.matmul %convert_element_type3A_5, %slice3A_121, %dot_general3A_122 {dimension_numbers = #tpu.dot_dimension_numbers<[1], [1], [0], [0], [0, 0, 1, 0], [], []>, transpose_lhs_hint = false} : vector<128x128xf32>, vector<32x128xf32>, vector<128x32xf32> -> vector<128x32xf32>
    %slice3A_124 = vector.extract_strided_slice %get3A_1 {offsets = [0, 5120], sizes = [32, 128], strides = [1, 1]} : vector<32x32768xf32> to vector<32x128xf32>
    %dot_general3A_125 = arith.constant dense<0.000000e+00> : vector<128x32xf32>
    %dot_general3A_126 = tpu.matmul %convert_element_type3A_5, %slice3A_124, %dot_general3A_125 {dimension_numbers = #tpu.dot_dimension_numbers<[1], [1], [0], [0], [0, 0, 1, 0], [], []>, transpose_lhs_hint = false} : vector<128x128xf32>, vector<32x128xf32>, vector<128x32xf32> -> vector<128x32xf32>
    %slice3A_127 = vector.extract_strided_slice %get3A_1 {offsets = [0, 5248], sizes = [32, 128], strides = [1, 1]} : vector<32x32768xf32> to vector<32x128xf32>
    %dot_general3A_128 = arith.constant dense<0.000000e+00> : vector<128x32xf32>
    %dot_general3A_129 = tpu.matmul %convert_element_type3A_5, %slice3A_127, %dot_general3A_128 {dimension_numbers = #tpu.dot_dimension_numbers<[1], [1], [0], [0], [0, 0, 1, 0], [], []>, transpose_lhs_hint = false} : vector<128x128xf32>, vector<32x128xf32>, vector<128x32xf32> -> vector<128x32xf32>
    %slice3A_130 = vector.extract_strided_slice %get3A_1 {offsets = [0, 5376], sizes = [32, 128], strides = [1, 1]} : vector<32x32768xf32> to vector<32x128xf32>
    %dot_general3A_131 = arith.constant dense<0.000000e+00> : vector<128x32xf32>
    %dot_general3A_132 = tpu.matmul %convert_element_type3A_5, %slice3A_130, %dot_general3A_131 {dimension_numbers = #tpu.dot_dimension_numbers<[1], [1], [0], [0], [0, 0, 1, 0], [], []>, transpose_lhs_hint = false} : vector<128x128xf32>, vector<32x128xf32>, vector<128x32xf32> -> vector<128x32xf32>
    %slice3A_133 = vector.extract_strided_slice %get3A_1 {offsets = [0, 5504], sizes = [32, 128], strides = [1, 1]} : vector<32x32768xf32> to vector<32x128xf32>
    %dot_general3A_134 = arith.constant dense<0.000000e+00> : vector<128x32xf32>
    %dot_general3A_135 = tpu.matmul %convert_element_type3A_5, %slice3A_133, %dot_general3A_134 {dimension_numbers = #tpu.dot_dimension_numbers<[1], [1], [0], [0], [0, 0, 1, 0], [], []>, transpose_lhs_hint = false} : vector<128x128xf32>, vector<32x128xf32>, vector<128x32xf32> -> vector<128x32xf32>
    %slice3A_136 = vector.extract_strided_slice %get3A_1 {offsets = [0, 5632], sizes = [32, 128], strides = [1, 1]} : vector<32x32768xf32> to vector<32x128xf32>
    %dot_general3A_137 = arith.constant dense<0.000000e+00> : vector<128x32xf32>
    %dot_general3A_138 = tpu.matmul %convert_element_type3A_5, %slice3A_136, %dot_general3A_137 {dimension_numbers = #tpu.dot_dimension_numbers<[1], [1], [0], [0], [0, 0, 1, 0], [], []>, transpose_lhs_hint = false} : vector<128x128xf32>, vector<32x128xf32>, vector<128x32xf32> -> vector<128x32xf32>
    %slice3A_139 = vector.extract_strided_slice %get3A_1 {offsets = [0, 5760], sizes = [32, 128], strides = [1, 1]} : vector<32x32768xf32> to vector<32x128xf32>
    %dot_general3A_140 = arith.constant dense<0.000000e+00> : vector<128x32xf32>
    %dot_general3A_141 = tpu.matmul %convert_element_type3A_5, %slice3A_139, %dot_general3A_140 {dimension_numbers = #tpu.dot_dimension_numbers<[1], [1], [0], [0], [0, 0, 1, 0], [], []>, transpose_lhs_hint = false} : vector<128x128xf32>, vector<32x128xf32>, vector<128x32xf32> -> vector<128x32xf32>
    %slice3A_142 = vector.extract_strided_slice %get3A_1 {offsets = [0, 5888], sizes = [32, 128], strides = [1, 1]} : vector<32x32768xf32> to vector<32x128xf32>
    %dot_general3A_143 = arith.constant dense<0.000000e+00> : vector<128x32xf32>
    %dot_general3A_144 = tpu.matmul %convert_element_type3A_5, %slice3A_142, %dot_general3A_143 {dimension_numbers = #tpu.dot_dimension_numbers<[1], [1], [0], [0], [0, 0, 1, 0], [], []>, transpose_lhs_hint = false} : vector<128x128xf32>, vector<32x128xf32>, vector<128x32xf32> -> vector<128x32xf32>
    %slice3A_145 = vector.extract_strided_slice %get3A_1 {offsets = [0, 6016], sizes = [32, 128], strides = [1, 1]} : vector<32x32768xf32> to vector<32x128xf32>
    %dot_general3A_146 = arith.constant dense<0.000000e+00> : vector<128x32xf32>
    %dot_general3A_147 = tpu.matmul %convert_element_type3A_5, %slice3A_145, %dot_general3A_146 {dimension_numbers = #tpu.dot_dimension_numbers<[1], [1], [0], [0], [0, 0, 1, 0], [], []>, transpose_lhs_hint = false} : vector<128x128xf32>, vector<32x128xf32>, vector<128x32xf32> -> vector<128x32xf32>
    %slice3A_148 = vector.extract_strided_slice %get3A_1 {offsets = [0, 6144], sizes = [32, 128], strides = [1, 1]} : vector<32x32768xf32> to vector<32x128xf32>
    %dot_general3A_149 = arith.constant dense<0.000000e+00> : vector<128x32xf32>
    %dot_general3A_150 = tpu.matmul %convert_element_type3A_5, %slice3A_148, %dot_general3A_149 {dimension_numbers = #tpu.dot_dimension_numbers<[1], [1], [0], [0], [0, 0, 1, 0], [], []>, transpose_lhs_hint = false} : vector<128x128xf32>, vector<32x128xf32>, vector<128x32xf32> -> vector<128x32xf32>
    %slice3A_151 = vector.extract_strided_slice %get3A_1 {offsets = [0, 6272], sizes = [32, 128], strides = [1, 1]} : vector<32x32768xf32> to vector<32x128xf32>
    %dot_general3A_152 = arith.constant dense<0.000000e+00> : vector<128x32xf32>
    %dot_general3A_153 = tpu.matmul %convert_element_type3A_5, %slice3A_151, %dot_general3A_152 {dimension_numbers = #tpu.dot_dimension_numbers<[1], [1], [0], [0], [0, 0, 1, 0], [], []>, transpose_lhs_hint = false} : vector<128x128xf32>, vector<32x128xf32>, vector<128x32xf32> -> vector<128x32xf32>
    %slice3A_154 = vector.extract_strided_slice %get3A_1 {offsets = [0, 6400], sizes = [32, 128], strides = [1, 1]} : vector<32x32768xf32> to vector<32x128xf32>
    %dot_general3A_155 = arith.constant dense<0.000000e+00> : vector<128x32xf32>
    %dot_general3A_156 = tpu.matmul %convert_element_type3A_5, %slice3A_154, %dot_general3A_155 {dimension_numbers = #tpu.dot_dimension_numbers<[1], [1], [0], [0], [0, 0, 1, 0], [], []>, transpose_lhs_hint = false} : vector<128x128xf32>, vector<32x128xf32>, vector<128x32xf32> -> vector<128x32xf32>
    %slice3A_157 = vector.extract_strided_slice %get3A_1 {offsets = [0, 6528], sizes = [32, 128], strides = [1, 1]} : vector<32x32768xf32> to vector<32x128xf32>
    %dot_general3A_158 = arith.constant dense<0.000000e+00> : vector<128x32xf32>
    %dot_general3A_159 = tpu.matmul %convert_element_type3A_5, %slice3A_157, %dot_general3A_158 {dimension_numbers = #tpu.dot_dimension_numbers<[1], [1], [0], [0], [0, 0, 1, 0], [], []>, transpose_lhs_hint = false} : vector<128x128xf32>, vector<32x128xf32>, vector<128x32xf32> -> vector<128x32xf32>
    %slice3A_160 = vector.extract_strided_slice %get3A_1 {offsets = [0, 6656], sizes = [32, 128], strides = [1, 1]} : vector<32x32768xf32> to vector<32x128xf32>
    %dot_general3A_161 = arith.constant dense<0.000000e+00> : vector<128x32xf32>
    %dot_general3A_162 = tpu.matmul %convert_element_type3A_5, %slice3A_160, %dot_general3A_161 {dimension_numbers = #tpu.dot_dimension_numbers<[1], [1], [0], [0], [0, 0, 1, 0], [], []>, transpose_lhs_hint = false} : vector<128x128xf32>, vector<32x128xf32>, vector<128x32xf32> -> vector<128x32xf32>
    %slice3A_163 = vector.extract_strided_slice %get3A_1 {offsets = [0, 6784], sizes = [32, 128], strides = [1, 1]} : vector<32x32768xf32> to vector<32x128xf32>
    %dot_general3A_164 = arith.constant dense<0.000000e+00> : vector<128x32xf32>
    %dot_general3A_165 = tpu.matmul %convert_element_type3A_5, %slice3A_163, %dot_general3A_164 {dimension_numbers = #tpu.dot_dimension_numbers<[1], [1], [0], [0], [0, 0, 1, 0], [], []>, transpose_lhs_hint = false} : vector<128x128xf32>, vector<32x128xf32>, vector<128x32xf32> -> vector<128x32xf32>
    %slice3A_166 = vector.extract_strided_slice %get3A_1 {offsets = [0, 6912], sizes = [32, 128], strides = [1, 1]} : vector<32x32768xf32> to vector<32x128xf32>
    %dot_general3A_167 = arith.constant dense<0.000000e+00> : vector<128x32xf32>
    %dot_general3A_168 = tpu.matmul %convert_element_type3A_5, %slice3A_166, %dot_general3A_167 {dimension_numbers = #tpu.dot_dimension_numbers<[1], [1], [0], [0], [0, 0, 1, 0], [], []>, transpose_lhs_hint = false} : vector<128x128xf32>, vector<32x128xf32>, vector<128x32xf32> -> vector<128x32xf32>
    %slice3A_169 = vector.extract_strided_slice %get3A_1 {offsets = [0, 7040], sizes = [32, 128], strides = [1, 1]} : vector<32x32768xf32> to vector<32x128xf32>
    %dot_general3A_170 = arith.constant dense<0.000000e+00> : vector<128x32xf32>
    %dot_general3A_171 = tpu.matmul %convert_element_type3A_5, %slice3A_169, %dot_general3A_170 {dimension_numbers = #tpu.dot_dimension_numbers<[1], [1], [0], [0], [0, 0, 1, 0], [], []>, transpose_lhs_hint = false} : vector<128x128xf32>, vector<32x128xf32>, vector<128x32xf32> -> vector<128x32xf32>
    %slice3A_172 = vector.extract_strided_slice %get3A_1 {offsets = [0, 7168], sizes = [32, 128], strides = [1, 1]} : vector<32x32768xf32> to vector<32x128xf32>
    %dot_general3A_173 = arith.constant dense<0.000000e+00> : vector<128x32xf32>
    %dot_general3A_174 = tpu.matmul %convert_element_type3A_5, %slice3A_172, %dot_general3A_173 {dimension_numbers = #tpu.dot_dimension_numbers<[1], [1], [0], [0], [0, 0, 1, 0], [], []>, transpose_lhs_hint = false} : vector<128x128xf32>, vector<32x128xf32>, vector<128x32xf32> -> vector<128x32xf32>
    %slice3A_175 = vector.extract_strided_slice %get3A_1 {offsets = [0, 7296], sizes = [32, 128], strides = [1, 1]} : vector<32x32768xf32> to vector<32x128xf32>
    %dot_general3A_176 = arith.constant dense<0.000000e+00> : vector<128x32xf32>
    %dot_general3A_177 = tpu.matmul %convert_element_type3A_5, %slice3A_175, %dot_general3A_176 {dimension_numbers = #tpu.dot_dimension_numbers<[1], [1], [0], [0], [0, 0, 1, 0], [], []>, transpose_lhs_hint = false} : vector<128x128xf32>, vector<32x128xf32>, vector<128x32xf32> -> vector<128x32xf32>
    %slice3A_178 = vector.extract_strided_slice %get3A_1 {offsets = [0, 7424], sizes = [32, 128], strides = [1, 1]} : vector<32x32768xf32> to vector<32x128xf32>
    %dot_general3A_179 = arith.constant dense<0.000000e+00> : vector<128x32xf32>
    %dot_general3A_180 = tpu.matmul %convert_element_type3A_5, %slice3A_178, %dot_general3A_179 {dimension_numbers = #tpu.dot_dimension_numbers<[1], [1], [0], [0], [0, 0, 1, 0], [], []>, transpose_lhs_hint = false} : vector<128x128xf32>, vector<32x128xf32>, vector<128x32xf32> -> vector<128x32xf32>
    %slice3A_181 = vector.extract_strided_slice %get3A_1 {offsets = [0, 7552], sizes = [32, 128], strides = [1, 1]} : vector<32x32768xf32> to vector<32x128xf32>
    %dot_general3A_182 = arith.constant dense<0.000000e+00> : vector<128x32xf32>
    %dot_general3A_183 = tpu.matmul %convert_element_type3A_5, %slice3A_181, %dot_general3A_182 {dimension_numbers = #tpu.dot_dimension_numbers<[1], [1], [0], [0], [0, 0, 1, 0], [], []>, transpose_lhs_hint = false} : vector<128x128xf32>, vector<32x128xf32>, vector<128x32xf32> -> vector<128x32xf32>
    %slice3A_184 = vector.extract_strided_slice %get3A_1 {offsets = [0, 7680], sizes = [32, 128], strides = [1, 1]} : vector<32x32768xf32> to vector<32x128xf32>
    %dot_general3A_185 = arith.constant dense<0.000000e+00> : vector<128x32xf32>
    %dot_general3A_186 = tpu.matmul %convert_element_type3A_5, %slice3A_184, %dot_general3A_185 {dimension_numbers = #tpu.dot_dimension_numbers<[1], [1], [0], [0], [0, 0, 1, 0], [], []>, transpose_lhs_hint = false} : vector<128x128xf32>, vector<32x128xf32>, vector<128x32xf32> -> vector<128x32xf32>
    %slice3A_187 = vector.extract_strided_slice %get3A_1 {offsets = [0, 7808], sizes = [32, 128], strides = [1, 1]} : vector<32x32768xf32> to vector<32x128xf32>
    %dot_general3A_188 = arith.constant dense<0.000000e+00> : vector<128x32xf32>
    %dot_general3A_189 = tpu.matmul %convert_element_type3A_5, %slice3A_187, %dot_general3A_188 {dimension_numbers = #tpu.dot_dimension_numbers<[1], [1], [0], [0], [0, 0, 1, 0], [], []>, transpose_lhs_hint = false} : vector<128x128xf32>, vector<32x128xf32>, vector<128x32xf32> -> vector<128x32xf32>
    %slice3A_190 = vector.extract_strided_slice %get3A_1 {offsets = [0, 7936], sizes = [32, 128], strides = [1, 1]} : vector<32x32768xf32> to vector<32x128xf32>
    %dot_general3A_191 = arith.constant dense<0.000000e+00> : vector<128x32xf32>
    %dot_general3A_192 = tpu.matmul %convert_element_type3A_5, %slice3A_190, %dot_general3A_191 {dimension_numbers = #tpu.dot_dimension_numbers<[1], [1], [0], [0], [0, 0, 1, 0], [], []>, transpose_lhs_hint = false} : vector<128x128xf32>, vector<32x128xf32>, vector<128x32xf32> -> vector<128x32xf32>
    %slice3A_193 = vector.extract_strided_slice %get3A_1 {offsets = [0, 8064], sizes = [32, 128], strides = [1, 1]} : vector<32x32768xf32> to vector<32x128xf32>
    %dot_general3A_194 = arith.constant dense<0.000000e+00> : vector<128x32xf32>
    %dot_general3A_195 = tpu.matmul %convert_element_type3A_5, %slice3A_193, %dot_general3A_194 {dimension_numbers = #tpu.dot_dimension_numbers<[1], [1], [0], [0], [0, 0, 1, 0], [], []>, transpose_lhs_hint = false} : vector<128x128xf32>, vector<32x128xf32>, vector<128x32xf32> -> vector<128x32xf32>
    %concatenate3A = tpu.concatenate %dot_general3A_6, %dot_general3A_9, %dot_general3A_12, %dot_general3A_15, %dot_general3A_18, %dot_general3A_21, %dot_general3A_24, %dot_general3A_27, %dot_general3A_30, %dot_general3A_33, %dot_general3A_36, %dot_general3A_39, %dot_general3A_42, %dot_general3A_45, %dot_general3A_48, %dot_general3A_51, %dot_general3A_54, %dot_general3A_57, %dot_general3A_60, %dot_general3A_63, %dot_general3A_66, %dot_general3A_69, %dot_general3A_72, %dot_general3A_75, %dot_general3A_78, %dot_general3A_81, %dot_general3A_84, %dot_general3A_87, %dot_general3A_90, %dot_general3A_93, %dot_general3A_96, %dot_general3A_99, %dot_general3A_102, %dot_general3A_105, %dot_general3A_108, %dot_general3A_111, %dot_general3A_114, %dot_general3A_117, %dot_general3A_120, %dot_general3A_123, %dot_general3A_126, %dot_general3A_129, %dot_general3A_132, %dot_general3A_135, %dot_general3A_138, %dot_general3A_141, %dot_general3A_144, %dot_general3A_147, %dot_general3A_150, %dot_general3A_153, %dot_general3A_156, %dot_general3A_159, %dot_general3A_162, %dot_general3A_165, %dot_general3A_168, %dot_general3A_171, %dot_general3A_174, %dot_general3A_177, %dot_general3A_180, %dot_general3A_183, %dot_general3A_186, %dot_general3A_189, %dot_general3A_192, %dot_general3A_195 in 0 : vector<128x32xf32>, vector<128x32xf32>, vector<128x32xf32>, vector<128x32xf32>, vector<128x32xf32>, vector<128x32xf32>, vector<128x32xf32>, vector<128x32xf32>, vector<128x32xf32>, vector<128x32xf32>, vector<128x32xf32>, vector<128x32xf32>, vector<128x32xf32>, vector<128x32xf32>, vector<128x32xf32>, vector<128x32xf32>, vector<128x32xf32>, vector<128x32xf32>, vector<128x32xf32>, vector<128x32xf32>, vector<128x32xf32>, vector<128x32xf32>, vector<128x32xf32>, vector<128x32xf32>, vector<128x32xf32>, vector<128x32xf32>, vector<128x32xf32>, vector<128x32xf32>, vector<128x32xf32>, vector<128x32xf32>, vector<128x32xf32>, vector<128x32xf32>, vector<128x32xf32>, vector<128x32xf32>, vector<128x32xf32>, vector<128x32xf32>, vector<128x32xf32>, vector<128x32xf32>, vector<128x32xf32>, vector<128x32xf32>, vector<128x32xf32>, vector<128x32xf32>, vector<128x32xf32>, vector<128x32xf32>, vector<128x32xf32>, vector<128x32xf32>, vector<128x32xf32>, vector<128x32xf32>, vector<128x32xf32>, vector<128x32xf32>, vector<128x32xf32>, vector<128x32xf32>, vector<128x32xf32>, vector<128x32xf32>, vector<128x32xf32>, vector<128x32xf32>, vector<128x32xf32>, vector<128x32xf32>, vector<128x32xf32>, vector<128x32xf32>, vector<128x32xf32>, vector<128x32xf32>, vector<128x32xf32>, vector<128x32xf32> -> vector<8192x32xf32>
    %slice3A_196 = vector.extract_strided_slice %get3A_1 {offsets = [0, 8192], sizes = [32, 128], strides = [1, 1]} : vector<32x32768xf32> to vector<32x128xf32>
    %dot_general3A_197 = arith.constant dense<0.000000e+00> : vector<128x32xf32>
    %dot_general3A_198 = tpu.matmul %convert_element_type3A_5, %slice3A_196, %dot_general3A_197 {dimension_numbers = #tpu.dot_dimension_numbers<[1], [1], [0], [0], [0, 0, 1, 0], [], []>, transpose_lhs_hint = false} : vector<128x128xf32>, vector<32x128xf32>, vector<128x32xf32> -> vector<128x32xf32>
    %slice3A_199 = vector.extract_strided_slice %get3A_1 {offsets = [0, 8320], sizes = [32, 128], strides = [1, 1]} : vector<32x32768xf32> to vector<32x128xf32>
    %dot_general3A_200 = arith.constant dense<0.000000e+00> : vector<128x32xf32>
    %dot_general3A_201 = tpu.matmul %convert_element_type3A_5, %slice3A_199, %dot_general3A_200 {dimension_numbers = #tpu.dot_dimension_numbers<[1], [1], [0], [0], [0, 0, 1, 0], [], []>, transpose_lhs_hint = false} : vector<128x128xf32>, vector<32x128xf32>, vector<128x32xf32> -> vector<128x32xf32>
    %slice3A_202 = vector.extract_strided_slice %get3A_1 {offsets = [0, 8448], sizes = [32, 128], strides = [1, 1]} : vector<32x32768xf32> to vector<32x128xf32>
    %dot_general3A_203 = arith.constant dense<0.000000e+00> : vector<128x32xf32>
    %dot_general3A_204 = tpu.matmul %convert_element_type3A_5, %slice3A_202, %dot_general3A_203 {dimension_numbers = #tpu.dot_dimension_numbers<[1], [1], [0], [0], [0, 0, 1, 0], [], []>, transpose_lhs_hint = false} : vector<128x128xf32>, vector<32x128xf32>, vector<128x32xf32> -> vector<128x32xf32>
    %slice3A_205 = vector.extract_strided_slice %get3A_1 {offsets = [0, 8576], sizes = [32, 128], strides = [1, 1]} : vector<32x32768xf32> to vector<32x128xf32>
    %dot_general3A_206 = arith.constant dense<0.000000e+00> : vector<128x32xf32>
    %dot_general3A_207 = tpu.matmul %convert_element_type3A_5, %slice3A_205, %dot_general3A_206 {dimension_numbers = #tpu.dot_dimension_numbers<[1], [1], [0], [0], [0, 0, 1, 0], [], []>, transpose_lhs_hint = false} : vector<128x128xf32>, vector<32x128xf32>, vector<128x32xf32> -> vector<128x32xf32>
    %slice3A_208 = vector.extract_strided_slice %get3A_1 {offsets = [0, 8704], sizes = [32, 128], strides = [1, 1]} : vector<32x32768xf32> to vector<32x128xf32>
    %dot_general3A_209 = arith.constant dense<0.000000e+00> : vector<128x32xf32>
    %dot_general3A_210 = tpu.matmul %convert_element_type3A_5, %slice3A_208, %dot_general3A_209 {dimension_numbers = #tpu.dot_dimension_numbers<[1], [1], [0], [0], [0, 0, 1, 0], [], []>, transpose_lhs_hint = false} : vector<128x128xf32>, vector<32x128xf32>, vector<128x32xf32> -> vector<128x32xf32>
    %slice3A_211 = vector.extract_strided_slice %get3A_1 {offsets = [0, 8832], sizes = [32, 128], strides = [1, 1]} : vector<32x32768xf32> to vector<32x128xf32>
    %dot_general3A_212 = arith.constant dense<0.000000e+00> : vector<128x32xf32>
    %dot_general3A_213 = tpu.matmul %convert_element_type3A_5, %slice3A_211, %dot_general3A_212 {dimension_numbers = #tpu.dot_dimension_numbers<[1], [1], [0], [0], [0, 0, 1, 0], [], []>, transpose_lhs_hint = false} : vector<128x128xf32>, vector<32x128xf32>, vector<128x32xf32> -> vector<128x32xf32>
    %slice3A_214 = vector.extract_strided_slice %get3A_1 {offsets = [0, 8960], sizes = [32, 128], strides = [1, 1]} : vector<32x32768xf32> to vector<32x128xf32>
    %dot_general3A_215 = arith.constant dense<0.000000e+00> : vector<128x32xf32>
    %dot_general3A_216 = tpu.matmul %convert_element_type3A_5, %slice3A_214, %dot_general3A_215 {dimension_numbers = #tpu.dot_dimension_numbers<[1], [1], [0], [0], [0, 0, 1, 0], [], []>, transpose_lhs_hint = false} : vector<128x128xf32>, vector<32x128xf32>, vector<128x32xf32> -> vector<128x32xf32>
    %slice3A_217 = vector.extract_strided_slice %get3A_1 {offsets = [0, 9088], sizes = [32, 128], strides = [1, 1]} : vector<32x32768xf32> to vector<32x128xf32>
    %dot_general3A_218 = arith.constant dense<0.000000e+00> : vector<128x32xf32>
    %dot_general3A_219 = tpu.matmul %convert_element_type3A_5, %slice3A_217, %dot_general3A_218 {dimension_numbers = #tpu.dot_dimension_numbers<[1], [1], [0], [0], [0, 0, 1, 0], [], []>, transpose_lhs_hint = false} : vector<128x128xf32>, vector<32x128xf32>, vector<128x32xf32> -> vector<128x32xf32>
    %slice3A_220 = vector.extract_strided_slice %get3A_1 {offsets = [0, 9216], sizes = [32, 128], strides = [1, 1]} : vector<32x32768xf32> to vector<32x128xf32>
    %dot_general3A_221 = arith.constant dense<0.000000e+00> : vector<128x32xf32>
    %dot_general3A_222 = tpu.matmul %convert_element_type3A_5, %slice3A_220, %dot_general3A_221 {dimension_numbers = #tpu.dot_dimension_numbers<[1], [1], [0], [0], [0, 0, 1, 0], [], []>, transpose_lhs_hint = false} : vector<128x128xf32>, vector<32x128xf32>, vector<128x32xf32> -> vector<128x32xf32>
    %slice3A_223 = vector.extract_strided_slice %get3A_1 {offsets = [0, 9344], sizes = [32, 128], strides = [1, 1]} : vector<32x32768xf32> to vector<32x128xf32>
    %dot_general3A_224 = arith.constant dense<0.000000e+00> : vector<128x32xf32>
    %dot_general3A_225 = tpu.matmul %convert_element_type3A_5, %slice3A_223, %dot_general3A_224 {dimension_numbers = #tpu.dot_dimension_numbers<[1], [1], [0], [0], [0, 0, 1, 0], [], []>, transpose_lhs_hint = false} : vector<128x128xf32>, vector<32x128xf32>, vector<128x32xf32> -> vector<128x32xf32>
    %slice3A_226 = vector.extract_strided_slice %get3A_1 {offsets = [0, 9472], sizes = [32, 128], strides = [1, 1]} : vector<32x32768xf32> to vector<32x128xf32>
    %dot_general3A_227 = arith.constant dense<0.000000e+00> : vector<128x32xf32>
    %dot_general3A_228 = tpu.matmul %convert_element_type3A_5, %slice3A_226, %dot_general3A_227 {dimension_numbers = #tpu.dot_dimension_numbers<[1], [1], [0], [0], [0, 0, 1, 0], [], []>, transpose_lhs_hint = false} : vector<128x128xf32>, vector<32x128xf32>, vector<128x32xf32> -> vector<128x32xf32>
    %slice3A_229 = vector.extract_strided_slice %get3A_1 {offsets = [0, 9600], sizes = [32, 128], strides = [1, 1]} : vector<32x32768xf32> to vector<32x128xf32>
    %dot_general3A_230 = arith.constant dense<0.000000e+00> : vector<128x32xf32>
    %dot_general3A_231 = tpu.matmul %convert_element_type3A_5, %slice3A_229, %dot_general3A_230 {dimension_numbers = #tpu.dot_dimension_numbers<[1], [1], [0], [0], [0, 0, 1, 0], [], []>, transpose_lhs_hint = false} : vector<128x128xf32>, vector<32x128xf32>, vector<128x32xf32> -> vector<128x32xf32>
    %slice3A_232 = vector.extract_strided_slice %get3A_1 {offsets = [0, 9728], sizes = [32, 128], strides = [1, 1]} : vector<32x32768xf32> to vector<32x128xf32>
    %dot_general3A_233 = arith.constant dense<0.000000e+00> : vector<128x32xf32>
    %dot_general3A_234 = tpu.matmul %convert_element_type3A_5, %slice3A_232, %dot_general3A_233 {dimension_numbers = #tpu.dot_dimension_numbers<[1], [1], [0], [0], [0, 0, 1, 0], [], []>, transpose_lhs_hint = false} : vector<128x128xf32>, vector<32x128xf32>, vector<128x32xf32> -> vector<128x32xf32>
    %slice3A_235 = vector.extract_strided_slice %get3A_1 {offsets = [0, 9856], sizes = [32, 128], strides = [1, 1]} : vector<32x32768xf32> to vector<32x128xf32>
    %dot_general3A_236 = arith.constant dense<0.000000e+00> : vector<128x32xf32>
    %dot_general3A_237 = tpu.matmul %convert_element_type3A_5, %slice3A_235, %dot_general3A_236 {dimension_numbers = #tpu.dot_dimension_numbers<[1], [1], [0], [0], [0, 0, 1, 0], [], []>, transpose_lhs_hint = false} : vector<128x128xf32>, vector<32x128xf32>, vector<128x32xf32> -> vector<128x32xf32>
    %slice3A_238 = vector.extract_strided_slice %get3A_1 {offsets = [0, 9984], sizes = [32, 128], strides = [1, 1]} : vector<32x32768xf32> to vector<32x128xf32>
    %dot_general3A_239 = arith.constant dense<0.000000e+00> : vector<128x32xf32>
    %dot_general3A_240 = tpu.matmul %convert_element_type3A_5, %slice3A_238, %dot_general3A_239 {dimension_numbers = #tpu.dot_dimension_numbers<[1], [1], [0], [0], [0, 0, 1, 0], [], []>, transpose_lhs_hint = false} : vector<128x128xf32>, vector<32x128xf32>, vector<128x32xf32> -> vector<128x32xf32>
    %slice3A_241 = vector.extract_strided_slice %get3A_1 {offsets = [0, 10112], sizes = [32, 128], strides = [1, 1]} : vector<32x32768xf32> to vector<32x128xf32>
    %dot_general3A_242 = arith.constant dense<0.000000e+00> : vector<128x32xf32>
    %dot_general3A_243 = tpu.matmul %convert_element_type3A_5, %slice3A_241, %dot_general3A_242 {dimension_numbers = #tpu.dot_dimension_numbers<[1], [1], [0], [0], [0, 0, 1, 0], [], []>, transpose_lhs_hint = false} : vector<128x128xf32>, vector<32x128xf32>, vector<128x32xf32> -> vector<128x32xf32>
    %slice3A_244 = vector.extract_strided_slice %get3A_1 {offsets = [0, 10240], sizes = [32, 128], strides = [1, 1]} : vector<32x32768xf32> to vector<32x128xf32>
    %dot_general3A_245 = arith.constant dense<0.000000e+00> : vector<128x32xf32>
    %dot_general3A_246 = tpu.matmul %convert_element_type3A_5, %slice3A_244, %dot_general3A_245 {dimension_numbers = #tpu.dot_dimension_numbers<[1], [1], [0], [0], [0, 0, 1, 0], [], []>, transpose_lhs_hint = false} : vector<128x128xf32>, vector<32x128xf32>, vector<128x32xf32> -> vector<128x32xf32>
    %slice3A_247 = vector.extract_strided_slice %get3A_1 {offsets = [0, 10368], sizes = [32, 128], strides = [1, 1]} : vector<32x32768xf32> to vector<32x128xf32>
    %dot_general3A_248 = arith.constant dense<0.000000e+00> : vector<128x32xf32>
    %dot_general3A_249 = tpu.matmul %convert_element_type3A_5, %slice3A_247, %dot_general3A_248 {dimension_numbers = #tpu.dot_dimension_numbers<[1], [1], [0], [0], [0, 0, 1, 0], [], []>, transpose_lhs_hint = false} : vector<128x128xf32>, vector<32x128xf32>, vector<128x32xf32> -> vector<128x32xf32>
    %slice3A_250 = vector.extract_strided_slice %get3A_1 {offsets = [0, 10496], sizes = [32, 128], strides = [1, 1]} : vector<32x32768xf32> to vector<32x128xf32>
    %dot_general3A_251 = arith.constant dense<0.000000e+00> : vector<128x32xf32>
    %dot_general3A_252 = tpu.matmul %convert_element_type3A_5, %slice3A_250, %dot_general3A_251 {dimension_numbers = #tpu.dot_dimension_numbers<[1], [1], [0], [0], [0, 0, 1, 0], [], []>, transpose_lhs_hint = false} : vector<128x128xf32>, vector<32x128xf32>, vector<128x32xf32> -> vector<128x32xf32>
    %slice3A_253 = vector.extract_strided_slice %get3A_1 {offsets = [0, 10624], sizes = [32, 128], strides = [1, 1]} : vector<32x32768xf32> to vector<32x128xf32>
    %dot_general3A_254 = arith.constant dense<0.000000e+00> : vector<128x32xf32>
    %dot_general3A_255 = tpu.matmul %convert_element_type3A_5, %slice3A_253, %dot_general3A_254 {dimension_numbers = #tpu.dot_dimension_numbers<[1], [1], [0], [0], [0, 0, 1, 0], [], []>, transpose_lhs_hint = false} : vector<128x128xf32>, vector<32x128xf32>, vector<128x32xf32> -> vector<128x32xf32>
    %slice3A_256 = vector.extract_strided_slice %get3A_1 {offsets = [0, 10752], sizes = [32, 128], strides = [1, 1]} : vector<32x32768xf32> to vector<32x128xf32>
    %dot_general3A_257 = arith.constant dense<0.000000e+00> : vector<128x32xf32>
    %dot_general3A_258 = tpu.matmul %convert_element_type3A_5, %slice3A_256, %dot_general3A_257 {dimension_numbers = #tpu.dot_dimension_numbers<[1], [1], [0], [0], [0, 0, 1, 0], [], []>, transpose_lhs_hint = false} : vector<128x128xf32>, vector<32x128xf32>, vector<128x32xf32> -> vector<128x32xf32>
    %slice3A_259 = vector.extract_strided_slice %get3A_1 {offsets = [0, 10880], sizes = [32, 128], strides = [1, 1]} : vector<32x32768xf32> to vector<32x128xf32>
    %dot_general3A_260 = arith.constant dense<0.000000e+00> : vector<128x32xf32>
    %dot_general3A_261 = tpu.matmul %convert_element_type3A_5, %slice3A_259, %dot_general3A_260 {dimension_numbers = #tpu.dot_dimension_numbers<[1], [1], [0], [0], [0, 0, 1, 0], [], []>, transpose_lhs_hint = false} : vector<128x128xf32>, vector<32x128xf32>, vector<128x32xf32> -> vector<128x32xf32>
    %slice3A_262 = vector.extract_strided_slice %get3A_1 {offsets = [0, 11008], sizes = [32, 128], strides = [1, 1]} : vector<32x32768xf32> to vector<32x128xf32>
    %dot_general3A_263 = arith.constant dense<0.000000e+00> : vector<128x32xf32>
    %dot_general3A_264 = tpu.matmul %convert_element_type3A_5, %slice3A_262, %dot_general3A_263 {dimension_numbers = #tpu.dot_dimension_numbers<[1], [1], [0], [0], [0, 0, 1, 0], [], []>, transpose_lhs_hint = false} : vector<128x128xf32>, vector<32x128xf32>, vector<128x32xf32> -> vector<128x32xf32>
    %slice3A_265 = vector.extract_strided_slice %get3A_1 {offsets = [0, 11136], sizes = [32, 128], strides = [1, 1]} : vector<32x32768xf32> to vector<32x128xf32>
    %dot_general3A_266 = arith.constant dense<0.000000e+00> : vector<128x32xf32>
    %dot_general3A_267 = tpu.matmul %convert_element_type3A_5, %slice3A_265, %dot_general3A_266 {dimension_numbers = #tpu.dot_dimension_numbers<[1], [1], [0], [0], [0, 0, 1, 0], [], []>, transpose_lhs_hint = false} : vector<128x128xf32>, vector<32x128xf32>, vector<128x32xf32> -> vector<128x32xf32>
    %slice3A_268 = vector.extract_strided_slice %get3A_1 {offsets = [0, 11264], sizes = [32, 128], strides = [1, 1]} : vector<32x32768xf32> to vector<32x128xf32>
    %dot_general3A_269 = arith.constant dense<0.000000e+00> : vector<128x32xf32>
    %dot_general3A_270 = tpu.matmul %convert_element_type3A_5, %slice3A_268, %dot_general3A_269 {dimension_numbers = #tpu.dot_dimension_numbers<[1], [1], [0], [0], [0, 0, 1, 0], [], []>, transpose_lhs_hint = false} : vector<128x128xf32>, vector<32x128xf32>, vector<128x32xf32> -> vector<128x32xf32>
    %slice3A_271 = vector.extract_strided_slice %get3A_1 {offsets = [0, 11392], sizes = [32, 128], strides = [1, 1]} : vector<32x32768xf32> to vector<32x128xf32>
    %dot_general3A_272 = arith.constant dense<0.000000e+00> : vector<128x32xf32>
    %dot_general3A_273 = tpu.matmul %convert_element_type3A_5, %slice3A_271, %dot_general3A_272 {dimension_numbers = #tpu.dot_dimension_numbers<[1], [1], [0], [0], [0, 0, 1, 0], [], []>, transpose_lhs_hint = false} : vector<128x128xf32>, vector<32x128xf32>, vector<128x32xf32> -> vector<128x32xf32>
    %slice3A_274 = vector.extract_strided_slice %get3A_1 {offsets = [0, 11520], sizes = [32, 128], strides = [1, 1]} : vector<32x32768xf32> to vector<32x128xf32>
    %dot_general3A_275 = arith.constant dense<0.000000e+00> : vector<128x32xf32>
    %dot_general3A_276 = tpu.matmul %convert_element_type3A_5, %slice3A_274, %dot_general3A_275 {dimension_numbers = #tpu.dot_dimension_numbers<[1], [1], [0], [0], [0, 0, 1, 0], [], []>, transpose_lhs_hint = false} : vector<128x128xf32>, vector<32x128xf32>, vector<128x32xf32> -> vector<128x32xf32>
    %slice3A_277 = vector.extract_strided_slice %get3A_1 {offsets = [0, 11648], sizes = [32, 128], strides = [1, 1]} : vector<32x32768xf32> to vector<32x128xf32>
    %dot_general3A_278 = arith.constant dense<0.000000e+00> : vector<128x32xf32>
    %dot_general3A_279 = tpu.matmul %convert_element_type3A_5, %slice3A_277, %dot_general3A_278 {dimension_numbers = #tpu.dot_dimension_numbers<[1], [1], [0], [0], [0, 0, 1, 0], [], []>, transpose_lhs_hint = false} : vector<128x128xf32>, vector<32x128xf32>, vector<128x32xf32> -> vector<128x32xf32>
    %slice3A_280 = vector.extract_strided_slice %get3A_1 {offsets = [0, 11776], sizes = [32, 128], strides = [1, 1]} : vector<32x32768xf32> to vector<32x128xf32>
    %dot_general3A_281 = arith.constant dense<0.000000e+00> : vector<128x32xf32>
    %dot_general3A_282 = tpu.matmul %convert_element_type3A_5, %slice3A_280, %dot_general3A_281 {dimension_numbers = #tpu.dot_dimension_numbers<[1], [1], [0], [0], [0, 0, 1, 0], [], []>, transpose_lhs_hint = false} : vector<128x128xf32>, vector<32x128xf32>, vector<128x32xf32> -> vector<128x32xf32>
    %slice3A_283 = vector.extract_strided_slice %get3A_1 {offsets = [0, 11904], sizes = [32, 128], strides = [1, 1]} : vector<32x32768xf32> to vector<32x128xf32>
    %dot_general3A_284 = arith.constant dense<0.000000e+00> : vector<128x32xf32>
    %dot_general3A_285 = tpu.matmul %convert_element_type3A_5, %slice3A_283, %dot_general3A_284 {dimension_numbers = #tpu.dot_dimension_numbers<[1], [1], [0], [0], [0, 0, 1, 0], [], []>, transpose_lhs_hint = false} : vector<128x128xf32>, vector<32x128xf32>, vector<128x32xf32> -> vector<128x32xf32>
    %slice3A_286 = vector.extract_strided_slice %get3A_1 {offsets = [0, 12032], sizes = [32, 128], strides = [1, 1]} : vector<32x32768xf32> to vector<32x128xf32>
    %dot_general3A_287 = arith.constant dense<0.000000e+00> : vector<128x32xf32>
    %dot_general3A_288 = tpu.matmul %convert_element_type3A_5, %slice3A_286, %dot_general3A_287 {dimension_numbers = #tpu.dot_dimension_numbers<[1], [1], [0], [0], [0, 0, 1, 0], [], []>, transpose_lhs_hint = false} : vector<128x128xf32>, vector<32x128xf32>, vector<128x32xf32> -> vector<128x32xf32>
    %slice3A_289 = vector.extract_strided_slice %get3A_1 {offsets = [0, 12160], sizes = [32, 128], strides = [1, 1]} : vector<32x32768xf32> to vector<32x128xf32>
    %dot_general3A_290 = arith.constant dense<0.000000e+00> : vector<128x32xf32>
    %dot_general3A_291 = tpu.matmul %convert_element_type3A_5, %slice3A_289, %dot_general3A_290 {dimension_numbers = #tpu.dot_dimension_numbers<[1], [1], [0], [0], [0, 0, 1, 0], [], []>, transpose_lhs_hint = false} : vector<128x128xf32>, vector<32x128xf32>, vector<128x32xf32> -> vector<128x32xf32>
    %slice3A_292 = vector.extract_strided_slice %get3A_1 {offsets = [0, 12288], sizes = [32, 128], strides = [1, 1]} : vector<32x32768xf32> to vector<32x128xf32>
    %dot_general3A_293 = arith.constant dense<0.000000e+00> : vector<128x32xf32>
    %dot_general3A_294 = tpu.matmul %convert_element_type3A_5, %slice3A_292, %dot_general3A_293 {dimension_numbers = #tpu.dot_dimension_numbers<[1], [1], [0], [0], [0, 0, 1, 0], [], []>, transpose_lhs_hint = false} : vector<128x128xf32>, vector<32x128xf32>, vector<128x32xf32> -> vector<128x32xf32>
    %slice3A_295 = vector.extract_strided_slice %get3A_1 {offsets = [0, 12416], sizes = [32, 128], strides = [1, 1]} : vector<32x32768xf32> to vector<32x128xf32>
    %dot_general3A_296 = arith.constant dense<0.000000e+00> : vector<128x32xf32>
    %dot_general3A_297 = tpu.matmul %convert_element_type3A_5, %slice3A_295, %dot_general3A_296 {dimension_numbers = #tpu.dot_dimension_numbers<[1], [1], [0], [0], [0, 0, 1, 0], [], []>, transpose_lhs_hint = false} : vector<128x128xf32>, vector<32x128xf32>, vector<128x32xf32> -> vector<128x32xf32>
    %slice3A_298 = vector.extract_strided_slice %get3A_1 {offsets = [0, 12544], sizes = [32, 128], strides = [1, 1]} : vector<32x32768xf32> to vector<32x128xf32>
    %dot_general3A_299 = arith.constant dense<0.000000e+00> : vector<128x32xf32>
    %dot_general3A_300 = tpu.matmul %convert_element_type3A_5, %slice3A_298, %dot_general3A_299 {dimension_numbers = #tpu.dot_dimension_numbers<[1], [1], [0], [0], [0, 0, 1, 0], [], []>, transpose_lhs_hint = false} : vector<128x128xf32>, vector<32x128xf32>, vector<128x32xf32> -> vector<128x32xf32>
    %slice3A_301 = vector.extract_strided_slice %get3A_1 {offsets = [0, 12672], sizes = [32, 128], strides = [1, 1]} : vector<32x32768xf32> to vector<32x128xf32>
    %dot_general3A_302 = arith.constant dense<0.000000e+00> : vector<128x32xf32>
    %dot_general3A_303 = tpu.matmul %convert_element_type3A_5, %slice3A_301, %dot_general3A_302 {dimension_numbers = #tpu.dot_dimension_numbers<[1], [1], [0], [0], [0, 0, 1, 0], [], []>, transpose_lhs_hint = false} : vector<128x128xf32>, vector<32x128xf32>, vector<128x32xf32> -> vector<128x32xf32>
    %slice3A_304 = vector.extract_strided_slice %get3A_1 {offsets = [0, 12800], sizes = [32, 128], strides = [1, 1]} : vector<32x32768xf32> to vector<32x128xf32>
    %dot_general3A_305 = arith.constant dense<0.000000e+00> : vector<128x32xf32>
    %dot_general3A_306 = tpu.matmul %convert_element_type3A_5, %slice3A_304, %dot_general3A_305 {dimension_numbers = #tpu.dot_dimension_numbers<[1], [1], [0], [0], [0, 0, 1, 0], [], []>, transpose_lhs_hint = false} : vector<128x128xf32>, vector<32x128xf32>, vector<128x32xf32> -> vector<128x32xf32>
    %slice3A_307 = vector.extract_strided_slice %get3A_1 {offsets = [0, 12928], sizes = [32, 128], strides = [1, 1]} : vector<32x32768xf32> to vector<32x128xf32>
    %dot_general3A_308 = arith.constant dense<0.000000e+00> : vector<128x32xf32>
    %dot_general3A_309 = tpu.matmul %convert_element_type3A_5, %slice3A_307, %dot_general3A_308 {dimension_numbers = #tpu.dot_dimension_numbers<[1], [1], [0], [0], [0, 0, 1, 0], [], []>, transpose_lhs_hint = false} : vector<128x128xf32>, vector<32x128xf32>, vector<128x32xf32> -> vector<128x32xf32>
    %slice3A_310 = vector.extract_strided_slice %get3A_1 {offsets = [0, 13056], sizes = [32, 128], strides = [1, 1]} : vector<32x32768xf32> to vector<32x128xf32>
    %dot_general3A_311 = arith.constant dense<0.000000e+00> : vector<128x32xf32>
    %dot_general3A_312 = tpu.matmul %convert_element_type3A_5, %slice3A_310, %dot_general3A_311 {dimension_numbers = #tpu.dot_dimension_numbers<[1], [1], [0], [0], [0, 0, 1, 0], [], []>, transpose_lhs_hint = false} : vector<128x128xf32>, vector<32x128xf32>, vector<128x32xf32> -> vector<128x32xf32>
    %slice3A_313 = vector.extract_strided_slice %get3A_1 {offsets = [0, 13184], sizes = [32, 128], strides = [1, 1]} : vector<32x32768xf32> to vector<32x128xf32>
    %dot_general3A_314 = arith.constant dense<0.000000e+00> : vector<128x32xf32>
    %dot_general3A_315 = tpu.matmul %convert_element_type3A_5, %slice3A_313, %dot_general3A_314 {dimension_numbers = #tpu.dot_dimension_numbers<[1], [1], [0], [0], [0, 0, 1, 0], [], []>, transpose_lhs_hint = false} : vector<128x128xf32>, vector<32x128xf32>, vector<128x32xf32> -> vector<128x32xf32>
    %slice3A_316 = vector.extract_strided_slice %get3A_1 {offsets = [0, 13312], sizes = [32, 128], strides = [1, 1]} : vector<32x32768xf32> to vector<32x128xf32>
    %dot_general3A_317 = arith.constant dense<0.000000e+00> : vector<128x32xf32>
    %dot_general3A_318 = tpu.matmul %convert_element_type3A_5, %slice3A_316, %dot_general3A_317 {dimension_numbers = #tpu.dot_dimension_numbers<[1], [1], [0], [0], [0, 0, 1, 0], [], []>, transpose_lhs_hint = false} : vector<128x128xf32>, vector<32x128xf32>, vector<128x32xf32> -> vector<128x32xf32>
    %slice3A_319 = vector.extract_strided_slice %get3A_1 {offsets = [0, 13440], sizes = [32, 128], strides = [1, 1]} : vector<32x32768xf32> to vector<32x128xf32>
    %dot_general3A_320 = arith.constant dense<0.000000e+00> : vector<128x32xf32>
    %dot_general3A_321 = tpu.matmul %convert_element_type3A_5, %slice3A_319, %dot_general3A_320 {dimension_numbers = #tpu.dot_dimension_numbers<[1], [1], [0], [0], [0, 0, 1, 0], [], []>, transpose_lhs_hint = false} : vector<128x128xf32>, vector<32x128xf32>, vector<128x32xf32> -> vector<128x32xf32>
    %slice3A_322 = vector.extract_strided_slice %get3A_1 {offsets = [0, 13568], sizes = [32, 128], strides = [1, 1]} : vector<32x32768xf32> to vector<32x128xf32>
    %dot_general3A_323 = arith.constant dense<0.000000e+00> : vector<128x32xf32>
    %dot_general3A_324 = tpu.matmul %convert_element_type3A_5, %slice3A_322, %dot_general3A_323 {dimension_numbers = #tpu.dot_dimension_numbers<[1], [1], [0], [0], [0, 0, 1, 0], [], []>, transpose_lhs_hint = false} : vector<128x128xf32>, vector<32x128xf32>, vector<128x32xf32> -> vector<128x32xf32>
    %slice3A_325 = vector.extract_strided_slice %get3A_1 {offsets = [0, 13696], sizes = [32, 128], strides = [1, 1]} : vector<32x32768xf32> to vector<32x128xf32>
    %dot_general3A_326 = arith.constant dense<0.000000e+00> : vector<128x32xf32>
    %dot_general3A_327 = tpu.matmul %convert_element_type3A_5, %slice3A_325, %dot_general3A_326 {dimension_numbers = #tpu.dot_dimension_numbers<[1], [1], [0], [0], [0, 0, 1, 0], [], []>, transpose_lhs_hint = false} : vector<128x128xf32>, vector<32x128xf32>, vector<128x32xf32> -> vector<128x32xf32>
    %slice3A_328 = vector.extract_strided_slice %get3A_1 {offsets = [0, 13824], sizes = [32, 128], strides = [1, 1]} : vector<32x32768xf32> to vector<32x128xf32>
    %dot_general3A_329 = arith.constant dense<0.000000e+00> : vector<128x32xf32>
    %dot_general3A_330 = tpu.matmul %convert_element_type3A_5, %slice3A_328, %dot_general3A_329 {dimension_numbers = #tpu.dot_dimension_numbers<[1], [1], [0], [0], [0, 0, 1, 0], [], []>, transpose_lhs_hint = false} : vector<128x128xf32>, vector<32x128xf32>, vector<128x32xf32> -> vector<128x32xf32>
    %slice3A_331 = vector.extract_strided_slice %get3A_1 {offsets = [0, 13952], sizes = [32, 128], strides = [1, 1]} : vector<32x32768xf32> to vector<32x128xf32>
    %dot_general3A_332 = arith.constant dense<0.000000e+00> : vector<128x32xf32>
    %dot_general3A_333 = tpu.matmul %convert_element_type3A_5, %slice3A_331, %dot_general3A_332 {dimension_numbers = #tpu.dot_dimension_numbers<[1], [1], [0], [0], [0, 0, 1, 0], [], []>, transpose_lhs_hint = false} : vector<128x128xf32>, vector<32x128xf32>, vector<128x32xf32> -> vector<128x32xf32>
    %slice3A_334 = vector.extract_strided_slice %get3A_1 {offsets = [0, 14080], sizes = [32, 128], strides = [1, 1]} : vector<32x32768xf32> to vector<32x128xf32>
    %dot_general3A_335 = arith.constant dense<0.000000e+00> : vector<128x32xf32>
    %dot_general3A_336 = tpu.matmul %convert_element_type3A_5, %slice3A_334, %dot_general3A_335 {dimension_numbers = #tpu.dot_dimension_numbers<[1], [1], [0], [0], [0, 0, 1, 0], [], []>, transpose_lhs_hint = false} : vector<128x128xf32>, vector<32x128xf32>, vector<128x32xf32> -> vector<128x32xf32>
    %slice3A_337 = vector.extract_strided_slice %get3A_1 {offsets = [0, 14208], sizes = [32, 128], strides = [1, 1]} : vector<32x32768xf32> to vector<32x128xf32>
    %dot_general3A_338 = arith.constant dense<0.000000e+00> : vector<128x32xf32>
    %dot_general3A_339 = tpu.matmul %convert_element_type3A_5, %slice3A_337, %dot_general3A_338 {dimension_numbers = #tpu.dot_dimension_numbers<[1], [1], [0], [0], [0, 0, 1, 0], [], []>, transpose_lhs_hint = false} : vector<128x128xf32>, vector<32x128xf32>, vector<128x32xf32> -> vector<128x32xf32>
    %slice3A_340 = vector.extract_strided_slice %get3A_1 {offsets = [0, 14336], sizes = [32, 128], strides = [1, 1]} : vector<32x32768xf32> to vector<32x128xf32>
    %dot_general3A_341 = arith.constant dense<0.000000e+00> : vector<128x32xf32>
    %dot_general3A_342 = tpu.matmul %convert_element_type3A_5, %slice3A_340, %dot_general3A_341 {dimension_numbers = #tpu.dot_dimension_numbers<[1], [1], [0], [0], [0, 0, 1, 0], [], []>, transpose_lhs_hint = false} : vector<128x128xf32>, vector<32x128xf32>, vector<128x32xf32> -> vector<128x32xf32>
    %slice3A_343 = vector.extract_strided_slice %get3A_1 {offsets = [0, 14464], sizes = [32, 128], strides = [1, 1]} : vector<32x32768xf32> to vector<32x128xf32>
    %dot_general3A_344 = arith.constant dense<0.000000e+00> : vector<128x32xf32>
    %dot_general3A_345 = tpu.matmul %convert_element_type3A_5, %slice3A_343, %dot_general3A_344 {dimension_numbers = #tpu.dot_dimension_numbers<[1], [1], [0], [0], [0, 0, 1, 0], [], []>, transpose_lhs_hint = false} : vector<128x128xf32>, vector<32x128xf32>, vector<128x32xf32> -> vector<128x32xf32>
    %slice3A_346 = vector.extract_strided_slice %get3A_1 {offsets = [0, 14592], sizes = [32, 128], strides = [1, 1]} : vector<32x32768xf32> to vector<32x128xf32>
    %dot_general3A_347 = arith.constant dense<0.000000e+00> : vector<128x32xf32>
    %dot_general3A_348 = tpu.matmul %convert_element_type3A_5, %slice3A_346, %dot_general3A_347 {dimension_numbers = #tpu.dot_dimension_numbers<[1], [1], [0], [0], [0, 0, 1, 0], [], []>, transpose_lhs_hint = false} : vector<128x128xf32>, vector<32x128xf32>, vector<128x32xf32> -> vector<128x32xf32>
    %slice3A_349 = vector.extract_strided_slice %get3A_1 {offsets = [0, 14720], sizes = [32, 128], strides = [1, 1]} : vector<32x32768xf32> to vector<32x128xf32>
    %dot_general3A_350 = arith.constant dense<0.000000e+00> : vector<128x32xf32>
    %dot_general3A_351 = tpu.matmul %convert_element_type3A_5, %slice3A_349, %dot_general3A_350 {dimension_numbers = #tpu.dot_dimension_numbers<[1], [1], [0], [0], [0, 0, 1, 0], [], []>, transpose_lhs_hint = false} : vector<128x128xf32>, vector<32x128xf32>, vector<128x32xf32> -> vector<128x32xf32>
    %slice3A_352 = vector.extract_strided_slice %get3A_1 {offsets = [0, 14848], sizes = [32, 128], strides = [1, 1]} : vector<32x32768xf32> to vector<32x128xf32>
    %dot_general3A_353 = arith.constant dense<0.000000e+00> : vector<128x32xf32>
    %dot_general3A_354 = tpu.matmul %convert_element_type3A_5, %slice3A_352, %dot_general3A_353 {dimension_numbers = #tpu.dot_dimension_numbers<[1], [1], [0], [0], [0, 0, 1, 0], [], []>, transpose_lhs_hint = false} : vector<128x128xf32>, vector<32x128xf32>, vector<128x32xf32> -> vector<128x32xf32>
    %slice3A_355 = vector.extract_strided_slice %get3A_1 {offsets = [0, 14976], sizes = [32, 128], strides = [1, 1]} : vector<32x32768xf32> to vector<32x128xf32>
    %dot_general3A_356 = arith.constant dense<0.000000e+00> : vector<128x32xf32>
    %dot_general3A_357 = tpu.matmul %convert_element_type3A_5, %slice3A_355, %dot_general3A_356 {dimension_numbers = #tpu.dot_dimension_numbers<[1], [1], [0], [0], [0, 0, 1, 0], [], []>, transpose_lhs_hint = false} : vector<128x128xf32>, vector<32x128xf32>, vector<128x32xf32> -> vector<128x32xf32>
    %slice3A_358 = vector.extract_strided_slice %get3A_1 {offsets = [0, 15104], sizes = [32, 128], strides = [1, 1]} : vector<32x32768xf32> to vector<32x128xf32>
    %dot_general3A_359 = arith.constant dense<0.000000e+00> : vector<128x32xf32>
    %dot_general3A_360 = tpu.matmul %convert_element_type3A_5, %slice3A_358, %dot_general3A_359 {dimension_numbers = #tpu.dot_dimension_numbers<[1], [1], [0], [0], [0, 0, 1, 0], [], []>, transpose_lhs_hint = false} : vector<128x128xf32>, vector<32x128xf32>, vector<128x32xf32> -> vector<128x32xf32>
    %slice3A_361 = vector.extract_strided_slice %get3A_1 {offsets = [0, 15232], sizes = [32, 128], strides = [1, 1]} : vector<32x32768xf32> to vector<32x128xf32>
    %dot_general3A_362 = arith.constant dense<0.000000e+00> : vector<128x32xf32>
    %dot_general3A_363 = tpu.matmul %convert_element_type3A_5, %slice3A_361, %dot_general3A_362 {dimension_numbers = #tpu.dot_dimension_numbers<[1], [1], [0], [0], [0, 0, 1, 0], [], []>, transpose_lhs_hint = false} : vector<128x128xf32>, vector<32x128xf32>, vector<128x32xf32> -> vector<128x32xf32>
    %slice3A_364 = vector.extract_strided_slice %get3A_1 {offsets = [0, 15360], sizes = [32, 128], strides = [1, 1]} : vector<32x32768xf32> to vector<32x128xf32>
    %dot_general3A_365 = arith.constant dense<0.000000e+00> : vector<128x32xf32>
    %dot_general3A_366 = tpu.matmul %convert_element_type3A_5, %slice3A_364, %dot_general3A_365 {dimension_numbers = #tpu.dot_dimension_numbers<[1], [1], [0], [0], [0, 0, 1, 0], [], []>, transpose_lhs_hint = false} : vector<128x128xf32>, vector<32x128xf32>, vector<128x32xf32> -> vector<128x32xf32>
    %slice3A_367 = vector.extract_strided_slice %get3A_1 {offsets = [0, 15488], sizes = [32, 128], strides = [1, 1]} : vector<32x32768xf32> to vector<32x128xf32>
    %dot_general3A_368 = arith.constant dense<0.000000e+00> : vector<128x32xf32>
    %dot_general3A_369 = tpu.matmul %convert_element_type3A_5, %slice3A_367, %dot_general3A_368 {dimension_numbers = #tpu.dot_dimension_numbers<[1], [1], [0], [0], [0, 0, 1, 0], [], []>, transpose_lhs_hint = false} : vector<128x128xf32>, vector<32x128xf32>, vector<128x32xf32> -> vector<128x32xf32>
    %slice3A_370 = vector.extract_strided_slice %get3A_1 {offsets = [0, 15616], sizes = [32, 128], strides = [1, 1]} : vector<32x32768xf32> to vector<32x128xf32>
    %dot_general3A_371 = arith.constant dense<0.000000e+00> : vector<128x32xf32>
    %dot_general3A_372 = tpu.matmul %convert_element_type3A_5, %slice3A_370, %dot_general3A_371 {dimension_numbers = #tpu.dot_dimension_numbers<[1], [1], [0], [0], [0, 0, 1, 0], [], []>, transpose_lhs_hint = false} : vector<128x128xf32>, vector<32x128xf32>, vector<128x32xf32> -> vector<128x32xf32>
    %slice3A_373 = vector.extract_strided_slice %get3A_1 {offsets = [0, 15744], sizes = [32, 128], strides = [1, 1]} : vector<32x32768xf32> to vector<32x128xf32>
    %dot_general3A_374 = arith.constant dense<0.000000e+00> : vector<128x32xf32>
    %dot_general3A_375 = tpu.matmul %convert_element_type3A_5, %slice3A_373, %dot_general3A_374 {dimension_numbers = #tpu.dot_dimension_numbers<[1], [1], [0], [0], [0, 0, 1, 0], [], []>, transpose_lhs_hint = false} : vector<128x128xf32>, vector<32x128xf32>, vector<128x32xf32> -> vector<128x32xf32>
    %slice3A_376 = vector.extract_strided_slice %get3A_1 {offsets = [0, 15872], sizes = [32, 128], strides = [1, 1]} : vector<32x32768xf32> to vector<32x128xf32>
    %dot_general3A_377 = arith.constant dense<0.000000e+00> : vector<128x32xf32>
    %dot_general3A_378 = tpu.matmul %convert_element_type3A_5, %slice3A_376, %dot_general3A_377 {dimension_numbers = #tpu.dot_dimension_numbers<[1], [1], [0], [0], [0, 0, 1, 0], [], []>, transpose_lhs_hint = false} : vector<128x128xf32>, vector<32x128xf32>, vector<128x32xf32> -> vector<128x32xf32>
    %slice3A_379 = vector.extract_strided_slice %get3A_1 {offsets = [0, 16000], sizes = [32, 128], strides = [1, 1]} : vector<32x32768xf32> to vector<32x128xf32>
    %dot_general3A_380 = arith.constant dense<0.000000e+00> : vector<128x32xf32>
    %dot_general3A_381 = tpu.matmul %convert_element_type3A_5, %slice3A_379, %dot_general3A_380 {dimension_numbers = #tpu.dot_dimension_numbers<[1], [1], [0], [0], [0, 0, 1, 0], [], []>, transpose_lhs_hint = false} : vector<128x128xf32>, vector<32x128xf32>, vector<128x32xf32> -> vector<128x32xf32>
    %slice3A_382 = vector.extract_strided_slice %get3A_1 {offsets = [0, 16128], sizes = [32, 128], strides = [1, 1]} : vector<32x32768xf32> to vector<32x128xf32>
    %dot_general3A_383 = arith.constant dense<0.000000e+00> : vector<128x32xf32>
    %dot_general3A_384 = tpu.matmul %convert_element_type3A_5, %slice3A_382, %dot_general3A_383 {dimension_numbers = #tpu.dot_dimension_numbers<[1], [1], [0], [0], [0, 0, 1, 0], [], []>, transpose_lhs_hint = false} : vector<128x128xf32>, vector<32x128xf32>, vector<128x32xf32> -> vector<128x32xf32>
    %slice3A_385 = vector.extract_strided_slice %get3A_1 {offsets = [0, 16256], sizes = [32, 128], strides = [1, 1]} : vector<32x32768xf32> to vector<32x128xf32>
    %dot_general3A_386 = arith.constant dense<0.000000e+00> : vector<128x32xf32>
    %dot_general3A_387 = tpu.matmul %convert_element_type3A_5, %slice3A_385, %dot_general3A_386 {dimension_numbers = #tpu.dot_dimension_numbers<[1], [1], [0], [0], [0, 0, 1, 0], [], []>, transpose_lhs_hint = false} : vector<128x128xf32>, vector<32x128xf32>, vector<128x32xf32> -> vector<128x32xf32>
    %concatenate3A_388 = tpu.concatenate %dot_general3A_198, %dot_general3A_201, %dot_general3A_204, %dot_general3A_207, %dot_general3A_210, %dot_general3A_213, %dot_general3A_216, %dot_general3A_219, %dot_general3A_222, %dot_general3A_225, %dot_general3A_228, %dot_general3A_231, %dot_general3A_234, %dot_general3A_237, %dot_general3A_240, %dot_general3A_243, %dot_general3A_246, %dot_general3A_249, %dot_general3A_252, %dot_general3A_255, %dot_general3A_258, %dot_general3A_261, %dot_general3A_264, %dot_general3A_267, %dot_general3A_270, %dot_general3A_273, %dot_general3A_276, %dot_general3A_279, %dot_general3A_282, %dot_general3A_285, %dot_general3A_288, %dot_general3A_291, %dot_general3A_294, %dot_general3A_297, %dot_general3A_300, %dot_general3A_303, %dot_general3A_306, %dot_general3A_309, %dot_general3A_312, %dot_general3A_315, %dot_general3A_318, %dot_general3A_321, %dot_general3A_324, %dot_general3A_327, %dot_general3A_330, %dot_general3A_333, %dot_general3A_336, %dot_general3A_339, %dot_general3A_342, %dot_general3A_345, %dot_general3A_348, %dot_general3A_351, %dot_general3A_354, %dot_general3A_357, %dot_general3A_360, %dot_general3A_363, %dot_general3A_366, %dot_general3A_369, %dot_general3A_372, %dot_general3A_375, %dot_general3A_378, %dot_general3A_381, %dot_general3A_384, %dot_general3A_387 in 0 : vector<128x32xf32>, vector<128x32xf32>, vector<128x32xf32>, vector<128x32xf32>, vector<128x32xf32>, vector<128x32xf32>, vector<128x32xf32>, vector<128x32xf32>, vector<128x32xf32>, vector<128x32xf32>, vector<128x32xf32>, vector<128x32xf32>, vector<128x32xf32>, vector<128x32xf32>, vector<128x32xf32>, vector<128x32xf32>, vector<128x32xf32>, vector<128x32xf32>, vector<128x32xf32>, vector<128x32xf32>, vector<128x32xf32>, vector<128x32xf32>, vector<128x32xf32>, vector<128x32xf32>, vector<128x32xf32>, vector<128x32xf32>, vector<128x32xf32>, vector<128x32xf32>, vector<128x32xf32>, vector<128x32xf32>, vector<128x32xf32>, vector<128x32xf32>, vector<128x32xf32>, vector<128x32xf32>, vector<128x32xf32>, vector<128x32xf32>, vector<128x32xf32>, vector<128x32xf32>, vector<128x32xf32>, vector<128x32xf32>, vector<128x32xf32>, vector<128x32xf32>, vector<128x32xf32>, vector<128x32xf32>, vector<128x32xf32>, vector<128x32xf32>, vector<128x32xf32>, vector<128x32xf32>, vector<128x32xf32>, vector<128x32xf32>, vector<128x32xf32>, vector<128x32xf32>, vector<128x32xf32>, vector<128x32xf32>, vector<128x32xf32>, vector<128x32xf32>, vector<128x32xf32>, vector<128x32xf32>, vector<128x32xf32>, vector<128x32xf32>, vector<128x32xf32>, vector<128x32xf32>, vector<128x32xf32>, vector<128x32xf32> -> vector<8192x32xf32>
    %slice3A_389 = vector.extract_strided_slice %get3A_1 {offsets = [0, 16384], sizes = [32, 128], strides = [1, 1]} : vector<32x32768xf32> to vector<32x128xf32>
    %dot_general3A_390 = arith.constant dense<0.000000e+00> : vector<128x32xf32>
    %dot_general3A_391 = tpu.matmul %convert_element_type3A_5, %slice3A_389, %dot_general3A_390 {dimension_numbers = #tpu.dot_dimension_numbers<[1], [1], [0], [0], [0, 0, 1, 0], [], []>, transpose_lhs_hint = false} : vector<128x128xf32>, vector<32x128xf32>, vector<128x32xf32> -> vector<128x32xf32>
    %slice3A_392 = vector.extract_strided_slice %get3A_1 {offsets = [0, 16512], sizes = [32, 128], strides = [1, 1]} : vector<32x32768xf32> to vector<32x128xf32>
    %dot_general3A_393 = arith.constant dense<0.000000e+00> : vector<128x32xf32>
    %dot_general3A_394 = tpu.matmul %convert_element_type3A_5, %slice3A_392, %dot_general3A_393 {dimension_numbers = #tpu.dot_dimension_numbers<[1], [1], [0], [0], [0, 0, 1, 0], [], []>, transpose_lhs_hint = false} : vector<128x128xf32>, vector<32x128xf32>, vector<128x32xf32> -> vector<128x32xf32>
    %slice3A_395 = vector.extract_strided_slice %get3A_1 {offsets = [0, 16640], sizes = [32, 128], strides = [1, 1]} : vector<32x32768xf32> to vector<32x128xf32>
    %dot_general3A_396 = arith.constant dense<0.000000e+00> : vector<128x32xf32>
    %dot_general3A_397 = tpu.matmul %convert_element_type3A_5, %slice3A_395, %dot_general3A_396 {dimension_numbers = #tpu.dot_dimension_numbers<[1], [1], [0], [0], [0, 0, 1, 0], [], []>, transpose_lhs_hint = false} : vector<128x128xf32>, vector<32x128xf32>, vector<128x32xf32> -> vector<128x32xf32>
    %slice3A_398 = vector.extract_strided_slice %get3A_1 {offsets = [0, 16768], sizes = [32, 128], strides = [1, 1]} : vector<32x32768xf32> to vector<32x128xf32>
    %dot_general3A_399 = arith.constant dense<0.000000e+00> : vector<128x32xf32>
    %dot_general3A_400 = tpu.matmul %convert_element_type3A_5, %slice3A_398, %dot_general3A_399 {dimension_numbers = #tpu.dot_dimension_numbers<[1], [1], [0], [0], [0, 0, 1, 0], [], []>, transpose_lhs_hint = false} : vector<128x128xf32>, vector<32x128xf32>, vector<128x32xf32> -> vector<128x32xf32>
    %slice3A_401 = vector.extract_strided_slice %get3A_1 {offsets = [0, 16896], sizes = [32, 128], strides = [1, 1]} : vector<32x32768xf32> to vector<32x128xf32>
    %dot_general3A_402 = arith.constant dense<0.000000e+00> : vector<128x32xf32>
    %dot_general3A_403 = tpu.matmul %convert_element_type3A_5, %slice3A_401, %dot_general3A_402 {dimension_numbers = #tpu.dot_dimension_numbers<[1], [1], [0], [0], [0, 0, 1, 0], [], []>, transpose_lhs_hint = false} : vector<128x128xf32>, vector<32x128xf32>, vector<128x32xf32> -> vector<128x32xf32>
    %slice3A_404 = vector.extract_strided_slice %get3A_1 {offsets = [0, 17024], sizes = [32, 128], strides = [1, 1]} : vector<32x32768xf32> to vector<32x128xf32>
    %dot_general3A_405 = arith.constant dense<0.000000e+00> : vector<128x32xf32>
    %dot_general3A_406 = tpu.matmul %convert_element_type3A_5, %slice3A_404, %dot_general3A_405 {dimension_numbers = #tpu.dot_dimension_numbers<[1], [1], [0], [0], [0, 0, 1, 0], [], []>, transpose_lhs_hint = false} : vector<128x128xf32>, vector<32x128xf32>, vector<128x32xf32> -> vector<128x32xf32>
    %slice3A_407 = vector.extract_strided_slice %get3A_1 {offsets = [0, 17152], sizes = [32, 128], strides = [1, 1]} : vector<32x32768xf32> to vector<32x128xf32>
    %dot_general3A_408 = arith.constant dense<0.000000e+00> : vector<128x32xf32>
    %dot_general3A_409 = tpu.matmul %convert_element_type3A_5, %slice3A_407, %dot_general3A_408 {dimension_numbers = #tpu.dot_dimension_numbers<[1], [1], [0], [0], [0, 0, 1, 0], [], []>, transpose_lhs_hint = false} : vector<128x128xf32>, vector<32x128xf32>, vector<128x32xf32> -> vector<128x32xf32>
    %slice3A_410 = vector.extract_strided_slice %get3A_1 {offsets = [0, 17280], sizes = [32, 128], strides = [1, 1]} : vector<32x32768xf32> to vector<32x128xf32>
    %dot_general3A_411 = arith.constant dense<0.000000e+00> : vector<128x32xf32>
    %dot_general3A_412 = tpu.matmul %convert_element_type3A_5, %slice3A_410, %dot_general3A_411 {dimension_numbers = #tpu.dot_dimension_numbers<[1], [1], [0], [0], [0, 0, 1, 0], [], []>, transpose_lhs_hint = false} : vector<128x128xf32>, vector<32x128xf32>, vector<128x32xf32> -> vector<128x32xf32>
    %slice3A_413 = vector.extract_strided_slice %get3A_1 {offsets = [0, 17408], sizes = [32, 128], strides = [1, 1]} : vector<32x32768xf32> to vector<32x128xf32>
    %dot_general3A_414 = arith.constant dense<0.000000e+00> : vector<128x32xf32>
    %dot_general3A_415 = tpu.matmul %convert_element_type3A_5, %slice3A_413, %dot_general3A_414 {dimension_numbers = #tpu.dot_dimension_numbers<[1], [1], [0], [0], [0, 0, 1, 0], [], []>, transpose_lhs_hint = false} : vector<128x128xf32>, vector<32x128xf32>, vector<128x32xf32> -> vector<128x32xf32>
    %slice3A_416 = vector.extract_strided_slice %get3A_1 {offsets = [0, 17536], sizes = [32, 128], strides = [1, 1]} : vector<32x32768xf32> to vector<32x128xf32>
    %dot_general3A_417 = arith.constant dense<0.000000e+00> : vector<128x32xf32>
    %dot_general3A_418 = tpu.matmul %convert_element_type3A_5, %slice3A_416, %dot_general3A_417 {dimension_numbers = #tpu.dot_dimension_numbers<[1], [1], [0], [0], [0, 0, 1, 0], [], []>, transpose_lhs_hint = false} : vector<128x128xf32>, vector<32x128xf32>, vector<128x32xf32> -> vector<128x32xf32>
    %slice3A_419 = vector.extract_strided_slice %get3A_1 {offsets = [0, 17664], sizes = [32, 128], strides = [1, 1]} : vector<32x32768xf32> to vector<32x128xf32>
    %dot_general3A_420 = arith.constant dense<0.000000e+00> : vector<128x32xf32>
    %dot_general3A_421 = tpu.matmul %convert_element_type3A_5, %slice3A_419, %dot_general3A_420 {dimension_numbers = #tpu.dot_dimension_numbers<[1], [1], [0], [0], [0, 0, 1, 0], [], []>, transpose_lhs_hint = false} : vector<128x128xf32>, vector<32x128xf32>, vector<128x32xf32> -> vector<128x32xf32>
    %slice3A_422 = vector.extract_strided_slice %get3A_1 {offsets = [0, 17792], sizes = [32, 128], strides = [1, 1]} : vector<32x32768xf32> to vector<32x128xf32>
    %dot_general3A_423 = arith.constant dense<0.000000e+00> : vector<128x32xf32>
    %dot_general3A_424 = tpu.matmul %convert_element_type3A_5, %slice3A_422, %dot_general3A_423 {dimension_numbers = #tpu.dot_dimension_numbers<[1], [1], [0], [0], [0, 0, 1, 0], [], []>, transpose_lhs_hint = false} : vector<128x128xf32>, vector<32x128xf32>, vector<128x32xf32> -> vector<128x32xf32>
    %slice3A_425 = vector.extract_strided_slice %get3A_1 {offsets = [0, 17920], sizes = [32, 128], strides = [1, 1]} : vector<32x32768xf32> to vector<32x128xf32>
    %dot_general3A_426 = arith.constant dense<0.000000e+00> : vector<128x32xf32>
    %dot_general3A_427 = tpu.matmul %convert_element_type3A_5, %slice3A_425, %dot_general3A_426 {dimension_numbers = #tpu.dot_dimension_numbers<[1], [1], [0], [0], [0, 0, 1, 0], [], []>, transpose_lhs_hint = false} : vector<128x128xf32>, vector<32x128xf32>, vector<128x32xf32> -> vector<128x32xf32>
    %slice3A_428 = vector.extract_strided_slice %get3A_1 {offsets = [0, 18048], sizes = [32, 128], strides = [1, 1]} : vector<32x32768xf32> to vector<32x128xf32>
    %dot_general3A_429 = arith.constant dense<0.000000e+00> : vector<128x32xf32>
    %dot_general3A_430 = tpu.matmul %convert_element_type3A_5, %slice3A_428, %dot_general3A_429 {dimension_numbers = #tpu.dot_dimension_numbers<[1], [1], [0], [0], [0, 0, 1, 0], [], []>, transpose_lhs_hint = false} : vector<128x128xf32>, vector<32x128xf32>, vector<128x32xf32> -> vector<128x32xf32>
    %slice3A_431 = vector.extract_strided_slice %get3A_1 {offsets = [0, 18176], sizes = [32, 128], strides = [1, 1]} : vector<32x32768xf32> to vector<32x128xf32>
    %dot_general3A_432 = arith.constant dense<0.000000e+00> : vector<128x32xf32>
    %dot_general3A_433 = tpu.matmul %convert_element_type3A_5, %slice3A_431, %dot_general3A_432 {dimension_numbers = #tpu.dot_dimension_numbers<[1], [1], [0], [0], [0, 0, 1, 0], [], []>, transpose_lhs_hint = false} : vector<128x128xf32>, vector<32x128xf32>, vector<128x32xf32> -> vector<128x32xf32>
    %slice3A_434 = vector.extract_strided_slice %get3A_1 {offsets = [0, 18304], sizes = [32, 128], strides = [1, 1]} : vector<32x32768xf32> to vector<32x128xf32>
    %dot_general3A_435 = arith.constant dense<0.000000e+00> : vector<128x32xf32>
    %dot_general3A_436 = tpu.matmul %convert_element_type3A_5, %slice3A_434, %dot_general3A_435 {dimension_numbers = #tpu.dot_dimension_numbers<[1], [1], [0], [0], [0, 0, 1, 0], [], []>, transpose_lhs_hint = false} : vector<128x128xf32>, vector<32x128xf32>, vector<128x32xf32> -> vector<128x32xf32>
    %slice3A_437 = vector.extract_strided_slice %get3A_1 {offsets = [0, 18432], sizes = [32, 128], strides = [1, 1]} : vector<32x32768xf32> to vector<32x128xf32>
    %dot_general3A_438 = arith.constant dense<0.000000e+00> : vector<128x32xf32>
    %dot_general3A_439 = tpu.matmul %convert_element_type3A_5, %slice3A_437, %dot_general3A_438 {dimension_numbers = #tpu.dot_dimension_numbers<[1], [1], [0], [0], [0, 0, 1, 0], [], []>, transpose_lhs_hint = false} : vector<128x128xf32>, vector<32x128xf32>, vector<128x32xf32> -> vector<128x32xf32>
    %slice3A_440 = vector.extract_strided_slice %get3A_1 {offsets = [0, 18560], sizes = [32, 128], strides = [1, 1]} : vector<32x32768xf32> to vector<32x128xf32>
    %dot_general3A_441 = arith.constant dense<0.000000e+00> : vector<128x32xf32>
    %dot_general3A_442 = tpu.matmul %convert_element_type3A_5, %slice3A_440, %dot_general3A_441 {dimension_numbers = #tpu.dot_dimension_numbers<[1], [1], [0], [0], [0, 0, 1, 0], [], []>, transpose_lhs_hint = false} : vector<128x128xf32>, vector<32x128xf32>, vector<128x32xf32> -> vector<128x32xf32>
    %slice3A_443 = vector.extract_strided_slice %get3A_1 {offsets = [0, 18688], sizes = [32, 128], strides = [1, 1]} : vector<32x32768xf32> to vector<32x128xf32>
    %dot_general3A_444 = arith.constant dense<0.000000e+00> : vector<128x32xf32>
    %dot_general3A_445 = tpu.matmul %convert_element_type3A_5, %slice3A_443, %dot_general3A_444 {dimension_numbers = #tpu.dot_dimension_numbers<[1], [1], [0], [0], [0, 0, 1, 0], [], []>, transpose_lhs_hint = false} : vector<128x128xf32>, vector<32x128xf32>, vector<128x32xf32> -> vector<128x32xf32>
    %slice3A_446 = vector.extract_strided_slice %get3A_1 {offsets = [0, 18816], sizes = [32, 128], strides = [1, 1]} : vector<32x32768xf32> to vector<32x128xf32>
    %dot_general3A_447 = arith.constant dense<0.000000e+00> : vector<128x32xf32>
    %dot_general3A_448 = tpu.matmul %convert_element_type3A_5, %slice3A_446, %dot_general3A_447 {dimension_numbers = #tpu.dot_dimension_numbers<[1], [1], [0], [0], [0, 0, 1, 0], [], []>, transpose_lhs_hint = false} : vector<128x128xf32>, vector<32x128xf32>, vector<128x32xf32> -> vector<128x32xf32>
    %slice3A_449 = vector.extract_strided_slice %get3A_1 {offsets = [0, 18944], sizes = [32, 128], strides = [1, 1]} : vector<32x32768xf32> to vector<32x128xf32>
    %dot_general3A_450 = arith.constant dense<0.000000e+00> : vector<128x32xf32>
    %dot_general3A_451 = tpu.matmul %convert_element_type3A_5, %slice3A_449, %dot_general3A_450 {dimension_numbers = #tpu.dot_dimension_numbers<[1], [1], [0], [0], [0, 0, 1, 0], [], []>, transpose_lhs_hint = false} : vector<128x128xf32>, vector<32x128xf32>, vector<128x32xf32> -> vector<128x32xf32>
    %slice3A_452 = vector.extract_strided_slice %get3A_1 {offsets = [0, 19072], sizes = [32, 128], strides = [1, 1]} : vector<32x32768xf32> to vector<32x128xf32>
    %dot_general3A_453 = arith.constant dense<0.000000e+00> : vector<128x32xf32>
    %dot_general3A_454 = tpu.matmul %convert_element_type3A_5, %slice3A_452, %dot_general3A_453 {dimension_numbers = #tpu.dot_dimension_numbers<[1], [1], [0], [0], [0, 0, 1, 0], [], []>, transpose_lhs_hint = false} : vector<128x128xf32>, vector<32x128xf32>, vector<128x32xf32> -> vector<128x32xf32>
    %slice3A_455 = vector.extract_strided_slice %get3A_1 {offsets = [0, 19200], sizes = [32, 128], strides = [1, 1]} : vector<32x32768xf32> to vector<32x128xf32>
    %dot_general3A_456 = arith.constant dense<0.000000e+00> : vector<128x32xf32>
    %dot_general3A_457 = tpu.matmul %convert_element_type3A_5, %slice3A_455, %dot_general3A_456 {dimension_numbers = #tpu.dot_dimension_numbers<[1], [1], [0], [0], [0, 0, 1, 0], [], []>, transpose_lhs_hint = false} : vector<128x128xf32>, vector<32x128xf32>, vector<128x32xf32> -> vector<128x32xf32>
    %slice3A_458 = vector.extract_strided_slice %get3A_1 {offsets = [0, 19328], sizes = [32, 128], strides = [1, 1]} : vector<32x32768xf32> to vector<32x128xf32>
    %dot_general3A_459 = arith.constant dense<0.000000e+00> : vector<128x32xf32>
    %dot_general3A_460 = tpu.matmul %convert_element_type3A_5, %slice3A_458, %dot_general3A_459 {dimension_numbers = #tpu.dot_dimension_numbers<[1], [1], [0], [0], [0, 0, 1, 0], [], []>, transpose_lhs_hint = false} : vector<128x128xf32>, vector<32x128xf32>, vector<128x32xf32> -> vector<128x32xf32>
    %slice3A_461 = vector.extract_strided_slice %get3A_1 {offsets = [0, 19456], sizes = [32, 128], strides = [1, 1]} : vector<32x32768xf32> to vector<32x128xf32>
    %dot_general3A_462 = arith.constant dense<0.000000e+00> : vector<128x32xf32>
    %dot_general3A_463 = tpu.matmul %convert_element_type3A_5, %slice3A_461, %dot_general3A_462 {dimension_numbers = #tpu.dot_dimension_numbers<[1], [1], [0], [0], [0, 0, 1, 0], [], []>, transpose_lhs_hint = false} : vector<128x128xf32>, vector<32x128xf32>, vector<128x32xf32> -> vector<128x32xf32>
    %slice3A_464 = vector.extract_strided_slice %get3A_1 {offsets = [0, 19584], sizes = [32, 128], strides = [1, 1]} : vector<32x32768xf32> to vector<32x128xf32>
    %dot_general3A_465 = arith.constant dense<0.000000e+00> : vector<128x32xf32>
    %dot_general3A_466 = tpu.matmul %convert_element_type3A_5, %slice3A_464, %dot_general3A_465 {dimension_numbers = #tpu.dot_dimension_numbers<[1], [1], [0], [0], [0, 0, 1, 0], [], []>, transpose_lhs_hint = false} : vector<128x128xf32>, vector<32x128xf32>, vector<128x32xf32> -> vector<128x32xf32>
    %slice3A_467 = vector.extract_strided_slice %get3A_1 {offsets = [0, 19712], sizes = [32, 128], strides = [1, 1]} : vector<32x32768xf32> to vector<32x128xf32>
    %dot_general3A_468 = arith.constant dense<0.000000e+00> : vector<128x32xf32>
    %dot_general3A_469 = tpu.matmul %convert_element_type3A_5, %slice3A_467, %dot_general3A_468 {dimension_numbers = #tpu.dot_dimension_numbers<[1], [1], [0], [0], [0, 0, 1, 0], [], []>, transpose_lhs_hint = false} : vector<128x128xf32>, vector<32x128xf32>, vector<128x32xf32> -> vector<128x32xf32>
    %slice3A_470 = vector.extract_strided_slice %get3A_1 {offsets = [0, 19840], sizes = [32, 128], strides = [1, 1]} : vector<32x32768xf32> to vector<32x128xf32>
    %dot_general3A_471 = arith.constant dense<0.000000e+00> : vector<128x32xf32>
    %dot_general3A_472 = tpu.matmul %convert_element_type3A_5, %slice3A_470, %dot_general3A_471 {dimension_numbers = #tpu.dot_dimension_numbers<[1], [1], [0], [0], [0, 0, 1, 0], [], []>, transpose_lhs_hint = false} : vector<128x128xf32>, vector<32x128xf32>, vector<128x32xf32> -> vector<128x32xf32>
    %slice3A_473 = vector.extract_strided_slice %get3A_1 {offsets = [0, 19968], sizes = [32, 128], strides = [1, 1]} : vector<32x32768xf32> to vector<32x128xf32>
    %dot_general3A_474 = arith.constant dense<0.000000e+00> : vector<128x32xf32>
    %dot_general3A_475 = tpu.matmul %convert_element_type3A_5, %slice3A_473, %dot_general3A_474 {dimension_numbers = #tpu.dot_dimension_numbers<[1], [1], [0], [0], [0, 0, 1, 0], [], []>, transpose_lhs_hint = false} : vector<128x128xf32>, vector<32x128xf32>, vector<128x32xf32> -> vector<128x32xf32>
    %slice3A_476 = vector.extract_strided_slice %get3A_1 {offsets = [0, 20096], sizes = [32, 128], strides = [1, 1]} : vector<32x32768xf32> to vector<32x128xf32>
    %dot_general3A_477 = arith.constant dense<0.000000e+00> : vector<128x32xf32>
    %dot_general3A_478 = tpu.matmul %convert_element_type3A_5, %slice3A_476, %dot_general3A_477 {dimension_numbers = #tpu.dot_dimension_numbers<[1], [1], [0], [0], [0, 0, 1, 0], [], []>, transpose_lhs_hint = false} : vector<128x128xf32>, vector<32x128xf32>, vector<128x32xf32> -> vector<128x32xf32>
    %slice3A_479 = vector.extract_strided_slice %get3A_1 {offsets = [0, 20224], sizes = [32, 128], strides = [1, 1]} : vector<32x32768xf32> to vector<32x128xf32>
    %dot_general3A_480 = arith.constant dense<0.000000e+00> : vector<128x32xf32>
    %dot_general3A_481 = tpu.matmul %convert_element_type3A_5, %slice3A_479, %dot_general3A_480 {dimension_numbers = #tpu.dot_dimension_numbers<[1], [1], [0], [0], [0, 0, 1, 0], [], []>, transpose_lhs_hint = false} : vector<128x128xf32>, vector<32x128xf32>, vector<128x32xf32> -> vector<128x32xf32>
    %slice3A_482 = vector.extract_strided_slice %get3A_1 {offsets = [0, 20352], sizes = [32, 128], strides = [1, 1]} : vector<32x32768xf32> to vector<32x128xf32>
    %dot_general3A_483 = arith.constant dense<0.000000e+00> : vector<128x32xf32>
    %dot_general3A_484 = tpu.matmul %convert_element_type3A_5, %slice3A_482, %dot_general3A_483 {dimension_numbers = #tpu.dot_dimension_numbers<[1], [1], [0], [0], [0, 0, 1, 0], [], []>, transpose_lhs_hint = false} : vector<128x128xf32>, vector<32x128xf32>, vector<128x32xf32> -> vector<128x32xf32>
    %slice3A_485 = vector.extract_strided_slice %get3A_1 {offsets = [0, 20480], sizes = [32, 128], strides = [1, 1]} : vector<32x32768xf32> to vector<32x128xf32>
    %dot_general3A_486 = arith.constant dense<0.000000e+00> : vector<128x32xf32>
    %dot_general3A_487 = tpu.matmul %convert_element_type3A_5, %slice3A_485, %dot_general3A_486 {dimension_numbers = #tpu.dot_dimension_numbers<[1], [1], [0], [0], [0, 0, 1, 0], [], []>, transpose_lhs_hint = false} : vector<128x128xf32>, vector<32x128xf32>, vector<128x32xf32> -> vector<128x32xf32>
    %slice3A_488 = vector.extract_strided_slice %get3A_1 {offsets = [0, 20608], sizes = [32, 128], strides = [1, 1]} : vector<32x32768xf32> to vector<32x128xf32>
    %dot_general3A_489 = arith.constant dense<0.000000e+00> : vector<128x32xf32>
    %dot_general3A_490 = tpu.matmul %convert_element_type3A_5, %slice3A_488, %dot_general3A_489 {dimension_numbers = #tpu.dot_dimension_numbers<[1], [1], [0], [0], [0, 0, 1, 0], [], []>, transpose_lhs_hint = false} : vector<128x128xf32>, vector<32x128xf32>, vector<128x32xf32> -> vector<128x32xf32>
    %slice3A_491 = vector.extract_strided_slice %get3A_1 {offsets = [0, 20736], sizes = [32, 128], strides = [1, 1]} : vector<32x32768xf32> to vector<32x128xf32>
    %dot_general3A_492 = arith.constant dense<0.000000e+00> : vector<128x32xf32>
    %dot_general3A_493 = tpu.matmul %convert_element_type3A_5, %slice3A_491, %dot_general3A_492 {dimension_numbers = #tpu.dot_dimension_numbers<[1], [1], [0], [0], [0, 0, 1, 0], [], []>, transpose_lhs_hint = false} : vector<128x128xf32>, vector<32x128xf32>, vector<128x32xf32> -> vector<128x32xf32>
    %slice3A_494 = vector.extract_strided_slice %get3A_1 {offsets = [0, 20864], sizes = [32, 128], strides = [1, 1]} : vector<32x32768xf32> to vector<32x128xf32>
    %dot_general3A_495 = arith.constant dense<0.000000e+00> : vector<128x32xf32>
    %dot_general3A_496 = tpu.matmul %convert_element_type3A_5, %slice3A_494, %dot_general3A_495 {dimension_numbers = #tpu.dot_dimension_numbers<[1], [1], [0], [0], [0, 0, 1, 0], [], []>, transpose_lhs_hint = false} : vector<128x128xf32>, vector<32x128xf32>, vector<128x32xf32> -> vector<128x32xf32>
    %slice3A_497 = vector.extract_strided_slice %get3A_1 {offsets = [0, 20992], sizes = [32, 128], strides = [1, 1]} : vector<32x32768xf32> to vector<32x128xf32>
    %dot_general3A_498 = arith.constant dense<0.000000e+00> : vector<128x32xf32>
    %dot_general3A_499 = tpu.matmul %convert_element_type3A_5, %slice3A_497, %dot_general3A_498 {dimension_numbers = #tpu.dot_dimension_numbers<[1], [1], [0], [0], [0, 0, 1, 0], [], []>, transpose_lhs_hint = false} : vector<128x128xf32>, vector<32x128xf32>, vector<128x32xf32> -> vector<128x32xf32>
    %slice3A_500 = vector.extract_strided_slice %get3A_1 {offsets = [0, 21120], sizes = [32, 128], strides = [1, 1]} : vector<32x32768xf32> to vector<32x128xf32>
    %dot_general3A_501 = arith.constant dense<0.000000e+00> : vector<128x32xf32>
    %dot_general3A_502 = tpu.matmul %convert_element_type3A_5, %slice3A_500, %dot_general3A_501 {dimension_numbers = #tpu.dot_dimension_numbers<[1], [1], [0], [0], [0, 0, 1, 0], [], []>, transpose_lhs_hint = false} : vector<128x128xf32>, vector<32x128xf32>, vector<128x32xf32> -> vector<128x32xf32>
    %slice3A_503 = vector.extract_strided_slice %get3A_1 {offsets = [0, 21248], sizes = [32, 128], strides = [1, 1]} : vector<32x32768xf32> to vector<32x128xf32>
    %dot_general3A_504 = arith.constant dense<0.000000e+00> : vector<128x32xf32>
    %dot_general3A_505 = tpu.matmul %convert_element_type3A_5, %slice3A_503, %dot_general3A_504 {dimension_numbers = #tpu.dot_dimension_numbers<[1], [1], [0], [0], [0, 0, 1, 0], [], []>, transpose_lhs_hint = false} : vector<128x128xf32>, vector<32x128xf32>, vector<128x32xf32> -> vector<128x32xf32>
    %slice3A_506 = vector.extract_strided_slice %get3A_1 {offsets = [0, 21376], sizes = [32, 128], strides = [1, 1]} : vector<32x32768xf32> to vector<32x128xf32>
    %dot_general3A_507 = arith.constant dense<0.000000e+00> : vector<128x32xf32>
    %dot_general3A_508 = tpu.matmul %convert_element_type3A_5, %slice3A_506, %dot_general3A_507 {dimension_numbers = #tpu.dot_dimension_numbers<[1], [1], [0], [0], [0, 0, 1, 0], [], []>, transpose_lhs_hint = false} : vector<128x128xf32>, vector<32x128xf32>, vector<128x32xf32> -> vector<128x32xf32>
    %slice3A_509 = vector.extract_strided_slice %get3A_1 {offsets = [0, 21504], sizes = [32, 128], strides = [1, 1]} : vector<32x32768xf32> to vector<32x128xf32>
    %dot_general3A_510 = arith.constant dense<0.000000e+00> : vector<128x32xf32>
    %dot_general3A_511 = tpu.matmul %convert_element_type3A_5, %slice3A_509, %dot_general3A_510 {dimension_numbers = #tpu.dot_dimension_numbers<[1], [1], [0], [0], [0, 0, 1, 0], [], []>, transpose_lhs_hint = false} : vector<128x128xf32>, vector<32x128xf32>, vector<128x32xf32> -> vector<128x32xf32>
    %slice3A_512 = vector.extract_strided_slice %get3A_1 {offsets = [0, 21632], sizes = [32, 128], strides = [1, 1]} : vector<32x32768xf32> to vector<32x128xf32>
    %dot_general3A_513 = arith.constant dense<0.000000e+00> : vector<128x32xf32>
    %dot_general3A_514 = tpu.matmul %convert_element_type3A_5, %slice3A_512, %dot_general3A_513 {dimension_numbers = #tpu.dot_dimension_numbers<[1], [1], [0], [0], [0, 0, 1, 0], [], []>, transpose_lhs_hint = false} : vector<128x128xf32>, vector<32x128xf32>, vector<128x32xf32> -> vector<128x32xf32>
    %slice3A_515 = vector.extract_strided_slice %get3A_1 {offsets = [0, 21760], sizes = [32, 128], strides = [1, 1]} : vector<32x32768xf32> to vector<32x128xf32>
    %dot_general3A_516 = arith.constant dense<0.000000e+00> : vector<128x32xf32>
    %dot_general3A_517 = tpu.matmul %convert_element_type3A_5, %slice3A_515, %dot_general3A_516 {dimension_numbers = #tpu.dot_dimension_numbers<[1], [1], [0], [0], [0, 0, 1, 0], [], []>, transpose_lhs_hint = false} : vector<128x128xf32>, vector<32x128xf32>, vector<128x32xf32> -> vector<128x32xf32>
    %slice3A_518 = vector.extract_strided_slice %get3A_1 {offsets = [0, 21888], sizes = [32, 128], strides = [1, 1]} : vector<32x32768xf32> to vector<32x128xf32>
    %dot_general3A_519 = arith.constant dense<0.000000e+00> : vector<128x32xf32>
    %dot_general3A_520 = tpu.matmul %convert_element_type3A_5, %slice3A_518, %dot_general3A_519 {dimension_numbers = #tpu.dot_dimension_numbers<[1], [1], [0], [0], [0, 0, 1, 0], [], []>, transpose_lhs_hint = false} : vector<128x128xf32>, vector<32x128xf32>, vector<128x32xf32> -> vector<128x32xf32>
    %slice3A_521 = vector.extract_strided_slice %get3A_1 {offsets = [0, 22016], sizes = [32, 128], strides = [1, 1]} : vector<32x32768xf32> to vector<32x128xf32>
    %dot_general3A_522 = arith.constant dense<0.000000e+00> : vector<128x32xf32>
    %dot_general3A_523 = tpu.matmul %convert_element_type3A_5, %slice3A_521, %dot_general3A_522 {dimension_numbers = #tpu.dot_dimension_numbers<[1], [1], [0], [0], [0, 0, 1, 0], [], []>, transpose_lhs_hint = false} : vector<128x128xf32>, vector<32x128xf32>, vector<128x32xf32> -> vector<128x32xf32>
    %slice3A_524 = vector.extract_strided_slice %get3A_1 {offsets = [0, 22144], sizes = [32, 128], strides = [1, 1]} : vector<32x32768xf32> to vector<32x128xf32>
    %dot_general3A_525 = arith.constant dense<0.000000e+00> : vector<128x32xf32>
    %dot_general3A_526 = tpu.matmul %convert_element_type3A_5, %slice3A_524, %dot_general3A_525 {dimension_numbers = #tpu.dot_dimension_numbers<[1], [1], [0], [0], [0, 0, 1, 0], [], []>, transpose_lhs_hint = false} : vector<128x128xf32>, vector<32x128xf32>, vector<128x32xf32> -> vector<128x32xf32>
    %slice3A_527 = vector.extract_strided_slice %get3A_1 {offsets = [0, 22272], sizes = [32, 128], strides = [1, 1]} : vector<32x32768xf32> to vector<32x128xf32>
    %dot_general3A_528 = arith.constant dense<0.000000e+00> : vector<128x32xf32>
    %dot_general3A_529 = tpu.matmul %convert_element_type3A_5, %slice3A_527, %dot_general3A_528 {dimension_numbers = #tpu.dot_dimension_numbers<[1], [1], [0], [0], [0, 0, 1, 0], [], []>, transpose_lhs_hint = false} : vector<128x128xf32>, vector<32x128xf32>, vector<128x32xf32> -> vector<128x32xf32>
    %slice3A_530 = vector.extract_strided_slice %get3A_1 {offsets = [0, 22400], sizes = [32, 128], strides = [1, 1]} : vector<32x32768xf32> to vector<32x128xf32>
    %dot_general3A_531 = arith.constant dense<0.000000e+00> : vector<128x32xf32>
    %dot_general3A_532 = tpu.matmul %convert_element_type3A_5, %slice3A_530, %dot_general3A_531 {dimension_numbers = #tpu.dot_dimension_numbers<[1], [1], [0], [0], [0, 0, 1, 0], [], []>, transpose_lhs_hint = false} : vector<128x128xf32>, vector<32x128xf32>, vector<128x32xf32> -> vector<128x32xf32>
    %slice3A_533 = vector.extract_strided_slice %get3A_1 {offsets = [0, 22528], sizes = [32, 128], strides = [1, 1]} : vector<32x32768xf32> to vector<32x128xf32>
    %dot_general3A_534 = arith.constant dense<0.000000e+00> : vector<128x32xf32>
    %dot_general3A_535 = tpu.matmul %convert_element_type3A_5, %slice3A_533, %dot_general3A_534 {dimension_numbers = #tpu.dot_dimension_numbers<[1], [1], [0], [0], [0, 0, 1, 0], [], []>, transpose_lhs_hint = false} : vector<128x128xf32>, vector<32x128xf32>, vector<128x32xf32> -> vector<128x32xf32>
    %slice3A_536 = vector.extract_strided_slice %get3A_1 {offsets = [0, 22656], sizes = [32, 128], strides = [1, 1]} : vector<32x32768xf32> to vector<32x128xf32>
    %dot_general3A_537 = arith.constant dense<0.000000e+00> : vector<128x32xf32>
    %dot_general3A_538 = tpu.matmul %convert_element_type3A_5, %slice3A_536, %dot_general3A_537 {dimension_numbers = #tpu.dot_dimension_numbers<[1], [1], [0], [0], [0, 0, 1, 0], [], []>, transpose_lhs_hint = false} : vector<128x128xf32>, vector<32x128xf32>, vector<128x32xf32> -> vector<128x32xf32>
    %slice3A_539 = vector.extract_strided_slice %get3A_1 {offsets = [0, 22784], sizes = [32, 128], strides = [1, 1]} : vector<32x32768xf32> to vector<32x128xf32>
    %dot_general3A_540 = arith.constant dense<0.000000e+00> : vector<128x32xf32>
    %dot_general3A_541 = tpu.matmul %convert_element_type3A_5, %slice3A_539, %dot_general3A_540 {dimension_numbers = #tpu.dot_dimension_numbers<[1], [1], [0], [0], [0, 0, 1, 0], [], []>, transpose_lhs_hint = false} : vector<128x128xf32>, vector<32x128xf32>, vector<128x32xf32> -> vector<128x32xf32>
    %slice3A_542 = vector.extract_strided_slice %get3A_1 {offsets = [0, 22912], sizes = [32, 128], strides = [1, 1]} : vector<32x32768xf32> to vector<32x128xf32>
    %dot_general3A_543 = arith.constant dense<0.000000e+00> : vector<128x32xf32>
    %dot_general3A_544 = tpu.matmul %convert_element_type3A_5, %slice3A_542, %dot_general3A_543 {dimension_numbers = #tpu.dot_dimension_numbers<[1], [1], [0], [0], [0, 0, 1, 0], [], []>, transpose_lhs_hint = false} : vector<128x128xf32>, vector<32x128xf32>, vector<128x32xf32> -> vector<128x32xf32>
    %slice3A_545 = vector.extract_strided_slice %get3A_1 {offsets = [0, 23040], sizes = [32, 128], strides = [1, 1]} : vector<32x32768xf32> to vector<32x128xf32>
    %dot_general3A_546 = arith.constant dense<0.000000e+00> : vector<128x32xf32>
    %dot_general3A_547 = tpu.matmul %convert_element_type3A_5, %slice3A_545, %dot_general3A_546 {dimension_numbers = #tpu.dot_dimension_numbers<[1], [1], [0], [0], [0, 0, 1, 0], [], []>, transpose_lhs_hint = false} : vector<128x128xf32>, vector<32x128xf32>, vector<128x32xf32> -> vector<128x32xf32>
    %slice3A_548 = vector.extract_strided_slice %get3A_1 {offsets = [0, 23168], sizes = [32, 128], strides = [1, 1]} : vector<32x32768xf32> to vector<32x128xf32>
    %dot_general3A_549 = arith.constant dense<0.000000e+00> : vector<128x32xf32>
    %dot_general3A_550 = tpu.matmul %convert_element_type3A_5, %slice3A_548, %dot_general3A_549 {dimension_numbers = #tpu.dot_dimension_numbers<[1], [1], [0], [0], [0, 0, 1, 0], [], []>, transpose_lhs_hint = false} : vector<128x128xf32>, vector<32x128xf32>, vector<128x32xf32> -> vector<128x32xf32>
    %slice3A_551 = vector.extract_strided_slice %get3A_1 {offsets = [0, 23296], sizes = [32, 128], strides = [1, 1]} : vector<32x32768xf32> to vector<32x128xf32>
    %dot_general3A_552 = arith.constant dense<0.000000e+00> : vector<128x32xf32>
    %dot_general3A_553 = tpu.matmul %convert_element_type3A_5, %slice3A_551, %dot_general3A_552 {dimension_numbers = #tpu.dot_dimension_numbers<[1], [1], [0], [0], [0, 0, 1, 0], [], []>, transpose_lhs_hint = false} : vector<128x128xf32>, vector<32x128xf32>, vector<128x32xf32> -> vector<128x32xf32>
    %slice3A_554 = vector.extract_strided_slice %get3A_1 {offsets = [0, 23424], sizes = [32, 128], strides = [1, 1]} : vector<32x32768xf32> to vector<32x128xf32>
    %dot_general3A_555 = arith.constant dense<0.000000e+00> : vector<128x32xf32>
    %dot_general3A_556 = tpu.matmul %convert_element_type3A_5, %slice3A_554, %dot_general3A_555 {dimension_numbers = #tpu.dot_dimension_numbers<[1], [1], [0], [0], [0, 0, 1, 0], [], []>, transpose_lhs_hint = false} : vector<128x128xf32>, vector<32x128xf32>, vector<128x32xf32> -> vector<128x32xf32>
    %slice3A_557 = vector.extract_strided_slice %get3A_1 {offsets = [0, 23552], sizes = [32, 128], strides = [1, 1]} : vector<32x32768xf32> to vector<32x128xf32>
    %dot_general3A_558 = arith.constant dense<0.000000e+00> : vector<128x32xf32>
    %dot_general3A_559 = tpu.matmul %convert_element_type3A_5, %slice3A_557, %dot_general3A_558 {dimension_numbers = #tpu.dot_dimension_numbers<[1], [1], [0], [0], [0, 0, 1, 0], [], []>, transpose_lhs_hint = false} : vector<128x128xf32>, vector<32x128xf32>, vector<128x32xf32> -> vector<128x32xf32>
    %slice3A_560 = vector.extract_strided_slice %get3A_1 {offsets = [0, 23680], sizes = [32, 128], strides = [1, 1]} : vector<32x32768xf32> to vector<32x128xf32>
    %dot_general3A_561 = arith.constant dense<0.000000e+00> : vector<128x32xf32>
    %dot_general3A_562 = tpu.matmul %convert_element_type3A_5, %slice3A_560, %dot_general3A_561 {dimension_numbers = #tpu.dot_dimension_numbers<[1], [1], [0], [0], [0, 0, 1, 0], [], []>, transpose_lhs_hint = false} : vector<128x128xf32>, vector<32x128xf32>, vector<128x32xf32> -> vector<128x32xf32>
    %slice3A_563 = vector.extract_strided_slice %get3A_1 {offsets = [0, 23808], sizes = [32, 128], strides = [1, 1]} : vector<32x32768xf32> to vector<32x128xf32>
    %dot_general3A_564 = arith.constant dense<0.000000e+00> : vector<128x32xf32>
    %dot_general3A_565 = tpu.matmul %convert_element_type3A_5, %slice3A_563, %dot_general3A_564 {dimension_numbers = #tpu.dot_dimension_numbers<[1], [1], [0], [0], [0, 0, 1, 0], [], []>, transpose_lhs_hint = false} : vector<128x128xf32>, vector<32x128xf32>, vector<128x32xf32> -> vector<128x32xf32>
    %slice3A_566 = vector.extract_strided_slice %get3A_1 {offsets = [0, 23936], sizes = [32, 128], strides = [1, 1]} : vector<32x32768xf32> to vector<32x128xf32>
    %dot_general3A_567 = arith.constant dense<0.000000e+00> : vector<128x32xf32>
    %dot_general3A_568 = tpu.matmul %convert_element_type3A_5, %slice3A_566, %dot_general3A_567 {dimension_numbers = #tpu.dot_dimension_numbers<[1], [1], [0], [0], [0, 0, 1, 0], [], []>, transpose_lhs_hint = false} : vector<128x128xf32>, vector<32x128xf32>, vector<128x32xf32> -> vector<128x32xf32>
    %slice3A_569 = vector.extract_strided_slice %get3A_1 {offsets = [0, 24064], sizes = [32, 128], strides = [1, 1]} : vector<32x32768xf32> to vector<32x128xf32>
    %dot_general3A_570 = arith.constant dense<0.000000e+00> : vector<128x32xf32>
    %dot_general3A_571 = tpu.matmul %convert_element_type3A_5, %slice3A_569, %dot_general3A_570 {dimension_numbers = #tpu.dot_dimension_numbers<[1], [1], [0], [0], [0, 0, 1, 0], [], []>, transpose_lhs_hint = false} : vector<128x128xf32>, vector<32x128xf32>, vector<128x32xf32> -> vector<128x32xf32>
    %slice3A_572 = vector.extract_strided_slice %get3A_1 {offsets = [0, 24192], sizes = [32, 128], strides = [1, 1]} : vector<32x32768xf32> to vector<32x128xf32>
    %dot_general3A_573 = arith.constant dense<0.000000e+00> : vector<128x32xf32>
    %dot_general3A_574 = tpu.matmul %convert_element_type3A_5, %slice3A_572, %dot_general3A_573 {dimension_numbers = #tpu.dot_dimension_numbers<[1], [1], [0], [0], [0, 0, 1, 0], [], []>, transpose_lhs_hint = false} : vector<128x128xf32>, vector<32x128xf32>, vector<128x32xf32> -> vector<128x32xf32>
    %slice3A_575 = vector.extract_strided_slice %get3A_1 {offsets = [0, 24320], sizes = [32, 128], strides = [1, 1]} : vector<32x32768xf32> to vector<32x128xf32>
    %dot_general3A_576 = arith.constant dense<0.000000e+00> : vector<128x32xf32>
    %dot_general3A_577 = tpu.matmul %convert_element_type3A_5, %slice3A_575, %dot_general3A_576 {dimension_numbers = #tpu.dot_dimension_numbers<[1], [1], [0], [0], [0, 0, 1, 0], [], []>, transpose_lhs_hint = false} : vector<128x128xf32>, vector<32x128xf32>, vector<128x32xf32> -> vector<128x32xf32>
    %slice3A_578 = vector.extract_strided_slice %get3A_1 {offsets = [0, 24448], sizes = [32, 128], strides = [1, 1]} : vector<32x32768xf32> to vector<32x128xf32>
    %dot_general3A_579 = arith.constant dense<0.000000e+00> : vector<128x32xf32>
    %dot_general3A_580 = tpu.matmul %convert_element_type3A_5, %slice3A_578, %dot_general3A_579 {dimension_numbers = #tpu.dot_dimension_numbers<[1], [1], [0], [0], [0, 0, 1, 0], [], []>, transpose_lhs_hint = false} : vector<128x128xf32>, vector<32x128xf32>, vector<128x32xf32> -> vector<128x32xf32>
    %concatenate3A_581 = tpu.concatenate %dot_general3A_391, %dot_general3A_394, %dot_general3A_397, %dot_general3A_400, %dot_general3A_403, %dot_general3A_406, %dot_general3A_409, %dot_general3A_412, %dot_general3A_415, %dot_general3A_418, %dot_general3A_421, %dot_general3A_424, %dot_general3A_427, %dot_general3A_430, %dot_general3A_433, %dot_general3A_436, %dot_general3A_439, %dot_general3A_442, %dot_general3A_445, %dot_general3A_448, %dot_general3A_451, %dot_general3A_454, %dot_general3A_457, %dot_general3A_460, %dot_general3A_463, %dot_general3A_466, %dot_general3A_469, %dot_general3A_472, %dot_general3A_475, %dot_general3A_478, %dot_general3A_481, %dot_general3A_484, %dot_general3A_487, %dot_general3A_490, %dot_general3A_493, %dot_general3A_496, %dot_general3A_499, %dot_general3A_502, %dot_general3A_505, %dot_general3A_508, %dot_general3A_511, %dot_general3A_514, %dot_general3A_517, %dot_general3A_520, %dot_general3A_523, %dot_general3A_526, %dot_general3A_529, %dot_general3A_532, %dot_general3A_535, %dot_general3A_538, %dot_general3A_541, %dot_general3A_544, %dot_general3A_547, %dot_general3A_550, %dot_general3A_553, %dot_general3A_556, %dot_general3A_559, %dot_general3A_562, %dot_general3A_565, %dot_general3A_568, %dot_general3A_571, %dot_general3A_574, %dot_general3A_577, %dot_general3A_580 in 0 : vector<128x32xf32>, vector<128x32xf32>, vector<128x32xf32>, vector<128x32xf32>, vector<128x32xf32>, vector<128x32xf32>, vector<128x32xf32>, vector<128x32xf32>, vector<128x32xf32>, vector<128x32xf32>, vector<128x32xf32>, vector<128x32xf32>, vector<128x32xf32>, vector<128x32xf32>, vector<128x32xf32>, vector<128x32xf32>, vector<128x32xf32>, vector<128x32xf32>, vector<128x32xf32>, vector<128x32xf32>, vector<128x32xf32>, vector<128x32xf32>, vector<128x32xf32>, vector<128x32xf32>, vector<128x32xf32>, vector<128x32xf32>, vector<128x32xf32>, vector<128x32xf32>, vector<128x32xf32>, vector<128x32xf32>, vector<128x32xf32>, vector<128x32xf32>, vector<128x32xf32>, vector<128x32xf32>, vector<128x32xf32>, vector<128x32xf32>, vector<128x32xf32>, vector<128x32xf32>, vector<128x32xf32>, vector<128x32xf32>, vector<128x32xf32>, vector<128x32xf32>, vector<128x32xf32>, vector<128x32xf32>, vector<128x32xf32>, vector<128x32xf32>, vector<128x32xf32>, vector<128x32xf32>, vector<128x32xf32>, vector<128x32xf32>, vector<128x32xf32>, vector<128x32xf32>, vector<128x32xf32>, vector<128x32xf32>, vector<128x32xf32>, vector<128x32xf32>, vector<128x32xf32>, vector<128x32xf32>, vector<128x32xf32>, vector<128x32xf32>, vector<128x32xf32>, vector<128x32xf32>, vector<128x32xf32>, vector<128x32xf32> -> vector<8192x32xf32>
    %slice3A_582 = vector.extract_strided_slice %get3A_1 {offsets = [0, 24576], sizes = [32, 128], strides = [1, 1]} : vector<32x32768xf32> to vector<32x128xf32>
    %dot_general3A_583 = arith.constant dense<0.000000e+00> : vector<128x32xf32>
    %dot_general3A_584 = tpu.matmul %convert_element_type3A_5, %slice3A_582, %dot_general3A_583 {dimension_numbers = #tpu.dot_dimension_numbers<[1], [1], [0], [0], [0, 0, 1, 0], [], []>, transpose_lhs_hint = false} : vector<128x128xf32>, vector<32x128xf32>, vector<128x32xf32> -> vector<128x32xf32>
    %slice3A_585 = vector.extract_strided_slice %get3A_1 {offsets = [0, 24704], sizes = [32, 128], strides = [1, 1]} : vector<32x32768xf32> to vector<32x128xf32>
    %dot_general3A_586 = arith.constant dense<0.000000e+00> : vector<128x32xf32>
    %dot_general3A_587 = tpu.matmul %convert_element_type3A_5, %slice3A_585, %dot_general3A_586 {dimension_numbers = #tpu.dot_dimension_numbers<[1], [1], [0], [0], [0, 0, 1, 0], [], []>, transpose_lhs_hint = false} : vector<128x128xf32>, vector<32x128xf32>, vector<128x32xf32> -> vector<128x32xf32>
    %slice3A_588 = vector.extract_strided_slice %get3A_1 {offsets = [0, 24832], sizes = [32, 128], strides = [1, 1]} : vector<32x32768xf32> to vector<32x128xf32>
    %dot_general3A_589 = arith.constant dense<0.000000e+00> : vector<128x32xf32>
    %dot_general3A_590 = tpu.matmul %convert_element_type3A_5, %slice3A_588, %dot_general3A_589 {dimension_numbers = #tpu.dot_dimension_numbers<[1], [1], [0], [0], [0, 0, 1, 0], [], []>, transpose_lhs_hint = false} : vector<128x128xf32>, vector<32x128xf32>, vector<128x32xf32> -> vector<128x32xf32>
    %slice3A_591 = vector.extract_strided_slice %get3A_1 {offsets = [0, 24960], sizes = [32, 128], strides = [1, 1]} : vector<32x32768xf32> to vector<32x128xf32>
    %dot_general3A_592 = arith.constant dense<0.000000e+00> : vector<128x32xf32>
    %dot_general3A_593 = tpu.matmul %convert_element_type3A_5, %slice3A_591, %dot_general3A_592 {dimension_numbers = #tpu.dot_dimension_numbers<[1], [1], [0], [0], [0, 0, 1, 0], [], []>, transpose_lhs_hint = false} : vector<128x128xf32>, vector<32x128xf32>, vector<128x32xf32> -> vector<128x32xf32>
    %slice3A_594 = vector.extract_strided_slice %get3A_1 {offsets = [0, 25088], sizes = [32, 128], strides = [1, 1]} : vector<32x32768xf32> to vector<32x128xf32>
    %dot_general3A_595 = arith.constant dense<0.000000e+00> : vector<128x32xf32>
    %dot_general3A_596 = tpu.matmul %convert_element_type3A_5, %slice3A_594, %dot_general3A_595 {dimension_numbers = #tpu.dot_dimension_numbers<[1], [1], [0], [0], [0, 0, 1, 0], [], []>, transpose_lhs_hint = false} : vector<128x128xf32>, vector<32x128xf32>, vector<128x32xf32> -> vector<128x32xf32>
    %slice3A_597 = vector.extract_strided_slice %get3A_1 {offsets = [0, 25216], sizes = [32, 128], strides = [1, 1]} : vector<32x32768xf32> to vector<32x128xf32>
    %dot_general3A_598 = arith.constant dense<0.000000e+00> : vector<128x32xf32>
    %dot_general3A_599 = tpu.matmul %convert_element_type3A_5, %slice3A_597, %dot_general3A_598 {dimension_numbers = #tpu.dot_dimension_numbers<[1], [1], [0], [0], [0, 0, 1, 0], [], []>, transpose_lhs_hint = false} : vector<128x128xf32>, vector<32x128xf32>, vector<128x32xf32> -> vector<128x32xf32>
    %slice3A_600 = vector.extract_strided_slice %get3A_1 {offsets = [0, 25344], sizes = [32, 128], strides = [1, 1]} : vector<32x32768xf32> to vector<32x128xf32>
    %dot_general3A_601 = arith.constant dense<0.000000e+00> : vector<128x32xf32>
    %dot_general3A_602 = tpu.matmul %convert_element_type3A_5, %slice3A_600, %dot_general3A_601 {dimension_numbers = #tpu.dot_dimension_numbers<[1], [1], [0], [0], [0, 0, 1, 0], [], []>, transpose_lhs_hint = false} : vector<128x128xf32>, vector<32x128xf32>, vector<128x32xf32> -> vector<128x32xf32>
    %slice3A_603 = vector.extract_strided_slice %get3A_1 {offsets = [0, 25472], sizes = [32, 128], strides = [1, 1]} : vector<32x32768xf32> to vector<32x128xf32>
    %dot_general3A_604 = arith.constant dense<0.000000e+00> : vector<128x32xf32>
    %dot_general3A_605 = tpu.matmul %convert_element_type3A_5, %slice3A_603, %dot_general3A_604 {dimension_numbers = #tpu.dot_dimension_numbers<[1], [1], [0], [0], [0, 0, 1, 0], [], []>, transpose_lhs_hint = false} : vector<128x128xf32>, vector<32x128xf32>, vector<128x32xf32> -> vector<128x32xf32>
    %slice3A_606 = vector.extract_strided_slice %get3A_1 {offsets = [0, 25600], sizes = [32, 128], strides = [1, 1]} : vector<32x32768xf32> to vector<32x128xf32>
    %dot_general3A_607 = arith.constant dense<0.000000e+00> : vector<128x32xf32>
    %dot_general3A_608 = tpu.matmul %convert_element_type3A_5, %slice3A_606, %dot_general3A_607 {dimension_numbers = #tpu.dot_dimension_numbers<[1], [1], [0], [0], [0, 0, 1, 0], [], []>, transpose_lhs_hint = false} : vector<128x128xf32>, vector<32x128xf32>, vector<128x32xf32> -> vector<128x32xf32>
    %slice3A_609 = vector.extract_strided_slice %get3A_1 {offsets = [0, 25728], sizes = [32, 128], strides = [1, 1]} : vector<32x32768xf32> to vector<32x128xf32>
    %dot_general3A_610 = arith.constant dense<0.000000e+00> : vector<128x32xf32>
    %dot_general3A_611 = tpu.matmul %convert_element_type3A_5, %slice3A_609, %dot_general3A_610 {dimension_numbers = #tpu.dot_dimension_numbers<[1], [1], [0], [0], [0, 0, 1, 0], [], []>, transpose_lhs_hint = false} : vector<128x128xf32>, vector<32x128xf32>, vector<128x32xf32> -> vector<128x32xf32>
    %slice3A_612 = vector.extract_strided_slice %get3A_1 {offsets = [0, 25856], sizes = [32, 128], strides = [1, 1]} : vector<32x32768xf32> to vector<32x128xf32>
    %dot_general3A_613 = arith.constant dense<0.000000e+00> : vector<128x32xf32>
    %dot_general3A_614 = tpu.matmul %convert_element_type3A_5, %slice3A_612, %dot_general3A_613 {dimension_numbers = #tpu.dot_dimension_numbers<[1], [1], [0], [0], [0, 0, 1, 0], [], []>, transpose_lhs_hint = false} : vector<128x128xf32>, vector<32x128xf32>, vector<128x32xf32> -> vector<128x32xf32>
    %slice3A_615 = vector.extract_strided_slice %get3A_1 {offsets = [0, 25984], sizes = [32, 128], strides = [1, 1]} : vector<32x32768xf32> to vector<32x128xf32>
    %dot_general3A_616 = arith.constant dense<0.000000e+00> : vector<128x32xf32>
    %dot_general3A_617 = tpu.matmul %convert_element_type3A_5, %slice3A_615, %dot_general3A_616 {dimension_numbers = #tpu.dot_dimension_numbers<[1], [1], [0], [0], [0, 0, 1, 0], [], []>, transpose_lhs_hint = false} : vector<128x128xf32>, vector<32x128xf32>, vector<128x32xf32> -> vector<128x32xf32>
    %slice3A_618 = vector.extract_strided_slice %get3A_1 {offsets = [0, 26112], sizes = [32, 128], strides = [1, 1]} : vector<32x32768xf32> to vector<32x128xf32>
    %dot_general3A_619 = arith.constant dense<0.000000e+00> : vector<128x32xf32>
    %dot_general3A_620 = tpu.matmul %convert_element_type3A_5, %slice3A_618, %dot_general3A_619 {dimension_numbers = #tpu.dot_dimension_numbers<[1], [1], [0], [0], [0, 0, 1, 0], [], []>, transpose_lhs_hint = false} : vector<128x128xf32>, vector<32x128xf32>, vector<128x32xf32> -> vector<128x32xf32>
    %slice3A_621 = vector.extract_strided_slice %get3A_1 {offsets = [0, 26240], sizes = [32, 128], strides = [1, 1]} : vector<32x32768xf32> to vector<32x128xf32>
    %dot_general3A_622 = arith.constant dense<0.000000e+00> : vector<128x32xf32>
    %dot_general3A_623 = tpu.matmul %convert_element_type3A_5, %slice3A_621, %dot_general3A_622 {dimension_numbers = #tpu.dot_dimension_numbers<[1], [1], [0], [0], [0, 0, 1, 0], [], []>, transpose_lhs_hint = false} : vector<128x128xf32>, vector<32x128xf32>, vector<128x32xf32> -> vector<128x32xf32>
    %slice3A_624 = vector.extract_strided_slice %get3A_1 {offsets = [0, 26368], sizes = [32, 128], strides = [1, 1]} : vector<32x32768xf32> to vector<32x128xf32>
    %dot_general3A_625 = arith.constant dense<0.000000e+00> : vector<128x32xf32>
    %dot_general3A_626 = tpu.matmul %convert_element_type3A_5, %slice3A_624, %dot_general3A_625 {dimension_numbers = #tpu.dot_dimension_numbers<[1], [1], [0], [0], [0, 0, 1, 0], [], []>, transpose_lhs_hint = false} : vector<128x128xf32>, vector<32x128xf32>, vector<128x32xf32> -> vector<128x32xf32>
    %slice3A_627 = vector.extract_strided_slice %get3A_1 {offsets = [0, 26496], sizes = [32, 128], strides = [1, 1]} : vector<32x32768xf32> to vector<32x128xf32>
    %dot_general3A_628 = arith.constant dense<0.000000e+00> : vector<128x32xf32>
    %dot_general3A_629 = tpu.matmul %convert_element_type3A_5, %slice3A_627, %dot_general3A_628 {dimension_numbers = #tpu.dot_dimension_numbers<[1], [1], [0], [0], [0, 0, 1, 0], [], []>, transpose_lhs_hint = false} : vector<128x128xf32>, vector<32x128xf32>, vector<128x32xf32> -> vector<128x32xf32>
    %slice3A_630 = vector.extract_strided_slice %get3A_1 {offsets = [0, 26624], sizes = [32, 128], strides = [1, 1]} : vector<32x32768xf32> to vector<32x128xf32>
    %dot_general3A_631 = arith.constant dense<0.000000e+00> : vector<128x32xf32>
    %dot_general3A_632 = tpu.matmul %convert_element_type3A_5, %slice3A_630, %dot_general3A_631 {dimension_numbers = #tpu.dot_dimension_numbers<[1], [1], [0], [0], [0, 0, 1, 0], [], []>, transpose_lhs_hint = false} : vector<128x128xf32>, vector<32x128xf32>, vector<128x32xf32> -> vector<128x32xf32>
    %slice3A_633 = vector.extract_strided_slice %get3A_1 {offsets = [0, 26752], sizes = [32, 128], strides = [1, 1]} : vector<32x32768xf32> to vector<32x128xf32>
    %dot_general3A_634 = arith.constant dense<0.000000e+00> : vector<128x32xf32>
    %dot_general3A_635 = tpu.matmul %convert_element_type3A_5, %slice3A_633, %dot_general3A_634 {dimension_numbers = #tpu.dot_dimension_numbers<[1], [1], [0], [0], [0, 0, 1, 0], [], []>, transpose_lhs_hint = false} : vector<128x128xf32>, vector<32x128xf32>, vector<128x32xf32> -> vector<128x32xf32>
    %slice3A_636 = vector.extract_strided_slice %get3A_1 {offsets = [0, 26880], sizes = [32, 128], strides = [1, 1]} : vector<32x32768xf32> to vector<32x128xf32>
    %dot_general3A_637 = arith.constant dense<0.000000e+00> : vector<128x32xf32>
    %dot_general3A_638 = tpu.matmul %convert_element_type3A_5, %slice3A_636, %dot_general3A_637 {dimension_numbers = #tpu.dot_dimension_numbers<[1], [1], [0], [0], [0, 0, 1, 0], [], []>, transpose_lhs_hint = false} : vector<128x128xf32>, vector<32x128xf32>, vector<128x32xf32> -> vector<128x32xf32>
    %slice3A_639 = vector.extract_strided_slice %get3A_1 {offsets = [0, 27008], sizes = [32, 128], strides = [1, 1]} : vector<32x32768xf32> to vector<32x128xf32>
    %dot_general3A_640 = arith.constant dense<0.000000e+00> : vector<128x32xf32>
    %dot_general3A_641 = tpu.matmul %convert_element_type3A_5, %slice3A_639, %dot_general3A_640 {dimension_numbers = #tpu.dot_dimension_numbers<[1], [1], [0], [0], [0, 0, 1, 0], [], []>, transpose_lhs_hint = false} : vector<128x128xf32>, vector<32x128xf32>, vector<128x32xf32> -> vector<128x32xf32>
    %slice3A_642 = vector.extract_strided_slice %get3A_1 {offsets = [0, 27136], sizes = [32, 128], strides = [1, 1]} : vector<32x32768xf32> to vector<32x128xf32>
    %dot_general3A_643 = arith.constant dense<0.000000e+00> : vector<128x32xf32>
    %dot_general3A_644 = tpu.matmul %convert_element_type3A_5, %slice3A_642, %dot_general3A_643 {dimension_numbers = #tpu.dot_dimension_numbers<[1], [1], [0], [0], [0, 0, 1, 0], [], []>, transpose_lhs_hint = false} : vector<128x128xf32>, vector<32x128xf32>, vector<128x32xf32> -> vector<128x32xf32>
    %slice3A_645 = vector.extract_strided_slice %get3A_1 {offsets = [0, 27264], sizes = [32, 128], strides = [1, 1]} : vector<32x32768xf32> to vector<32x128xf32>
    %dot_general3A_646 = arith.constant dense<0.000000e+00> : vector<128x32xf32>
    %dot_general3A_647 = tpu.matmul %convert_element_type3A_5, %slice3A_645, %dot_general3A_646 {dimension_numbers = #tpu.dot_dimension_numbers<[1], [1], [0], [0], [0, 0, 1, 0], [], []>, transpose_lhs_hint = false} : vector<128x128xf32>, vector<32x128xf32>, vector<128x32xf32> -> vector<128x32xf32>
    %slice3A_648 = vector.extract_strided_slice %get3A_1 {offsets = [0, 27392], sizes = [32, 128], strides = [1, 1]} : vector<32x32768xf32> to vector<32x128xf32>
    %dot_general3A_649 = arith.constant dense<0.000000e+00> : vector<128x32xf32>
    %dot_general3A_650 = tpu.matmul %convert_element_type3A_5, %slice3A_648, %dot_general3A_649 {dimension_numbers = #tpu.dot_dimension_numbers<[1], [1], [0], [0], [0, 0, 1, 0], [], []>, transpose_lhs_hint = false} : vector<128x128xf32>, vector<32x128xf32>, vector<128x32xf32> -> vector<128x32xf32>
    %slice3A_651 = vector.extract_strided_slice %get3A_1 {offsets = [0, 27520], sizes = [32, 128], strides = [1, 1]} : vector<32x32768xf32> to vector<32x128xf32>
    %dot_general3A_652 = arith.constant dense<0.000000e+00> : vector<128x32xf32>
    %dot_general3A_653 = tpu.matmul %convert_element_type3A_5, %slice3A_651, %dot_general3A_652 {dimension_numbers = #tpu.dot_dimension_numbers<[1], [1], [0], [0], [0, 0, 1, 0], [], []>, transpose_lhs_hint = false} : vector<128x128xf32>, vector<32x128xf32>, vector<128x32xf32> -> vector<128x32xf32>
    %slice3A_654 = vector.extract_strided_slice %get3A_1 {offsets = [0, 27648], sizes = [32, 128], strides = [1, 1]} : vector<32x32768xf32> to vector<32x128xf32>
    %dot_general3A_655 = arith.constant dense<0.000000e+00> : vector<128x32xf32>
    %dot_general3A_656 = tpu.matmul %convert_element_type3A_5, %slice3A_654, %dot_general3A_655 {dimension_numbers = #tpu.dot_dimension_numbers<[1], [1], [0], [0], [0, 0, 1, 0], [], []>, transpose_lhs_hint = false} : vector<128x128xf32>, vector<32x128xf32>, vector<128x32xf32> -> vector<128x32xf32>
    %slice3A_657 = vector.extract_strided_slice %get3A_1 {offsets = [0, 27776], sizes = [32, 128], strides = [1, 1]} : vector<32x32768xf32> to vector<32x128xf32>
    %dot_general3A_658 = arith.constant dense<0.000000e+00> : vector<128x32xf32>
    %dot_general3A_659 = tpu.matmul %convert_element_type3A_5, %slice3A_657, %dot_general3A_658 {dimension_numbers = #tpu.dot_dimension_numbers<[1], [1], [0], [0], [0, 0, 1, 0], [], []>, transpose_lhs_hint = false} : vector<128x128xf32>, vector<32x128xf32>, vector<128x32xf32> -> vector<128x32xf32>
    %slice3A_660 = vector.extract_strided_slice %get3A_1 {offsets = [0, 27904], sizes = [32, 128], strides = [1, 1]} : vector<32x32768xf32> to vector<32x128xf32>
    %dot_general3A_661 = arith.constant dense<0.000000e+00> : vector<128x32xf32>
    %dot_general3A_662 = tpu.matmul %convert_element_type3A_5, %slice3A_660, %dot_general3A_661 {dimension_numbers = #tpu.dot_dimension_numbers<[1], [1], [0], [0], [0, 0, 1, 0], [], []>, transpose_lhs_hint = false} : vector<128x128xf32>, vector<32x128xf32>, vector<128x32xf32> -> vector<128x32xf32>
    %slice3A_663 = vector.extract_strided_slice %get3A_1 {offsets = [0, 28032], sizes = [32, 128], strides = [1, 1]} : vector<32x32768xf32> to vector<32x128xf32>
    %dot_general3A_664 = arith.constant dense<0.000000e+00> : vector<128x32xf32>
    %dot_general3A_665 = tpu.matmul %convert_element_type3A_5, %slice3A_663, %dot_general3A_664 {dimension_numbers = #tpu.dot_dimension_numbers<[1], [1], [0], [0], [0, 0, 1, 0], [], []>, transpose_lhs_hint = false} : vector<128x128xf32>, vector<32x128xf32>, vector<128x32xf32> -> vector<128x32xf32>
    %slice3A_666 = vector.extract_strided_slice %get3A_1 {offsets = [0, 28160], sizes = [32, 128], strides = [1, 1]} : vector<32x32768xf32> to vector<32x128xf32>
    %dot_general3A_667 = arith.constant dense<0.000000e+00> : vector<128x32xf32>
    %dot_general3A_668 = tpu.matmul %convert_element_type3A_5, %slice3A_666, %dot_general3A_667 {dimension_numbers = #tpu.dot_dimension_numbers<[1], [1], [0], [0], [0, 0, 1, 0], [], []>, transpose_lhs_hint = false} : vector<128x128xf32>, vector<32x128xf32>, vector<128x32xf32> -> vector<128x32xf32>
    %slice3A_669 = vector.extract_strided_slice %get3A_1 {offsets = [0, 28288], sizes = [32, 128], strides = [1, 1]} : vector<32x32768xf32> to vector<32x128xf32>
    %dot_general3A_670 = arith.constant dense<0.000000e+00> : vector<128x32xf32>
    %dot_general3A_671 = tpu.matmul %convert_element_type3A_5, %slice3A_669, %dot_general3A_670 {dimension_numbers = #tpu.dot_dimension_numbers<[1], [1], [0], [0], [0, 0, 1, 0], [], []>, transpose_lhs_hint = false} : vector<128x128xf32>, vector<32x128xf32>, vector<128x32xf32> -> vector<128x32xf32>
    %slice3A_672 = vector.extract_strided_slice %get3A_1 {offsets = [0, 28416], sizes = [32, 128], strides = [1, 1]} : vector<32x32768xf32> to vector<32x128xf32>
    %dot_general3A_673 = arith.constant dense<0.000000e+00> : vector<128x32xf32>
    %dot_general3A_674 = tpu.matmul %convert_element_type3A_5, %slice3A_672, %dot_general3A_673 {dimension_numbers = #tpu.dot_dimension_numbers<[1], [1], [0], [0], [0, 0, 1, 0], [], []>, transpose_lhs_hint = false} : vector<128x128xf32>, vector<32x128xf32>, vector<128x32xf32> -> vector<128x32xf32>
    %slice3A_675 = vector.extract_strided_slice %get3A_1 {offsets = [0, 28544], sizes = [32, 128], strides = [1, 1]} : vector<32x32768xf32> to vector<32x128xf32>
    %dot_general3A_676 = arith.constant dense<0.000000e+00> : vector<128x32xf32>
    %dot_general3A_677 = tpu.matmul %convert_element_type3A_5, %slice3A_675, %dot_general3A_676 {dimension_numbers = #tpu.dot_dimension_numbers<[1], [1], [0], [0], [0, 0, 1, 0], [], []>, transpose_lhs_hint = false} : vector<128x128xf32>, vector<32x128xf32>, vector<128x32xf32> -> vector<128x32xf32>
    %slice3A_678 = vector.extract_strided_slice %get3A_1 {offsets = [0, 28672], sizes = [32, 128], strides = [1, 1]} : vector<32x32768xf32> to vector<32x128xf32>
    %dot_general3A_679 = arith.constant dense<0.000000e+00> : vector<128x32xf32>
    %dot_general3A_680 = tpu.matmul %convert_element_type3A_5, %slice3A_678, %dot_general3A_679 {dimension_numbers = #tpu.dot_dimension_numbers<[1], [1], [0], [0], [0, 0, 1, 0], [], []>, transpose_lhs_hint = false} : vector<128x128xf32>, vector<32x128xf32>, vector<128x32xf32> -> vector<128x32xf32>
    %slice3A_681 = vector.extract_strided_slice %get3A_1 {offsets = [0, 28800], sizes = [32, 128], strides = [1, 1]} : vector<32x32768xf32> to vector<32x128xf32>
    %dot_general3A_682 = arith.constant dense<0.000000e+00> : vector<128x32xf32>
    %dot_general3A_683 = tpu.matmul %convert_element_type3A_5, %slice3A_681, %dot_general3A_682 {dimension_numbers = #tpu.dot_dimension_numbers<[1], [1], [0], [0], [0, 0, 1, 0], [], []>, transpose_lhs_hint = false} : vector<128x128xf32>, vector<32x128xf32>, vector<128x32xf32> -> vector<128x32xf32>
    %slice3A_684 = vector.extract_strided_slice %get3A_1 {offsets = [0, 28928], sizes = [32, 128], strides = [1, 1]} : vector<32x32768xf32> to vector<32x128xf32>
    %dot_general3A_685 = arith.constant dense<0.000000e+00> : vector<128x32xf32>
    %dot_general3A_686 = tpu.matmul %convert_element_type3A_5, %slice3A_684, %dot_general3A_685 {dimension_numbers = #tpu.dot_dimension_numbers<[1], [1], [0], [0], [0, 0, 1, 0], [], []>, transpose_lhs_hint = false} : vector<128x128xf32>, vector<32x128xf32>, vector<128x32xf32> -> vector<128x32xf32>
    %slice3A_687 = vector.extract_strided_slice %get3A_1 {offsets = [0, 29056], sizes = [32, 128], strides = [1, 1]} : vector<32x32768xf32> to vector<32x128xf32>
    %dot_general3A_688 = arith.constant dense<0.000000e+00> : vector<128x32xf32>
    %dot_general3A_689 = tpu.matmul %convert_element_type3A_5, %slice3A_687, %dot_general3A_688 {dimension_numbers = #tpu.dot_dimension_numbers<[1], [1], [0], [0], [0, 0, 1, 0], [], []>, transpose_lhs_hint = false} : vector<128x128xf32>, vector<32x128xf32>, vector<128x32xf32> -> vector<128x32xf32>
    %slice3A_690 = vector.extract_strided_slice %get3A_1 {offsets = [0, 29184], sizes = [32, 128], strides = [1, 1]} : vector<32x32768xf32> to vector<32x128xf32>
    %dot_general3A_691 = arith.constant dense<0.000000e+00> : vector<128x32xf32>
    %dot_general3A_692 = tpu.matmul %convert_element_type3A_5, %slice3A_690, %dot_general3A_691 {dimension_numbers = #tpu.dot_dimension_numbers<[1], [1], [0], [0], [0, 0, 1, 0], [], []>, transpose_lhs_hint = false} : vector<128x128xf32>, vector<32x128xf32>, vector<128x32xf32> -> vector<128x32xf32>
    %slice3A_693 = vector.extract_strided_slice %get3A_1 {offsets = [0, 29312], sizes = [32, 128], strides = [1, 1]} : vector<32x32768xf32> to vector<32x128xf32>
    %dot_general3A_694 = arith.constant dense<0.000000e+00> : vector<128x32xf32>
    %dot_general3A_695 = tpu.matmul %convert_element_type3A_5, %slice3A_693, %dot_general3A_694 {dimension_numbers = #tpu.dot_dimension_numbers<[1], [1], [0], [0], [0, 0, 1, 0], [], []>, transpose_lhs_hint = false} : vector<128x128xf32>, vector<32x128xf32>, vector<128x32xf32> -> vector<128x32xf32>
    %slice3A_696 = vector.extract_strided_slice %get3A_1 {offsets = [0, 29440], sizes = [32, 128], strides = [1, 1]} : vector<32x32768xf32> to vector<32x128xf32>
    %dot_general3A_697 = arith.constant dense<0.000000e+00> : vector<128x32xf32>
    %dot_general3A_698 = tpu.matmul %convert_element_type3A_5, %slice3A_696, %dot_general3A_697 {dimension_numbers = #tpu.dot_dimension_numbers<[1], [1], [0], [0], [0, 0, 1, 0], [], []>, transpose_lhs_hint = false} : vector<128x128xf32>, vector<32x128xf32>, vector<128x32xf32> -> vector<128x32xf32>
    %slice3A_699 = vector.extract_strided_slice %get3A_1 {offsets = [0, 29568], sizes = [32, 128], strides = [1, 1]} : vector<32x32768xf32> to vector<32x128xf32>
    %dot_general3A_700 = arith.constant dense<0.000000e+00> : vector<128x32xf32>
    %dot_general3A_701 = tpu.matmul %convert_element_type3A_5, %slice3A_699, %dot_general3A_700 {dimension_numbers = #tpu.dot_dimension_numbers<[1], [1], [0], [0], [0, 0, 1, 0], [], []>, transpose_lhs_hint = false} : vector<128x128xf32>, vector<32x128xf32>, vector<128x32xf32> -> vector<128x32xf32>
    %slice3A_702 = vector.extract_strided_slice %get3A_1 {offsets = [0, 29696], sizes = [32, 128], strides = [1, 1]} : vector<32x32768xf32> to vector<32x128xf32>
    %dot_general3A_703 = arith.constant dense<0.000000e+00> : vector<128x32xf32>
    %dot_general3A_704 = tpu.matmul %convert_element_type3A_5, %slice3A_702, %dot_general3A_703 {dimension_numbers = #tpu.dot_dimension_numbers<[1], [1], [0], [0], [0, 0, 1, 0], [], []>, transpose_lhs_hint = false} : vector<128x128xf32>, vector<32x128xf32>, vector<128x32xf32> -> vector<128x32xf32>
    %slice3A_705 = vector.extract_strided_slice %get3A_1 {offsets = [0, 29824], sizes = [32, 128], strides = [1, 1]} : vector<32x32768xf32> to vector<32x128xf32>
    %dot_general3A_706 = arith.constant dense<0.000000e+00> : vector<128x32xf32>
    %dot_general3A_707 = tpu.matmul %convert_element_type3A_5, %slice3A_705, %dot_general3A_706 {dimension_numbers = #tpu.dot_dimension_numbers<[1], [1], [0], [0], [0, 0, 1, 0], [], []>, transpose_lhs_hint = false} : vector<128x128xf32>, vector<32x128xf32>, vector<128x32xf32> -> vector<128x32xf32>
    %slice3A_708 = vector.extract_strided_slice %get3A_1 {offsets = [0, 29952], sizes = [32, 128], strides = [1, 1]} : vector<32x32768xf32> to vector<32x128xf32>
    %dot_general3A_709 = arith.constant dense<0.000000e+00> : vector<128x32xf32>
    %dot_general3A_710 = tpu.matmul %convert_element_type3A_5, %slice3A_708, %dot_general3A_709 {dimension_numbers = #tpu.dot_dimension_numbers<[1], [1], [0], [0], [0, 0, 1, 0], [], []>, transpose_lhs_hint = false} : vector<128x128xf32>, vector<32x128xf32>, vector<128x32xf32> -> vector<128x32xf32>
    %slice3A_711 = vector.extract_strided_slice %get3A_1 {offsets = [0, 30080], sizes = [32, 128], strides = [1, 1]} : vector<32x32768xf32> to vector<32x128xf32>
    %dot_general3A_712 = arith.constant dense<0.000000e+00> : vector<128x32xf32>
    %dot_general3A_713 = tpu.matmul %convert_element_type3A_5, %slice3A_711, %dot_general3A_712 {dimension_numbers = #tpu.dot_dimension_numbers<[1], [1], [0], [0], [0, 0, 1, 0], [], []>, transpose_lhs_hint = false} : vector<128x128xf32>, vector<32x128xf32>, vector<128x32xf32> -> vector<128x32xf32>
    %slice3A_714 = vector.extract_strided_slice %get3A_1 {offsets = [0, 30208], sizes = [32, 128], strides = [1, 1]} : vector<32x32768xf32> to vector<32x128xf32>
    %dot_general3A_715 = arith.constant dense<0.000000e+00> : vector<128x32xf32>
    %dot_general3A_716 = tpu.matmul %convert_element_type3A_5, %slice3A_714, %dot_general3A_715 {dimension_numbers = #tpu.dot_dimension_numbers<[1], [1], [0], [0], [0, 0, 1, 0], [], []>, transpose_lhs_hint = false} : vector<128x128xf32>, vector<32x128xf32>, vector<128x32xf32> -> vector<128x32xf32>
    %slice3A_717 = vector.extract_strided_slice %get3A_1 {offsets = [0, 30336], sizes = [32, 128], strides = [1, 1]} : vector<32x32768xf32> to vector<32x128xf32>
    %dot_general3A_718 = arith.constant dense<0.000000e+00> : vector<128x32xf32>
    %dot_general3A_719 = tpu.matmul %convert_element_type3A_5, %slice3A_717, %dot_general3A_718 {dimension_numbers = #tpu.dot_dimension_numbers<[1], [1], [0], [0], [0, 0, 1, 0], [], []>, transpose_lhs_hint = false} : vector<128x128xf32>, vector<32x128xf32>, vector<128x32xf32> -> vector<128x32xf32>
    %slice3A_720 = vector.extract_strided_slice %get3A_1 {offsets = [0, 30464], sizes = [32, 128], strides = [1, 1]} : vector<32x32768xf32> to vector<32x128xf32>
    %dot_general3A_721 = arith.constant dense<0.000000e+00> : vector<128x32xf32>
    %dot_general3A_722 = tpu.matmul %convert_element_type3A_5, %slice3A_720, %dot_general3A_721 {dimension_numbers = #tpu.dot_dimension_numbers<[1], [1], [0], [0], [0, 0, 1, 0], [], []>, transpose_lhs_hint = false} : vector<128x128xf32>, vector<32x128xf32>, vector<128x32xf32> -> vector<128x32xf32>
    %slice3A_723 = vector.extract_strided_slice %get3A_1 {offsets = [0, 30592], sizes = [32, 128], strides = [1, 1]} : vector<32x32768xf32> to vector<32x128xf32>
    %dot_general3A_724 = arith.constant dense<0.000000e+00> : vector<128x32xf32>
    %dot_general3A_725 = tpu.matmul %convert_element_type3A_5, %slice3A_723, %dot_general3A_724 {dimension_numbers = #tpu.dot_dimension_numbers<[1], [1], [0], [0], [0, 0, 1, 0], [], []>, transpose_lhs_hint = false} : vector<128x128xf32>, vector<32x128xf32>, vector<128x32xf32> -> vector<128x32xf32>
    %slice3A_726 = vector.extract_strided_slice %get3A_1 {offsets = [0, 30720], sizes = [32, 128], strides = [1, 1]} : vector<32x32768xf32> to vector<32x128xf32>
    %dot_general3A_727 = arith.constant dense<0.000000e+00> : vector<128x32xf32>
    %dot_general3A_728 = tpu.matmul %convert_element_type3A_5, %slice3A_726, %dot_general3A_727 {dimension_numbers = #tpu.dot_dimension_numbers<[1], [1], [0], [0], [0, 0, 1, 0], [], []>, transpose_lhs_hint = false} : vector<128x128xf32>, vector<32x128xf32>, vector<128x32xf32> -> vector<128x32xf32>
    %slice3A_729 = vector.extract_strided_slice %get3A_1 {offsets = [0, 30848], sizes = [32, 128], strides = [1, 1]} : vector<32x32768xf32> to vector<32x128xf32>
    %dot_general3A_730 = arith.constant dense<0.000000e+00> : vector<128x32xf32>
    %dot_general3A_731 = tpu.matmul %convert_element_type3A_5, %slice3A_729, %dot_general3A_730 {dimension_numbers = #tpu.dot_dimension_numbers<[1], [1], [0], [0], [0, 0, 1, 0], [], []>, transpose_lhs_hint = false} : vector<128x128xf32>, vector<32x128xf32>, vector<128x32xf32> -> vector<128x32xf32>
    %slice3A_732 = vector.extract_strided_slice %get3A_1 {offsets = [0, 30976], sizes = [32, 128], strides = [1, 1]} : vector<32x32768xf32> to vector<32x128xf32>
    %dot_general3A_733 = arith.constant dense<0.000000e+00> : vector<128x32xf32>
    %dot_general3A_734 = tpu.matmul %convert_element_type3A_5, %slice3A_732, %dot_general3A_733 {dimension_numbers = #tpu.dot_dimension_numbers<[1], [1], [0], [0], [0, 0, 1, 0], [], []>, transpose_lhs_hint = false} : vector<128x128xf32>, vector<32x128xf32>, vector<128x32xf32> -> vector<128x32xf32>
    %slice3A_735 = vector.extract_strided_slice %get3A_1 {offsets = [0, 31104], sizes = [32, 128], strides = [1, 1]} : vector<32x32768xf32> to vector<32x128xf32>
    %dot_general3A_736 = arith.constant dense<0.000000e+00> : vector<128x32xf32>
    %dot_general3A_737 = tpu.matmul %convert_element_type3A_5, %slice3A_735, %dot_general3A_736 {dimension_numbers = #tpu.dot_dimension_numbers<[1], [1], [0], [0], [0, 0, 1, 0], [], []>, transpose_lhs_hint = false} : vector<128x128xf32>, vector<32x128xf32>, vector<128x32xf32> -> vector<128x32xf32>
    %slice3A_738 = vector.extract_strided_slice %get3A_1 {offsets = [0, 31232], sizes = [32, 128], strides = [1, 1]} : vector<32x32768xf32> to vector<32x128xf32>
    %dot_general3A_739 = arith.constant dense<0.000000e+00> : vector<128x32xf32>
    %dot_general3A_740 = tpu.matmul %convert_element_type3A_5, %slice3A_738, %dot_general3A_739 {dimension_numbers = #tpu.dot_dimension_numbers<[1], [1], [0], [0], [0, 0, 1, 0], [], []>, transpose_lhs_hint = false} : vector<128x128xf32>, vector<32x128xf32>, vector<128x32xf32> -> vector<128x32xf32>
    %slice3A_741 = vector.extract_strided_slice %get3A_1 {offsets = [0, 31360], sizes = [32, 128], strides = [1, 1]} : vector<32x32768xf32> to vector<32x128xf32>
    %dot_general3A_742 = arith.constant dense<0.000000e+00> : vector<128x32xf32>
    %dot_general3A_743 = tpu.matmul %convert_element_type3A_5, %slice3A_741, %dot_general3A_742 {dimension_numbers = #tpu.dot_dimension_numbers<[1], [1], [0], [0], [0, 0, 1, 0], [], []>, transpose_lhs_hint = false} : vector<128x128xf32>, vector<32x128xf32>, vector<128x32xf32> -> vector<128x32xf32>
    %slice3A_744 = vector.extract_strided_slice %get3A_1 {offsets = [0, 31488], sizes = [32, 128], strides = [1, 1]} : vector<32x32768xf32> to vector<32x128xf32>
    %dot_general3A_745 = arith.constant dense<0.000000e+00> : vector<128x32xf32>
    %dot_general3A_746 = tpu.matmul %convert_element_type3A_5, %slice3A_744, %dot_general3A_745 {dimension_numbers = #tpu.dot_dimension_numbers<[1], [1], [0], [0], [0, 0, 1, 0], [], []>, transpose_lhs_hint = false} : vector<128x128xf32>, vector<32x128xf32>, vector<128x32xf32> -> vector<128x32xf32>
    %slice3A_747 = vector.extract_strided_slice %get3A_1 {offsets = [0, 31616], sizes = [32, 128], strides = [1, 1]} : vector<32x32768xf32> to vector<32x128xf32>
    %dot_general3A_748 = arith.constant dense<0.000000e+00> : vector<128x32xf32>
    %dot_general3A_749 = tpu.matmul %convert_element_type3A_5, %slice3A_747, %dot_general3A_748 {dimension_numbers = #tpu.dot_dimension_numbers<[1], [1], [0], [0], [0, 0, 1, 0], [], []>, transpose_lhs_hint = false} : vector<128x128xf32>, vector<32x128xf32>, vector<128x32xf32> -> vector<128x32xf32>
    %slice3A_750 = vector.extract_strided_slice %get3A_1 {offsets = [0, 31744], sizes = [32, 128], strides = [1, 1]} : vector<32x32768xf32> to vector<32x128xf32>
    %dot_general3A_751 = arith.constant dense<0.000000e+00> : vector<128x32xf32>
    %dot_general3A_752 = tpu.matmul %convert_element_type3A_5, %slice3A_750, %dot_general3A_751 {dimension_numbers = #tpu.dot_dimension_numbers<[1], [1], [0], [0], [0, 0, 1, 0], [], []>, transpose_lhs_hint = false} : vector<128x128xf32>, vector<32x128xf32>, vector<128x32xf32> -> vector<128x32xf32>
    %slice3A_753 = vector.extract_strided_slice %get3A_1 {offsets = [0, 31872], sizes = [32, 128], strides = [1, 1]} : vector<32x32768xf32> to vector<32x128xf32>
    %dot_general3A_754 = arith.constant dense<0.000000e+00> : vector<128x32xf32>
    %dot_general3A_755 = tpu.matmul %convert_element_type3A_5, %slice3A_753, %dot_general3A_754 {dimension_numbers = #tpu.dot_dimension_numbers<[1], [1], [0], [0], [0, 0, 1, 0], [], []>, transpose_lhs_hint = false} : vector<128x128xf32>, vector<32x128xf32>, vector<128x32xf32> -> vector<128x32xf32>
    %slice3A_756 = vector.extract_strided_slice %get3A_1 {offsets = [0, 32000], sizes = [32, 128], strides = [1, 1]} : vector<32x32768xf32> to vector<32x128xf32>
    %dot_general3A_757 = arith.constant dense<0.000000e+00> : vector<128x32xf32>
    %dot_general3A_758 = tpu.matmul %convert_element_type3A_5, %slice3A_756, %dot_general3A_757 {dimension_numbers = #tpu.dot_dimension_numbers<[1], [1], [0], [0], [0, 0, 1, 0], [], []>, transpose_lhs_hint = false} : vector<128x128xf32>, vector<32x128xf32>, vector<128x32xf32> -> vector<128x32xf32>
    %slice3A_759 = vector.extract_strided_slice %get3A_1 {offsets = [0, 32128], sizes = [32, 128], strides = [1, 1]} : vector<32x32768xf32> to vector<32x128xf32>
    %dot_general3A_760 = arith.constant dense<0.000000e+00> : vector<128x32xf32>
    %dot_general3A_761 = tpu.matmul %convert_element_type3A_5, %slice3A_759, %dot_general3A_760 {dimension_numbers = #tpu.dot_dimension_numbers<[1], [1], [0], [0], [0, 0, 1, 0], [], []>, transpose_lhs_hint = false} : vector<128x128xf32>, vector<32x128xf32>, vector<128x32xf32> -> vector<128x32xf32>
    %slice3A_762 = vector.extract_strided_slice %get3A_1 {offsets = [0, 32256], sizes = [32, 128], strides = [1, 1]} : vector<32x32768xf32> to vector<32x128xf32>
    %dot_general3A_763 = arith.constant dense<0.000000e+00> : vector<128x32xf32>
    %dot_general3A_764 = tpu.matmul %convert_element_type3A_5, %slice3A_762, %dot_general3A_763 {dimension_numbers = #tpu.dot_dimension_numbers<[1], [1], [0], [0], [0, 0, 1, 0], [], []>, transpose_lhs_hint = false} : vector<128x128xf32>, vector<32x128xf32>, vector<128x32xf32> -> vector<128x32xf32>
    %slice3A_765 = vector.extract_strided_slice %get3A_1 {offsets = [0, 32384], sizes = [32, 128], strides = [1, 1]} : vector<32x32768xf32> to vector<32x128xf32>
    %dot_general3A_766 = arith.constant dense<0.000000e+00> : vector<128x32xf32>
    %dot_general3A_767 = tpu.matmul %convert_element_type3A_5, %slice3A_765, %dot_general3A_766 {dimension_numbers = #tpu.dot_dimension_numbers<[1], [1], [0], [0], [0, 0, 1, 0], [], []>, transpose_lhs_hint = false} : vector<128x128xf32>, vector<32x128xf32>, vector<128x32xf32> -> vector<128x32xf32>
    %slice3A_768 = vector.extract_strided_slice %get3A_1 {offsets = [0, 32512], sizes = [32, 128], strides = [1, 1]} : vector<32x32768xf32> to vector<32x128xf32>
    %dot_general3A_769 = arith.constant dense<0.000000e+00> : vector<128x32xf32>
    %dot_general3A_770 = tpu.matmul %convert_element_type3A_5, %slice3A_768, %dot_general3A_769 {dimension_numbers = #tpu.dot_dimension_numbers<[1], [1], [0], [0], [0, 0, 1, 0], [], []>, transpose_lhs_hint = false} : vector<128x128xf32>, vector<32x128xf32>, vector<128x32xf32> -> vector<128x32xf32>
    %slice3A_771 = vector.extract_strided_slice %get3A_1 {offsets = [0, 32640], sizes = [32, 128], strides = [1, 1]} : vector<32x32768xf32> to vector<32x128xf32>
    %dot_general3A_772 = arith.constant dense<0.000000e+00> : vector<128x32xf32>
    %dot_general3A_773 = tpu.matmul %convert_element_type3A_5, %slice3A_771, %dot_general3A_772 {dimension_numbers = #tpu.dot_dimension_numbers<[1], [1], [0], [0], [0, 0, 1, 0], [], []>, transpose_lhs_hint = false} : vector<128x128xf32>, vector<32x128xf32>, vector<128x32xf32> -> vector<128x32xf32>
    %concatenate3A_774 = tpu.concatenate %dot_general3A_584, %dot_general3A_587, %dot_general3A_590, %dot_general3A_593, %dot_general3A_596, %dot_general3A_599, %dot_general3A_602, %dot_general3A_605, %dot_general3A_608, %dot_general3A_611, %dot_general3A_614, %dot_general3A_617, %dot_general3A_620, %dot_general3A_623, %dot_general3A_626, %dot_general3A_629, %dot_general3A_632, %dot_general3A_635, %dot_general3A_638, %dot_general3A_641, %dot_general3A_644, %dot_general3A_647, %dot_general3A_650, %dot_general3A_653, %dot_general3A_656, %dot_general3A_659, %dot_general3A_662, %dot_general3A_665, %dot_general3A_668, %dot_general3A_671, %dot_general3A_674, %dot_general3A_677, %dot_general3A_680, %dot_general3A_683, %dot_general3A_686, %dot_general3A_689, %dot_general3A_692, %dot_general3A_695, %dot_general3A_698, %dot_general3A_701, %dot_general3A_704, %dot_general3A_707, %dot_general3A_710, %dot_general3A_713, %dot_general3A_716, %dot_general3A_719, %dot_general3A_722, %dot_general3A_725, %dot_general3A_728, %dot_general3A_731, %dot_general3A_734, %dot_general3A_737, %dot_general3A_740, %dot_general3A_743, %dot_general3A_746, %dot_general3A_749, %dot_general3A_752, %dot_general3A_755, %dot_general3A_758, %dot_general3A_761, %dot_general3A_764, %dot_general3A_767, %dot_general3A_770, %dot_general3A_773 in 0 : vector<128x32xf32>, vector<128x32xf32>, vector<128x32xf32>, vector<128x32xf32>, vector<128x32xf32>, vector<128x32xf32>, vector<128x32xf32>, vector<128x32xf32>, vector<128x32xf32>, vector<128x32xf32>, vector<128x32xf32>, vector<128x32xf32>, vector<128x32xf32>, vector<128x32xf32>, vector<128x32xf32>, vector<128x32xf32>, vector<128x32xf32>, vector<128x32xf32>, vector<128x32xf32>, vector<128x32xf32>, vector<128x32xf32>, vector<128x32xf32>, vector<128x32xf32>, vector<128x32xf32>, vector<128x32xf32>, vector<128x32xf32>, vector<128x32xf32>, vector<128x32xf32>, vector<128x32xf32>, vector<128x32xf32>, vector<128x32xf32>, vector<128x32xf32>, vector<128x32xf32>, vector<128x32xf32>, vector<128x32xf32>, vector<128x32xf32>, vector<128x32xf32>, vector<128x32xf32>, vector<128x32xf32>, vector<128x32xf32>, vector<128x32xf32>, vector<128x32xf32>, vector<128x32xf32>, vector<128x32xf32>, vector<128x32xf32>, vector<128x32xf32>, vector<128x32xf32>, vector<128x32xf32>, vector<128x32xf32>, vector<128x32xf32>, vector<128x32xf32>, vector<128x32xf32>, vector<128x32xf32>, vector<128x32xf32>, vector<128x32xf32>, vector<128x32xf32>, vector<128x32xf32>, vector<128x32xf32>, vector<128x32xf32>, vector<128x32xf32>, vector<128x32xf32>, vector<128x32xf32>, vector<128x32xf32>, vector<128x32xf32> -> vector<8192x32xf32>
    %concatenate3A_775 = tpu.concatenate %concatenate3A, %concatenate3A_388, %concatenate3A_581, %concatenate3A_774 in 1 : vector<8192x32xf32>, vector<8192x32xf32>, vector<8192x32xf32>, vector<8192x32xf32> -> vector<8192x128xf32>
    %swap3A = arith.constant 0 : index
    %swap3A_776 = arith.constant 0 : index
    %swap3A_777 = vector.load %arg2[%swap3A, %swap3A_776] : memref<8192x128xf32, #tpu.memory_space<vmem>>, vector<8192x128xf32>
    tpu.vector_store %arg2[%swap3A, %swap3A_776], %concatenate3A_775 {strides = array<i32>} : memref<8192x128xf32, #tpu.memory_space<vmem>>, vector<8192x128xf32>,
    return
  }
  func.func @transform_0(%arg0: i32) -> (i32, i32) {
    %c0_i32 = arith.constant 0 : i32
    %c0_i32_0 = arith.constant 0 : i32
    return %c0_i32, %arg0 : i32, i32
  }
  func.func @transform_1(%arg0: i32) -> (i32, i32) {
    %c0_i32 = arith.constant 0 : i32
    %c0_i32_0 = arith.constant 0 : i32
    return %arg0, %c0_i32 : i32, i32
  }
}

</mosaic_0001>

<sc_bundles>
// kernel: kernel.5.cloned.1.call-start
scs
__scs_entry_jumppad:
0x0: {  	(pc) =	sbr.rel $0x88, $3  }
0x1: {  	(tag) =	ssettag $0x0;
	lr =	simm.s32 $0x1  }
0x2: {  	[smem:$0x3F9F] =	sst lr;
	_ =	strace $0xD0000000  }
0x3: {  	_ = 	snop  }
0x4: {  	_ = 	snop  }
0x5: {  	_ = 	snop  }
0x6: {  	_ = 	snop  }
0x7: {  	_ = 	snop  }
__scs_overlays_trampoline_lowered:
0x8: {  	[smem:$0x3FAE] =	sst s0  }
0x9: {  	[smem:$0x3FAF] =	sst s1  }
0xa: {  	[smem:$0x3FB0] =	sst s2  }
0xb: {  	[smem:$0x3FB1] =	sst s3  }
0xc: {  	[smem:$0x3FB2] =	sst s4  }
0xd: {  	[smem:$0x3FB3] =	sst s5  }
0xe: {  	[smem:$0x3FB4] =	sst s6  }
0xf: {  	[smem:$0x3FB5] =	sst s7  }
0x10: {  	[smem:$0x3FB6] =	sst s8  }
0x11: {  	[smem:$0x3FB7] =	sst s9;
	s0 =	simm.s32 @!p0 $0x0  }
0x12: {  	s1 =	sld [smem:$0x3F9D];
	s0 =	simm.s32 @p0 $0x1  }
0x13: {  	[smem:$0x3FB8] =	sst s0;
	s0 =	simm.s32 @!p1 $0x0  }
0x14: {  	s2 =	sld [smem:$0x3F9C];
	s0 =	simm.s32 @p1 $0x1  }
0x15: {  	[smem:$0x3FB9] =	sst s0;
	s0 =	simm.s32 @!p2 $0x0  }
0x16: {  	s3 =	sld [smem:$0x3FDB];
	s0 =	simm.s32 @p2 $0x1  }
0x17: {  	s4 =	simm.s32 $0x1BF5;
	[smem:$0x3FBB] =	sst s0  }
0x18: {  	s0 =	sld [smem:$0x3F9E];
	_ =	swait.ge [sflag:s4], $0x0  }
0x19: {  	s7 =	sld [smem:$0x3F9F]  }
0x1a: {  	s8 =	sadd.s32 $0xFFFFE003, lr  }
0x1b: {  	s9 =	sadd.s32 $0xFFFFFEF7, lr;
	s5 =	simm.s32 $0xFFFFFFFF;
	p2 =	slt.u32 s8, $0xFFFFF086  }
0x1c: {  	p1 =	slt.u32 s9, $0xF7A;
	s5 =	simm.s32 @!p2 $0x0  }
0x1d: {  	s5 =	simm.s32 @p1 $0x1;
	p0 =	seq.s32 s7, s2  }
0x1e: {  	s7 =	smul.u32 @!p0 $0xF7A, s2;
	p2 =	seq.s32 @!p0 s5, $0x0  }
0x1f: {  	s9 =	smul.u32 $0xF7A, s1;
	s8 =	simm.s32 @!p0 $0x1BF5;
	p2 =	por !p2, p0  }
0x20: {  	[sflag:s8] =	ssyncset.s32 @!p0 $0xFFFFF086;
	s6 =	sadd.s32 @!p0 s3, s7;
	s7 =	simm.s32 @!p0 $0x108  }
0x21: {  	s3 =	sadd.s32 s3, s9;
	s6 =	sadd.s32 @!p0 $0x88, s6;
	s7 =	simm.s32 @p2 $0x1082  }
0x22: {  	[simem:s7], [sflag:s8] =	dma.local @!p0 [hbm:s6], $0xF7A  }
0x23: {  	s9 =	sor.u32 $0xD0000000, s2;
	s6 =	simm.s32 $0x108;
	_ =	swait.ge @!p0 [sflag:s8], $0x0  }
0x24: {  	s3 =	sadd.s32 $0x88, s3;
	s6 =	simm.s32 @!p1 $0x1082;
	[sflag:s4] =	ssyncset.s32 $0xFFFFF086  }
0x25: {  	[simem:s6], [sflag:s4] =	dma.local [hbm:s3], $0xF7A  }
0x26: {  	[smem:$0x3F9F] =	sst s1;
	(tag) =	ssettag s2;
	_ =	strace s9  }
0x27: {  	s1 =	sld [smem:$0x3FAF]  }
0x28: {  	s2 =	sld [smem:$0x3FB0]  }
0x29: {  	s4 =	sld [smem:$0x3FB2]  }
0x2a: {  	p0 =	seq.s32 s5, $0x0;
	s5 =	sld [smem:$0x3FB3]  }
0x2b: {  	s6 =	sld [smem:$0x3FB4]  }
0x2c: {  	s7 =	sld [smem:$0x3FB5]  }
0x2d: {  	s3 =	simm.s32 $0x108;
	s8 =	sld [smem:$0x3FB6]  }
0x2e: {  	s3 =	simm.s32 @!p0 $0x1082;
	s9 =	sld [smem:$0x3FB7]  }
0x2f: {  	lr =	sadd.s32 s0, s3;
	s0 =	sld [smem:$0x3FAE]  }
0x30: {  	s3 =	sld [smem:$0x3FB1]  }
0x31: {  	[smem:$0x3FBA] =	sst s10  }
0x32: {  	s10 =	sld [smem:$0x3FB8];
	_ =	sdelay $0x3  }
0x33: {  	p0 =	seq.s32 s10, $0x1;
	s10 =	sld [smem:$0x3FBA];
	_ =	sdelay $0x3  }
0x34: {  	[smem:$0x3FBA] =	sst s10  }
0x35: {  	s10 =	sld [smem:$0x3FB9];
	_ =	sdelay $0x3  }
0x36: {  	p1 =	seq.s32 s10, $0x1;
	s10 =	sld [smem:$0x3FBA];
	_ =	sdelay $0x3  }
0x37: {  	[smem:$0x3FBA] =	sst s10  }
0x38: {  	s10 =	sld [smem:$0x3FBB]  }
0x39: {  	_ = 	snop;
	(pc) =	sbr.ind lr, $3  }
0x3a: {  	_ = 	snop  }
0x3b: {  	_ = 	snop  }
0x3c: {  	p2 =	seq.s32 s10, $0x1;
	s10 =	sld [smem:$0x3FBA]  }
0x3d: {  	_ =	shalt  }
0x3e: {  	_ =	shalt  }
0x3f: {  	_ =	shalt  }
0x40: {  	_ =	shalt  }
0x41: {  	_ =	shalt  }
0x42: {  	_ =	shalt  }
0x43: {  	_ =	shalt  }
0x44: {  	_ =	shalt  }
0x45: {  	_ =	shalt  }
0x46: {  	_ =	shalt  }
0x47: {  	_ =	shalt  }
0x48: {  	_ =	shalt  }
0x49: {  	_ =	shalt  }
0x4a: {  	_ =	shalt  }
0x4b: {  	_ =	shalt  }
0x4c: {  	_ =	shalt  }
0x4d: {  	_ =	shalt  }
0x4e: {  	_ =	shalt  }
0x4f: {  	_ =	shalt  }
0x50: {  	_ =	shalt  }
0x51: {  	_ =	shalt  }
0x52: {  	_ =	shalt  }
0x53: {  	_ =	shalt  }
0x54: {  	_ =	shalt  }
0x55: {  	_ =	shalt  }
0x56: {  	_ =	shalt  }
0x57: {  	_ =	shalt  }
0x58: {  	_ =	shalt  }
0x59: {  	_ =	shalt  }
0x5a: {  	_ =	shalt  }
0x5b: {  	_ =	shalt  }
0x5c: {  	_ =	shalt  }
0x5d: {  	_ =	shalt  }
0x5e: {  	_ =	shalt  }
0x5f: {  	_ =	shalt  }
0x60: {  	_ =	shalt  }
0x61: {  	_ =	shalt  }
0x62: {  	_ =	shalt  }
0x63: {  	_ =	shalt  }
0x64: {  	_ =	shalt  }
0x65: {  	_ =	shalt  }
0x66: {  	_ =	shalt  }
0x67: {  	_ =	shalt  }
0x68: {  	_ =	shalt  }
0x69: {  	_ =	shalt  }
0x6a: {  	_ =	shalt  }
0x6b: {  	_ =	shalt  }
0x6c: {  	_ =	shalt  }
0x6d: {  	_ =	shalt  }
0x6e: {  	_ =	shalt  }
0x6f: {  	_ =	shalt  }
0x70: {  	_ =	shalt  }
0x71: {  	_ =	shalt  }
0x72: {  	_ =	shalt  }
0x73: {  	_ =	shalt  }
0x74: {  	_ =	shalt  }
0x75: {  	_ =	shalt  }
0x76: {  	_ =	shalt  }
0x77: {  	_ =	shalt  }
0x78: {  	_ =	shalt  }
0x79: {  	_ =	shalt  }
0x7a: {  	_ =	shalt  }
0x7b: {  	_ =	shalt  }
0x7c: {  	_ =	shalt  }
0x7d: {  	_ =	shalt  }
0x7e: {  	_ =	shalt  }
0x7f: {  	_ =	shalt  }
0x80: {  	_ =	shalt  }
0x81: {  	_ =	shalt  }
0x82: {  	_ =	shalt  }
0x83: {  	_ =	shalt  }
0x84: {  	_ =	shalt  }
0x85: {  	_ =	shalt  }
0x86: {  	_ =	shalt  }
0x87: {  	_ =	shalt  }
.Lfunc_end0:
.L_simem_size_0:
called_computation_lowered:
.L_overlay_start_0:
0x88: {  	s2 =	sld [smem:$0x3FD9]  }
0x89: {  	s3 =	sld [smem:$0x3FFE];
	_ =	sdelay $0x1  }
0x8a: {  	s1 =	srdreg.scid  }
0x8b: {  	s0 =	sand.u32 $0x1, s1  }
0x8c: {  	s17 =	sshll.u32 s0, $0xA;
	s2 =	sadd.s32 s3, s2  }
0x8d: {  	s2 =	sadd.s32 s2, s17  }
0x8e: {  	[smem:$0x3FC6] =	sst s2  }
0x8f: {  	_ = 	snop  }
0x90: {  	s2 =	sld [smem:$0x3FD0];
	(tm) =	ssettm $0x1  }
0x91: {  	s18 =	sld [smem:$0x3FFB];
	_ =	sdelay $0x3  }
0x92: {  	_ =	strace s18  }
0x93: {  	s3 =	sld [smem:$0x3FFC];
	_ =	sdelay $0x3  }
0x94: {  	_ =	strace s3  }
0x95: {  	s3 =	sld [smem:$0x3FFD];
	_ =	sdelay $0x3  }
0x96: {  	_ =	strace s3  }
0x97: {  	_ =	strace $0x8FFFFFFF  }
0x98: {  	s19 =	sld [smem:$0x3FDB];
	_ =	sdelay $0x1  }
0x99: {  	s4 =	simm.s32 $_scs_section_size  }
0x9a: {  	s5 =	simm.s32 $_size__tile_overlayer_lowered;
	s6 =	simm.s32 $_tile_overlayer_lowered  }
0x9b: {  	s22 =	simm.s32 $0x1BFF;
	s21 =	sshll.u32 s6, $0x1;
	s3 =	sadd.s32 s4, s19  }
0x9c: {  	s7 =	simm.s32 $0x0;
	s20 =	sshll.u32 s5, $0x1;
	s5 =	sadd.s32 s21, s3  }
0x9d: {  	[timem:s7], [sflag:s22] =	dma.local [hbm:s5], s20  }
0x9e: {  	_ =	swait.ge [sflag:s22], s20  }
0x9f: {  	s4 =	ssub.s32 $0x0, s20;
	[sflag:s22] =	ssyncset.done $0x0  }
0xa0: {  	[sflag:s22] =	ssyncadd.s32 s4;
	_ =	sdelay $0x1  }
0xa1: {  	s23 =	simm.s32 $0x1B8B  }
0xa2: {  	_ =	swait.ge [sflag:s23], $0x1  }
0xa3: {  	[sflag:s23] =	ssyncset.done $0x0  }
0xa4: {  	s25 =	simm.s32 $0x1B8E;
	s24 =	sld [smem:$0x3FFE];
	[sflag:s23] =	ssyncadd.s32 $0xFFFFFFFF  }
0xa5: {  	s26 =	simm.s32 $execute0_lowered;
	[smem:$0x3FD2] =	sst s25  }
0xa6: {  	s5 =	sshll.u32 s26, $0x1;
	_ =	strace $0x80000046;
	[dreg:$0x1] =	wrdreg $0xFFFFFFFF  }
0xa7: {  	s28 =	simm.s32 $_size_execute0_lowered;
	s3 =	sadd.s32 s3, s5;
	[dreg:$0x0] =	wrdreg $0x0  }
0xa8: {  	s5 =	sshll.u32 s28, $0x1;
	[dreg:$0x2] =	wrdreg s3  }
0xa9: {  	[dreg:$0x3] =	wrdreg s5  }
0xaa: {  	[dreg:$0x4] =	wrdreg $0xC0  }
0xab: {  	_ =	task [dreg:s7], $0x5FFFF  }
0xac: {  	[dreg:$0x1] =	wrdreg $0xFFFFFFFF  }
0xad: {  	[dreg:$0x0] =	wrdreg $0x60  }
0xae: {  	[dreg:$0x2] =	wrdreg s24  }
0xaf: {  	[dreg:$0x3] =	wrdreg s2  }
0xb0: {  	[dreg:$0x4] =	wrdreg $0x9  }
0xb1: {  	_ =	task.clear_ibuf [dreg:s7], $0x5FFFF;
	_ =	strace $0x90000046  }
0xb2: {  	s29 =	simm.s32 $0x9;
	_ =	strace $0x80000048  }
0xb3: {  	_ =	swait.ge [sflag:s29], $0x1  }
0xb4: {  	[sflag:s29] =	ssyncadd.s32 $0xFFFFFFFF  }
0xb5: {  	_ =	strace $0x90000048  }
0xb6: {  	_ =	sfence  }
0xb7: {  	s30 =	sld [smem:$0x0];
	_ =	sdelay $0x2  }
0xb8: {  	s31 =	sshll.u32 s1, $0xD;
	s1 =	sshrl.u32 s1, $0x2  }
0xb9: {  	s3 =	sand.u32 $0x4000, s31;
	s1 =	sadd.s32 s1, s30  }
0xba: {  	s0 =	sor.u32 s3, s0;
	s1 =	sshll.u32 s1, $0x11  }
0xbb: {  	s0 =	sor.u32 s1, s0  }
0xbc: {  	s0 =	sadd.s32 $0x8F2B, s0  }
0xbd: {  	[sflag:s0] =	ssyncadd.remote.s32 $0x1  }
0xbe: {  	_ =	sfence.sel $0xFFFF  }
0xbf: {  	[dreg:$0x0] =	wrdreg $0xFFFFFFFF;
	(pc) =	sbr.abs _section_cstart, $3  }
0xc0: {  	[dreg:$0x1] =	wrdreg $0xFFFFFFFF  }
0xc1: {  	_ =	task.clear_ibuf [dreg:s7], $0x2FFFF;
	_ =	strace $0x9FFFFFFF  }
0xc2: {  	(tm) =	ssettm $0x7FFFFFFF  }
0xc3: {  	_ =	shalt  }
tec
execute0_lowered:
.L_overlay_start_1:
0x0: {  	(tag) =	ssettag $0x1  }
0x1: {  	s0 =	srdreg.scid;
	s1 =	rddreg [dreg:$0x0]  }
0x2: {  	s2 =	stileid.u32;
	s5 =	rddreg [dreg:$0x1];
	s8 =	simm.s32 $0x80  }
0x3: {  	s15 =	simm.s32 $0x200;
	s16 =	simm.s32 $0xA400;
	s17 =	simm.s32 $0x280  }
0x4: {  	s18 =	simm.s32 $0xB400;
	s19 =	simm.s32 $0x300;
	s20 =	simm.s32 $0xC400  }
0x5: {  	s21 =	simm.s32 $0x380;
	s22 =	simm.s32 $0xD400;
	s23 =	simm.s32 $0x1  }
0x6: {  	s24 =	simm.s32 $0x2;
	s25 =	simm.s32 $0x3;
	s28 =	simm.s32 $0x5  }
0x7: {  	s29 =	simm.s32 $0x6;
	s0 =	sand.u32 $0x1, s0;
	s2 =	sshll.u32 s2, $0x1  }
0x8: {  	s30 =	simm.s32 $0x7;
	s31 =	simm.s32 $0x8;
	s4 =	sor.u32 s0, s2  }
0x9: {  	s2 =	simm.s32 $0x0;
	s0 =	ssub.s32 $0x2, s0;
	s3 =	smul.u32 $0xC80, s4  }
.Ltmp0:
0xa: {  	[smem:$0x7FF] =	sst s2;
	s26 =	sshrl.u32 s0, $0x1;
	(pc) =	sbr.rel .LBB2_1-.Ltmp0, $4  }
0xb: {  	s7 =	sshll.u32 s4, $0x9;
	_ =	strace $0x80000047;
	s0 =	ssub.s32 s0, s26  }
0xc: {  	s5 =	sadd.s32 s5, s7;
	s7 =	simm.s32 $0x9;
	s26 =	simm.s32 $0x4  }
0xd: {  	s6 =	sadd.s32 s3, s1;
	s3 =	sadd.s32 $0x19800, s1;
	s1 =	simm.s32 $0xE400  }
0xe: {  	v0 =	vimm.f32 $0.0e+00;
	s4 =	sadd.s32 $0x800, s6;
	s6 =	smax.u32 s0, $0x1;
	s0 =	simm.s32 $0x0  }
.LBB2_22:
0xf: {  	s0 =	sadd.s32 $0x1, s0  }
0x10: {  	p0 =	sne.s32 s0, s6  }
.Ltmp1:
0x11: {  	_ = 	snop;
	(pc) =	sbr.rel @!p0 .LBB2_23-.Ltmp1, $4  }
0x12: {  	[hbm4b:s5+s2] =	stream.linear.scatter [tilespmem:s1], [sflag:$0x9], $0x1000, $0x38;
	[tilespmem:$0xF400] =	vst v63  }
0x13: {  	_ =	swait.ge [sflag:s7], $0x1000  }
0x14: {  	[sflag:s7] =	ssyncset.done $0x0  }
0x15: {  	[sflag:s7] =	ssyncadd.s32 $0xFFFFF000  }
.LBB2_1:
0x16: {  	[tilespmem:s2], [sflag:$0x9] =	stream.linear.gather [hbm4b:s4+s2], $0x6400, $0x38;
	[tilespmem:$0xF400] =	vst v63  }
0x17: {  	_ =	swait.ge [sflag:s7], $0x6400  }
0x18: {  	[sflag:s7] =	ssyncset.done $0x0  }
0x19: {  	s9 =	simm.s32 $0xE480;
	[sflag:s7] =	ssyncadd.s32 $0xFFFF9C00  }
0x1a: {  	[tilespmem:s9+$0xFFFFFF80] =	vst v0  }
0x1b: {  	[tilespmem:s9+$0x70] =	vst v0  }
0x1c: {  	[tilespmem:s9+$0x60] =	vst v0  }
0x1d: {  	[tilespmem:s9+$0x50] =	vst v0  }
0x1e: {  	[tilespmem:s9+$0x40] =	vst v0  }
0x1f: {  	[tilespmem:s9+$0x30] =	vst v0  }
0x20: {  	[tilespmem:s9+$0x20] =	vst v0  }
0x21: {  	[tilespmem:s9+$0x10] =	vst v0  }
0x22: {  	[tilespmem:s9+$0x0] =	vst v0  }
0x23: {  	[tilespmem:s9+$0xFFFFFFF0] =	vst v0  }
0x24: {  	[tilespmem:s9+$0xFFFFFFE0] =	vst v0  }
0x25: {  	[tilespmem:s9+$0xFFFFFFD0] =	vst v0  }
0x26: {  	[tilespmem:s9+$0xFFFFFFC0] =	vst v0  }
0x27: {  	[tilespmem:s9+$0xFFFFFFB0] =	vst v0  }
0x28: {  	s10 =	simm.s32 $0x0;
	[tilespmem:s9+$0xFFFFFFA0] =	vst v0  }
.LBB2_2:
0x29: {  	s10 =	sadd.s32 $0x8, s10;
	[tilespmem:s9+$0xFFFFFF90] =	vst v0;
	s9 =	sadd.s32 $0x100, s9  }
0x2a: {  	[tilespmem:s9+$0xFFFFFF80] =	vst v0;
	p0 =	slt.u32 s10, $0x78  }
0x2b: {  	[tilespmem:s9+$0x70] =	vst v0  }
0x2c: {  	[tilespmem:s9+$0x60] =	vst v0  }
0x2d: {  	[tilespmem:s9+$0x50] =	vst v0  }
0x2e: {  	[tilespmem:s9+$0x40] =	vst v0  }
0x2f: {  	[tilespmem:s9+$0x30] =	vst v0  }
0x30: {  	[tilespmem:s9+$0x20] =	vst v0  }
0x31: {  	[tilespmem:s9+$0x10] =	vst v0  }
0x32: {  	[tilespmem:s9+$0x0] =	vst v0  }
0x33: {  	[tilespmem:s9+$0xFFFFFFF0] =	vst v0  }
.Ltmp2:
0x34: {  	[tilespmem:s9+$0xFFFFFFE0] =	vst v0;
	(pc) =	sbr.rel @p0 .LBB2_2-.Ltmp2, $4  }
0x35: {  	[tilespmem:s9+$0xFFFFFFD0] =	vst v0  }
0x36: {  	[tilespmem:s9+$0xFFFFFFC0] =	vst v0  }
0x37: {  	[tilespmem:s9+$0xFFFFFFB0] =	vst v0  }
0x38: {  	[tilespmem:s9+$0xFFFFFFA0] =	vst v0  }
0x39: {  	[tilespmem:s9+$0xFFFFFF90] =	vst v0;
	s9 =	simm.s32 $0x0;
	s10 =	simm.s32 $0x6400  }
0x3a: {  	[tilespmem:s10], [sflag:$0x1] =	stream.indirect.gather [hbm4b:s3+s8], $0x20, s9, s8, $0xb8;
	[tilespmem:$0xF400] =	vst v63  }
0x3b: {  	s11 =	simm.s32 $0x7400  }
0x3c: {  	[tilespmem:s11], [sflag:$0x2] =	stream.indirect.gather [hbm4b:s3+s8], $0x20, s8, s8, $0xb8;
	[tilespmem:$0xF400] =	vst v63  }
0x3d: {  	s12 =	simm.s32 $0x100;
	s11 =	simm.s32 $0x8400  }
0x3e: {  	[tilespmem:s11], [sflag:$0x3] =	stream.indirect.gather [hbm4b:s3+s8], $0x20, s12, s8, $0xb8;
	[tilespmem:$0xF400] =	vst v63  }
0x3f: {  	s13 =	simm.s32 $0x180;
	s14 =	simm.s32 $0x9400  }
0x40: {  	[tilespmem:s14], [sflag:$0x4] =	stream.indirect.gather [hbm4b:s3+s8], $0x20, s13, s8, $0xb8;
	[tilespmem:$0xF400] =	vst v63  }
0x41: {  	_ = 	snop  }
0x42: {  	[tilespmem:s16], [sflag:$0x5] =	stream.indirect.gather [hbm4b:s3+s8], $0x20, s15, s8, $0xb8;
	[tilespmem:$0xF400] =	vst v63  }
0x43: {  	_ = 	snop  }
0x44: {  	[tilespmem:s18], [sflag:$0x6] =	stream.indirect.gather [hbm4b:s3+s8], $0x20, s17, s8, $0xb8;
	[tilespmem:$0xF400] =	vst v63  }
0x45: {  	_ = 	snop  }
0x46: {  	[tilespmem:s20], [sflag:$0x7] =	stream.indirect.gather [hbm4b:s3+s8], $0x20, s19, s8, $0xb8;
	[tilespmem:$0xF400] =	vst v63  }
0x47: {  	_ = 	snop  }
0x48: {  	[tilespmem:s22], [sflag:$0x8] =	stream.indirect.gather [hbm4b:s3+s8], $0x20, s21, s8, $0xb8;
	[tilespmem:$0xF400] =	vst v63  }
.LBB2_4:
0x49: {  	_ =	swait.ge [sflag:s23], $0x1000  }
0x4a: {  	[sflag:s23] =	ssyncset.done $0x0  }
0x4b: {  	s12 =	simm.s32 $0x0;
	[sflag:s23] =	ssyncadd.s32 $0xFFFFF000  }
0x4c: {  	v1 =	vld [tilespmem:s12+$0x64F0]  }
0x4d: {  	v2 =	vld [tilespmem:s12+$0x6400]  }
0x4e: {  	v3 =	vld [tilespmem:s12+$0x6410]  }
0x4f: {  	v4 =	vld [tilespmem:s12+$0x6420]  }
0x50: {  	v5 =	vld [tilespmem:s12+$0x6430]  }
0x51: {  	v6 =	vld [tilespmem:s12+$0x6440]  }
0x52: {  	v7 =	vld [tilespmem:s12+$0x6450]  }
0x53: {  	v8 =	vld [tilespmem:s12+$0x6460]  }
0x54: {  	v9 =	vld [tilespmem:s12+$0x6470]  }
0x55: {  	v10 =	vld [tilespmem:s12+$0x6480]  }
0x56: {  	v11 =	vld [tilespmem:s12+$0x6490]  }
0x57: {  	v12 =	vld [tilespmem:s12+$0x64A0]  }
0x58: {  	v13 =	vld [tilespmem:s12+$0x64B0]  }
0x59: {  	v14 =	vld [tilespmem:s12+$0x64C0]  }
0x5a: {  	v15 =	vld [tilespmem:s12+$0x64D0]  }
0x5b: {  	[tilespmem:s12+$0xE4F0] =	vst.add.f32.msk $0xffff, v1  }
0x5c: {  	v1 =	vld [tilespmem:s12+$0x64E0]  }
0x5d: {  	[tilespmem:s12+$0xE400] =	vst.add.f32.msk $0xffff, v2  }
0x5e: {  	[tilespmem:s12+$0xE410] =	vst.add.f32.msk $0xffff, v3  }
0x5f: {  	[tilespmem:s12+$0xE420] =	vst.add.f32.msk $0xffff, v4  }
0x60: {  	[tilespmem:s12+$0xE430] =	vst.add.f32.msk $0xffff, v5  }
0x61: {  	[tilespmem:s12+$0xE440] =	vst.add.f32.msk $0xffff, v6  }
0x62: {  	[tilespmem:s12+$0xE450] =	vst.add.f32.msk $0xffff, v7  }
0x63: {  	[tilespmem:s12+$0xE460] =	vst.add.f32.msk $0xffff, v8  }
0x64: {  	[tilespmem:s12+$0xE470] =	vst.add.f32.msk $0xffff, v9  }
0x65: {  	[tilespmem:s12+$0xE480] =	vst.add.f32.msk $0xffff, v10  }
0x66: {  	[tilespmem:s12+$0xE490] =	vst.add.f32.msk $0xffff, v11  }
0x67: {  	[tilespmem:s12+$0xE4A0] =	vst.add.f32.msk $0xffff, v12  }
0x68: {  	[tilespmem:s12+$0xE4B0] =	vst.add.f32.msk $0xffff, v13  }
0x69: {  	[tilespmem:s12+$0xE4C0] =	vst.add.f32.msk $0xffff, v14  }
0x6a: {  	s10 =	simm.s32 $0x0;
	s11 =	simm.s32 $0x400;
	[tilespmem:s12+$0xE4D0] =	vst.add.f32.msk $0xffff, v15  }
.LBB2_5:
0x6b: {  	s10 =	sadd.s32 $0x8, s10;
	[tilespmem:s12+$0xE4E0] =	vst.add.f32.msk $0xffff, v1;
	s12 =	sshra.s32 s11, $0x2  }
0x6c: {  	v1 =	vld [tilespmem:s12+$0x64F0];
	p0 =	slt.u32 s10, $0x78  }
0x6d: {  	v2 =	vld [tilespmem:s12+$0x6400]  }
0x6e: {  	v3 =	vld [tilespmem:s12+$0x6410]  }
0x6f: {  	v4 =	vld [tilespmem:s12+$0x6420]  }
0x70: {  	v5 =	vld [tilespmem:s12+$0x6430]  }
0x71: {  	[tilespmem:s12+$0xE4F0] =	vst.add.f32.msk $0xffff, v1  }
0x72: {  	v6 =	vld [tilespmem:s12+$0x6440]  }
0x73: {  	v7 =	vld [tilespmem:s12+$0x6450]  }
0x74: {  	v8 =	vld [tilespmem:s12+$0x6460]  }
0x75: {  	v9 =	vld [tilespmem:s12+$0x6470]  }
0x76: {  	v10 =	vld [tilespmem:s12+$0x6480]  }
0x77: {  	v11 =	vld [tilespmem:s12+$0x6490]  }
0x78: {  	v12 =	vld [tilespmem:s12+$0x64A0]  }
0x79: {  	v13 =	vld [tilespmem:s12+$0x64B0]  }
0x7a: {  	v14 =	vld [tilespmem:s12+$0x64C0]  }
0x7b: {  	v15 =	vld [tilespmem:s12+$0x64D0]  }
0x7c: {  	v1 =	vld [tilespmem:s12+$0x64E0]  }
0x7d: {  	[tilespmem:s12+$0xE400] =	vst.add.f32.msk $0xffff, v2  }
0x7e: {  	[tilespmem:s12+$0xE410] =	vst.add.f32.msk $0xffff, v3  }
0x7f: {  	[tilespmem:s12+$0xE420] =	vst.add.f32.msk $0xffff, v4  }
0x80: {  	[tilespmem:s12+$0xE430] =	vst.add.f32.msk $0xffff, v5  }
0x81: {  	[tilespmem:s12+$0xE440] =	vst.add.f32.msk $0xffff, v6  }
0x82: {  	[tilespmem:s12+$0xE450] =	vst.add.f32.msk $0xffff, v7  }
0x83: {  	[tilespmem:s12+$0xE460] =	vst.add.f32.msk $0xffff, v8  }
0x84: {  	[tilespmem:s12+$0xE470] =	vst.add.f32.msk $0xffff, v9  }
0x85: {  	[tilespmem:s12+$0xE480] =	vst.add.f32.msk $0xffff, v10  }
.Ltmp3:
0x86: {  	[tilespmem:s12+$0xE490] =	vst.add.f32.msk $0xffff, v11;
	(pc) =	sbr.rel @p0 .LBB2_5-.Ltmp3, $4  }
0x87: {  	[tilespmem:s12+$0xE4A0] =	vst.add.f32.msk $0xffff, v12  }
0x88: {  	[tilespmem:s12+$0xE4B0] =	vst.add.f32.msk $0xffff, v13  }
0x89: {  	[tilespmem:s12+$0xE4C0] =	vst.add.f32.msk $0xffff, v14  }
0x8a: {  	s11 =	sadd.s32 $0x400, s11;
	[tilespmem:s12+$0xE4D0] =	vst.add.f32.msk $0xffff, v15  }
0x8b: {  	s10 =	sshll.u32 s9, $0xC;
	p0 =	seq.s32 s9, $0x18  }
0x8c: {  	s11 =	sshrl.u32 @!p0 s10, $0x2  }
0x8d: {  	[tilespmem:s12+$0xE4E0] =	vst.add.f32.msk $0xffff, v1;
	s13 =	simm.s32 @!p0 $0x80;
	s14 =	simm.s32 @!p0 $0x6400;
	s12 =	sadd.s32 @!p0 $0x400, s11  }
0x8e: {  	[tilespmem:s14], [sflag:$0x1] =	stream.indirect.gather @!p0 [hbm4b:s3+s13], $0x20, s12, s13, $0xb8;
	[tilespmem:$0xF400] =	vst v63  }
0x8f: {  	_ =	swait.ge [sflag:s24], $0x1000  }
0x90: {  	[sflag:s24] =	ssyncset.done $0x0  }
0x91: {  	s12 =	simm.s32 $0x0;
	[sflag:s24] =	ssyncadd.s32 $0xFFFFF000  }
0x92: {  	v1 =	vld [tilespmem:s12+$0x74F0]  }
0x93: {  	v2 =	vld [tilespmem:s12+$0x7400]  }
0x94: {  	v3 =	vld [tilespmem:s12+$0x7410]  }
0x95: {  	v4 =	vld [tilespmem:s12+$0x7420]  }
0x96: {  	v5 =	vld [tilespmem:s12+$0x7430]  }
0x97: {  	v6 =	vld [tilespmem:s12+$0x7440]  }
0x98: {  	v7 =	vld [tilespmem:s12+$0x7450]  }
0x99: {  	v8 =	vld [tilespmem:s12+$0x7460]  }
0x9a: {  	v9 =	vld [tilespmem:s12+$0x7470]  }
0x9b: {  	v10 =	vld [tilespmem:s12+$0x7480]  }
0x9c: {  	v11 =	vld [tilespmem:s12+$0x7490]  }
0x9d: {  	v12 =	vld [tilespmem:s12+$0x74A0]  }
0x9e: {  	v13 =	vld [tilespmem:s12+$0x74B0]  }
0x9f: {  	v14 =	vld [tilespmem:s12+$0x74C0]  }
0xa0: {  	v15 =	vld [tilespmem:s12+$0x74D0]  }
0xa1: {  	[tilespmem:s12+$0xE4F0] =	vst.add.f32.msk $0xffff, v1  }
0xa2: {  	v1 =	vld [tilespmem:s12+$0x74E0]  }
0xa3: {  	[tilespmem:s12+$0xE400] =	vst.add.f32.msk $0xffff, v2  }
0xa4: {  	[tilespmem:s12+$0xE410] =	vst.add.f32.msk $0xffff, v3  }
0xa5: {  	[tilespmem:s12+$0xE420] =	vst.add.f32.msk $0xffff, v4  }
0xa6: {  	[tilespmem:s12+$0xE430] =	vst.add.f32.msk $0xffff, v5  }
0xa7: {  	[tilespmem:s12+$0xE440] =	vst.add.f32.msk $0xffff, v6  }
0xa8: {  	[tilespmem:s12+$0xE450] =	vst.add.f32.msk $0xffff, v7  }
0xa9: {  	[tilespmem:s12+$0xE460] =	vst.add.f32.msk $0xffff, v8  }
0xaa: {  	[tilespmem:s12+$0xE470] =	vst.add.f32.msk $0xffff, v9  }
0xab: {  	[tilespmem:s12+$0xE480] =	vst.add.f32.msk $0xffff, v10  }
0xac: {  	[tilespmem:s12+$0xE490] =	vst.add.f32.msk $0xffff, v11  }
0xad: {  	[tilespmem:s12+$0xE4A0] =	vst.add.f32.msk $0xffff, v12  }
0xae: {  	[tilespmem:s12+$0xE4B0] =	vst.add.f32.msk $0xffff, v13  }
0xaf: {  	[tilespmem:s12+$0xE4C0] =	vst.add.f32.msk $0xffff, v14  }
0xb0: {  	s13 =	simm.s32 $0x0;
	s14 =	simm.s32 $0x400;
	[tilespmem:s12+$0xE4D0] =	vst.add.f32.msk $0xffff, v15  }
.LBB2_7:
0xb1: {  	s13 =	sadd.s32 $0x8, s13;
	[tilespmem:s12+$0xE4E0] =	vst.add.f32.msk $0xffff, v1;
	s12 =	sshra.s32 s14, $0x2  }
0xb2: {  	v1 =	vld [tilespmem:s12+$0x74F0];
	p1 =	slt.u32 s13, $0x78  }
0xb3: {  	v2 =	vld [tilespmem:s12+$0x7400]  }
0xb4: {  	v3 =	vld [tilespmem:s12+$0x7410]  }
0xb5: {  	v4 =	vld [tilespmem:s12+$0x7420]  }
0xb6: {  	v5 =	vld [tilespmem:s12+$0x7430]  }
0xb7: {  	[tilespmem:s12+$0xE4F0] =	vst.add.f32.msk $0xffff, v1  }
0xb8: {  	v6 =	vld [tilespmem:s12+$0x7440]  }
0xb9: {  	v7 =	vld [tilespmem:s12+$0x7450]  }
0xba: {  	v8 =	vld [tilespmem:s12+$0x7460]  }
0xbb: {  	v9 =	vld [tilespmem:s12+$0x7470]  }
0xbc: {  	v10 =	vld [tilespmem:s12+$0x7480]  }
0xbd: {  	v11 =	vld [tilespmem:s12+$0x7490]  }
0xbe: {  	v12 =	vld [tilespmem:s12+$0x74A0]  }
0xbf: {  	v13 =	vld [tilespmem:s12+$0x74B0]  }
0xc0: {  	v14 =	vld [tilespmem:s12+$0x74C0]  }
0xc1: {  	v15 =	vld [tilespmem:s12+$0x74D0]  }
0xc2: {  	v1 =	vld [tilespmem:s12+$0x74E0]  }
0xc3: {  	[tilespmem:s12+$0xE400] =	vst.add.f32.msk $0xffff, v2  }
0xc4: {  	[tilespmem:s12+$0xE410] =	vst.add.f32.msk $0xffff, v3  }
0xc5: {  	[tilespmem:s12+$0xE420] =	vst.add.f32.msk $0xffff, v4  }
0xc6: {  	[tilespmem:s12+$0xE430] =	vst.add.f32.msk $0xffff, v5  }
0xc7: {  	[tilespmem:s12+$0xE440] =	vst.add.f32.msk $0xffff, v6  }
0xc8: {  	[tilespmem:s12+$0xE450] =	vst.add.f32.msk $0xffff, v7  }
0xc9: {  	[tilespmem:s12+$0xE460] =	vst.add.f32.msk $0xffff, v8  }
0xca: {  	[tilespmem:s12+$0xE470] =	vst.add.f32.msk $0xffff, v9  }
0xcb: {  	[tilespmem:s12+$0xE480] =	vst.add.f32.msk $0xffff, v10  }
.Ltmp4:
0xcc: {  	[tilespmem:s12+$0xE490] =	vst.add.f32.msk $0xffff, v11;
	(pc) =	sbr.rel @p1 .LBB2_7-.Ltmp4, $4  }
0xcd: {  	[tilespmem:s12+$0xE4A0] =	vst.add.f32.msk $0xffff, v12  }
0xce: {  	[tilespmem:s12+$0xE4B0] =	vst.add.f32.msk $0xffff, v13  }
0xcf: {  	[tilespmem:s12+$0xE4C0] =	vst.add.f32.msk $0xffff, v14  }
0xd0: {  	s14 =	sadd.s32 $0x400, s14;
	[tilespmem:s12+$0xE4D0] =	vst.add.f32.msk $0xffff, v15  }
0xd1: {  	[tilespmem:s12+$0xE4E0] =	vst.add.f32.msk $0xffff, v1;
	s12 =	sadd.s32 @!p0 $0x480, s11;
	s13 =	simm.s32 @!p0 $0x80;
	s14 =	simm.s32 @!p0 $0x7400  }
0xd2: {  	[tilespmem:s14], [sflag:$0x2] =	stream.indirect.gather @!p0 [hbm4b:s3+s13], $0x20, s12, s13, $0xb8;
	[tilespmem:$0xF400] =	vst v63  }
0xd3: {  	_ =	swait.ge [sflag:s25], $0x1000  }
0xd4: {  	[sflag:s25] =	ssyncset.done $0x0  }
0xd5: {  	s12 =	simm.s32 $0x0;
	[sflag:s25] =	ssyncadd.s32 $0xFFFFF000  }
0xd6: {  	v1 =	vld [tilespmem:s12+$0x84F0]  }
0xd7: {  	v2 =	vld [tilespmem:s12+$0x8400]  }
0xd8: {  	v3 =	vld [tilespmem:s12+$0x8410]  }
0xd9: {  	v4 =	vld [tilespmem:s12+$0x8420]  }
0xda: {  	v5 =	vld [tilespmem:s12+$0x8430]  }
0xdb: {  	v6 =	vld [tilespmem:s12+$0x8440]  }
0xdc: {  	v7 =	vld [tilespmem:s12+$0x8450]  }
0xdd: {  	v8 =	vld [tilespmem:s12+$0x8460]  }
0xde: {  	v9 =	vld [tilespmem:s12+$0x8470]  }
0xdf: {  	v10 =	vld [tilespmem:s12+$0x8480]  }
0xe0: {  	v11 =	vld [tilespmem:s12+$0x8490]  }
0xe1: {  	v12 =	vld [tilespmem:s12+$0x84A0]  }
0xe2: {  	v13 =	vld [tilespmem:s12+$0x84B0]  }
0xe3: {  	v14 =	vld [tilespmem:s12+$0x84C0]  }
0xe4: {  	v15 =	vld [tilespmem:s12+$0x84D0]  }
0xe5: {  	[tilespmem:s12+$0xE4F0] =	vst.add.f32.msk $0xffff, v1  }
0xe6: {  	v1 =	vld [tilespmem:s12+$0x84E0]  }
0xe7: {  	[tilespmem:s12+$0xE400] =	vst.add.f32.msk $0xffff, v2  }
0xe8: {  	[tilespmem:s12+$0xE410] =	vst.add.f32.msk $0xffff, v3  }
0xe9: {  	[tilespmem:s12+$0xE420] =	vst.add.f32.msk $0xffff, v4  }
0xea: {  	[tilespmem:s12+$0xE430] =	vst.add.f32.msk $0xffff, v5  }
0xeb: {  	[tilespmem:s12+$0xE440] =	vst.add.f32.msk $0xffff, v6  }
0xec: {  	[tilespmem:s12+$0xE450] =	vst.add.f32.msk $0xffff, v7  }
0xed: {  	[tilespmem:s12+$0xE460] =	vst.add.f32.msk $0xffff, v8  }
0xee: {  	[tilespmem:s12+$0xE470] =	vst.add.f32.msk $0xffff, v9  }
0xef: {  	[tilespmem:s12+$0xE480] =	vst.add.f32.msk $0xffff, v10  }
0xf0: {  	[tilespmem:s12+$0xE490] =	vst.add.f32.msk $0xffff, v11  }
0xf1: {  	[tilespmem:s12+$0xE4A0] =	vst.add.f32.msk $0xffff, v12  }
0xf2: {  	[tilespmem:s12+$0xE4B0] =	vst.add.f32.msk $0xffff, v13  }
0xf3: {  	[tilespmem:s12+$0xE4C0] =	vst.add.f32.msk $0xffff, v14  }
0xf4: {  	s13 =	simm.s32 $0x0;
	s14 =	simm.s32 $0x400;
	[tilespmem:s12+$0xE4D0] =	vst.add.f32.msk $0xffff, v15  }
.LBB2_9:
0xf5: {  	s13 =	sadd.s32 $0x8, s13;
	[tilespmem:s12+$0xE4E0] =	vst.add.f32.msk $0xffff, v1;
	s12 =	sshra.s32 s14, $0x2  }
0xf6: {  	v1 =	vld [tilespmem:s12+$0x84F0];
	p1 =	slt.u32 s13, $0x78  }
0xf7: {  	v2 =	vld [tilespmem:s12+$0x8400]  }
0xf8: {  	v3 =	vld [tilespmem:s12+$0x8410]  }
0xf9: {  	v4 =	vld [tilespmem:s12+$0x8420]  }
0xfa: {  	v5 =	vld [tilespmem:s12+$0x8430]  }
0xfb: {  	[tilespmem:s12+$0xE4F0] =	vst.add.f32.msk $0xffff, v1  }
0xfc: {  	v6 =	vld [tilespmem:s12+$0x8440]  }
0xfd: {  	v7 =	vld [tilespmem:s12+$0x8450]  }
0xfe: {  	v8 =	vld [tilespmem:s12+$0x8460]  }
0xff: {  	v9 =	vld [tilespmem:s12+$0x8470]  }
0x100: {  	v10 =	vld [tilespmem:s12+$0x8480]  }
0x101: {  	v11 =	vld [tilespmem:s12+$0x8490]  }
0x102: {  	v12 =	vld [tilespmem:s12+$0x84A0]  }
0x103: {  	v13 =	vld [tilespmem:s12+$0x84B0]  }
0x104: {  	v14 =	vld [tilespmem:s12+$0x84C0]  }
0x105: {  	v15 =	vld [tilespmem:s12+$0x84D0]  }
0x106: {  	v1 =	vld [tilespmem:s12+$0x84E0]  }
0x107: {  	[tilespmem:s12+$0xE400] =	vst.add.f32.msk $0xffff, v2  }
0x108: {  	[tilespmem:s12+$0xE410] =	vst.add.f32.msk $0xffff, v3  }
0x109: {  	[tilespmem:s12+$0xE420] =	vst.add.f32.msk $0xffff, v4  }
0x10a: {  	[tilespmem:s12+$0xE430] =	vst.add.f32.msk $0xffff, v5  }
0x10b: {  	[tilespmem:s12+$0xE440] =	vst.add.f32.msk $0xffff, v6  }
0x10c: {  	[tilespmem:s12+$0xE450] =	vst.add.f32.msk $0xffff, v7  }
0x10d: {  	[tilespmem:s12+$0xE460] =	vst.add.f32.msk $0xffff, v8  }
0x10e: {  	[tilespmem:s12+$0xE470] =	vst.add.f32.msk $0xffff, v9  }
0x10f: {  	[tilespmem:s12+$0xE480] =	vst.add.f32.msk $0xffff, v10  }
.Ltmp5:
0x110: {  	[tilespmem:s12+$0xE490] =	vst.add.f32.msk $0xffff, v11;
	(pc) =	sbr.rel @p1 .LBB2_9-.Ltmp5, $4  }
0x111: {  	[tilespmem:s12+$0xE4A0] =	vst.add.f32.msk $0xffff, v12  }
0x112: {  	[tilespmem:s12+$0xE4B0] =	vst.add.f32.msk $0xffff, v13  }
0x113: {  	[tilespmem:s12+$0xE4C0] =	vst.add.f32.msk $0xffff, v14  }
0x114: {  	s14 =	sadd.s32 $0x400, s14;
	[tilespmem:s12+$0xE4D0] =	vst.add.f32.msk $0xffff, v15  }
0x115: {  	[tilespmem:s12+$0xE4E0] =	vst.add.f32.msk $0xffff, v1;
	s12 =	sadd.s32 @!p0 $0x500, s11;
	s13 =	simm.s32 @!p0 $0x80;
	s14 =	simm.s32 @!p0 $0x8400  }
0x116: {  	[tilespmem:s14], [sflag:$0x3] =	stream.indirect.gather @!p0 [hbm4b:s3+s13], $0x20, s12, s13, $0xb8;
	[tilespmem:$0xF400] =	vst v63  }
0x117: {  	_ =	swait.ge [sflag:s26], $0x1000  }
0x118: {  	[sflag:s26] =	ssyncset.done $0x0  }
0x119: {  	s12 =	simm.s32 $0x0;
	[sflag:s26] =	ssyncadd.s32 $0xFFFFF000  }
0x11a: {  	v1 =	vld [tilespmem:s12+$0x94F0]  }
0x11b: {  	v2 =	vld [tilespmem:s12+$0x9400]  }
0x11c: {  	v3 =	vld [tilespmem:s12+$0x9410]  }
0x11d: {  	v4 =	vld [tilespmem:s12+$0x9420]  }
0x11e: {  	v5 =	vld [tilespmem:s12+$0x9430]  }
0x11f: {  	v6 =	vld [tilespmem:s12+$0x9440]  }
0x120: {  	v7 =	vld [tilespmem:s12+$0x9450]  }
0x121: {  	v8 =	vld [tilespmem:s12+$0x9460]  }
0x122: {  	v9 =	vld [tilespmem:s12+$0x9470]  }
0x123: {  	v10 =	vld [tilespmem:s12+$0x9480]  }
0x124: {  	v11 =	vld [tilespmem:s12+$0x9490]  }
0x125: {  	v12 =	vld [tilespmem:s12+$0x94A0]  }
0x126: {  	v13 =	vld [tilespmem:s12+$0x94B0]  }
0x127: {  	v14 =	vld [tilespmem:s12+$0x94C0]  }
0x128: {  	v15 =	vld [tilespmem:s12+$0x94D0]  }
0x129: {  	[tilespmem:s12+$0xE4F0] =	vst.add.f32.msk $0xffff, v1  }
0x12a: {  	v1 =	vld [tilespmem:s12+$0x94E0]  }
0x12b: {  	[tilespmem:s12+$0xE400] =	vst.add.f32.msk $0xffff, v2  }
0x12c: {  	[tilespmem:s12+$0xE410] =	vst.add.f32.msk $0xffff, v3  }
0x12d: {  	[tilespmem:s12+$0xE420] =	vst.add.f32.msk $0xffff, v4  }
0x12e: {  	[tilespmem:s12+$0xE430] =	vst.add.f32.msk $0xffff, v5  }
0x12f: {  	[tilespmem:s12+$0xE440] =	vst.add.f32.msk $0xffff, v6  }
0x130: {  	[tilespmem:s12+$0xE450] =	vst.add.f32.msk $0xffff, v7  }
0x131: {  	[tilespmem:s12+$0xE460] =	vst.add.f32.msk $0xffff, v8  }
0x132: {  	[tilespmem:s12+$0xE470] =	vst.add.f32.msk $0xffff, v9  }
0x133: {  	[tilespmem:s12+$0xE480] =	vst.add.f32.msk $0xffff, v10  }
0x134: {  	[tilespmem:s12+$0xE490] =	vst.add.f32.msk $0xffff, v11  }
0x135: {  	[tilespmem:s12+$0xE4A0] =	vst.add.f32.msk $0xffff, v12  }
0x136: {  	[tilespmem:s12+$0xE4B0] =	vst.add.f32.msk $0xffff, v13  }
0x137: {  	[tilespmem:s12+$0xE4C0] =	vst.add.f32.msk $0xffff, v14  }
0x138: {  	s13 =	simm.s32 $0x0;
	s14 =	simm.s32 $0x400;
	[tilespmem:s12+$0xE4D0] =	vst.add.f32.msk $0xffff, v15  }
.LBB2_11:
0x139: {  	s13 =	sadd.s32 $0x8, s13;
	[tilespmem:s12+$0xE4E0] =	vst.add.f32.msk $0xffff, v1;
	s12 =	sshra.s32 s14, $0x2  }
0x13a: {  	v1 =	vld [tilespmem:s12+$0x94F0];
	p1 =	slt.u32 s13, $0x78  }
0x13b: {  	v2 =	vld [tilespmem:s12+$0x9400]  }
0x13c: {  	v3 =	vld [tilespmem:s12+$0x9410]  }
0x13d: {  	v4 =	vld [tilespmem:s12+$0x9420]  }
0x13e: {  	v5 =	vld [tilespmem:s12+$0x9430]  }
0x13f: {  	[tilespmem:s12+$0xE4F0] =	vst.add.f32.msk $0xffff, v1  }
0x140: {  	v6 =	vld [tilespmem:s12+$0x9440]  }
0x141: {  	v7 =	vld [tilespmem:s12+$0x9450]  }
0x142: {  	v8 =	vld [tilespmem:s12+$0x9460]  }
0x143: {  	v9 =	vld [tilespmem:s12+$0x9470]  }
0x144: {  	v10 =	vld [tilespmem:s12+$0x9480]  }
0x145: {  	v11 =	vld [tilespmem:s12+$0x9490]  }
0x146: {  	v12 =	vld [tilespmem:s12+$0x94A0]  }
0x147: {  	v13 =	vld [tilespmem:s12+$0x94B0]  }
0x148: {  	v14 =	vld [tilespmem:s12+$0x94C0]  }
0x149: {  	v15 =	vld [tilespmem:s12+$0x94D0]  }
0x14a: {  	v1 =	vld [tilespmem:s12+$0x94E0]  }
0x14b: {  	[tilespmem:s12+$0xE400] =	vst.add.f32.msk $0xffff, v2  }
0x14c: {  	[tilespmem:s12+$0xE410] =	vst.add.f32.msk $0xffff, v3  }
0x14d: {  	[tilespmem:s12+$0xE420] =	vst.add.f32.msk $0xffff, v4  }
0x14e: {  	[tilespmem:s12+$0xE430] =	vst.add.f32.msk $0xffff, v5  }
0x14f: {  	[tilespmem:s12+$0xE440] =	vst.add.f32.msk $0xffff, v6  }
0x150: {  	[tilespmem:s12+$0xE450] =	vst.add.f32.msk $0xffff, v7  }
0x151: {  	[tilespmem:s12+$0xE460] =	vst.add.f32.msk $0xffff, v8  }
0x152: {  	[tilespmem:s12+$0xE470] =	vst.add.f32.msk $0xffff, v9  }
0x153: {  	[tilespmem:s12+$0xE480] =	vst.add.f32.msk $0xffff, v10  }
.Ltmp6:
0x154: {  	[tilespmem:s12+$0xE490] =	vst.add.f32.msk $0xffff, v11;
	(pc) =	sbr.rel @p1 .LBB2_11-.Ltmp6, $4  }
0x155: {  	[tilespmem:s12+$0xE4A0] =	vst.add.f32.msk $0xffff, v12  }
0x156: {  	[tilespmem:s12+$0xE4B0] =	vst.add.f32.msk $0xffff, v13  }
0x157: {  	[tilespmem:s12+$0xE4C0] =	vst.add.f32.msk $0xffff, v14  }
0x158: {  	s14 =	sadd.s32 $0x400, s14;
	[tilespmem:s12+$0xE4D0] =	vst.add.f32.msk $0xffff, v15  }
0x159: {  	[tilespmem:s12+$0xE4E0] =	vst.add.f32.msk $0xffff, v1;
	s12 =	sadd.s32 @!p0 $0x580, s11;
	s13 =	simm.s32 @!p0 $0x80;
	s14 =	simm.s32 @!p0 $0x9400  }
0x15a: {  	[tilespmem:s14], [sflag:$0x4] =	stream.indirect.gather @!p0 [hbm4b:s3+s13], $0x20, s12, s13, $0xb8;
	[tilespmem:$0xF400] =	vst v63  }
0x15b: {  	_ =	swait.ge [sflag:s28], $0x1000  }
0x15c: {  	[sflag:s28] =	ssyncset.done $0x0  }
0x15d: {  	s12 =	simm.s32 $0x0;
	[sflag:s28] =	ssyncadd.s32 $0xFFFFF000  }
0x15e: {  	v1 =	vld [tilespmem:s12+$0xA4F0]  }
0x15f: {  	v2 =	vld [tilespmem:s12+$0xA400]  }
0x160: {  	v3 =	vld [tilespmem:s12+$0xA410]  }
0x161: {  	v4 =	vld [tilespmem:s12+$0xA420]  }
0x162: {  	v5 =	vld [tilespmem:s12+$0xA430]  }
0x163: {  	v6 =	vld [tilespmem:s12+$0xA440]  }
0x164: {  	v7 =	vld [tilespmem:s12+$0xA450]  }
0x165: {  	v8 =	vld [tilespmem:s12+$0xA460]  }
0x166: {  	v9 =	vld [tilespmem:s12+$0xA470]  }
0x167: {  	v10 =	vld [tilespmem:s12+$0xA480]  }
0x168: {  	v11 =	vld [tilespmem:s12+$0xA490]  }
0x169: {  	v12 =	vld [tilespmem:s12+$0xA4A0]  }
0x16a: {  	v13 =	vld [tilespmem:s12+$0xA4B0]  }
0x16b: {  	v14 =	vld [tilespmem:s12+$0xA4C0]  }
0x16c: {  	v15 =	vld [tilespmem:s12+$0xA4D0]  }
0x16d: {  	[tilespmem:s12+$0xE4F0] =	vst.add.f32.msk $0xffff, v1  }
0x16e: {  	v1 =	vld [tilespmem:s12+$0xA4E0]  }
0x16f: {  	[tilespmem:s12+$0xE400] =	vst.add.f32.msk $0xffff, v2  }
0x170: {  	[tilespmem:s12+$0xE410] =	vst.add.f32.msk $0xffff, v3  }
0x171: {  	[tilespmem:s12+$0xE420] =	vst.add.f32.msk $0xffff, v4  }
0x172: {  	[tilespmem:s12+$0xE430] =	vst.add.f32.msk $0xffff, v5  }
0x173: {  	[tilespmem:s12+$0xE440] =	vst.add.f32.msk $0xffff, v6  }
0x174: {  	[tilespmem:s12+$0xE450] =	vst.add.f32.msk $0xffff, v7  }
0x175: {  	[tilespmem:s12+$0xE460] =	vst.add.f32.msk $0xffff, v8  }
0x176: {  	[tilespmem:s12+$0xE470] =	vst.add.f32.msk $0xffff, v9  }
0x177: {  	[tilespmem:s12+$0xE480] =	vst.add.f32.msk $0xffff, v10  }
0x178: {  	[tilespmem:s12+$0xE490] =	vst.add.f32.msk $0xffff, v11  }
0x179: {  	[tilespmem:s12+$0xE4A0] =	vst.add.f32.msk $0xffff, v12  }
0x17a: {  	[tilespmem:s12+$0xE4B0] =	vst.add.f32.msk $0xffff, v13  }
0x17b: {  	[tilespmem:s12+$0xE4C0] =	vst.add.f32.msk $0xffff, v14  }
0x17c: {  	s13 =	simm.s32 $0x0;
	s14 =	simm.s32 $0x400;
	[tilespmem:s12+$0xE4D0] =	vst.add.f32.msk $0xffff, v15  }
.LBB2_13:
0x17d: {  	s13 =	sadd.s32 $0x8, s13;
	[tilespmem:s12+$0xE4E0] =	vst.add.f32.msk $0xffff, v1;
	s12 =	sshra.s32 s14, $0x2  }
0x17e: {  	v1 =	vld [tilespmem:s12+$0xA4F0];
	p1 =	slt.u32 s13, $0x78  }
0x17f: {  	v2 =	vld [tilespmem:s12+$0xA400]  }
0x180: {  	v3 =	vld [tilespmem:s12+$0xA410]  }
0x181: {  	v4 =	vld [tilespmem:s12+$0xA420]  }
0x182: {  	v5 =	vld [tilespmem:s12+$0xA430]  }
0x183: {  	[tilespmem:s12+$0xE4F0] =	vst.add.f32.msk $0xffff, v1  }
0x184: {  	v6 =	vld [tilespmem:s12+$0xA440]  }
0x185: {  	v7 =	vld [tilespmem:s12+$0xA450]  }
0x186: {  	v8 =	vld [tilespmem:s12+$0xA460]  }
0x187: {  	v9 =	vld [tilespmem:s12+$0xA470]  }
0x188: {  	v10 =	vld [tilespmem:s12+$0xA480]  }
0x189: {  	v11 =	vld [tilespmem:s12+$0xA490]  }
0x18a: {  	v12 =	vld [tilespmem:s12+$0xA4A0]  }
0x18b: {  	v13 =	vld [tilespmem:s12+$0xA4B0]  }
0x18c: {  	v14 =	vld [tilespmem:s12+$0xA4C0]  }
0x18d: {  	v15 =	vld [tilespmem:s12+$0xA4D0]  }
0x18e: {  	v1 =	vld [tilespmem:s12+$0xA4E0]  }
0x18f: {  	[tilespmem:s12+$0xE400] =	vst.add.f32.msk $0xffff, v2  }
0x190: {  	[tilespmem:s12+$0xE410] =	vst.add.f32.msk $0xffff, v3  }
0x191: {  	[tilespmem:s12+$0xE420] =	vst.add.f32.msk $0xffff, v4  }
0x192: {  	[tilespmem:s12+$0xE430] =	vst.add.f32.msk $0xffff, v5  }
0x193: {  	[tilespmem:s12+$0xE440] =	vst.add.f32.msk $0xffff, v6  }
0x194: {  	[tilespmem:s12+$0xE450] =	vst.add.f32.msk $0xffff, v7  }
0x195: {  	[tilespmem:s12+$0xE460] =	vst.add.f32.msk $0xffff, v8  }
0x196: {  	[tilespmem:s12+$0xE470] =	vst.add.f32.msk $0xffff, v9  }
0x197: {  	[tilespmem:s12+$0xE480] =	vst.add.f32.msk $0xffff, v10  }
.Ltmp7:
0x198: {  	[tilespmem:s12+$0xE490] =	vst.add.f32.msk $0xffff, v11;
	(pc) =	sbr.rel @p1 .LBB2_13-.Ltmp7, $4  }
0x199: {  	[tilespmem:s12+$0xE4A0] =	vst.add.f32.msk $0xffff, v12  }
0x19a: {  	[tilespmem:s12+$0xE4B0] =	vst.add.f32.msk $0xffff, v13  }
0x19b: {  	[tilespmem:s12+$0xE4C0] =	vst.add.f32.msk $0xffff, v14  }
0x19c: {  	s14 =	sadd.s32 $0x400, s14;
	[tilespmem:s12+$0xE4D0] =	vst.add.f32.msk $0xffff, v15  }
0x19d: {  	[tilespmem:s12+$0xE4E0] =	vst.add.f32.msk $0xffff, v1;
	s12 =	sadd.s32 @!p0 $0x600, s11;
	s13 =	simm.s32 @!p0 $0x80;
	s14 =	simm.s32 @!p0 $0xA400  }
0x19e: {  	[tilespmem:s14], [sflag:$0x5] =	stream.indirect.gather @!p0 [hbm4b:s3+s13], $0x20, s12, s13, $0xb8;
	[tilespmem:$0xF400] =	vst v63  }
0x19f: {  	_ =	swait.ge [sflag:s29], $0x1000  }
0x1a0: {  	[sflag:s29] =	ssyncset.done $0x0  }
0x1a1: {  	s12 =	simm.s32 $0x0;
	[sflag:s29] =	ssyncadd.s32 $0xFFFFF000  }
0x1a2: {  	v1 =	vld [tilespmem:s12+$0xB4F0]  }
0x1a3: {  	v2 =	vld [tilespmem:s12+$0xB400]  }
0x1a4: {  	v3 =	vld [tilespmem:s12+$0xB410]  }
0x1a5: {  	v4 =	vld [tilespmem:s12+$0xB420]  }
0x1a6: {  	v5 =	vld [tilespmem:s12+$0xB430]  }
0x1a7: {  	v6 =	vld [tilespmem:s12+$0xB440]  }
0x1a8: {  	v7 =	vld [tilespmem:s12+$0xB450]  }
0x1a9: {  	v8 =	vld [tilespmem:s12+$0xB460]  }
0x1aa: {  	v9 =	vld [tilespmem:s12+$0xB470]  }
0x1ab: {  	v10 =	vld [tilespmem:s12+$0xB480]  }
0x1ac: {  	v11 =	vld [tilespmem:s12+$0xB490]  }
0x1ad: {  	v12 =	vld [tilespmem:s12+$0xB4A0]  }
0x1ae: {  	v13 =	vld [tilespmem:s12+$0xB4B0]  }
0x1af: {  	v14 =	vld [tilespmem:s12+$0xB4C0]  }
0x1b0: {  	v15 =	vld [tilespmem:s12+$0xB4D0]  }
0x1b1: {  	[tilespmem:s12+$0xE4F0] =	vst.add.f32.msk $0xffff, v1  }
0x1b2: {  	v1 =	vld [tilespmem:s12+$0xB4E0]  }
0x1b3: {  	[tilespmem:s12+$0xE400] =	vst.add.f32.msk $0xffff, v2  }
0x1b4: {  	[tilespmem:s12+$0xE410] =	vst.add.f32.msk $0xffff, v3  }
0x1b5: {  	[tilespmem:s12+$0xE420] =	vst.add.f32.msk $0xffff, v4  }
0x1b6: {  	[tilespmem:s12+$0xE430] =	vst.add.f32.msk $0xffff, v5  }
0x1b7: {  	[tilespmem:s12+$0xE440] =	vst.add.f32.msk $0xffff, v6  }
0x1b8: {  	[tilespmem:s12+$0xE450] =	vst.add.f32.msk $0xffff, v7  }
0x1b9: {  	[tilespmem:s12+$0xE460] =	vst.add.f32.msk $0xffff, v8  }
0x1ba: {  	[tilespmem:s12+$0xE470] =	vst.add.f32.msk $0xffff, v9  }
0x1bb: {  	[tilespmem:s12+$0xE480] =	vst.add.f32.msk $0xffff, v10  }
0x1bc: {  	[tilespmem:s12+$0xE490] =	vst.add.f32.msk $0xffff, v11  }
0x1bd: {  	[tilespmem:s12+$0xE4A0] =	vst.add.f32.msk $0xffff, v12  }
0x1be: {  	[tilespmem:s12+$0xE4B0] =	vst.add.f32.msk $0xffff, v13  }
0x1bf: {  	[tilespmem:s12+$0xE4C0] =	vst.add.f32.msk $0xffff, v14  }
0x1c0: {  	s13 =	simm.s32 $0x0;
	s14 =	simm.s32 $0x400;
	[tilespmem:s12+$0xE4D0] =	vst.add.f32.msk $0xffff, v15  }
.LBB2_15:
0x1c1: {  	s13 =	sadd.s32 $0x8, s13;
	[tilespmem:s12+$0xE4E0] =	vst.add.f32.msk $0xffff, v1;
	s12 =	sshra.s32 s14, $0x2  }
0x1c2: {  	v1 =	vld [tilespmem:s12+$0xB4F0];
	p1 =	slt.u32 s13, $0x78  }
0x1c3: {  	v2 =	vld [tilespmem:s12+$0xB400]  }
0x1c4: {  	v3 =	vld [tilespmem:s12+$0xB410]  }
0x1c5: {  	v4 =	vld [tilespmem:s12+$0xB420]  }
0x1c6: {  	v5 =	vld [tilespmem:s12+$0xB430]  }
0x1c7: {  	[tilespmem:s12+$0xE4F0] =	vst.add.f32.msk $0xffff, v1  }
0x1c8: {  	v6 =	vld [tilespmem:s12+$0xB440]  }
0x1c9: {  	v7 =	vld [tilespmem:s12+$0xB450]  }
0x1ca: {  	v8 =	vld [tilespmem:s12+$0xB460]  }
0x1cb: {  	v9 =	vld [tilespmem:s12+$0xB470]  }
0x1cc: {  	v10 =	vld [tilespmem:s12+$0xB480]  }
0x1cd: {  	v11 =	vld [tilespmem:s12+$0xB490]  }
0x1ce: {  	v12 =	vld [tilespmem:s12+$0xB4A0]  }
0x1cf: {  	v13 =	vld [tilespmem:s12+$0xB4B0]  }
0x1d0: {  	v14 =	vld [tilespmem:s12+$0xB4C0]  }
0x1d1: {  	v15 =	vld [tilespmem:s12+$0xB4D0]  }
0x1d2: {  	v1 =	vld [tilespmem:s12+$0xB4E0]  }
0x1d3: {  	[tilespmem:s12+$0xE400] =	vst.add.f32.msk $0xffff, v2  }
0x1d4: {  	[tilespmem:s12+$0xE410] =	vst.add.f32.msk $0xffff, v3  }
0x1d5: {  	[tilespmem:s12+$0xE420] =	vst.add.f32.msk $0xffff, v4  }
0x1d6: {  	[tilespmem:s12+$0xE430] =	vst.add.f32.msk $0xffff, v5  }
0x1d7: {  	[tilespmem:s12+$0xE440] =	vst.add.f32.msk $0xffff, v6  }
0x1d8: {  	[tilespmem:s12+$0xE450] =	vst.add.f32.msk $0xffff, v7  }
0x1d9: {  	[tilespmem:s12+$0xE460] =	vst.add.f32.msk $0xffff, v8  }
0x1da: {  	[tilespmem:s12+$0xE470] =	vst.add.f32.msk $0xffff, v9  }
0x1db: {  	[tilespmem:s12+$0xE480] =	vst.add.f32.msk $0xffff, v10  }
.Ltmp8:
0x1dc: {  	[tilespmem:s12+$0xE490] =	vst.add.f32.msk $0xffff, v11;
	(pc) =	sbr.rel @p1 .LBB2_15-.Ltmp8, $4  }
0x1dd: {  	[tilespmem:s12+$0xE4A0] =	vst.add.f32.msk $0xffff, v12  }
0x1de: {  	[tilespmem:s12+$0xE4B0] =	vst.add.f32.msk $0xffff, v13  }
0x1df: {  	[tilespmem:s12+$0xE4C0] =	vst.add.f32.msk $0xffff, v14  }
0x1e0: {  	s14 =	sadd.s32 $0x400, s14;
	[tilespmem:s12+$0xE4D0] =	vst.add.f32.msk $0xffff, v15  }
0x1e1: {  	[tilespmem:s12+$0xE4E0] =	vst.add.f32.msk $0xffff, v1;
	s12 =	sadd.s32 @!p0 $0x680, s11;
	s13 =	simm.s32 @!p0 $0x80;
	s14 =	simm.s32 @!p0 $0xB400  }
0x1e2: {  	[tilespmem:s14], [sflag:$0x6] =	stream.indirect.gather @!p0 [hbm4b:s3+s13], $0x20, s12, s13, $0xb8;
	[tilespmem:$0xF400] =	vst v63  }
0x1e3: {  	_ =	swait.ge [sflag:s30], $0x1000  }
0x1e4: {  	[sflag:s30] =	ssyncset.done $0x0  }
0x1e5: {  	s12 =	simm.s32 $0x0;
	[sflag:s30] =	ssyncadd.s32 $0xFFFFF000  }
0x1e6: {  	v1 =	vld [tilespmem:s12+$0xC4F0]  }
0x1e7: {  	v2 =	vld [tilespmem:s12+$0xC400]  }
0x1e8: {  	v3 =	vld [tilespmem:s12+$0xC410]  }
0x1e9: {  	v4 =	vld [tilespmem:s12+$0xC420]  }
0x1ea: {  	v5 =	vld [tilespmem:s12+$0xC430]  }
0x1eb: {  	v6 =	vld [tilespmem:s12+$0xC440]  }
0x1ec: {  	v7 =	vld [tilespmem:s12+$0xC450]  }
0x1ed: {  	v8 =	vld [tilespmem:s12+$0xC460]  }
0x1ee: {  	v9 =	vld [tilespmem:s12+$0xC470]  }
0x1ef: {  	v10 =	vld [tilespmem:s12+$0xC480]  }
0x1f0: {  	v11 =	vld [tilespmem:s12+$0xC490]  }
0x1f1: {  	v12 =	vld [tilespmem:s12+$0xC4A0]  }
0x1f2: {  	v13 =	vld [tilespmem:s12+$0xC4B0]  }
0x1f3: {  	v14 =	vld [tilespmem:s12+$0xC4C0]  }
0x1f4: {  	v15 =	vld [tilespmem:s12+$0xC4D0]  }
0x1f5: {  	[tilespmem:s12+$0xE4F0] =	vst.add.f32.msk $0xffff, v1  }
0x1f6: {  	v1 =	vld [tilespmem:s12+$0xC4E0]  }
0x1f7: {  	[tilespmem:s12+$0xE400] =	vst.add.f32.msk $0xffff, v2  }
0x1f8: {  	[tilespmem:s12+$0xE410] =	vst.add.f32.msk $0xffff, v3  }
0x1f9: {  	[tilespmem:s12+$0xE420] =	vst.add.f32.msk $0xffff, v4  }
0x1fa: {  	[tilespmem:s12+$0xE430] =	vst.add.f32.msk $0xffff, v5  }
0x1fb: {  	[tilespmem:s12+$0xE440] =	vst.add.f32.msk $0xffff, v6  }
0x1fc: {  	[tilespmem:s12+$0xE450] =	vst.add.f32.msk $0xffff, v7  }
0x1fd: {  	[tilespmem:s12+$0xE460] =	vst.add.f32.msk $0xffff, v8  }
0x1fe: {  	[tilespmem:s12+$0xE470] =	vst.add.f32.msk $0xffff, v9  }
0x1ff: {  	[tilespmem:s12+$0xE480] =	vst.add.f32.msk $0xffff, v10  }
0x200: {  	[tilespmem:s12+$0xE490] =	vst.add.f32.msk $0xffff, v11  }
0x201: {  	[tilespmem:s12+$0xE4A0] =	vst.add.f32.msk $0xffff, v12  }
0x202: {  	[tilespmem:s12+$0xE4B0] =	vst.add.f32.msk $0xffff, v13  }
0x203: {  	[tilespmem:s12+$0xE4C0] =	vst.add.f32.msk $0xffff, v14  }
0x204: {  	s13 =	simm.s32 $0x0;
	s14 =	simm.s32 $0x400;
	[tilespmem:s12+$0xE4D0] =	vst.add.f32.msk $0xffff, v15  }
.LBB2_17:
0x205: {  	s13 =	sadd.s32 $0x8, s13;
	[tilespmem:s12+$0xE4E0] =	vst.add.f32.msk $0xffff, v1;
	s12 =	sshra.s32 s14, $0x2  }
0x206: {  	v1 =	vld [tilespmem:s12+$0xC4F0];
	p1 =	slt.u32 s13, $0x78  }
0x207: {  	v2 =	vld [tilespmem:s12+$0xC400]  }
0x208: {  	v3 =	vld [tilespmem:s12+$0xC410]  }
0x209: {  	v4 =	vld [tilespmem:s12+$0xC420]  }
0x20a: {  	v5 =	vld [tilespmem:s12+$0xC430]  }
0x20b: {  	[tilespmem:s12+$0xE4F0] =	vst.add.f32.msk $0xffff, v1  }
0x20c: {  	v6 =	vld [tilespmem:s12+$0xC440]  }
0x20d: {  	v7 =	vld [tilespmem:s12+$0xC450]  }
0x20e: {  	v8 =	vld [tilespmem:s12+$0xC460]  }
0x20f: {  	v9 =	vld [tilespmem:s12+$0xC470]  }
0x210: {  	v10 =	vld [tilespmem:s12+$0xC480]  }
0x211: {  	v11 =	vld [tilespmem:s12+$0xC490]  }
0x212: {  	v12 =	vld [tilespmem:s12+$0xC4A0]  }
0x213: {  	v13 =	vld [tilespmem:s12+$0xC4B0]  }
0x214: {  	v14 =	vld [tilespmem:s12+$0xC4C0]  }
0x215: {  	v15 =	vld [tilespmem:s12+$0xC4D0]  }
0x216: {  	v1 =	vld [tilespmem:s12+$0xC4E0]  }
0x217: {  	[tilespmem:s12+$0xE400] =	vst.add.f32.msk $0xffff, v2  }
0x218: {  	[tilespmem:s12+$0xE410] =	vst.add.f32.msk $0xffff, v3  }
0x219: {  	[tilespmem:s12+$0xE420] =	vst.add.f32.msk $0xffff, v4  }
0x21a: {  	[tilespmem:s12+$0xE430] =	vst.add.f32.msk $0xffff, v5  }
0x21b: {  	[tilespmem:s12+$0xE440] =	vst.add.f32.msk $0xffff, v6  }
0x21c: {  	[tilespmem:s12+$0xE450] =	vst.add.f32.msk $0xffff, v7  }
0x21d: {  	[tilespmem:s12+$0xE460] =	vst.add.f32.msk $0xffff, v8  }
0x21e: {  	[tilespmem:s12+$0xE470] =	vst.add.f32.msk $0xffff, v9  }
0x21f: {  	[tilespmem:s12+$0xE480] =	vst.add.f32.msk $0xffff, v10  }
.Ltmp9:
0x220: {  	[tilespmem:s12+$0xE490] =	vst.add.f32.msk $0xffff, v11;
	(pc) =	sbr.rel @p1 .LBB2_17-.Ltmp9, $4  }
0x221: {  	[tilespmem:s12+$0xE4A0] =	vst.add.f32.msk $0xffff, v12  }
0x222: {  	[tilespmem:s12+$0xE4B0] =	vst.add.f32.msk $0xffff, v13  }
0x223: {  	[tilespmem:s12+$0xE4C0] =	vst.add.f32.msk $0xffff, v14  }
0x224: {  	s14 =	sadd.s32 $0x400, s14;
	[tilespmem:s12+$0xE4D0] =	vst.add.f32.msk $0xffff, v15  }
0x225: {  	[tilespmem:s12+$0xE4E0] =	vst.add.f32.msk $0xffff, v1;
	s11 =	sadd.s32 @!p0 $0x700, s11;
	s12 =	simm.s32 @!p0 $0x80;
	s13 =	simm.s32 @!p0 $0xC400  }
0x226: {  	[tilespmem:s13], [sflag:$0x7] =	stream.indirect.gather @!p0 [hbm4b:s3+s12], $0x20, s11, s12, $0xb8;
	[tilespmem:$0xF400] =	vst v63  }
0x227: {  	_ =	swait.ge [sflag:s31], $0x1000  }
0x228: {  	[sflag:s31] =	ssyncset.done $0x0  }
0x229: {  	s11 =	simm.s32 $0x0;
	[sflag:s31] =	ssyncadd.s32 $0xFFFFF000  }
0x22a: {  	v1 =	vld [tilespmem:s11+$0xD4F0]  }
0x22b: {  	v2 =	vld [tilespmem:s11+$0xD400]  }
0x22c: {  	v3 =	vld [tilespmem:s11+$0xD410]  }
0x22d: {  	v4 =	vld [tilespmem:s11+$0xD420]  }
0x22e: {  	v5 =	vld [tilespmem:s11+$0xD430]  }
0x22f: {  	v6 =	vld [tilespmem:s11+$0xD440]  }
0x230: {  	v7 =	vld [tilespmem:s11+$0xD450]  }
0x231: {  	v8 =	vld [tilespmem:s11+$0xD460]  }
0x232: {  	v9 =	vld [tilespmem:s11+$0xD470]  }
0x233: {  	v10 =	vld [tilespmem:s11+$0xD480]  }
0x234: {  	v11 =	vld [tilespmem:s11+$0xD490]  }
0x235: {  	v12 =	vld [tilespmem:s11+$0xD4A0]  }
0x236: {  	v13 =	vld [tilespmem:s11+$0xD4B0]  }
0x237: {  	v14 =	vld [tilespmem:s11+$0xD4C0]  }
0x238: {  	v15 =	vld [tilespmem:s11+$0xD4D0]  }
0x239: {  	[tilespmem:s11+$0xE4F0] =	vst.add.f32.msk $0xffff, v1  }
0x23a: {  	v1 =	vld [tilespmem:s11+$0xD4E0]  }
0x23b: {  	[tilespmem:s11+$0xE400] =	vst.add.f32.msk $0xffff, v2  }
0x23c: {  	[tilespmem:s11+$0xE410] =	vst.add.f32.msk $0xffff, v3  }
0x23d: {  	[tilespmem:s11+$0xE420] =	vst.add.f32.msk $0xffff, v4  }
0x23e: {  	[tilespmem:s11+$0xE430] =	vst.add.f32.msk $0xffff, v5  }
0x23f: {  	[tilespmem:s11+$0xE440] =	vst.add.f32.msk $0xffff, v6  }
0x240: {  	[tilespmem:s11+$0xE450] =	vst.add.f32.msk $0xffff, v7  }
0x241: {  	[tilespmem:s11+$0xE460] =	vst.add.f32.msk $0xffff, v8  }
0x242: {  	[tilespmem:s11+$0xE470] =	vst.add.f32.msk $0xffff, v9  }
0x243: {  	[tilespmem:s11+$0xE480] =	vst.add.f32.msk $0xffff, v10  }
0x244: {  	[tilespmem:s11+$0xE490] =	vst.add.f32.msk $0xffff, v11  }
0x245: {  	[tilespmem:s11+$0xE4A0] =	vst.add.f32.msk $0xffff, v12  }
0x246: {  	[tilespmem:s11+$0xE4B0] =	vst.add.f32.msk $0xffff, v13  }
0x247: {  	[tilespmem:s11+$0xE4C0] =	vst.add.f32.msk $0xffff, v14  }
0x248: {  	s12 =	simm.s32 $0x0;
	s13 =	simm.s32 $0x400;
	[tilespmem:s11+$0xE4D0] =	vst.add.f32.msk $0xffff, v15  }
.LBB2_19:
0x249: {  	s12 =	sadd.s32 $0x8, s12;
	[tilespmem:s11+$0xE4E0] =	vst.add.f32.msk $0xffff, v1;
	s11 =	sshra.s32 s13, $0x2  }
0x24a: {  	v1 =	vld [tilespmem:s11+$0xD4F0];
	p1 =	slt.u32 s12, $0x78  }
0x24b: {  	v2 =	vld [tilespmem:s11+$0xD400]  }
0x24c: {  	v3 =	vld [tilespmem:s11+$0xD410]  }
0x24d: {  	v4 =	vld [tilespmem:s11+$0xD420]  }
0x24e: {  	v5 =	vld [tilespmem:s11+$0xD430]  }
0x24f: {  	[tilespmem:s11+$0xE4F0] =	vst.add.f32.msk $0xffff, v1  }
0x250: {  	v6 =	vld [tilespmem:s11+$0xD440]  }
0x251: {  	v7 =	vld [tilespmem:s11+$0xD450]  }
0x252: {  	v8 =	vld [tilespmem:s11+$0xD460]  }
0x253: {  	v9 =	vld [tilespmem:s11+$0xD470]  }
0x254: {  	v10 =	vld [tilespmem:s11+$0xD480]  }
0x255: {  	v11 =	vld [tilespmem:s11+$0xD490]  }
0x256: {  	v12 =	vld [tilespmem:s11+$0xD4A0]  }
0x257: {  	v13 =	vld [tilespmem:s11+$0xD4B0]  }
0x258: {  	v14 =	vld [tilespmem:s11+$0xD4C0]  }
0x259: {  	v15 =	vld [tilespmem:s11+$0xD4D0]  }
0x25a: {  	v1 =	vld [tilespmem:s11+$0xD4E0]  }
0x25b: {  	[tilespmem:s11+$0xE400] =	vst.add.f32.msk $0xffff, v2  }
0x25c: {  	[tilespmem:s11+$0xE410] =	vst.add.f32.msk $0xffff, v3  }
0x25d: {  	[tilespmem:s11+$0xE420] =	vst.add.f32.msk $0xffff, v4  }
0x25e: {  	[tilespmem:s11+$0xE430] =	vst.add.f32.msk $0xffff, v5  }
0x25f: {  	[tilespmem:s11+$0xE440] =	vst.add.f32.msk $0xffff, v6  }
0x260: {  	[tilespmem:s11+$0xE450] =	vst.add.f32.msk $0xffff, v7  }
0x261: {  	[tilespmem:s11+$0xE460] =	vst.add.f32.msk $0xffff, v8  }
0x262: {  	[tilespmem:s11+$0xE470] =	vst.add.f32.msk $0xffff, v9  }
0x263: {  	[tilespmem:s11+$0xE480] =	vst.add.f32.msk $0xffff, v10  }
.Ltmp10:
0x264: {  	[tilespmem:s11+$0xE490] =	vst.add.f32.msk $0xffff, v11;
	(pc) =	sbr.rel @p1 .LBB2_19-.Ltmp10, $4  }
0x265: {  	[tilespmem:s11+$0xE4A0] =	vst.add.f32.msk $0xffff, v12  }
0x266: {  	[tilespmem:s11+$0xE4B0] =	vst.add.f32.msk $0xffff, v13  }
0x267: {  	[tilespmem:s11+$0xE4C0] =	vst.add.f32.msk $0xffff, v14  }
0x268: {  	s13 =	sadd.s32 $0x400, s13;
	[tilespmem:s11+$0xE4D0] =	vst.add.f32.msk $0xffff, v15  }
.Ltmp11:
0x269: {  	(pc) =	sbr.rel @p0 .LBB2_22-.Ltmp11, $2  }
0x26a: {  	_ =	sdelay $0x2  }
0x26b: {  	[tilespmem:s11+$0xE4E0] =	vst.add.f32.msk $0xffff, v1  }
.Ltmp12:
0x26c: {  	(pc) =	sbr.rel .LBB2_4-.Ltmp12, $4  }
0x26d: {  	_ = 	snop  }
0x26e: {  	s10 =	sshrl.u32 s10, $0x2  }
0x26f: {  	s9 =	sadd.s32 $0x1, s9;
	s10 =	sadd.s32 $0x780, s10  }
0x270: {  	[tilespmem:s22], [sflag:$0x8] =	stream.indirect.gather [hbm4b:s3+s8], $0x20, s10, s8, $0xb8;
	[tilespmem:$0xF400] =	vst v63  }
.LBB2_23:
0x271: {  	_ =	sfence.sel $0x180000  }
0x272: {  	[bflag:$0x0] =	sbarrier.arrive $0xFFFF  }
0x273: {  	_ =	strace $0x90000047  }
0x274: {  	s0 =	stileid.u32;
	[bflag:$0x2] =	sbarrier.arrive $0xFFFF  }
0x275: {  	p0 =	sne.s32 s0, $0x0;
	s0 =	rddreg [dreg:$0x2]  }
0x276: {  	s0 =	sadd.s32 @!p0 $0x100000, s0  }
0x277: {  	[sflag:s0] =	ssyncadd.tile.s32 @!p0 $0x1;
	_ =	shalt  }
.Lfunc_end2:
_tile_overlayer_lowered:
.L_overlay_start_2:
0x278: {  	(tag) =	ssettag $0x2  }
0x279: {  	s0 =	rddreg [dreg:$0x0];
	s2 =	stileid.u32  }
0x27a: {  	s1 =	rddreg [dreg:$0x1];
	p0 =	sne.s32 s2, $0x0  }
0x27b: {  	s3 =	rddreg [dreg:$0x2];
	[bflag:$0x3] =	sbarrier.arrive $0xFFFF;
	s2 =	simm.s32 @!p0 $0x1C09  }
0x27c: {  	[timem:s3], [sflag:s2] =	dma.local @!p0 [hbm:s0], s1  }
0x27d: {  	s0 =	simm.s32 @!p0 $0x9  }
0x27e: {  	_ =	swait.ge @!p0 [sflag:s0], s1  }
0x27f: {  	s1 =	ssub.s32 @!p0 $0x0, s1;
	[sflag:s0] =	ssyncset.done @!p0 $0x0  }
0x280: {  	[sflag:s0] =	ssyncadd.s32 @!p0 s1  }
0x281: {  	[bflag:$0x3] =	sbarrier.arrive $0xFFFF  }
0x282: {  	_ =	shalt  }

</sc_bundles>
